<compile_context>
chip_gen: v7x
topology: tpu7x:2x2x1
jax: 0.10.2.dev20260603
libtpu: 0.0.44.dev20260713+nightly
codegen_flags: <defaults>
</compile_context>

<pallas_src>
import functools

import jax
import jax.numpy as jnp
from jax import lax
from jax.experimental import pallas as pl
from jax.experimental.pallas import tpu as pltpu
from jax.experimental.pallas import tpu_sc as plsc

NC, NS = 2, 16
NW = NC * NS
NIMG, NTOK, D = 64, 1024, 64
IG = 8
DG = 4
IPW = NIMG // IG
DPW = D // DG


def kernel(indices, x_embed):
    idx_flat = indices.reshape(-1).astype(jnp.int32)
    tt_flat = x_embed.T.reshape(-1)

    mesh = plsc.VectorSubcoreMesh(
        core_axis_name="c", subcore_axis_name="s",
        num_cores=NC, num_subcores=NS)

    @functools.partial(
        pl.kernel,
        out_type=jax.ShapeDtypeStruct((NIMG, D, NTOK), jnp.float32),
        mesh=mesh,
        compiler_params=pltpu.CompilerParams(
            use_tc_tiling_on_sc=True, needs_layout_passes=False),
        scratch_types=[
            pltpu.VMEM((IPW * NTOK,), jnp.int32),
            pltpu.VMEM((DPW * NTOK,), jnp.float32),
            pltpu.VMEM((2, DPW, NTOK), jnp.float32),
            pltpu.SemaphoreType.DMA,
            pltpu.SemaphoreType.DMA,
            pltpu.SemaphoreType.DMA,
        ],
    )
    def tgather(idx_hbm, tt_hbm, out_hbm, idx_v, tt_v, ob, sem, psem, qsem):
        wid = lax.axis_index("s") * NC + lax.axis_index("c")
        ig = wid % IG
        dg = wid // IG
        pltpu.async_copy(idx_hbm.at[pl.ds(ig * IPW * NTOK, IPW * NTOK)],
                         idx_v, psem)
        pltpu.async_copy(tt_hbm.at[pl.ds(dg * DPW * NTOK, DPW * NTOK)],
                         tt_v, qsem)
        pltpu.make_async_copy(
            idx_hbm.at[pl.ds(ig * IPW * NTOK, IPW * NTOK)], idx_v, psem).wait()
        pltpu.make_async_copy(
            tt_hbm.at[pl.ds(dg * DPW * NTOK, DPW * NTOK)], tt_v, qsem).wait()

        def do_image(im, buf):
            @plsc.parallel_loop(0, NTOK // 16, unroll=2)
            def body(g):
                iv = idx_v[pl.ds(im * NTOK + g * 16, 16)]
                vals = [plsc.load_gather(tt_v, [iv + dd * NTOK])
                        for dd in range(DPW)]
                for dd in range(DPW):
                    ob[buf, dd, pl.ds(g * 16, 16)] = vals[dd]

        for im in range(IPW):
            buf = im % 2
            if im >= 2:
                pltpu.make_async_copy(
                    ob.at[buf],
                    out_hbm.at[ig * IPW + im - 2,
                               pl.ds(dg * DPW, DPW), :], sem).wait()
            do_image(im, buf)
            pltpu.async_copy(
                ob.at[buf],
                out_hbm.at[ig * IPW + im, pl.ds(dg * DPW, DPW), :], sem)
        for im in range(IPW - 2, IPW):
            buf = im % 2
            pltpu.make_async_copy(
                ob.at[buf],
                out_hbm.at[ig * IPW + im, pl.ds(dg * DPW, DPW), :], sem).wait()

    out = tgather(idx_flat, tt_flat)
    return jnp.transpose(out, (0, 2, 1))

# --- scband reference (transcript-rebuilt; emitter-appended) ---
"""Pipeline reference for scband-residual-vq-45148696216861 (READ-ONLY COPY).

The authoritative reference and input builder live on the scoring server;
editing this copy changes nothing except your own understanding.
"""

import jax, jax.numpy as jnp
import numpy as np


def setup_inputs(seed: int = 0) -> dict:
    key = jax.random.key(seed)
    k1, k2 = jax.random.split(key)
    # code indices for 64 images x 1024 tokens, values in [0, 1024)
    indices = jax.random.randint(k1, (64, 1024), 0, 1024, dtype=jnp.int64)
    # learned codebook: nn.Embedding(1024, embedding_dim=64)
    x_embed = jax.random.normal(k2, (1024, 64), dtype=jnp.float32) * 0.02
    return {"indices": indices, "x_embed": x_embed}


def reference(indices, x_embed):
    # The torch module defines only an nn.Embedding codebook (x_embed) and no
    # explicit forward (implicit_neural_codebook is False, so the MLP branch is
    # dead code). The faithful runnable behavior is the codebook lookup:
    # x_embed(indices) -> gather rows of the embedding table.
    return jnp.take(x_embed, indices, axis=0)

if __name__ == "__main__":
    import jax
    _d = setup_inputs()
    print(jax.jit(kernel)(*tuple(_d.values())))

</pallas_src>

<mosaic_0001>
#map = affine_map<(d0, d1) -> (0)>
#map1 = affine_map<(d0, d1) -> (0, 0, 0)>
module attributes {stable_mosaic.version = 14 : i64} {
  func.func @tgather(%arg0: i32, %arg1: i32, %arg2: memref<65536xi32, #tpu.memory_space<hbm>>, %arg3: memref<65536xf32, #tpu.memory_space<hbm>>, %arg4: memref<64x64x1024xf32, #tpu.memory_space<hbm>>, %arg5: memref<8192xi32, #tpu.memory_space<vmem>>, %arg6: memref<16384xf32, #tpu.memory_space<vmem>>, %arg7: memref<2x16x1024xf32, #tpu.memory_space<vmem>>, %arg8: memref<!tpu.dma_semaphore, #tpu.memory_space<semaphore_mem>>, %arg9: memref<!tpu.dma_semaphore, #tpu.memory_space<semaphore_mem>>, %arg10: memref<!tpu.dma_semaphore, #tpu.memory_space<semaphore_mem>>) attributes {dimension_semantics = [#tpu.dimension_semantics<core_parallel>, #tpu.dimension_semantics<subcore_parallel>], iteration_bounds = array<i64: 2, 16>, scalar_prefetch = 0 : i64, scratch_operands = 6 : i64, tpu.core_type = #tpu.core_type<sc_vector_subcore>, window_params = [{transform_indices = #map}, {transform_indices = #map}, {transform_indices = #map1}]} {
    %mul3A = arith.constant 2 : i32
    %mul3A_0 = arith.muli %arg1, %mul3A : i32
    %add3A = arith.addi %mul3A_0, %arg0 : i32
    %jit3A = arith.constant 8 : i32
    %eq3A = arith.constant 0 : i32
    %eq3A_1 = arith.cmpi eq, %jit3A, %eq3A : i32
    %jit3A_2 = arith.constant 1 : i32
    %select_n3A = arith.select %eq3A_1, %jit3A_2, %jit3A : i32
    %rem3A = arith.remsi %add3A, %select_n3A : i32
    %ne3A = arith.constant 0 : i32
    %ne3A_3 = arith.cmpi ne, %rem3A, %ne3A : i32
    %lt3A = arith.constant 0 : i32
    %lt3A_4 = arith.cmpi slt, %rem3A, %lt3A : i32
    %lt3A_5 = arith.constant 0 : i32
    %lt3A_6 = arith.cmpi slt, %select_n3A, %lt3A_5 : i32
    %ne3A_7 = arith.xori %lt3A_4, %lt3A_6 : i1
    %and3A = arith.andi %ne3A_7, %ne3A_3 : i1
    %add3A_8 = arith.addi %rem3A, %select_n3A : i32
    %select_n3A_9 = arith.select %and3A, %add3A_8, %rem3A : i32
    %jit3A_10 = arith.constant 8 : i32
    %div3A = arith.divsi %add3A, %jit3A_10 : i32
    %sign3A = arith.constant 0 : i32
    %sign3A_11 = arith.cmpi sgt, %add3A, %sign3A : i32
    %sign3A_12 = arith.extui %sign3A_11 : i1 to i32
    %sign3A_13 = arith.constant 0 : i32
    %sign3A_14 = arith.cmpi slt, %add3A, %sign3A_13 : i32
    %sign3A_15 = arith.extui %sign3A_14 : i1 to i32
    %sign3A_16 = arith.subi %sign3A_12, %sign3A_15 : i32
    %sign3A_17 = arith.constant 0 : i32
    %sign3A_18 = arith.cmpi sgt, %jit3A_10, %sign3A_17 : i32
    %sign3A_19 = arith.extui %sign3A_18 : i1 to i32
    %sign3A_20 = arith.constant 0 : i32
    %sign3A_21 = arith.cmpi slt, %jit3A_10, %sign3A_20 : i32
    %sign3A_22 = arith.extui %sign3A_21 : i1 to i32
    %sign3A_23 = arith.subi %sign3A_19, %sign3A_22 : i32
    %ne3A_24 = arith.cmpi ne, %sign3A_16, %sign3A_23 : i32
    %rem3A_25 = arith.remsi %add3A, %jit3A_10 : i32
    %ne3A_26 = arith.constant 0 : i32
    %ne3A_27 = arith.cmpi ne, %rem3A_25, %ne3A_26 : i32
    %and3A_28 = arith.andi %ne3A_24, %ne3A_27 : i1
    %sub3A = arith.constant 1 : i32
    %sub3A_29 = arith.subi %div3A, %sub3A : i32
    %select_n3A_30 = arith.select %and3A_28, %sub3A_29, %div3A : i32
    %mul3A_31 = arith.constant 8 : i32
    %mul3A_32 = arith.muli %select_n3A_9, %mul3A_31 : i32
    %mul3A_33 = arith.constant 1024 : i32
    %mul3A_34 = arith.muli %mul3A_32, %mul3A_33 : i32
    %dma_start3A = tpu.memref_slice %arg2[%mul3A_34] : memref<65536xi32, #tpu.memory_space<hbm>> -> memref<8192xi32, #tpu.memory_space<hbm>>
    %dma_start3A_35 = tpu.memref_slice %arg2[%mul3A_34] : memref<65536xi32, #tpu.memory_space<hbm>> -> memref<8192xi32, #tpu.memory_space<hbm>>
    tpu.enqueue_dma source(%dma_start3A_35 : memref<8192xi32, #tpu.memory_space<hbm>>) target(%arg5 : memref<8192xi32, #tpu.memory_space<vmem>>) target_semaphore(%arg9 : memref<!tpu.dma_semaphore, #tpu.memory_space<semaphore_mem>>)
    %mul3A_36 = arith.constant 16 : i32
    %mul3A_37 = arith.muli %select_n3A_30, %mul3A_36 : i32
    %mul3A_38 = arith.constant 1024 : i32
    %mul3A_39 = arith.muli %mul3A_37, %mul3A_38 : i32
    %dma_start3A_40 = tpu.memref_slice %arg3[%mul3A_39] : memref<65536xf32, #tpu.memory_space<hbm>> -> memref<16384xf32, #tpu.memory_space<hbm>>
    %dma_start3A_41 = tpu.memref_slice %arg3[%mul3A_39] : memref<65536xf32, #tpu.memory_space<hbm>> -> memref<16384xf32, #tpu.memory_space<hbm>>
    tpu.enqueue_dma source(%dma_start3A_41 : memref<16384xf32, #tpu.memory_space<hbm>>) target(%arg6 : memref<16384xf32, #tpu.memory_space<vmem>>) target_semaphore(%arg10 : memref<!tpu.dma_semaphore, #tpu.memory_space<semaphore_mem>>)
    %mul3A_42 = arith.constant 8 : i32
    %mul3A_43 = arith.muli %select_n3A_9, %mul3A_42 : i32
    %mul3A_44 = arith.constant 1024 : i32
    %mul3A_45 = arith.muli %mul3A_43, %mul3A_44 : i32
    %dma_wait3A = tpu.memref_slice %arg2[%mul3A_45] : memref<65536xi32, #tpu.memory_space<hbm>> -> memref<8192xi32, #tpu.memory_space<hbm>>
    %dma_wait3A_46 = tpu.memref_slice %arg2[%mul3A_45] : memref<65536xi32, #tpu.memory_space<hbm>> -> memref<8192xi32, #tpu.memory_space<hbm>>
    tpu.wait_dma2 semaphore(%arg9 : memref<!tpu.dma_semaphore, #tpu.memory_space<semaphore_mem>>) src(%dma_wait3A_46 : memref<8192xi32, #tpu.memory_space<hbm>>) dst(%arg5 : memref<8192xi32, #tpu.memory_space<vmem>>)
    %mul3A_47 = arith.constant 16 : i32
    %mul3A_48 = arith.muli %select_n3A_30, %mul3A_47 : i32
    %mul3A_49 = arith.constant 1024 : i32
    %mul3A_50 = arith.muli %mul3A_48, %mul3A_49 : i32
    %dma_wait3A_51 = tpu.memref_slice %arg3[%mul3A_50] : memref<65536xf32, #tpu.memory_space<hbm>> -> memref<16384xf32, #tpu.memory_space<hbm>>
    %dma_wait3A_52 = tpu.memref_slice %arg3[%mul3A_50] : memref<65536xf32, #tpu.memory_space<hbm>> -> memref<16384xf32, #tpu.memory_space<hbm>>
    tpu.wait_dma2 semaphore(%arg10 : memref<!tpu.dma_semaphore, #tpu.memory_space<semaphore_mem>>) src(%dma_wait3A_52 : memref<16384xf32, #tpu.memory_space<hbm>>) dst(%arg6 : memref<16384xf32, #tpu.memory_space<vmem>>)
    %parallel_loop3A = arith.constant 0 : i32
    %parallel_loop3A_53 = arith.constant 64 : i32
    %parallel_loop3A_54 = arith.constant 1 : i32
    scf.for %parallel_loop3A_424 = %parallel_loop3A to %parallel_loop3A_53 step %parallel_loop3A_54  : i32 {
      %parallel_loop3A_425 = arith.constant 16 : i32
      %parallel_loop3A_426 = arith.muli %parallel_loop3A_424, %parallel_loop3A_425 : i32
      %parallel_loop3A_427 = arith.constant 0 : i32
      %parallel_loop3A_428 = arith.addi %parallel_loop3A_427, %parallel_loop3A_426 : i32
      %parallel_loop3A_429 = arith.index_cast %parallel_loop3A_428 : i32 to index
      %parallel_loop3A_430 = tpu.vector_load %arg5[%parallel_loop3A_429] {strides = array<i32>} : memref<8192xi32, #tpu.memory_space<vmem>>, vector<16xi32>,
      %parallel_loop3A_431 = arith.constant 0 : i32
      %parallel_loop3A_432 = vector.broadcast %parallel_loop3A_431 : i32 to vector<16xi32>
      %parallel_loop3A_433 = arith.addi %parallel_loop3A_430, %parallel_loop3A_432 : vector<16xi32>
      %parallel_loop3A_434 = tpu.vector_load_idx %arg6[%parallel_loop3A_433] : memref<16384xf32, #tpu.memory_space<vmem>>[vector<16xi32>], vector<16xf32>,
      %parallel_loop3A_435 = arith.constant 1024 : i32
      %parallel_loop3A_436 = vector.broadcast %parallel_loop3A_435 : i32 to vector<16xi32>
      %parallel_loop3A_437 = arith.addi %parallel_loop3A_430, %parallel_loop3A_436 : vector<16xi32>
      %parallel_loop3A_438 = tpu.vector_load_idx %arg6[%parallel_loop3A_437] : memref<16384xf32, #tpu.memory_space<vmem>>[vector<16xi32>], vector<16xf32>,
      %parallel_loop3A_439 = arith.constant 2048 : i32
      %parallel_loop3A_440 = vector.broadcast %parallel_loop3A_439 : i32 to vector<16xi32>
      %parallel_loop3A_441 = arith.addi %parallel_loop3A_430, %parallel_loop3A_440 : vector<16xi32>
      %parallel_loop3A_442 = tpu.vector_load_idx %arg6[%parallel_loop3A_441] : memref<16384xf32, #tpu.memory_space<vmem>>[vector<16xi32>], vector<16xf32>,
      %parallel_loop3A_443 = arith.constant 3072 : i32
      %parallel_loop3A_444 = vector.broadcast %parallel_loop3A_443 : i32 to vector<16xi32>
      %parallel_loop3A_445 = arith.addi %parallel_loop3A_430, %parallel_loop3A_444 : vector<16xi32>
      %parallel_loop3A_446 = tpu.vector_load_idx %arg6[%parallel_loop3A_445] : memref<16384xf32, #tpu.memory_space<vmem>>[vector<16xi32>], vector<16xf32>,
      %parallel_loop3A_447 = arith.constant 4096 : i32
      %parallel_loop3A_448 = vector.broadcast %parallel_loop3A_447 : i32 to vector<16xi32>
      %parallel_loop3A_449 = arith.addi %parallel_loop3A_430, %parallel_loop3A_448 : vector<16xi32>
      %parallel_loop3A_450 = tpu.vector_load_idx %arg6[%parallel_loop3A_449] : memref<16384xf32, #tpu.memory_space<vmem>>[vector<16xi32>], vector<16xf32>,
      %parallel_loop3A_451 = arith.constant 5120 : i32
      %parallel_loop3A_452 = vector.broadcast %parallel_loop3A_451 : i32 to vector<16xi32>
      %parallel_loop3A_453 = arith.addi %parallel_loop3A_430, %parallel_loop3A_452 : vector<16xi32>
      %parallel_loop3A_454 = tpu.vector_load_idx %arg6[%parallel_loop3A_453] : memref<16384xf32, #tpu.memory_space<vmem>>[vector<16xi32>], vector<16xf32>,
      %parallel_loop3A_455 = arith.constant 6144 : i32
      %parallel_loop3A_456 = vector.broadcast %parallel_loop3A_455 : i32 to vector<16xi32>
      %parallel_loop3A_457 = arith.addi %parallel_loop3A_430, %parallel_loop3A_456 : vector<16xi32>
      %parallel_loop3A_458 = tpu.vector_load_idx %arg6[%parallel_loop3A_457] : memref<16384xf32, #tpu.memory_space<vmem>>[vector<16xi32>], vector<16xf32>,
      %parallel_loop3A_459 = arith.constant 7168 : i32
      %parallel_loop3A_460 = vector.broadcast %parallel_loop3A_459 : i32 to vector<16xi32>
      %parallel_loop3A_461 = arith.addi %parallel_loop3A_430, %parallel_loop3A_460 : vector<16xi32>
      %parallel_loop3A_462 = tpu.vector_load_idx %arg6[%parallel_loop3A_461] : memref<16384xf32, #tpu.memory_space<vmem>>[vector<16xi32>], vector<16xf32>,
      %parallel_loop3A_463 = arith.constant 8192 : i32
      %parallel_loop3A_464 = vector.broadcast %parallel_loop3A_463 : i32 to vector<16xi32>
      %parallel_loop3A_465 = arith.addi %parallel_loop3A_430, %parallel_loop3A_464 : vector<16xi32>
      %parallel_loop3A_466 = tpu.vector_load_idx %arg6[%parallel_loop3A_465] : memref<16384xf32, #tpu.memory_space<vmem>>[vector<16xi32>], vector<16xf32>,
      %parallel_loop3A_467 = arith.constant 9216 : i32
      %parallel_loop3A_468 = vector.broadcast %parallel_loop3A_467 : i32 to vector<16xi32>
      %parallel_loop3A_469 = arith.addi %parallel_loop3A_430, %parallel_loop3A_468 : vector<16xi32>
      %parallel_loop3A_470 = tpu.vector_load_idx %arg6[%parallel_loop3A_469] : memref<16384xf32, #tpu.memory_space<vmem>>[vector<16xi32>], vector<16xf32>,
      %parallel_loop3A_471 = arith.constant 10240 : i32
      %parallel_loop3A_472 = vector.broadcast %parallel_loop3A_471 : i32 to vector<16xi32>
      %parallel_loop3A_473 = arith.addi %parallel_loop3A_430, %parallel_loop3A_472 : vector<16xi32>
      %parallel_loop3A_474 = tpu.vector_load_idx %arg6[%parallel_loop3A_473] : memref<16384xf32, #tpu.memory_space<vmem>>[vector<16xi32>], vector<16xf32>,
      %parallel_loop3A_475 = arith.constant 11264 : i32
      %parallel_loop3A_476 = vector.broadcast %parallel_loop3A_475 : i32 to vector<16xi32>
      %parallel_loop3A_477 = arith.addi %parallel_loop3A_430, %parallel_loop3A_476 : vector<16xi32>
      %parallel_loop3A_478 = tpu.vector_load_idx %arg6[%parallel_loop3A_477] : memref<16384xf32, #tpu.memory_space<vmem>>[vector<16xi32>], vector<16xf32>,
      %parallel_loop3A_479 = arith.constant 12288 : i32
      %parallel_loop3A_480 = vector.broadcast %parallel_loop3A_479 : i32 to vector<16xi32>
      %parallel_loop3A_481 = arith.addi %parallel_loop3A_430, %parallel_loop3A_480 : vector<16xi32>
      %parallel_loop3A_482 = tpu.vector_load_idx %arg6[%parallel_loop3A_481] : memref<16384xf32, #tpu.memory_space<vmem>>[vector<16xi32>], vector<16xf32>,
      %parallel_loop3A_483 = arith.constant 13312 : i32
      %parallel_loop3A_484 = vector.broadcast %parallel_loop3A_483 : i32 to vector<16xi32>
      %parallel_loop3A_485 = arith.addi %parallel_loop3A_430, %parallel_loop3A_484 : vector<16xi32>
      %parallel_loop3A_486 = tpu.vector_load_idx %arg6[%parallel_loop3A_485] : memref<16384xf32, #tpu.memory_space<vmem>>[vector<16xi32>], vector<16xf32>,
      %parallel_loop3A_487 = arith.constant 14336 : i32
      %parallel_loop3A_488 = vector.broadcast %parallel_loop3A_487 : i32 to vector<16xi32>
      %parallel_loop3A_489 = arith.addi %parallel_loop3A_430, %parallel_loop3A_488 : vector<16xi32>
      %parallel_loop3A_490 = tpu.vector_load_idx %arg6[%parallel_loop3A_489] : memref<16384xf32, #tpu.memory_space<vmem>>[vector<16xi32>], vector<16xf32>,
      %parallel_loop3A_491 = arith.constant 15360 : i32
      %parallel_loop3A_492 = vector.broadcast %parallel_loop3A_491 : i32 to vector<16xi32>
      %parallel_loop3A_493 = arith.addi %parallel_loop3A_430, %parallel_loop3A_492 : vector<16xi32>
      %parallel_loop3A_494 = tpu.vector_load_idx %arg6[%parallel_loop3A_493] : memref<16384xf32, #tpu.memory_space<vmem>>[vector<16xi32>], vector<16xf32>,
      %parallel_loop3A_495 = arith.constant 16 : i32
      %parallel_loop3A_496 = arith.muli %parallel_loop3A_424, %parallel_loop3A_495 : i32
      %parallel_loop3A_497 = arith.constant 0 : i32
      %parallel_loop3A_498 = arith.constant 0 : i32
      %parallel_loop3A_499 = arith.index_cast %parallel_loop3A_497 : i32 to index
      %parallel_loop3A_500 = arith.index_cast %parallel_loop3A_498 : i32 to index
      %parallel_loop3A_501 = arith.index_cast %parallel_loop3A_496 : i32 to index
      %parallel_loop3A_502 = tpu.vector_load %arg7[%parallel_loop3A_499, %parallel_loop3A_500, %parallel_loop3A_501] {strides = array<i32>} : memref<2x16x1024xf32, #tpu.memory_space<vmem>>, vector<16xf32>,
      tpu.vector_store %arg7[%parallel_loop3A_499, %parallel_loop3A_500, %parallel_loop3A_501], %parallel_loop3A_434 {strides = array<i32>} : memref<2x16x1024xf32, #tpu.memory_space<vmem>>, vector<16xf32>,
      %parallel_loop3A_503 = arith.constant 16 : i32
      %parallel_loop3A_504 = arith.muli %parallel_loop3A_424, %parallel_loop3A_503 : i32
      %parallel_loop3A_505 = arith.constant 0 : i32
      %parallel_loop3A_506 = arith.constant 1 : i32
      %parallel_loop3A_507 = arith.index_cast %parallel_loop3A_505 : i32 to index
      %parallel_loop3A_508 = arith.index_cast %parallel_loop3A_506 : i32 to index
      %parallel_loop3A_509 = arith.index_cast %parallel_loop3A_504 : i32 to index
      %parallel_loop3A_510 = tpu.vector_load %arg7[%parallel_loop3A_507, %parallel_loop3A_508, %parallel_loop3A_509] {strides = array<i32>} : memref<2x16x1024xf32, #tpu.memory_space<vmem>>, vector<16xf32>,
      tpu.vector_store %arg7[%parallel_loop3A_507, %parallel_loop3A_508, %parallel_loop3A_509], %parallel_loop3A_438 {strides = array<i32>} : memref<2x16x1024xf32, #tpu.memory_space<vmem>>, vector<16xf32>,
      %parallel_loop3A_511 = arith.constant 16 : i32
      %parallel_loop3A_512 = arith.muli %parallel_loop3A_424, %parallel_loop3A_511 : i32
      %parallel_loop3A_513 = arith.constant 0 : i32
      %parallel_loop3A_514 = arith.constant 2 : i32
      %parallel_loop3A_515 = arith.index_cast %parallel_loop3A_513 : i32 to index
      %parallel_loop3A_516 = arith.index_cast %parallel_loop3A_514 : i32 to index
      %parallel_loop3A_517 = arith.index_cast %parallel_loop3A_512 : i32 to index
      %parallel_loop3A_518 = tpu.vector_load %arg7[%parallel_loop3A_515, %parallel_loop3A_516, %parallel_loop3A_517] {strides = array<i32>} : memref<2x16x1024xf32, #tpu.memory_space<vmem>>, vector<16xf32>,
      tpu.vector_store %arg7[%parallel_loop3A_515, %parallel_loop3A_516, %parallel_loop3A_517], %parallel_loop3A_442 {strides = array<i32>} : memref<2x16x1024xf32, #tpu.memory_space<vmem>>, vector<16xf32>,
      %parallel_loop3A_519 = arith.constant 16 : i32
      %parallel_loop3A_520 = arith.muli %parallel_loop3A_424, %parallel_loop3A_519 : i32
      %parallel_loop3A_521 = arith.constant 0 : i32
      %parallel_loop3A_522 = arith.constant 3 : i32
      %parallel_loop3A_523 = arith.index_cast %parallel_loop3A_521 : i32 to index
      %parallel_loop3A_524 = arith.index_cast %parallel_loop3A_522 : i32 to index
      %parallel_loop3A_525 = arith.index_cast %parallel_loop3A_520 : i32 to index
      %parallel_loop3A_526 = tpu.vector_load %arg7[%parallel_loop3A_523, %parallel_loop3A_524, %parallel_loop3A_525] {strides = array<i32>} : memref<2x16x1024xf32, #tpu.memory_space<vmem>>, vector<16xf32>,
      tpu.vector_store %arg7[%parallel_loop3A_523, %parallel_loop3A_524, %parallel_loop3A_525], %parallel_loop3A_446 {strides = array<i32>} : memref<2x16x1024xf32, #tpu.memory_space<vmem>>, vector<16xf32>,
      %parallel_loop3A_527 = arith.constant 16 : i32
      %parallel_loop3A_528 = arith.muli %parallel_loop3A_424, %parallel_loop3A_527 : i32
      %parallel_loop3A_529 = arith.constant 0 : i32
      %parallel_loop3A_530 = arith.constant 4 : i32
      %parallel_loop3A_531 = arith.index_cast %parallel_loop3A_529 : i32 to index
      %parallel_loop3A_532 = arith.index_cast %parallel_loop3A_530 : i32 to index
      %parallel_loop3A_533 = arith.index_cast %parallel_loop3A_528 : i32 to index
      %parallel_loop3A_534 = tpu.vector_load %arg7[%parallel_loop3A_531, %parallel_loop3A_532, %parallel_loop3A_533] {strides = array<i32>} : memref<2x16x1024xf32, #tpu.memory_space<vmem>>, vector<16xf32>,
      tpu.vector_store %arg7[%parallel_loop3A_531, %parallel_loop3A_532, %parallel_loop3A_533], %parallel_loop3A_450 {strides = array<i32>} : memref<2x16x1024xf32, #tpu.memory_space<vmem>>, vector<16xf32>,
      %parallel_loop3A_535 = arith.constant 16 : i32
      %parallel_loop3A_536 = arith.muli %parallel_loop3A_424, %parallel_loop3A_535 : i32
      %parallel_loop3A_537 = arith.constant 0 : i32
      %parallel_loop3A_538 = arith.constant 5 : i32
      %parallel_loop3A_539 = arith.index_cast %parallel_loop3A_537 : i32 to index
      %parallel_loop3A_540 = arith.index_cast %parallel_loop3A_538 : i32 to index
      %parallel_loop3A_541 = arith.index_cast %parallel_loop3A_536 : i32 to index
      %parallel_loop3A_542 = tpu.vector_load %arg7[%parallel_loop3A_539, %parallel_loop3A_540, %parallel_loop3A_541] {strides = array<i32>} : memref<2x16x1024xf32, #tpu.memory_space<vmem>>, vector<16xf32>,
      tpu.vector_store %arg7[%parallel_loop3A_539, %parallel_loop3A_540, %parallel_loop3A_541], %parallel_loop3A_454 {strides = array<i32>} : memref<2x16x1024xf32, #tpu.memory_space<vmem>>, vector<16xf32>,
      %parallel_loop3A_543 = arith.constant 16 : i32
      %parallel_loop3A_544 = arith.muli %parallel_loop3A_424, %parallel_loop3A_543 : i32
      %parallel_loop3A_545 = arith.constant 0 : i32
      %parallel_loop3A_546 = arith.constant 6 : i32
      %parallel_loop3A_547 = arith.index_cast %parallel_loop3A_545 : i32 to index
      %parallel_loop3A_548 = arith.index_cast %parallel_loop3A_546 : i32 to index
      %parallel_loop3A_549 = arith.index_cast %parallel_loop3A_544 : i32 to index
      %parallel_loop3A_550 = tpu.vector_load %arg7[%parallel_loop3A_547, %parallel_loop3A_548, %parallel_loop3A_549] {strides = array<i32>} : memref<2x16x1024xf32, #tpu.memory_space<vmem>>, vector<16xf32>,
      tpu.vector_store %arg7[%parallel_loop3A_547, %parallel_loop3A_548, %parallel_loop3A_549], %parallel_loop3A_458 {strides = array<i32>} : memref<2x16x1024xf32, #tpu.memory_space<vmem>>, vector<16xf32>,
      %parallel_loop3A_551 = arith.constant 16 : i32
      %parallel_loop3A_552 = arith.muli %parallel_loop3A_424, %parallel_loop3A_551 : i32
      %parallel_loop3A_553 = arith.constant 0 : i32
      %parallel_loop3A_554 = arith.constant 7 : i32
      %parallel_loop3A_555 = arith.index_cast %parallel_loop3A_553 : i32 to index
      %parallel_loop3A_556 = arith.index_cast %parallel_loop3A_554 : i32 to index
      %parallel_loop3A_557 = arith.index_cast %parallel_loop3A_552 : i32 to index
      %parallel_loop3A_558 = tpu.vector_load %arg7[%parallel_loop3A_555, %parallel_loop3A_556, %parallel_loop3A_557] {strides = array<i32>} : memref<2x16x1024xf32, #tpu.memory_space<vmem>>, vector<16xf32>,
      tpu.vector_store %arg7[%parallel_loop3A_555, %parallel_loop3A_556, %parallel_loop3A_557], %parallel_loop3A_462 {strides = array<i32>} : memref<2x16x1024xf32, #tpu.memory_space<vmem>>, vector<16xf32>,
      %parallel_loop3A_559 = arith.constant 16 : i32
      %parallel_loop3A_560 = arith.muli %parallel_loop3A_424, %parallel_loop3A_559 : i32
      %parallel_loop3A_561 = arith.constant 0 : i32
      %parallel_loop3A_562 = arith.constant 8 : i32
      %parallel_loop3A_563 = arith.index_cast %parallel_loop3A_561 : i32 to index
      %parallel_loop3A_564 = arith.index_cast %parallel_loop3A_562 : i32 to index
      %parallel_loop3A_565 = arith.index_cast %parallel_loop3A_560 : i32 to index
      %parallel_loop3A_566 = tpu.vector_load %arg7[%parallel_loop3A_563, %parallel_loop3A_564, %parallel_loop3A_565] {strides = array<i32>} : memref<2x16x1024xf32, #tpu.memory_space<vmem>>, vector<16xf32>,
      tpu.vector_store %arg7[%parallel_loop3A_563, %parallel_loop3A_564, %parallel_loop3A_565], %parallel_loop3A_466 {strides = array<i32>} : memref<2x16x1024xf32, #tpu.memory_space<vmem>>, vector<16xf32>,
      %parallel_loop3A_567 = arith.constant 16 : i32
      %parallel_loop3A_568 = arith.muli %parallel_loop3A_424, %parallel_loop3A_567 : i32
      %parallel_loop3A_569 = arith.constant 0 : i32
      %parallel_loop3A_570 = arith.constant 9 : i32
      %parallel_loop3A_571 = arith.index_cast %parallel_loop3A_569 : i32 to index
      %parallel_loop3A_572 = arith.index_cast %parallel_loop3A_570 : i32 to index
      %parallel_loop3A_573 = arith.index_cast %parallel_loop3A_568 : i32 to index
      %parallel_loop3A_574 = tpu.vector_load %arg7[%parallel_loop3A_571, %parallel_loop3A_572, %parallel_loop3A_573] {strides = array<i32>} : memref<2x16x1024xf32, #tpu.memory_space<vmem>>, vector<16xf32>,
      tpu.vector_store %arg7[%parallel_loop3A_571, %parallel_loop3A_572, %parallel_loop3A_573], %parallel_loop3A_470 {strides = array<i32>} : memref<2x16x1024xf32, #tpu.memory_space<vmem>>, vector<16xf32>,
      %parallel_loop3A_575 = arith.constant 16 : i32
      %parallel_loop3A_576 = arith.muli %parallel_loop3A_424, %parallel_loop3A_575 : i32
      %parallel_loop3A_577 = arith.constant 0 : i32
      %parallel_loop3A_578 = arith.constant 10 : i32
      %parallel_loop3A_579 = arith.index_cast %parallel_loop3A_577 : i32 to index
      %parallel_loop3A_580 = arith.index_cast %parallel_loop3A_578 : i32 to index
      %parallel_loop3A_581 = arith.index_cast %parallel_loop3A_576 : i32 to index
      %parallel_loop3A_582 = tpu.vector_load %arg7[%parallel_loop3A_579, %parallel_loop3A_580, %parallel_loop3A_581] {strides = array<i32>} : memref<2x16x1024xf32, #tpu.memory_space<vmem>>, vector<16xf32>,
      tpu.vector_store %arg7[%parallel_loop3A_579, %parallel_loop3A_580, %parallel_loop3A_581], %parallel_loop3A_474 {strides = array<i32>} : memref<2x16x1024xf32, #tpu.memory_space<vmem>>, vector<16xf32>,
      %parallel_loop3A_583 = arith.constant 16 : i32
      %parallel_loop3A_584 = arith.muli %parallel_loop3A_424, %parallel_loop3A_583 : i32
      %parallel_loop3A_585 = arith.constant 0 : i32
      %parallel_loop3A_586 = arith.constant 11 : i32
      %parallel_loop3A_587 = arith.index_cast %parallel_loop3A_585 : i32 to index
      %parallel_loop3A_588 = arith.index_cast %parallel_loop3A_586 : i32 to index
      %parallel_loop3A_589 = arith.index_cast %parallel_loop3A_584 : i32 to index
      %parallel_loop3A_590 = tpu.vector_load %arg7[%parallel_loop3A_587, %parallel_loop3A_588, %parallel_loop3A_589] {strides = array<i32>} : memref<2x16x1024xf32, #tpu.memory_space<vmem>>, vector<16xf32>,
      tpu.vector_store %arg7[%parallel_loop3A_587, %parallel_loop3A_588, %parallel_loop3A_589], %parallel_loop3A_478 {strides = array<i32>} : memref<2x16x1024xf32, #tpu.memory_space<vmem>>, vector<16xf32>,
      %parallel_loop3A_591 = arith.constant 16 : i32
      %parallel_loop3A_592 = arith.muli %parallel_loop3A_424, %parallel_loop3A_591 : i32
      %parallel_loop3A_593 = arith.constant 0 : i32
      %parallel_loop3A_594 = arith.constant 12 : i32
      %parallel_loop3A_595 = arith.index_cast %parallel_loop3A_593 : i32 to index
      %parallel_loop3A_596 = arith.index_cast %parallel_loop3A_594 : i32 to index
      %parallel_loop3A_597 = arith.index_cast %parallel_loop3A_592 : i32 to index
      %parallel_loop3A_598 = tpu.vector_load %arg7[%parallel_loop3A_595, %parallel_loop3A_596, %parallel_loop3A_597] {strides = array<i32>} : memref<2x16x1024xf32, #tpu.memory_space<vmem>>, vector<16xf32>,
      tpu.vector_store %arg7[%parallel_loop3A_595, %parallel_loop3A_596, %parallel_loop3A_597], %parallel_loop3A_482 {strides = array<i32>} : memref<2x16x1024xf32, #tpu.memory_space<vmem>>, vector<16xf32>,
      %parallel_loop3A_599 = arith.constant 16 : i32
      %parallel_loop3A_600 = arith.muli %parallel_loop3A_424, %parallel_loop3A_599 : i32
      %parallel_loop3A_601 = arith.constant 0 : i32
      %parallel_loop3A_602 = arith.constant 13 : i32
      %parallel_loop3A_603 = arith.index_cast %parallel_loop3A_601 : i32 to index
      %parallel_loop3A_604 = arith.index_cast %parallel_loop3A_602 : i32 to index
      %parallel_loop3A_605 = arith.index_cast %parallel_loop3A_600 : i32 to index
      %parallel_loop3A_606 = tpu.vector_load %arg7[%parallel_loop3A_603, %parallel_loop3A_604, %parallel_loop3A_605] {strides = array<i32>} : memref<2x16x1024xf32, #tpu.memory_space<vmem>>, vector<16xf32>,
      tpu.vector_store %arg7[%parallel_loop3A_603, %parallel_loop3A_604, %parallel_loop3A_605], %parallel_loop3A_486 {strides = array<i32>} : memref<2x16x1024xf32, #tpu.memory_space<vmem>>, vector<16xf32>,
      %parallel_loop3A_607 = arith.constant 16 : i32
      %parallel_loop3A_608 = arith.muli %parallel_loop3A_424, %parallel_loop3A_607 : i32
      %parallel_loop3A_609 = arith.constant 0 : i32
      %parallel_loop3A_610 = arith.constant 14 : i32
      %parallel_loop3A_611 = arith.index_cast %parallel_loop3A_609 : i32 to index
      %parallel_loop3A_612 = arith.index_cast %parallel_loop3A_610 : i32 to index
      %parallel_loop3A_613 = arith.index_cast %parallel_loop3A_608 : i32 to index
      %parallel_loop3A_614 = tpu.vector_load %arg7[%parallel_loop3A_611, %parallel_loop3A_612, %parallel_loop3A_613] {strides = array<i32>} : memref<2x16x1024xf32, #tpu.memory_space<vmem>>, vector<16xf32>,
      tpu.vector_store %arg7[%parallel_loop3A_611, %parallel_loop3A_612, %parallel_loop3A_613], %parallel_loop3A_490 {strides = array<i32>} : memref<2x16x1024xf32, #tpu.memory_space<vmem>>, vector<16xf32>,
      %parallel_loop3A_615 = arith.constant 16 : i32
      %parallel_loop3A_616 = arith.muli %parallel_loop3A_424, %parallel_loop3A_615 : i32
      %parallel_loop3A_617 = arith.constant 0 : i32
      %parallel_loop3A_618 = arith.constant 15 : i32
      %parallel_loop3A_619 = arith.index_cast %parallel_loop3A_617 : i32 to index
      %parallel_loop3A_620 = arith.index_cast %parallel_loop3A_618 : i32 to index
      %parallel_loop3A_621 = arith.index_cast %parallel_loop3A_616 : i32 to index
      %parallel_loop3A_622 = tpu.vector_load %arg7[%parallel_loop3A_619, %parallel_loop3A_620, %parallel_loop3A_621] {strides = array<i32>} : memref<2x16x1024xf32, #tpu.memory_space<vmem>>, vector<16xf32>,
      tpu.vector_store %arg7[%parallel_loop3A_619, %parallel_loop3A_620, %parallel_loop3A_621], %parallel_loop3A_494 {strides = array<i32>} : memref<2x16x1024xf32, #tpu.memory_space<vmem>>, vector<16xf32>,
    } {sc.loop_unroll_factor = 2 : i64, sc.parallel_access}
    %mul3A_55 = arith.constant 8 : i32
    %mul3A_56 = arith.muli %select_n3A_9, %mul3A_55 : i32
    %add3A_57 = arith.constant 0 : i32
    %add3A_58 = arith.addi %mul3A_56, %add3A_57 : i32
    %mul3A_59 = arith.constant 16 : i32
    %mul3A_60 = arith.muli %select_n3A_30, %mul3A_59 : i32
    %dma_start3A_61 = arith.constant 0 : i32
    %dma_start3A_62 = arith.constant 0 : i32
    %dma_start3A_63 = arith.constant 0 : i32
    %dma_start3A_64 = tpu.memref_slice %arg7[%dma_start3A_61, %dma_start3A_62, %dma_start3A_63] : memref<2x16x1024xf32, #tpu.memory_space<vmem>> -> memref<1x16x1024xf32, #tpu.memory_space<vmem>>
    %dma_start3A_65 = tpu.memref_squeeze %dma_start3A_64 : memref<1x16x1024xf32, #tpu.memory_space<vmem>> -> memref<16x1024xf32, #tpu.memory_space<vmem>>
    %dma_start3A_66 = arith.constant 0 : i32
    %dma_start3A_67 = tpu.memref_slice %arg4[%add3A_58, %mul3A_60, %dma_start3A_66] : memref<64x64x1024xf32, #tpu.memory_space<hbm>> -> memref<1x16x1024xf32, #tpu.memory_space<hbm>>
    %dma_start3A_68 = tpu.memref_squeeze %dma_start3A_67 : memref<1x16x1024xf32, #tpu.memory_space<hbm>> -> memref<16x1024xf32, #tpu.memory_space<hbm>>
    %dma_start3A_69 = arith.constant 0 : i32
    %dma_start3A_70 = tpu.memref_slice %arg4[%add3A_58, %mul3A_60, %dma_start3A_69] : memref<64x64x1024xf32, #tpu.memory_space<hbm>> -> memref<1x16x1024xf32, #tpu.memory_space<hbm>>
    %dma_start3A_71 = tpu.memref_squeeze %dma_start3A_70 : memref<1x16x1024xf32, #tpu.memory_space<hbm>> -> memref<16x1024xf32, #tpu.memory_space<hbm>>
    %dma_start3A_72 = arith.constant 0 : i32
    %dma_start3A_73 = arith.constant 0 : i32
    %dma_start3A_74 = tpu.memref_slice %arg7[%dma_start3A_61, %dma_start3A_72, %dma_start3A_73] : memref<2x16x1024xf32, #tpu.memory_space<vmem>> -> memref<1x16x1024xf32, #tpu.memory_space<vmem>>
    %dma_start3A_75 = tpu.memref_squeeze %dma_start3A_74 : memref<1x16x1024xf32, #tpu.memory_space<vmem>> -> memref<16x1024xf32, #tpu.memory_space<vmem>>
    tpu.enqueue_dma source(%dma_start3A_75 : memref<16x1024xf32, #tpu.memory_space<vmem>>) target(%dma_start3A_71 : memref<16x1024xf32, #tpu.memory_space<hbm>>) target_semaphore(%arg8 : memref<!tpu.dma_semaphore, #tpu.memory_space<semaphore_mem>>)
    %parallel_loop3A_76 = arith.constant 0 : i32
    %parallel_loop3A_77 = arith.constant 64 : i32
    %parallel_loop3A_78 = arith.constant 1 : i32
    scf.for %parallel_loop3A_424 = %parallel_loop3A_76 to %parallel_loop3A_77 step %parallel_loop3A_78  : i32 {
      %parallel_loop3A_425 = arith.constant 16 : i32
      %parallel_loop3A_426 = arith.muli %parallel_loop3A_424, %parallel_loop3A_425 : i32
      %parallel_loop3A_427 = arith.constant 1024 : i32
      %parallel_loop3A_428 = arith.addi %parallel_loop3A_427, %parallel_loop3A_426 : i32
      %parallel_loop3A_429 = arith.index_cast %parallel_loop3A_428 : i32 to index
      %parallel_loop3A_430 = tpu.vector_load %arg5[%parallel_loop3A_429] {strides = array<i32>} : memref<8192xi32, #tpu.memory_space<vmem>>, vector<16xi32>,
      %parallel_loop3A_431 = arith.constant 0 : i32
      %parallel_loop3A_432 = vector.broadcast %parallel_loop3A_431 : i32 to vector<16xi32>
      %parallel_loop3A_433 = arith.addi %parallel_loop3A_430, %parallel_loop3A_432 : vector<16xi32>
      %parallel_loop3A_434 = tpu.vector_load_idx %arg6[%parallel_loop3A_433] : memref<16384xf32, #tpu.memory_space<vmem>>[vector<16xi32>], vector<16xf32>,
      %parallel_loop3A_435 = arith.constant 1024 : i32
      %parallel_loop3A_436 = vector.broadcast %parallel_loop3A_435 : i32 to vector<16xi32>
      %parallel_loop3A_437 = arith.addi %parallel_loop3A_430, %parallel_loop3A_436 : vector<16xi32>
      %parallel_loop3A_438 = tpu.vector_load_idx %arg6[%parallel_loop3A_437] : memref<16384xf32, #tpu.memory_space<vmem>>[vector<16xi32>], vector<16xf32>,
      %parallel_loop3A_439 = arith.constant 2048 : i32
      %parallel_loop3A_440 = vector.broadcast %parallel_loop3A_439 : i32 to vector<16xi32>
      %parallel_loop3A_441 = arith.addi %parallel_loop3A_430, %parallel_loop3A_440 : vector<16xi32>
      %parallel_loop3A_442 = tpu.vector_load_idx %arg6[%parallel_loop3A_441] : memref<16384xf32, #tpu.memory_space<vmem>>[vector<16xi32>], vector<16xf32>,
      %parallel_loop3A_443 = arith.constant 3072 : i32
      %parallel_loop3A_444 = vector.broadcast %parallel_loop3A_443 : i32 to vector<16xi32>
      %parallel_loop3A_445 = arith.addi %parallel_loop3A_430, %parallel_loop3A_444 : vector<16xi32>
      %parallel_loop3A_446 = tpu.vector_load_idx %arg6[%parallel_loop3A_445] : memref<16384xf32, #tpu.memory_space<vmem>>[vector<16xi32>], vector<16xf32>,
      %parallel_loop3A_447 = arith.constant 4096 : i32
      %parallel_loop3A_448 = vector.broadcast %parallel_loop3A_447 : i32 to vector<16xi32>
      %parallel_loop3A_449 = arith.addi %parallel_loop3A_430, %parallel_loop3A_448 : vector<16xi32>
      %parallel_loop3A_450 = tpu.vector_load_idx %arg6[%parallel_loop3A_449] : memref<16384xf32, #tpu.memory_space<vmem>>[vector<16xi32>], vector<16xf32>,
      %parallel_loop3A_451 = arith.constant 5120 : i32
      %parallel_loop3A_452 = vector.broadcast %parallel_loop3A_451 : i32 to vector<16xi32>
      %parallel_loop3A_453 = arith.addi %parallel_loop3A_430, %parallel_loop3A_452 : vector<16xi32>
      %parallel_loop3A_454 = tpu.vector_load_idx %arg6[%parallel_loop3A_453] : memref<16384xf32, #tpu.memory_space<vmem>>[vector<16xi32>], vector<16xf32>,
      %parallel_loop3A_455 = arith.constant 6144 : i32
      %parallel_loop3A_456 = vector.broadcast %parallel_loop3A_455 : i32 to vector<16xi32>
      %parallel_loop3A_457 = arith.addi %parallel_loop3A_430, %parallel_loop3A_456 : vector<16xi32>
      %parallel_loop3A_458 = tpu.vector_load_idx %arg6[%parallel_loop3A_457] : memref<16384xf32, #tpu.memory_space<vmem>>[vector<16xi32>], vector<16xf32>,
      %parallel_loop3A_459 = arith.constant 7168 : i32
      %parallel_loop3A_460 = vector.broadcast %parallel_loop3A_459 : i32 to vector<16xi32>
      %parallel_loop3A_461 = arith.addi %parallel_loop3A_430, %parallel_loop3A_460 : vector<16xi32>
      %parallel_loop3A_462 = tpu.vector_load_idx %arg6[%parallel_loop3A_461] : memref<16384xf32, #tpu.memory_space<vmem>>[vector<16xi32>], vector<16xf32>,
      %parallel_loop3A_463 = arith.constant 8192 : i32
      %parallel_loop3A_464 = vector.broadcast %parallel_loop3A_463 : i32 to vector<16xi32>
      %parallel_loop3A_465 = arith.addi %parallel_loop3A_430, %parallel_loop3A_464 : vector<16xi32>
      %parallel_loop3A_466 = tpu.vector_load_idx %arg6[%parallel_loop3A_465] : memref<16384xf32, #tpu.memory_space<vmem>>[vector<16xi32>], vector<16xf32>,
      %parallel_loop3A_467 = arith.constant 9216 : i32
      %parallel_loop3A_468 = vector.broadcast %parallel_loop3A_467 : i32 to vector<16xi32>
      %parallel_loop3A_469 = arith.addi %parallel_loop3A_430, %parallel_loop3A_468 : vector<16xi32>
      %parallel_loop3A_470 = tpu.vector_load_idx %arg6[%parallel_loop3A_469] : memref<16384xf32, #tpu.memory_space<vmem>>[vector<16xi32>], vector<16xf32>,
      %parallel_loop3A_471 = arith.constant 10240 : i32
      %parallel_loop3A_472 = vector.broadcast %parallel_loop3A_471 : i32 to vector<16xi32>
      %parallel_loop3A_473 = arith.addi %parallel_loop3A_430, %parallel_loop3A_472 : vector<16xi32>
      %parallel_loop3A_474 = tpu.vector_load_idx %arg6[%parallel_loop3A_473] : memref<16384xf32, #tpu.memory_space<vmem>>[vector<16xi32>], vector<16xf32>,
      %parallel_loop3A_475 = arith.constant 11264 : i32
      %parallel_loop3A_476 = vector.broadcast %parallel_loop3A_475 : i32 to vector<16xi32>
      %parallel_loop3A_477 = arith.addi %parallel_loop3A_430, %parallel_loop3A_476 : vector<16xi32>
      %parallel_loop3A_478 = tpu.vector_load_idx %arg6[%parallel_loop3A_477] : memref<16384xf32, #tpu.memory_space<vmem>>[vector<16xi32>], vector<16xf32>,
      %parallel_loop3A_479 = arith.constant 12288 : i32
      %parallel_loop3A_480 = vector.broadcast %parallel_loop3A_479 : i32 to vector<16xi32>
      %parallel_loop3A_481 = arith.addi %parallel_loop3A_430, %parallel_loop3A_480 : vector<16xi32>
      %parallel_loop3A_482 = tpu.vector_load_idx %arg6[%parallel_loop3A_481] : memref<16384xf32, #tpu.memory_space<vmem>>[vector<16xi32>], vector<16xf32>,
      %parallel_loop3A_483 = arith.constant 13312 : i32
      %parallel_loop3A_484 = vector.broadcast %parallel_loop3A_483 : i32 to vector<16xi32>
      %parallel_loop3A_485 = arith.addi %parallel_loop3A_430, %parallel_loop3A_484 : vector<16xi32>
      %parallel_loop3A_486 = tpu.vector_load_idx %arg6[%parallel_loop3A_485] : memref<16384xf32, #tpu.memory_space<vmem>>[vector<16xi32>], vector<16xf32>,
      %parallel_loop3A_487 = arith.constant 14336 : i32
      %parallel_loop3A_488 = vector.broadcast %parallel_loop3A_487 : i32 to vector<16xi32>
      %parallel_loop3A_489 = arith.addi %parallel_loop3A_430, %parallel_loop3A_488 : vector<16xi32>
      %parallel_loop3A_490 = tpu.vector_load_idx %arg6[%parallel_loop3A_489] : memref<16384xf32, #tpu.memory_space<vmem>>[vector<16xi32>], vector<16xf32>,
      %parallel_loop3A_491 = arith.constant 15360 : i32
      %parallel_loop3A_492 = vector.broadcast %parallel_loop3A_491 : i32 to vector<16xi32>
      %parallel_loop3A_493 = arith.addi %parallel_loop3A_430, %parallel_loop3A_492 : vector<16xi32>
      %parallel_loop3A_494 = tpu.vector_load_idx %arg6[%parallel_loop3A_493] : memref<16384xf32, #tpu.memory_space<vmem>>[vector<16xi32>], vector<16xf32>,
      %parallel_loop3A_495 = arith.constant 16 : i32
      %parallel_loop3A_496 = arith.muli %parallel_loop3A_424, %parallel_loop3A_495 : i32
      %parallel_loop3A_497 = arith.constant 1 : i32
      %parallel_loop3A_498 = arith.constant 0 : i32
      %parallel_loop3A_499 = arith.index_cast %parallel_loop3A_497 : i32 to index
      %parallel_loop3A_500 = arith.index_cast %parallel_loop3A_498 : i32 to index
      %parallel_loop3A_501 = arith.index_cast %parallel_loop3A_496 : i32 to index
      %parallel_loop3A_502 = tpu.vector_load %arg7[%parallel_loop3A_499, %parallel_loop3A_500, %parallel_loop3A_501] {strides = array<i32>} : memref<2x16x1024xf32, #tpu.memory_space<vmem>>, vector<16xf32>,
      tpu.vector_store %arg7[%parallel_loop3A_499, %parallel_loop3A_500, %parallel_loop3A_501], %parallel_loop3A_434 {strides = array<i32>} : memref<2x16x1024xf32, #tpu.memory_space<vmem>>, vector<16xf32>,
      %parallel_loop3A_503 = arith.constant 16 : i32
      %parallel_loop3A_504 = arith.muli %parallel_loop3A_424, %parallel_loop3A_503 : i32
      %parallel_loop3A_505 = arith.constant 1 : i32
      %parallel_loop3A_506 = arith.constant 1 : i32
      %parallel_loop3A_507 = arith.index_cast %parallel_loop3A_505 : i32 to index
      %parallel_loop3A_508 = arith.index_cast %parallel_loop3A_506 : i32 to index
      %parallel_loop3A_509 = arith.index_cast %parallel_loop3A_504 : i32 to index
      %parallel_loop3A_510 = tpu.vector_load %arg7[%parallel_loop3A_507, %parallel_loop3A_508, %parallel_loop3A_509] {strides = array<i32>} : memref<2x16x1024xf32, #tpu.memory_space<vmem>>, vector<16xf32>,
      tpu.vector_store %arg7[%parallel_loop3A_507, %parallel_loop3A_508, %parallel_loop3A_509], %parallel_loop3A_438 {strides = array<i32>} : memref<2x16x1024xf32, #tpu.memory_space<vmem>>, vector<16xf32>,
      %parallel_loop3A_511 = arith.constant 16 : i32
      %parallel_loop3A_512 = arith.muli %parallel_loop3A_424, %parallel_loop3A_511 : i32
      %parallel_loop3A_513 = arith.constant 1 : i32
      %parallel_loop3A_514 = arith.constant 2 : i32
      %parallel_loop3A_515 = arith.index_cast %parallel_loop3A_513 : i32 to index
      %parallel_loop3A_516 = arith.index_cast %parallel_loop3A_514 : i32 to index
      %parallel_loop3A_517 = arith.index_cast %parallel_loop3A_512 : i32 to index
      %parallel_loop3A_518 = tpu.vector_load %arg7[%parallel_loop3A_515, %parallel_loop3A_516, %parallel_loop3A_517] {strides = array<i32>} : memref<2x16x1024xf32, #tpu.memory_space<vmem>>, vector<16xf32>,
      tpu.vector_store %arg7[%parallel_loop3A_515, %parallel_loop3A_516, %parallel_loop3A_517], %parallel_loop3A_442 {strides = array<i32>} : memref<2x16x1024xf32, #tpu.memory_space<vmem>>, vector<16xf32>,
      %parallel_loop3A_519 = arith.constant 16 : i32
      %parallel_loop3A_520 = arith.muli %parallel_loop3A_424, %parallel_loop3A_519 : i32
      %parallel_loop3A_521 = arith.constant 1 : i32
      %parallel_loop3A_522 = arith.constant 3 : i32
      %parallel_loop3A_523 = arith.index_cast %parallel_loop3A_521 : i32 to index
      %parallel_loop3A_524 = arith.index_cast %parallel_loop3A_522 : i32 to index
      %parallel_loop3A_525 = arith.index_cast %parallel_loop3A_520 : i32 to index
      %parallel_loop3A_526 = tpu.vector_load %arg7[%parallel_loop3A_523, %parallel_loop3A_524, %parallel_loop3A_525] {strides = array<i32>} : memref<2x16x1024xf32, #tpu.memory_space<vmem>>, vector<16xf32>,
      tpu.vector_store %arg7[%parallel_loop3A_523, %parallel_loop3A_524, %parallel_loop3A_525], %parallel_loop3A_446 {strides = array<i32>} : memref<2x16x1024xf32, #tpu.memory_space<vmem>>, vector<16xf32>,
      %parallel_loop3A_527 = arith.constant 16 : i32
      %parallel_loop3A_528 = arith.muli %parallel_loop3A_424, %parallel_loop3A_527 : i32
      %parallel_loop3A_529 = arith.constant 1 : i32
      %parallel_loop3A_530 = arith.constant 4 : i32
      %parallel_loop3A_531 = arith.index_cast %parallel_loop3A_529 : i32 to index
      %parallel_loop3A_532 = arith.index_cast %parallel_loop3A_530 : i32 to index
      %parallel_loop3A_533 = arith.index_cast %parallel_loop3A_528 : i32 to index
      %parallel_loop3A_534 = tpu.vector_load %arg7[%parallel_loop3A_531, %parallel_loop3A_532, %parallel_loop3A_533] {strides = array<i32>} : memref<2x16x1024xf32, #tpu.memory_space<vmem>>, vector<16xf32>,
      tpu.vector_store %arg7[%parallel_loop3A_531, %parallel_loop3A_532, %parallel_loop3A_533], %parallel_loop3A_450 {strides = array<i32>} : memref<2x16x1024xf32, #tpu.memory_space<vmem>>, vector<16xf32>,
      %parallel_loop3A_535 = arith.constant 16 : i32
      %parallel_loop3A_536 = arith.muli %parallel_loop3A_424, %parallel_loop3A_535 : i32
      %parallel_loop3A_537 = arith.constant 1 : i32
      %parallel_loop3A_538 = arith.constant 5 : i32
      %parallel_loop3A_539 = arith.index_cast %parallel_loop3A_537 : i32 to index
      %parallel_loop3A_540 = arith.index_cast %parallel_loop3A_538 : i32 to index
      %parallel_loop3A_541 = arith.index_cast %parallel_loop3A_536 : i32 to index
      %parallel_loop3A_542 = tpu.vector_load %arg7[%parallel_loop3A_539, %parallel_loop3A_540, %parallel_loop3A_541] {strides = array<i32>} : memref<2x16x1024xf32, #tpu.memory_space<vmem>>, vector<16xf32>,
      tpu.vector_store %arg7[%parallel_loop3A_539, %parallel_loop3A_540, %parallel_loop3A_541], %parallel_loop3A_454 {strides = array<i32>} : memref<2x16x1024xf32, #tpu.memory_space<vmem>>, vector<16xf32>,
      %parallel_loop3A_543 = arith.constant 16 : i32
      %parallel_loop3A_544 = arith.muli %parallel_loop3A_424, %parallel_loop3A_543 : i32
      %parallel_loop3A_545 = arith.constant 1 : i32
      %parallel_loop3A_546 = arith.constant 6 : i32
      %parallel_loop3A_547 = arith.index_cast %parallel_loop3A_545 : i32 to index
      %parallel_loop3A_548 = arith.index_cast %parallel_loop3A_546 : i32 to index
      %parallel_loop3A_549 = arith.index_cast %parallel_loop3A_544 : i32 to index
      %parallel_loop3A_550 = tpu.vector_load %arg7[%parallel_loop3A_547, %parallel_loop3A_548, %parallel_loop3A_549] {strides = array<i32>} : memref<2x16x1024xf32, #tpu.memory_space<vmem>>, vector<16xf32>,
      tpu.vector_store %arg7[%parallel_loop3A_547, %parallel_loop3A_548, %parallel_loop3A_549], %parallel_loop3A_458 {strides = array<i32>} : memref<2x16x1024xf32, #tpu.memory_space<vmem>>, vector<16xf32>,
      %parallel_loop3A_551 = arith.constant 16 : i32
      %parallel_loop3A_552 = arith.muli %parallel_loop3A_424, %parallel_loop3A_551 : i32
      %parallel_loop3A_553 = arith.constant 1 : i32
      %parallel_loop3A_554 = arith.constant 7 : i32
      %parallel_loop3A_555 = arith.index_cast %parallel_loop3A_553 : i32 to index
      %parallel_loop3A_556 = arith.index_cast %parallel_loop3A_554 : i32 to index
      %parallel_loop3A_557 = arith.index_cast %parallel_loop3A_552 : i32 to index
      %parallel_loop3A_558 = tpu.vector_load %arg7[%parallel_loop3A_555, %parallel_loop3A_556, %parallel_loop3A_557] {strides = array<i32>} : memref<2x16x1024xf32, #tpu.memory_space<vmem>>, vector<16xf32>,
      tpu.vector_store %arg7[%parallel_loop3A_555, %parallel_loop3A_556, %parallel_loop3A_557], %parallel_loop3A_462 {strides = array<i32>} : memref<2x16x1024xf32, #tpu.memory_space<vmem>>, vector<16xf32>,
      %parallel_loop3A_559 = arith.constant 16 : i32
      %parallel_loop3A_560 = arith.muli %parallel_loop3A_424, %parallel_loop3A_559 : i32
      %parallel_loop3A_561 = arith.constant 1 : i32
      %parallel_loop3A_562 = arith.constant 8 : i32
      %parallel_loop3A_563 = arith.index_cast %parallel_loop3A_561 : i32 to index
      %parallel_loop3A_564 = arith.index_cast %parallel_loop3A_562 : i32 to index
      %parallel_loop3A_565 = arith.index_cast %parallel_loop3A_560 : i32 to index
      %parallel_loop3A_566 = tpu.vector_load %arg7[%parallel_loop3A_563, %parallel_loop3A_564, %parallel_loop3A_565] {strides = array<i32>} : memref<2x16x1024xf32, #tpu.memory_space<vmem>>, vector<16xf32>,
      tpu.vector_store %arg7[%parallel_loop3A_563, %parallel_loop3A_564, %parallel_loop3A_565], %parallel_loop3A_466 {strides = array<i32>} : memref<2x16x1024xf32, #tpu.memory_space<vmem>>, vector<16xf32>,
      %parallel_loop3A_567 = arith.constant 16 : i32
      %parallel_loop3A_568 = arith.muli %parallel_loop3A_424, %parallel_loop3A_567 : i32
      %parallel_loop3A_569 = arith.constant 1 : i32
      %parallel_loop3A_570 = arith.constant 9 : i32
      %parallel_loop3A_571 = arith.index_cast %parallel_loop3A_569 : i32 to index
      %parallel_loop3A_572 = arith.index_cast %parallel_loop3A_570 : i32 to index
      %parallel_loop3A_573 = arith.index_cast %parallel_loop3A_568 : i32 to index
      %parallel_loop3A_574 = tpu.vector_load %arg7[%parallel_loop3A_571, %parallel_loop3A_572, %parallel_loop3A_573] {strides = array<i32>} : memref<2x16x1024xf32, #tpu.memory_space<vmem>>, vector<16xf32>,
      tpu.vector_store %arg7[%parallel_loop3A_571, %parallel_loop3A_572, %parallel_loop3A_573], %parallel_loop3A_470 {strides = array<i32>} : memref<2x16x1024xf32, #tpu.memory_space<vmem>>, vector<16xf32>,
      %parallel_loop3A_575 = arith.constant 16 : i32
      %parallel_loop3A_576 = arith.muli %parallel_loop3A_424, %parallel_loop3A_575 : i32
      %parallel_loop3A_577 = arith.constant 1 : i32
      %parallel_loop3A_578 = arith.constant 10 : i32
      %parallel_loop3A_579 = arith.index_cast %parallel_loop3A_577 : i32 to index
      %parallel_loop3A_580 = arith.index_cast %parallel_loop3A_578 : i32 to index
      %parallel_loop3A_581 = arith.index_cast %parallel_loop3A_576 : i32 to index
      %parallel_loop3A_582 = tpu.vector_load %arg7[%parallel_loop3A_579, %parallel_loop3A_580, %parallel_loop3A_581] {strides = array<i32>} : memref<2x16x1024xf32, #tpu.memory_space<vmem>>, vector<16xf32>,
      tpu.vector_store %arg7[%parallel_loop3A_579, %parallel_loop3A_580, %parallel_loop3A_581], %parallel_loop3A_474 {strides = array<i32>} : memref<2x16x1024xf32, #tpu.memory_space<vmem>>, vector<16xf32>,
      %parallel_loop3A_583 = arith.constant 16 : i32
      %parallel_loop3A_584 = arith.muli %parallel_loop3A_424, %parallel_loop3A_583 : i32
      %parallel_loop3A_585 = arith.constant 1 : i32
      %parallel_loop3A_586 = arith.constant 11 : i32
      %parallel_loop3A_587 = arith.index_cast %parallel_loop3A_585 : i32 to index
      %parallel_loop3A_588 = arith.index_cast %parallel_loop3A_586 : i32 to index
      %parallel_loop3A_589 = arith.index_cast %parallel_loop3A_584 : i32 to index
      %parallel_loop3A_590 = tpu.vector_load %arg7[%parallel_loop3A_587, %parallel_loop3A_588, %parallel_loop3A_589] {strides = array<i32>} : memref<2x16x1024xf32, #tpu.memory_space<vmem>>, vector<16xf32>,
      tpu.vector_store %arg7[%parallel_loop3A_587, %parallel_loop3A_588, %parallel_loop3A_589], %parallel_loop3A_478 {strides = array<i32>} : memref<2x16x1024xf32, #tpu.memory_space<vmem>>, vector<16xf32>,
      %parallel_loop3A_591 = arith.constant 16 : i32
      %parallel_loop3A_592 = arith.muli %parallel_loop3A_424, %parallel_loop3A_591 : i32
      %parallel_loop3A_593 = arith.constant 1 : i32
      %parallel_loop3A_594 = arith.constant 12 : i32
      %parallel_loop3A_595 = arith.index_cast %parallel_loop3A_593 : i32 to index
      %parallel_loop3A_596 = arith.index_cast %parallel_loop3A_594 : i32 to index
      %parallel_loop3A_597 = arith.index_cast %parallel_loop3A_592 : i32 to index
      %parallel_loop3A_598 = tpu.vector_load %arg7[%parallel_loop3A_595, %parallel_loop3A_596, %parallel_loop3A_597] {strides = array<i32>} : memref<2x16x1024xf32, #tpu.memory_space<vmem>>, vector<16xf32>,
      tpu.vector_store %arg7[%parallel_loop3A_595, %parallel_loop3A_596, %parallel_loop3A_597], %parallel_loop3A_482 {strides = array<i32>} : memref<2x16x1024xf32, #tpu.memory_space<vmem>>, vector<16xf32>,
      %parallel_loop3A_599 = arith.constant 16 : i32
      %parallel_loop3A_600 = arith.muli %parallel_loop3A_424, %parallel_loop3A_599 : i32
      %parallel_loop3A_601 = arith.constant 1 : i32
      %parallel_loop3A_602 = arith.constant 13 : i32
      %parallel_loop3A_603 = arith.index_cast %parallel_loop3A_601 : i32 to index
      %parallel_loop3A_604 = arith.index_cast %parallel_loop3A_602 : i32 to index
      %parallel_loop3A_605 = arith.index_cast %parallel_loop3A_600 : i32 to index
      %parallel_loop3A_606 = tpu.vector_load %arg7[%parallel_loop3A_603, %parallel_loop3A_604, %parallel_loop3A_605] {strides = array<i32>} : memref<2x16x1024xf32, #tpu.memory_space<vmem>>, vector<16xf32>,
      tpu.vector_store %arg7[%parallel_loop3A_603, %parallel_loop3A_604, %parallel_loop3A_605], %parallel_loop3A_486 {strides = array<i32>} : memref<2x16x1024xf32, #tpu.memory_space<vmem>>, vector<16xf32>,
      %parallel_loop3A_607 = arith.constant 16 : i32
      %parallel_loop3A_608 = arith.muli %parallel_loop3A_424, %parallel_loop3A_607 : i32
      %parallel_loop3A_609 = arith.constant 1 : i32
      %parallel_loop3A_610 = arith.constant 14 : i32
      %parallel_loop3A_611 = arith.index_cast %parallel_loop3A_609 : i32 to index
      %parallel_loop3A_612 = arith.index_cast %parallel_loop3A_610 : i32 to index
      %parallel_loop3A_613 = arith.index_cast %parallel_loop3A_608 : i32 to index
      %parallel_loop3A_614 = tpu.vector_load %arg7[%parallel_loop3A_611, %parallel_loop3A_612, %parallel_loop3A_613] {strides = array<i32>} : memref<2x16x1024xf32, #tpu.memory_space<vmem>>, vector<16xf32>,
      tpu.vector_store %arg7[%parallel_loop3A_611, %parallel_loop3A_612, %parallel_loop3A_613], %parallel_loop3A_490 {strides = array<i32>} : memref<2x16x1024xf32, #tpu.memory_space<vmem>>, vector<16xf32>,
      %parallel_loop3A_615 = arith.constant 16 : i32
      %parallel_loop3A_616 = arith.muli %parallel_loop3A_424, %parallel_loop3A_615 : i32
      %parallel_loop3A_617 = arith.constant 1 : i32
      %parallel_loop3A_618 = arith.constant 15 : i32
      %parallel_loop3A_619 = arith.index_cast %parallel_loop3A_617 : i32 to index
      %parallel_loop3A_620 = arith.index_cast %parallel_loop3A_618 : i32 to index
      %parallel_loop3A_621 = arith.index_cast %parallel_loop3A_616 : i32 to index
      %parallel_loop3A_622 = tpu.vector_load %arg7[%parallel_loop3A_619, %parallel_loop3A_620, %parallel_loop3A_621] {strides = array<i32>} : memref<2x16x1024xf32, #tpu.memory_space<vmem>>, vector<16xf32>,
      tpu.vector_store %arg7[%parallel_loop3A_619, %parallel_loop3A_620, %parallel_loop3A_621], %parallel_loop3A_494 {strides = array<i32>} : memref<2x16x1024xf32, #tpu.memory_space<vmem>>, vector<16xf32>,
    } {sc.loop_unroll_factor = 2 : i64, sc.parallel_access}
    %mul3A_79 = arith.constant 8 : i32
    %mul3A_80 = arith.muli %select_n3A_9, %mul3A_79 : i32
    %add3A_81 = arith.constant 1 : i32
    %add3A_82 = arith.addi %mul3A_80, %add3A_81 : i32
    %mul3A_83 = arith.constant 16 : i32
    %mul3A_84 = arith.muli %select_n3A_30, %mul3A_83 : i32
    %dma_start3A_85 = arith.constant 1 : i32
    %dma_start3A_86 = arith.constant 0 : i32
    %dma_start3A_87 = arith.constant 0 : i32
    %dma_start3A_88 = tpu.memref_slice %arg7[%dma_start3A_85, %dma_start3A_86, %dma_start3A_87] : memref<2x16x1024xf32, #tpu.memory_space<vmem>> -> memref<1x16x1024xf32, #tpu.memory_space<vmem>>
    %dma_start3A_89 = tpu.memref_squeeze %dma_start3A_88 : memref<1x16x1024xf32, #tpu.memory_space<vmem>> -> memref<16x1024xf32, #tpu.memory_space<vmem>>
    %dma_start3A_90 = arith.constant 0 : i32
    %dma_start3A_91 = tpu.memref_slice %arg4[%add3A_82, %mul3A_84, %dma_start3A_90] : memref<64x64x1024xf32, #tpu.memory_space<hbm>> -> memref<1x16x1024xf32, #tpu.memory_space<hbm>>
    %dma_start3A_92 = tpu.memref_squeeze %dma_start3A_91 : memref<1x16x1024xf32, #tpu.memory_space<hbm>> -> memref<16x1024xf32, #tpu.memory_space<hbm>>
    %dma_start3A_93 = arith.constant 0 : i32
    %dma_start3A_94 = tpu.memref_slice %arg4[%add3A_82, %mul3A_84, %dma_start3A_93] : memref<64x64x1024xf32, #tpu.memory_space<hbm>> -> memref<1x16x1024xf32, #tpu.memory_space<hbm>>
    %dma_start3A_95 = tpu.memref_squeeze %dma_start3A_94 : memref<1x16x1024xf32, #tpu.memory_space<hbm>> -> memref<16x1024xf32, #tpu.memory_space<hbm>>
    %dma_start3A_96 = arith.constant 0 : i32
    %dma_start3A_97 = arith.constant 0 : i32
    %dma_start3A_98 = tpu.memref_slice %arg7[%dma_start3A_85, %dma_start3A_96, %dma_start3A_97] : memref<2x16x1024xf32, #tpu.memory_space<vmem>> -> memref<1x16x1024xf32, #tpu.memory_space<vmem>>
    %dma_start3A_99 = tpu.memref_squeeze %dma_start3A_98 : memref<1x16x1024xf32, #tpu.memory_space<vmem>> -> memref<16x1024xf32, #tpu.memory_space<vmem>>
    tpu.enqueue_dma source(%dma_start3A_99 : memref<16x1024xf32, #tpu.memory_space<vmem>>) target(%dma_start3A_95 : memref<16x1024xf32, #tpu.memory_space<hbm>>) target_semaphore(%arg8 : memref<!tpu.dma_semaphore, #tpu.memory_space<semaphore_mem>>)
    %mul3A_100 = arith.constant 8 : i32
    %mul3A_101 = arith.muli %select_n3A_9, %mul3A_100 : i32
    %add3A_102 = arith.constant 2 : i32
    %add3A_103 = arith.addi %mul3A_101, %add3A_102 : i32
    %sub3A_104 = arith.constant 2 : i32
    %sub3A_105 = arith.subi %add3A_103, %sub3A_104 : i32
    %mul3A_106 = arith.constant 16 : i32
    %mul3A_107 = arith.muli %select_n3A_30, %mul3A_106 : i32
    %dma_wait3A_108 = arith.constant 0 : i32
    %dma_wait3A_109 = arith.constant 0 : i32
    %dma_wait3A_110 = arith.constant 0 : i32
    %dma_wait3A_111 = tpu.memref_slice %arg7[%dma_wait3A_108, %dma_wait3A_109, %dma_wait3A_110] : memref<2x16x1024xf32, #tpu.memory_space<vmem>> -> memref<1x16x1024xf32, #tpu.memory_space<vmem>>
    %dma_wait3A_112 = tpu.memref_squeeze %dma_wait3A_111 : memref<1x16x1024xf32, #tpu.memory_space<vmem>> -> memref<16x1024xf32, #tpu.memory_space<vmem>>
    %dma_wait3A_113 = arith.constant 0 : i32
    %dma_wait3A_114 = tpu.memref_slice %arg4[%sub3A_105, %mul3A_107, %dma_wait3A_113] : memref<64x64x1024xf32, #tpu.memory_space<hbm>> -> memref<1x16x1024xf32, #tpu.memory_space<hbm>>
    %dma_wait3A_115 = tpu.memref_squeeze %dma_wait3A_114 : memref<1x16x1024xf32, #tpu.memory_space<hbm>> -> memref<16x1024xf32, #tpu.memory_space<hbm>>
    %dma_wait3A_116 = arith.constant 0 : i32
    %dma_wait3A_117 = tpu.memref_slice %arg4[%sub3A_105, %mul3A_107, %dma_wait3A_116] : memref<64x64x1024xf32, #tpu.memory_space<hbm>> -> memref<1x16x1024xf32, #tpu.memory_space<hbm>>
    %dma_wait3A_118 = tpu.memref_squeeze %dma_wait3A_117 : memref<1x16x1024xf32, #tpu.memory_space<hbm>> -> memref<16x1024xf32, #tpu.memory_space<hbm>>
    %dma_wait3A_119 = arith.constant 0 : i32
    %dma_wait3A_120 = arith.constant 0 : i32
    %dma_wait3A_121 = tpu.memref_slice %arg7[%dma_wait3A_108, %dma_wait3A_119, %dma_wait3A_120] : memref<2x16x1024xf32, #tpu.memory_space<vmem>> -> memref<1x16x1024xf32, #tpu.memory_space<vmem>>
    %dma_wait3A_122 = tpu.memref_squeeze %dma_wait3A_121 : memref<1x16x1024xf32, #tpu.memory_space<vmem>> -> memref<16x1024xf32, #tpu.memory_space<vmem>>
    tpu.wait_dma2 semaphore(%arg8 : memref<!tpu.dma_semaphore, #tpu.memory_space<semaphore_mem>>) src(%dma_wait3A_122 : memref<16x1024xf32, #tpu.memory_space<vmem>>) dst(%dma_wait3A_118 : memref<16x1024xf32, #tpu.memory_space<hbm>>)
    %parallel_loop3A_123 = arith.constant 0 : i32
    %parallel_loop3A_124 = arith.constant 64 : i32
    %parallel_loop3A_125 = arith.constant 1 : i32
    scf.for %parallel_loop3A_424 = %parallel_loop3A_123 to %parallel_loop3A_124 step %parallel_loop3A_125  : i32 {
      %parallel_loop3A_425 = arith.constant 16 : i32
      %parallel_loop3A_426 = arith.muli %parallel_loop3A_424, %parallel_loop3A_425 : i32
      %parallel_loop3A_427 = arith.constant 2048 : i32
      %parallel_loop3A_428 = arith.addi %parallel_loop3A_427, %parallel_loop3A_426 : i32
      %parallel_loop3A_429 = arith.index_cast %parallel_loop3A_428 : i32 to index
      %parallel_loop3A_430 = tpu.vector_load %arg5[%parallel_loop3A_429] {strides = array<i32>} : memref<8192xi32, #tpu.memory_space<vmem>>, vector<16xi32>,
      %parallel_loop3A_431 = arith.constant 0 : i32
      %parallel_loop3A_432 = vector.broadcast %parallel_loop3A_431 : i32 to vector<16xi32>
      %parallel_loop3A_433 = arith.addi %parallel_loop3A_430, %parallel_loop3A_432 : vector<16xi32>
      %parallel_loop3A_434 = tpu.vector_load_idx %arg6[%parallel_loop3A_433] : memref<16384xf32, #tpu.memory_space<vmem>>[vector<16xi32>], vector<16xf32>,
      %parallel_loop3A_435 = arith.constant 1024 : i32
      %parallel_loop3A_436 = vector.broadcast %parallel_loop3A_435 : i32 to vector<16xi32>
      %parallel_loop3A_437 = arith.addi %parallel_loop3A_430, %parallel_loop3A_436 : vector<16xi32>
      %parallel_loop3A_438 = tpu.vector_load_idx %arg6[%parallel_loop3A_437] : memref<16384xf32, #tpu.memory_space<vmem>>[vector<16xi32>], vector<16xf32>,
      %parallel_loop3A_439 = arith.constant 2048 : i32
      %parallel_loop3A_440 = vector.broadcast %parallel_loop3A_439 : i32 to vector<16xi32>
      %parallel_loop3A_441 = arith.addi %parallel_loop3A_430, %parallel_loop3A_440 : vector<16xi32>
      %parallel_loop3A_442 = tpu.vector_load_idx %arg6[%parallel_loop3A_441] : memref<16384xf32, #tpu.memory_space<vmem>>[vector<16xi32>], vector<16xf32>,
      %parallel_loop3A_443 = arith.constant 3072 : i32
      %parallel_loop3A_444 = vector.broadcast %parallel_loop3A_443 : i32 to vector<16xi32>
      %parallel_loop3A_445 = arith.addi %parallel_loop3A_430, %parallel_loop3A_444 : vector<16xi32>
      %parallel_loop3A_446 = tpu.vector_load_idx %arg6[%parallel_loop3A_445] : memref<16384xf32, #tpu.memory_space<vmem>>[vector<16xi32>], vector<16xf32>,
      %parallel_loop3A_447 = arith.constant 4096 : i32
      %parallel_loop3A_448 = vector.broadcast %parallel_loop3A_447 : i32 to vector<16xi32>
      %parallel_loop3A_449 = arith.addi %parallel_loop3A_430, %parallel_loop3A_448 : vector<16xi32>
      %parallel_loop3A_450 = tpu.vector_load_idx %arg6[%parallel_loop3A_449] : memref<16384xf32, #tpu.memory_space<vmem>>[vector<16xi32>], vector<16xf32>,
      %parallel_loop3A_451 = arith.constant 5120 : i32
      %parallel_loop3A_452 = vector.broadcast %parallel_loop3A_451 : i32 to vector<16xi32>
      %parallel_loop3A_453 = arith.addi %parallel_loop3A_430, %parallel_loop3A_452 : vector<16xi32>
      %parallel_loop3A_454 = tpu.vector_load_idx %arg6[%parallel_loop3A_453] : memref<16384xf32, #tpu.memory_space<vmem>>[vector<16xi32>], vector<16xf32>,
      %parallel_loop3A_455 = arith.constant 6144 : i32
      %parallel_loop3A_456 = vector.broadcast %parallel_loop3A_455 : i32 to vector<16xi32>
      %parallel_loop3A_457 = arith.addi %parallel_loop3A_430, %parallel_loop3A_456 : vector<16xi32>
      %parallel_loop3A_458 = tpu.vector_load_idx %arg6[%parallel_loop3A_457] : memref<16384xf32, #tpu.memory_space<vmem>>[vector<16xi32>], vector<16xf32>,
      %parallel_loop3A_459 = arith.constant 7168 : i32
      %parallel_loop3A_460 = vector.broadcast %parallel_loop3A_459 : i32 to vector<16xi32>
      %parallel_loop3A_461 = arith.addi %parallel_loop3A_430, %parallel_loop3A_460 : vector<16xi32>
      %parallel_loop3A_462 = tpu.vector_load_idx %arg6[%parallel_loop3A_461] : memref<16384xf32, #tpu.memory_space<vmem>>[vector<16xi32>], vector<16xf32>,
      %parallel_loop3A_463 = arith.constant 8192 : i32
      %parallel_loop3A_464 = vector.broadcast %parallel_loop3A_463 : i32 to vector<16xi32>
      %parallel_loop3A_465 = arith.addi %parallel_loop3A_430, %parallel_loop3A_464 : vector<16xi32>
      %parallel_loop3A_466 = tpu.vector_load_idx %arg6[%parallel_loop3A_465] : memref<16384xf32, #tpu.memory_space<vmem>>[vector<16xi32>], vector<16xf32>,
      %parallel_loop3A_467 = arith.constant 9216 : i32
      %parallel_loop3A_468 = vector.broadcast %parallel_loop3A_467 : i32 to vector<16xi32>
      %parallel_loop3A_469 = arith.addi %parallel_loop3A_430, %parallel_loop3A_468 : vector<16xi32>
      %parallel_loop3A_470 = tpu.vector_load_idx %arg6[%parallel_loop3A_469] : memref<16384xf32, #tpu.memory_space<vmem>>[vector<16xi32>], vector<16xf32>,
      %parallel_loop3A_471 = arith.constant 10240 : i32
      %parallel_loop3A_472 = vector.broadcast %parallel_loop3A_471 : i32 to vector<16xi32>
      %parallel_loop3A_473 = arith.addi %parallel_loop3A_430, %parallel_loop3A_472 : vector<16xi32>
      %parallel_loop3A_474 = tpu.vector_load_idx %arg6[%parallel_loop3A_473] : memref<16384xf32, #tpu.memory_space<vmem>>[vector<16xi32>], vector<16xf32>,
      %parallel_loop3A_475 = arith.constant 11264 : i32
      %parallel_loop3A_476 = vector.broadcast %parallel_loop3A_475 : i32 to vector<16xi32>
      %parallel_loop3A_477 = arith.addi %parallel_loop3A_430, %parallel_loop3A_476 : vector<16xi32>
      %parallel_loop3A_478 = tpu.vector_load_idx %arg6[%parallel_loop3A_477] : memref<16384xf32, #tpu.memory_space<vmem>>[vector<16xi32>], vector<16xf32>,
      %parallel_loop3A_479 = arith.constant 12288 : i32
      %parallel_loop3A_480 = vector.broadcast %parallel_loop3A_479 : i32 to vector<16xi32>
      %parallel_loop3A_481 = arith.addi %parallel_loop3A_430, %parallel_loop3A_480 : vector<16xi32>
      %parallel_loop3A_482 = tpu.vector_load_idx %arg6[%parallel_loop3A_481] : memref<16384xf32, #tpu.memory_space<vmem>>[vector<16xi32>], vector<16xf32>,
      %parallel_loop3A_483 = arith.constant 13312 : i32
      %parallel_loop3A_484 = vector.broadcast %parallel_loop3A_483 : i32 to vector<16xi32>
      %parallel_loop3A_485 = arith.addi %parallel_loop3A_430, %parallel_loop3A_484 : vector<16xi32>
      %parallel_loop3A_486 = tpu.vector_load_idx %arg6[%parallel_loop3A_485] : memref<16384xf32, #tpu.memory_space<vmem>>[vector<16xi32>], vector<16xf32>,
      %parallel_loop3A_487 = arith.constant 14336 : i32
      %parallel_loop3A_488 = vector.broadcast %parallel_loop3A_487 : i32 to vector<16xi32>
      %parallel_loop3A_489 = arith.addi %parallel_loop3A_430, %parallel_loop3A_488 : vector<16xi32>
      %parallel_loop3A_490 = tpu.vector_load_idx %arg6[%parallel_loop3A_489] : memref<16384xf32, #tpu.memory_space<vmem>>[vector<16xi32>], vector<16xf32>,
      %parallel_loop3A_491 = arith.constant 15360 : i32
      %parallel_loop3A_492 = vector.broadcast %parallel_loop3A_491 : i32 to vector<16xi32>
      %parallel_loop3A_493 = arith.addi %parallel_loop3A_430, %parallel_loop3A_492 : vector<16xi32>
      %parallel_loop3A_494 = tpu.vector_load_idx %arg6[%parallel_loop3A_493] : memref<16384xf32, #tpu.memory_space<vmem>>[vector<16xi32>], vector<16xf32>,
      %parallel_loop3A_495 = arith.constant 16 : i32
      %parallel_loop3A_496 = arith.muli %parallel_loop3A_424, %parallel_loop3A_495 : i32
      %parallel_loop3A_497 = arith.constant 0 : i32
      %parallel_loop3A_498 = arith.constant 0 : i32
      %parallel_loop3A_499 = arith.index_cast %parallel_loop3A_497 : i32 to index
      %parallel_loop3A_500 = arith.index_cast %parallel_loop3A_498 : i32 to index
      %parallel_loop3A_501 = arith.index_cast %parallel_loop3A_496 : i32 to index
      %parallel_loop3A_502 = tpu.vector_load %arg7[%parallel_loop3A_499, %parallel_loop3A_500, %parallel_loop3A_501] {strides = array<i32>} : memref<2x16x1024xf32, #tpu.memory_space<vmem>>, vector<16xf32>,
      tpu.vector_store %arg7[%parallel_loop3A_499, %parallel_loop3A_500, %parallel_loop3A_501], %parallel_loop3A_434 {strides = array<i32>} : memref<2x16x1024xf32, #tpu.memory_space<vmem>>, vector<16xf32>,
      %parallel_loop3A_503 = arith.constant 16 : i32
      %parallel_loop3A_504 = arith.muli %parallel_loop3A_424, %parallel_loop3A_503 : i32
      %parallel_loop3A_505 = arith.constant 0 : i32
      %parallel_loop3A_506 = arith.constant 1 : i32
      %parallel_loop3A_507 = arith.index_cast %parallel_loop3A_505 : i32 to index
      %parallel_loop3A_508 = arith.index_cast %parallel_loop3A_506 : i32 to index
      %parallel_loop3A_509 = arith.index_cast %parallel_loop3A_504 : i32 to index
      %parallel_loop3A_510 = tpu.vector_load %arg7[%parallel_loop3A_507, %parallel_loop3A_508, %parallel_loop3A_509] {strides = array<i32>} : memref<2x16x1024xf32, #tpu.memory_space<vmem>>, vector<16xf32>,
      tpu.vector_store %arg7[%parallel_loop3A_507, %parallel_loop3A_508, %parallel_loop3A_509], %parallel_loop3A_438 {strides = array<i32>} : memref<2x16x1024xf32, #tpu.memory_space<vmem>>, vector<16xf32>,
      %parallel_loop3A_511 = arith.constant 16 : i32
      %parallel_loop3A_512 = arith.muli %parallel_loop3A_424, %parallel_loop3A_511 : i32
      %parallel_loop3A_513 = arith.constant 0 : i32
      %parallel_loop3A_514 = arith.constant 2 : i32
      %parallel_loop3A_515 = arith.index_cast %parallel_loop3A_513 : i32 to index
      %parallel_loop3A_516 = arith.index_cast %parallel_loop3A_514 : i32 to index
      %parallel_loop3A_517 = arith.index_cast %parallel_loop3A_512 : i32 to index
      %parallel_loop3A_518 = tpu.vector_load %arg7[%parallel_loop3A_515, %parallel_loop3A_516, %parallel_loop3A_517] {strides = array<i32>} : memref<2x16x1024xf32, #tpu.memory_space<vmem>>, vector<16xf32>,
      tpu.vector_store %arg7[%parallel_loop3A_515, %parallel_loop3A_516, %parallel_loop3A_517], %parallel_loop3A_442 {strides = array<i32>} : memref<2x16x1024xf32, #tpu.memory_space<vmem>>, vector<16xf32>,
      %parallel_loop3A_519 = arith.constant 16 : i32
      %parallel_loop3A_520 = arith.muli %parallel_loop3A_424, %parallel_loop3A_519 : i32
      %parallel_loop3A_521 = arith.constant 0 : i32
      %parallel_loop3A_522 = arith.constant 3 : i32
      %parallel_loop3A_523 = arith.index_cast %parallel_loop3A_521 : i32 to index
      %parallel_loop3A_524 = arith.index_cast %parallel_loop3A_522 : i32 to index
      %parallel_loop3A_525 = arith.index_cast %parallel_loop3A_520 : i32 to index
      %parallel_loop3A_526 = tpu.vector_load %arg7[%parallel_loop3A_523, %parallel_loop3A_524, %parallel_loop3A_525] {strides = array<i32>} : memref<2x16x1024xf32, #tpu.memory_space<vmem>>, vector<16xf32>,
      tpu.vector_store %arg7[%parallel_loop3A_523, %parallel_loop3A_524, %parallel_loop3A_525], %parallel_loop3A_446 {strides = array<i32>} : memref<2x16x1024xf32, #tpu.memory_space<vmem>>, vector<16xf32>,
      %parallel_loop3A_527 = arith.constant 16 : i32
      %parallel_loop3A_528 = arith.muli %parallel_loop3A_424, %parallel_loop3A_527 : i32
      %parallel_loop3A_529 = arith.constant 0 : i32
      %parallel_loop3A_530 = arith.constant 4 : i32
      %parallel_loop3A_531 = arith.index_cast %parallel_loop3A_529 : i32 to index
      %parallel_loop3A_532 = arith.index_cast %parallel_loop3A_530 : i32 to index
      %parallel_loop3A_533 = arith.index_cast %parallel_loop3A_528 : i32 to index
      %parallel_loop3A_534 = tpu.vector_load %arg7[%parallel_loop3A_531, %parallel_loop3A_532, %parallel_loop3A_533] {strides = array<i32>} : memref<2x16x1024xf32, #tpu.memory_space<vmem>>, vector<16xf32>,
      tpu.vector_store %arg7[%parallel_loop3A_531, %parallel_loop3A_532, %parallel_loop3A_533], %parallel_loop3A_450 {strides = array<i32>} : memref<2x16x1024xf32, #tpu.memory_space<vmem>>, vector<16xf32>,
      %parallel_loop3A_535 = arith.constant 16 : i32
      %parallel_loop3A_536 = arith.muli %parallel_loop3A_424, %parallel_loop3A_535 : i32
      %parallel_loop3A_537 = arith.constant 0 : i32
      %parallel_loop3A_538 = arith.constant 5 : i32
      %parallel_loop3A_539 = arith.index_cast %parallel_loop3A_537 : i32 to index
      %parallel_loop3A_540 = arith.index_cast %parallel_loop3A_538 : i32 to index
      %parallel_loop3A_541 = arith.index_cast %parallel_loop3A_536 : i32 to index
      %parallel_loop3A_542 = tpu.vector_load %arg7[%parallel_loop3A_539, %parallel_loop3A_540, %parallel_loop3A_541] {strides = array<i32>} : memref<2x16x1024xf32, #tpu.memory_space<vmem>>, vector<16xf32>,
      tpu.vector_store %arg7[%parallel_loop3A_539, %parallel_loop3A_540, %parallel_loop3A_541], %parallel_loop3A_454 {strides = array<i32>} : memref<2x16x1024xf32, #tpu.memory_space<vmem>>, vector<16xf32>,
      %parallel_loop3A_543 = arith.constant 16 : i32
      %parallel_loop3A_544 = arith.muli %parallel_loop3A_424, %parallel_loop3A_543 : i32
      %parallel_loop3A_545 = arith.constant 0 : i32
      %parallel_loop3A_546 = arith.constant 6 : i32
      %parallel_loop3A_547 = arith.index_cast %parallel_loop3A_545 : i32 to index
      %parallel_loop3A_548 = arith.index_cast %parallel_loop3A_546 : i32 to index
      %parallel_loop3A_549 = arith.index_cast %parallel_loop3A_544 : i32 to index
      %parallel_loop3A_550 = tpu.vector_load %arg7[%parallel_loop3A_547, %parallel_loop3A_548, %parallel_loop3A_549] {strides = array<i32>} : memref<2x16x1024xf32, #tpu.memory_space<vmem>>, vector<16xf32>,
      tpu.vector_store %arg7[%parallel_loop3A_547, %parallel_loop3A_548, %parallel_loop3A_549], %parallel_loop3A_458 {strides = array<i32>} : memref<2x16x1024xf32, #tpu.memory_space<vmem>>, vector<16xf32>,
      %parallel_loop3A_551 = arith.constant 16 : i32
      %parallel_loop3A_552 = arith.muli %parallel_loop3A_424, %parallel_loop3A_551 : i32
      %parallel_loop3A_553 = arith.constant 0 : i32
      %parallel_loop3A_554 = arith.constant 7 : i32
      %parallel_loop3A_555 = arith.index_cast %parallel_loop3A_553 : i32 to index
      %parallel_loop3A_556 = arith.index_cast %parallel_loop3A_554 : i32 to index
      %parallel_loop3A_557 = arith.index_cast %parallel_loop3A_552 : i32 to index
      %parallel_loop3A_558 = tpu.vector_load %arg7[%parallel_loop3A_555, %parallel_loop3A_556, %parallel_loop3A_557] {strides = array<i32>} : memref<2x16x1024xf32, #tpu.memory_space<vmem>>, vector<16xf32>,
      tpu.vector_store %arg7[%parallel_loop3A_555, %parallel_loop3A_556, %parallel_loop3A_557], %parallel_loop3A_462 {strides = array<i32>} : memref<2x16x1024xf32, #tpu.memory_space<vmem>>, vector<16xf32>,
      %parallel_loop3A_559 = arith.constant 16 : i32
      %parallel_loop3A_560 = arith.muli %parallel_loop3A_424, %parallel_loop3A_559 : i32
      %parallel_loop3A_561 = arith.constant 0 : i32
      %parallel_loop3A_562 = arith.constant 8 : i32
      %parallel_loop3A_563 = arith.index_cast %parallel_loop3A_561 : i32 to index
      %parallel_loop3A_564 = arith.index_cast %parallel_loop3A_562 : i32 to index
      %parallel_loop3A_565 = arith.index_cast %parallel_loop3A_560 : i32 to index
      %parallel_loop3A_566 = tpu.vector_load %arg7[%parallel_loop3A_563, %parallel_loop3A_564, %parallel_loop3A_565] {strides = array<i32>} : memref<2x16x1024xf32, #tpu.memory_space<vmem>>, vector<16xf32>,
      tpu.vector_store %arg7[%parallel_loop3A_563, %parallel_loop3A_564, %parallel_loop3A_565], %parallel_loop3A_466 {strides = array<i32>} : memref<2x16x1024xf32, #tpu.memory_space<vmem>>, vector<16xf32>,
      %parallel_loop3A_567 = arith.constant 16 : i32
      %parallel_loop3A_568 = arith.muli %parallel_loop3A_424, %parallel_loop3A_567 : i32
      %parallel_loop3A_569 = arith.constant 0 : i32
      %parallel_loop3A_570 = arith.constant 9 : i32
      %parallel_loop3A_571 = arith.index_cast %parallel_loop3A_569 : i32 to index
      %parallel_loop3A_572 = arith.index_cast %parallel_loop3A_570 : i32 to index
      %parallel_loop3A_573 = arith.index_cast %parallel_loop3A_568 : i32 to index
      %parallel_loop3A_574 = tpu.vector_load %arg7[%parallel_loop3A_571, %parallel_loop3A_572, %parallel_loop3A_573] {strides = array<i32>} : memref<2x16x1024xf32, #tpu.memory_space<vmem>>, vector<16xf32>,
      tpu.vector_store %arg7[%parallel_loop3A_571, %parallel_loop3A_572, %parallel_loop3A_573], %parallel_loop3A_470 {strides = array<i32>} : memref<2x16x1024xf32, #tpu.memory_space<vmem>>, vector<16xf32>,
      %parallel_loop3A_575 = arith.constant 16 : i32
      %parallel_loop3A_576 = arith.muli %parallel_loop3A_424, %parallel_loop3A_575 : i32
      %parallel_loop3A_577 = arith.constant 0 : i32
      %parallel_loop3A_578 = arith.constant 10 : i32
      %parallel_loop3A_579 = arith.index_cast %parallel_loop3A_577 : i32 to index
      %parallel_loop3A_580 = arith.index_cast %parallel_loop3A_578 : i32 to index
      %parallel_loop3A_581 = arith.index_cast %parallel_loop3A_576 : i32 to index
      %parallel_loop3A_582 = tpu.vector_load %arg7[%parallel_loop3A_579, %parallel_loop3A_580, %parallel_loop3A_581] {strides = array<i32>} : memref<2x16x1024xf32, #tpu.memory_space<vmem>>, vector<16xf32>,
      tpu.vector_store %arg7[%parallel_loop3A_579, %parallel_loop3A_580, %parallel_loop3A_581], %parallel_loop3A_474 {strides = array<i32>} : memref<2x16x1024xf32, #tpu.memory_space<vmem>>, vector<16xf32>,
      %parallel_loop3A_583 = arith.constant 16 : i32
      %parallel_loop3A_584 = arith.muli %parallel_loop3A_424, %parallel_loop3A_583 : i32
      %parallel_loop3A_585 = arith.constant 0 : i32
      %parallel_loop3A_586 = arith.constant 11 : i32
      %parallel_loop3A_587 = arith.index_cast %parallel_loop3A_585 : i32 to index
      %parallel_loop3A_588 = arith.index_cast %parallel_loop3A_586 : i32 to index
      %parallel_loop3A_589 = arith.index_cast %parallel_loop3A_584 : i32 to index
      %parallel_loop3A_590 = tpu.vector_load %arg7[%parallel_loop3A_587, %parallel_loop3A_588, %parallel_loop3A_589] {strides = array<i32>} : memref<2x16x1024xf32, #tpu.memory_space<vmem>>, vector<16xf32>,
      tpu.vector_store %arg7[%parallel_loop3A_587, %parallel_loop3A_588, %parallel_loop3A_589], %parallel_loop3A_478 {strides = array<i32>} : memref<2x16x1024xf32, #tpu.memory_space<vmem>>, vector<16xf32>,
      %parallel_loop3A_591 = arith.constant 16 : i32
      %parallel_loop3A_592 = arith.muli %parallel_loop3A_424, %parallel_loop3A_591 : i32
      %parallel_loop3A_593 = arith.constant 0 : i32
      %parallel_loop3A_594 = arith.constant 12 : i32
      %parallel_loop3A_595 = arith.index_cast %parallel_loop3A_593 : i32 to index
      %parallel_loop3A_596 = arith.index_cast %parallel_loop3A_594 : i32 to index
      %parallel_loop3A_597 = arith.index_cast %parallel_loop3A_592 : i32 to index
      %parallel_loop3A_598 = tpu.vector_load %arg7[%parallel_loop3A_595, %parallel_loop3A_596, %parallel_loop3A_597] {strides = array<i32>} : memref<2x16x1024xf32, #tpu.memory_space<vmem>>, vector<16xf32>,
      tpu.vector_store %arg7[%parallel_loop3A_595, %parallel_loop3A_596, %parallel_loop3A_597], %parallel_loop3A_482 {strides = array<i32>} : memref<2x16x1024xf32, #tpu.memory_space<vmem>>, vector<16xf32>,
      %parallel_loop3A_599 = arith.constant 16 : i32
      %parallel_loop3A_600 = arith.muli %parallel_loop3A_424, %parallel_loop3A_599 : i32
      %parallel_loop3A_601 = arith.constant 0 : i32
      %parallel_loop3A_602 = arith.constant 13 : i32
      %parallel_loop3A_603 = arith.index_cast %parallel_loop3A_601 : i32 to index
      %parallel_loop3A_604 = arith.index_cast %parallel_loop3A_602 : i32 to index
      %parallel_loop3A_605 = arith.index_cast %parallel_loop3A_600 : i32 to index
      %parallel_loop3A_606 = tpu.vector_load %arg7[%parallel_loop3A_603, %parallel_loop3A_604, %parallel_loop3A_605] {strides = array<i32>} : memref<2x16x1024xf32, #tpu.memory_space<vmem>>, vector<16xf32>,
      tpu.vector_store %arg7[%parallel_loop3A_603, %parallel_loop3A_604, %parallel_loop3A_605], %parallel_loop3A_486 {strides = array<i32>} : memref<2x16x1024xf32, #tpu.memory_space<vmem>>, vector<16xf32>,
      %parallel_loop3A_607 = arith.constant 16 : i32
      %parallel_loop3A_608 = arith.muli %parallel_loop3A_424, %parallel_loop3A_607 : i32
      %parallel_loop3A_609 = arith.constant 0 : i32
      %parallel_loop3A_610 = arith.constant 14 : i32
      %parallel_loop3A_611 = arith.index_cast %parallel_loop3A_609 : i32 to index
      %parallel_loop3A_612 = arith.index_cast %parallel_loop3A_610 : i32 to index
      %parallel_loop3A_613 = arith.index_cast %parallel_loop3A_608 : i32 to index
      %parallel_loop3A_614 = tpu.vector_load %arg7[%parallel_loop3A_611, %parallel_loop3A_612, %parallel_loop3A_613] {strides = array<i32>} : memref<2x16x1024xf32, #tpu.memory_space<vmem>>, vector<16xf32>,
      tpu.vector_store %arg7[%parallel_loop3A_611, %parallel_loop3A_612, %parallel_loop3A_613], %parallel_loop3A_490 {strides = array<i32>} : memref<2x16x1024xf32, #tpu.memory_space<vmem>>, vector<16xf32>,
      %parallel_loop3A_615 = arith.constant 16 : i32
      %parallel_loop3A_616 = arith.muli %parallel_loop3A_424, %parallel_loop3A_615 : i32
      %parallel_loop3A_617 = arith.constant 0 : i32
      %parallel_loop3A_618 = arith.constant 15 : i32
      %parallel_loop3A_619 = arith.index_cast %parallel_loop3A_617 : i32 to index
      %parallel_loop3A_620 = arith.index_cast %parallel_loop3A_618 : i32 to index
      %parallel_loop3A_621 = arith.index_cast %parallel_loop3A_616 : i32 to index
      %parallel_loop3A_622 = tpu.vector_load %arg7[%parallel_loop3A_619, %parallel_loop3A_620, %parallel_loop3A_621] {strides = array<i32>} : memref<2x16x1024xf32, #tpu.memory_space<vmem>>, vector<16xf32>,
      tpu.vector_store %arg7[%parallel_loop3A_619, %parallel_loop3A_620, %parallel_loop3A_621], %parallel_loop3A_494 {strides = array<i32>} : memref<2x16x1024xf32, #tpu.memory_space<vmem>>, vector<16xf32>,
    } {sc.loop_unroll_factor = 2 : i64, sc.parallel_access}
    %mul3A_126 = arith.constant 8 : i32
    %mul3A_127 = arith.muli %select_n3A_9, %mul3A_126 : i32
    %add3A_128 = arith.constant 2 : i32
    %add3A_129 = arith.addi %mul3A_127, %add3A_128 : i32
    %mul3A_130 = arith.constant 16 : i32
    %mul3A_131 = arith.muli %select_n3A_30, %mul3A_130 : i32
    %dma_start3A_132 = arith.constant 0 : i32
    %dma_start3A_133 = arith.constant 0 : i32
    %dma_start3A_134 = arith.constant 0 : i32
    %dma_start3A_135 = tpu.memref_slice %arg7[%dma_start3A_132, %dma_start3A_133, %dma_start3A_134] : memref<2x16x1024xf32, #tpu.memory_space<vmem>> -> memref<1x16x1024xf32, #tpu.memory_space<vmem>>
    %dma_start3A_136 = tpu.memref_squeeze %dma_start3A_135 : memref<1x16x1024xf32, #tpu.memory_space<vmem>> -> memref<16x1024xf32, #tpu.memory_space<vmem>>
    %dma_start3A_137 = arith.constant 0 : i32
    %dma_start3A_138 = tpu.memref_slice %arg4[%add3A_129, %mul3A_131, %dma_start3A_137] : memref<64x64x1024xf32, #tpu.memory_space<hbm>> -> memref<1x16x1024xf32, #tpu.memory_space<hbm>>
    %dma_start3A_139 = tpu.memref_squeeze %dma_start3A_138 : memref<1x16x1024xf32, #tpu.memory_space<hbm>> -> memref<16x1024xf32, #tpu.memory_space<hbm>>
    %dma_start3A_140 = arith.constant 0 : i32
    %dma_start3A_141 = tpu.memref_slice %arg4[%add3A_129, %mul3A_131, %dma_start3A_140] : memref<64x64x1024xf32, #tpu.memory_space<hbm>> -> memref<1x16x1024xf32, #tpu.memory_space<hbm>>
    %dma_start3A_142 = tpu.memref_squeeze %dma_start3A_141 : memref<1x16x1024xf32, #tpu.memory_space<hbm>> -> memref<16x1024xf32, #tpu.memory_space<hbm>>
    %dma_start3A_143 = arith.constant 0 : i32
    %dma_start3A_144 = arith.constant 0 : i32
    %dma_start3A_145 = tpu.memref_slice %arg7[%dma_start3A_132, %dma_start3A_143, %dma_start3A_144] : memref<2x16x1024xf32, #tpu.memory_space<vmem>> -> memref<1x16x1024xf32, #tpu.memory_space<vmem>>
    %dma_start3A_146 = tpu.memref_squeeze %dma_start3A_145 : memref<1x16x1024xf32, #tpu.memory_space<vmem>> -> memref<16x1024xf32, #tpu.memory_space<vmem>>
    tpu.enqueue_dma source(%dma_start3A_146 : memref<16x1024xf32, #tpu.memory_space<vmem>>) target(%dma_start3A_142 : memref<16x1024xf32, #tpu.memory_space<hbm>>) target_semaphore(%arg8 : memref<!tpu.dma_semaphore, #tpu.memory_space<semaphore_mem>>)
    %mul3A_147 = arith.constant 8 : i32
    %mul3A_148 = arith.muli %select_n3A_9, %mul3A_147 : i32
    %add3A_149 = arith.constant 3 : i32
    %add3A_150 = arith.addi %mul3A_148, %add3A_149 : i32
    %sub3A_151 = arith.constant 2 : i32
    %sub3A_152 = arith.subi %add3A_150, %sub3A_151 : i32
    %mul3A_153 = arith.constant 16 : i32
    %mul3A_154 = arith.muli %select_n3A_30, %mul3A_153 : i32
    %dma_wait3A_155 = arith.constant 1 : i32
    %dma_wait3A_156 = arith.constant 0 : i32
    %dma_wait3A_157 = arith.constant 0 : i32
    %dma_wait3A_158 = tpu.memref_slice %arg7[%dma_wait3A_155, %dma_wait3A_156, %dma_wait3A_157] : memref<2x16x1024xf32, #tpu.memory_space<vmem>> -> memref<1x16x1024xf32, #tpu.memory_space<vmem>>
    %dma_wait3A_159 = tpu.memref_squeeze %dma_wait3A_158 : memref<1x16x1024xf32, #tpu.memory_space<vmem>> -> memref<16x1024xf32, #tpu.memory_space<vmem>>
    %dma_wait3A_160 = arith.constant 0 : i32
    %dma_wait3A_161 = tpu.memref_slice %arg4[%sub3A_152, %mul3A_154, %dma_wait3A_160] : memref<64x64x1024xf32, #tpu.memory_space<hbm>> -> memref<1x16x1024xf32, #tpu.memory_space<hbm>>
    %dma_wait3A_162 = tpu.memref_squeeze %dma_wait3A_161 : memref<1x16x1024xf32, #tpu.memory_space<hbm>> -> memref<16x1024xf32, #tpu.memory_space<hbm>>
    %dma_wait3A_163 = arith.constant 0 : i32
    %dma_wait3A_164 = tpu.memref_slice %arg4[%sub3A_152, %mul3A_154, %dma_wait3A_163] : memref<64x64x1024xf32, #tpu.memory_space<hbm>> -> memref<1x16x1024xf32, #tpu.memory_space<hbm>>
    %dma_wait3A_165 = tpu.memref_squeeze %dma_wait3A_164 : memref<1x16x1024xf32, #tpu.memory_space<hbm>> -> memref<16x1024xf32, #tpu.memory_space<hbm>>
    %dma_wait3A_166 = arith.constant 0 : i32
    %dma_wait3A_167 = arith.constant 0 : i32
    %dma_wait3A_168 = tpu.memref_slice %arg7[%dma_wait3A_155, %dma_wait3A_166, %dma_wait3A_167] : memref<2x16x1024xf32, #tpu.memory_space<vmem>> -> memref<1x16x1024xf32, #tpu.memory_space<vmem>>
    %dma_wait3A_169 = tpu.memref_squeeze %dma_wait3A_168 : memref<1x16x1024xf32, #tpu.memory_space<vmem>> -> memref<16x1024xf32, #tpu.memory_space<vmem>>
    tpu.wait_dma2 semaphore(%arg8 : memref<!tpu.dma_semaphore, #tpu.memory_space<semaphore_mem>>) src(%dma_wait3A_169 : memref<16x1024xf32, #tpu.memory_space<vmem>>) dst(%dma_wait3A_165 : memref<16x1024xf32, #tpu.memory_space<hbm>>)
    %parallel_loop3A_170 = arith.constant 0 : i32
    %parallel_loop3A_171 = arith.constant 64 : i32
    %parallel_loop3A_172 = arith.constant 1 : i32
    scf.for %parallel_loop3A_424 = %parallel_loop3A_170 to %parallel_loop3A_171 step %parallel_loop3A_172  : i32 {
      %parallel_loop3A_425 = arith.constant 16 : i32
      %parallel_loop3A_426 = arith.muli %parallel_loop3A_424, %parallel_loop3A_425 : i32
      %parallel_loop3A_427 = arith.constant 3072 : i32
      %parallel_loop3A_428 = arith.addi %parallel_loop3A_427, %parallel_loop3A_426 : i32
      %parallel_loop3A_429 = arith.index_cast %parallel_loop3A_428 : i32 to index
      %parallel_loop3A_430 = tpu.vector_load %arg5[%parallel_loop3A_429] {strides = array<i32>} : memref<8192xi32, #tpu.memory_space<vmem>>, vector<16xi32>,
      %parallel_loop3A_431 = arith.constant 0 : i32
      %parallel_loop3A_432 = vector.broadcast %parallel_loop3A_431 : i32 to vector<16xi32>
      %parallel_loop3A_433 = arith.addi %parallel_loop3A_430, %parallel_loop3A_432 : vector<16xi32>
      %parallel_loop3A_434 = tpu.vector_load_idx %arg6[%parallel_loop3A_433] : memref<16384xf32, #tpu.memory_space<vmem>>[vector<16xi32>], vector<16xf32>,
      %parallel_loop3A_435 = arith.constant 1024 : i32
      %parallel_loop3A_436 = vector.broadcast %parallel_loop3A_435 : i32 to vector<16xi32>
      %parallel_loop3A_437 = arith.addi %parallel_loop3A_430, %parallel_loop3A_436 : vector<16xi32>
      %parallel_loop3A_438 = tpu.vector_load_idx %arg6[%parallel_loop3A_437] : memref<16384xf32, #tpu.memory_space<vmem>>[vector<16xi32>], vector<16xf32>,
      %parallel_loop3A_439 = arith.constant 2048 : i32
      %parallel_loop3A_440 = vector.broadcast %parallel_loop3A_439 : i32 to vector<16xi32>
      %parallel_loop3A_441 = arith.addi %parallel_loop3A_430, %parallel_loop3A_440 : vector<16xi32>
      %parallel_loop3A_442 = tpu.vector_load_idx %arg6[%parallel_loop3A_441] : memref<16384xf32, #tpu.memory_space<vmem>>[vector<16xi32>], vector<16xf32>,
      %parallel_loop3A_443 = arith.constant 3072 : i32
      %parallel_loop3A_444 = vector.broadcast %parallel_loop3A_443 : i32 to vector<16xi32>
      %parallel_loop3A_445 = arith.addi %parallel_loop3A_430, %parallel_loop3A_444 : vector<16xi32>
      %parallel_loop3A_446 = tpu.vector_load_idx %arg6[%parallel_loop3A_445] : memref<16384xf32, #tpu.memory_space<vmem>>[vector<16xi32>], vector<16xf32>,
      %parallel_loop3A_447 = arith.constant 4096 : i32
      %parallel_loop3A_448 = vector.broadcast %parallel_loop3A_447 : i32 to vector<16xi32>
      %parallel_loop3A_449 = arith.addi %parallel_loop3A_430, %parallel_loop3A_448 : vector<16xi32>
      %parallel_loop3A_450 = tpu.vector_load_idx %arg6[%parallel_loop3A_449] : memref<16384xf32, #tpu.memory_space<vmem>>[vector<16xi32>], vector<16xf32>,
      %parallel_loop3A_451 = arith.constant 5120 : i32
      %parallel_loop3A_452 = vector.broadcast %parallel_loop3A_451 : i32 to vector<16xi32>
      %parallel_loop3A_453 = arith.addi %parallel_loop3A_430, %parallel_loop3A_452 : vector<16xi32>
      %parallel_loop3A_454 = tpu.vector_load_idx %arg6[%parallel_loop3A_453] : memref<16384xf32, #tpu.memory_space<vmem>>[vector<16xi32>], vector<16xf32>,
      %parallel_loop3A_455 = arith.constant 6144 : i32
      %parallel_loop3A_456 = vector.broadcast %parallel_loop3A_455 : i32 to vector<16xi32>
      %parallel_loop3A_457 = arith.addi %parallel_loop3A_430, %parallel_loop3A_456 : vector<16xi32>
      %parallel_loop3A_458 = tpu.vector_load_idx %arg6[%parallel_loop3A_457] : memref<16384xf32, #tpu.memory_space<vmem>>[vector<16xi32>], vector<16xf32>,
      %parallel_loop3A_459 = arith.constant 7168 : i32
      %parallel_loop3A_460 = vector.broadcast %parallel_loop3A_459 : i32 to vector<16xi32>
      %parallel_loop3A_461 = arith.addi %parallel_loop3A_430, %parallel_loop3A_460 : vector<16xi32>
      %parallel_loop3A_462 = tpu.vector_load_idx %arg6[%parallel_loop3A_461] : memref<16384xf32, #tpu.memory_space<vmem>>[vector<16xi32>], vector<16xf32>,
      %parallel_loop3A_463 = arith.constant 8192 : i32
      %parallel_loop3A_464 = vector.broadcast %parallel_loop3A_463 : i32 to vector<16xi32>
      %parallel_loop3A_465 = arith.addi %parallel_loop3A_430, %parallel_loop3A_464 : vector<16xi32>
      %parallel_loop3A_466 = tpu.vector_load_idx %arg6[%parallel_loop3A_465] : memref<16384xf32, #tpu.memory_space<vmem>>[vector<16xi32>], vector<16xf32>,
      %parallel_loop3A_467 = arith.constant 9216 : i32
      %parallel_loop3A_468 = vector.broadcast %parallel_loop3A_467 : i32 to vector<16xi32>
      %parallel_loop3A_469 = arith.addi %parallel_loop3A_430, %parallel_loop3A_468 : vector<16xi32>
      %parallel_loop3A_470 = tpu.vector_load_idx %arg6[%parallel_loop3A_469] : memref<16384xf32, #tpu.memory_space<vmem>>[vector<16xi32>], vector<16xf32>,
      %parallel_loop3A_471 = arith.constant 10240 : i32
      %parallel_loop3A_472 = vector.broadcast %parallel_loop3A_471 : i32 to vector<16xi32>
      %parallel_loop3A_473 = arith.addi %parallel_loop3A_430, %parallel_loop3A_472 : vector<16xi32>
      %parallel_loop3A_474 = tpu.vector_load_idx %arg6[%parallel_loop3A_473] : memref<16384xf32, #tpu.memory_space<vmem>>[vector<16xi32>], vector<16xf32>,
      %parallel_loop3A_475 = arith.constant 11264 : i32
      %parallel_loop3A_476 = vector.broadcast %parallel_loop3A_475 : i32 to vector<16xi32>
      %parallel_loop3A_477 = arith.addi %parallel_loop3A_430, %parallel_loop3A_476 : vector<16xi32>
      %parallel_loop3A_478 = tpu.vector_load_idx %arg6[%parallel_loop3A_477] : memref<16384xf32, #tpu.memory_space<vmem>>[vector<16xi32>], vector<16xf32>,
      %parallel_loop3A_479 = arith.constant 12288 : i32
      %parallel_loop3A_480 = vector.broadcast %parallel_loop3A_479 : i32 to vector<16xi32>
      %parallel_loop3A_481 = arith.addi %parallel_loop3A_430, %parallel_loop3A_480 : vector<16xi32>
      %parallel_loop3A_482 = tpu.vector_load_idx %arg6[%parallel_loop3A_481] : memref<16384xf32, #tpu.memory_space<vmem>>[vector<16xi32>], vector<16xf32>,
      %parallel_loop3A_483 = arith.constant 13312 : i32
      %parallel_loop3A_484 = vector.broadcast %parallel_loop3A_483 : i32 to vector<16xi32>
      %parallel_loop3A_485 = arith.addi %parallel_loop3A_430, %parallel_loop3A_484 : vector<16xi32>
      %parallel_loop3A_486 = tpu.vector_load_idx %arg6[%parallel_loop3A_485] : memref<16384xf32, #tpu.memory_space<vmem>>[vector<16xi32>], vector<16xf32>,
      %parallel_loop3A_487 = arith.constant 14336 : i32
      %parallel_loop3A_488 = vector.broadcast %parallel_loop3A_487 : i32 to vector<16xi32>
      %parallel_loop3A_489 = arith.addi %parallel_loop3A_430, %parallel_loop3A_488 : vector<16xi32>
      %parallel_loop3A_490 = tpu.vector_load_idx %arg6[%parallel_loop3A_489] : memref<16384xf32, #tpu.memory_space<vmem>>[vector<16xi32>], vector<16xf32>,
      %parallel_loop3A_491 = arith.constant 15360 : i32
      %parallel_loop3A_492 = vector.broadcast %parallel_loop3A_491 : i32 to vector<16xi32>
      %parallel_loop3A_493 = arith.addi %parallel_loop3A_430, %parallel_loop3A_492 : vector<16xi32>
      %parallel_loop3A_494 = tpu.vector_load_idx %arg6[%parallel_loop3A_493] : memref<16384xf32, #tpu.memory_space<vmem>>[vector<16xi32>], vector<16xf32>,
      %parallel_loop3A_495 = arith.constant 16 : i32
      %parallel_loop3A_496 = arith.muli %parallel_loop3A_424, %parallel_loop3A_495 : i32
      %parallel_loop3A_497 = arith.constant 1 : i32
      %parallel_loop3A_498 = arith.constant 0 : i32
      %parallel_loop3A_499 = arith.index_cast %parallel_loop3A_497 : i32 to index
      %parallel_loop3A_500 = arith.index_cast %parallel_loop3A_498 : i32 to index
      %parallel_loop3A_501 = arith.index_cast %parallel_loop3A_496 : i32 to index
      %parallel_loop3A_502 = tpu.vector_load %arg7[%parallel_loop3A_499, %parallel_loop3A_500, %parallel_loop3A_501] {strides = array<i32>} : memref<2x16x1024xf32, #tpu.memory_space<vmem>>, vector<16xf32>,
      tpu.vector_store %arg7[%parallel_loop3A_499, %parallel_loop3A_500, %parallel_loop3A_501], %parallel_loop3A_434 {strides = array<i32>} : memref<2x16x1024xf32, #tpu.memory_space<vmem>>, vector<16xf32>,
      %parallel_loop3A_503 = arith.constant 16 : i32
      %parallel_loop3A_504 = arith.muli %parallel_loop3A_424, %parallel_loop3A_503 : i32
      %parallel_loop3A_505 = arith.constant 1 : i32
      %parallel_loop3A_506 = arith.constant 1 : i32
      %parallel_loop3A_507 = arith.index_cast %parallel_loop3A_505 : i32 to index
      %parallel_loop3A_508 = arith.index_cast %parallel_loop3A_506 : i32 to index
      %parallel_loop3A_509 = arith.index_cast %parallel_loop3A_504 : i32 to index
      %parallel_loop3A_510 = tpu.vector_load %arg7[%parallel_loop3A_507, %parallel_loop3A_508, %parallel_loop3A_509] {strides = array<i32>} : memref<2x16x1024xf32, #tpu.memory_space<vmem>>, vector<16xf32>,
      tpu.vector_store %arg7[%parallel_loop3A_507, %parallel_loop3A_508, %parallel_loop3A_509], %parallel_loop3A_438 {strides = array<i32>} : memref<2x16x1024xf32, #tpu.memory_space<vmem>>, vector<16xf32>,
      %parallel_loop3A_511 = arith.constant 16 : i32
      %parallel_loop3A_512 = arith.muli %parallel_loop3A_424, %parallel_loop3A_511 : i32
      %parallel_loop3A_513 = arith.constant 1 : i32
      %parallel_loop3A_514 = arith.constant 2 : i32
      %parallel_loop3A_515 = arith.index_cast %parallel_loop3A_513 : i32 to index
      %parallel_loop3A_516 = arith.index_cast %parallel_loop3A_514 : i32 to index
      %parallel_loop3A_517 = arith.index_cast %parallel_loop3A_512 : i32 to index
      %parallel_loop3A_518 = tpu.vector_load %arg7[%parallel_loop3A_515, %parallel_loop3A_516, %parallel_loop3A_517] {strides = array<i32>} : memref<2x16x1024xf32, #tpu.memory_space<vmem>>, vector<16xf32>,
      tpu.vector_store %arg7[%parallel_loop3A_515, %parallel_loop3A_516, %parallel_loop3A_517], %parallel_loop3A_442 {strides = array<i32>} : memref<2x16x1024xf32, #tpu.memory_space<vmem>>, vector<16xf32>,
      %parallel_loop3A_519 = arith.constant 16 : i32
      %parallel_loop3A_520 = arith.muli %parallel_loop3A_424, %parallel_loop3A_519 : i32
      %parallel_loop3A_521 = arith.constant 1 : i32
      %parallel_loop3A_522 = arith.constant 3 : i32
      %parallel_loop3A_523 = arith.index_cast %parallel_loop3A_521 : i32 to index
      %parallel_loop3A_524 = arith.index_cast %parallel_loop3A_522 : i32 to index
      %parallel_loop3A_525 = arith.index_cast %parallel_loop3A_520 : i32 to index
      %parallel_loop3A_526 = tpu.vector_load %arg7[%parallel_loop3A_523, %parallel_loop3A_524, %parallel_loop3A_525] {strides = array<i32>} : memref<2x16x1024xf32, #tpu.memory_space<vmem>>, vector<16xf32>,
      tpu.vector_store %arg7[%parallel_loop3A_523, %parallel_loop3A_524, %parallel_loop3A_525], %parallel_loop3A_446 {strides = array<i32>} : memref<2x16x1024xf32, #tpu.memory_space<vmem>>, vector<16xf32>,
      %parallel_loop3A_527 = arith.constant 16 : i32
      %parallel_loop3A_528 = arith.muli %parallel_loop3A_424, %parallel_loop3A_527 : i32
      %parallel_loop3A_529 = arith.constant 1 : i32
      %parallel_loop3A_530 = arith.constant 4 : i32
      %parallel_loop3A_531 = arith.index_cast %parallel_loop3A_529 : i32 to index
      %parallel_loop3A_532 = arith.index_cast %parallel_loop3A_530 : i32 to index
      %parallel_loop3A_533 = arith.index_cast %parallel_loop3A_528 : i32 to index
      %parallel_loop3A_534 = tpu.vector_load %arg7[%parallel_loop3A_531, %parallel_loop3A_532, %parallel_loop3A_533] {strides = array<i32>} : memref<2x16x1024xf32, #tpu.memory_space<vmem>>, vector<16xf32>,
      tpu.vector_store %arg7[%parallel_loop3A_531, %parallel_loop3A_532, %parallel_loop3A_533], %parallel_loop3A_450 {strides = array<i32>} : memref<2x16x1024xf32, #tpu.memory_space<vmem>>, vector<16xf32>,
      %parallel_loop3A_535 = arith.constant 16 : i32
      %parallel_loop3A_536 = arith.muli %parallel_loop3A_424, %parallel_loop3A_535 : i32
      %parallel_loop3A_537 = arith.constant 1 : i32
      %parallel_loop3A_538 = arith.constant 5 : i32
      %parallel_loop3A_539 = arith.index_cast %parallel_loop3A_537 : i32 to index
      %parallel_loop3A_540 = arith.index_cast %parallel_loop3A_538 : i32 to index
      %parallel_loop3A_541 = arith.index_cast %parallel_loop3A_536 : i32 to index
      %parallel_loop3A_542 = tpu.vector_load %arg7[%parallel_loop3A_539, %parallel_loop3A_540, %parallel_loop3A_541] {strides = array<i32>} : memref<2x16x1024xf32, #tpu.memory_space<vmem>>, vector<16xf32>,
      tpu.vector_store %arg7[%parallel_loop3A_539, %parallel_loop3A_540, %parallel_loop3A_541], %parallel_loop3A_454 {strides = array<i32>} : memref<2x16x1024xf32, #tpu.memory_space<vmem>>, vector<16xf32>,
      %parallel_loop3A_543 = arith.constant 16 : i32
      %parallel_loop3A_544 = arith.muli %parallel_loop3A_424, %parallel_loop3A_543 : i32
      %parallel_loop3A_545 = arith.constant 1 : i32
      %parallel_loop3A_546 = arith.constant 6 : i32
      %parallel_loop3A_547 = arith.index_cast %parallel_loop3A_545 : i32 to index
      %parallel_loop3A_548 = arith.index_cast %parallel_loop3A_546 : i32 to index
      %parallel_loop3A_549 = arith.index_cast %parallel_loop3A_544 : i32 to index
      %parallel_loop3A_550 = tpu.vector_load %arg7[%parallel_loop3A_547, %parallel_loop3A_548, %parallel_loop3A_549] {strides = array<i32>} : memref<2x16x1024xf32, #tpu.memory_space<vmem>>, vector<16xf32>,
      tpu.vector_store %arg7[%parallel_loop3A_547, %parallel_loop3A_548, %parallel_loop3A_549], %parallel_loop3A_458 {strides = array<i32>} : memref<2x16x1024xf32, #tpu.memory_space<vmem>>, vector<16xf32>,
      %parallel_loop3A_551 = arith.constant 16 : i32
      %parallel_loop3A_552 = arith.muli %parallel_loop3A_424, %parallel_loop3A_551 : i32
      %parallel_loop3A_553 = arith.constant 1 : i32
      %parallel_loop3A_554 = arith.constant 7 : i32
      %parallel_loop3A_555 = arith.index_cast %parallel_loop3A_553 : i32 to index
      %parallel_loop3A_556 = arith.index_cast %parallel_loop3A_554 : i32 to index
      %parallel_loop3A_557 = arith.index_cast %parallel_loop3A_552 : i32 to index
      %parallel_loop3A_558 = tpu.vector_load %arg7[%parallel_loop3A_555, %parallel_loop3A_556, %parallel_loop3A_557] {strides = array<i32>} : memref<2x16x1024xf32, #tpu.memory_space<vmem>>, vector<16xf32>,
      tpu.vector_store %arg7[%parallel_loop3A_555, %parallel_loop3A_556, %parallel_loop3A_557], %parallel_loop3A_462 {strides = array<i32>} : memref<2x16x1024xf32, #tpu.memory_space<vmem>>, vector<16xf32>,
      %parallel_loop3A_559 = arith.constant 16 : i32
      %parallel_loop3A_560 = arith.muli %parallel_loop3A_424, %parallel_loop3A_559 : i32
      %parallel_loop3A_561 = arith.constant 1 : i32
      %parallel_loop3A_562 = arith.constant 8 : i32
      %parallel_loop3A_563 = arith.index_cast %parallel_loop3A_561 : i32 to index
      %parallel_loop3A_564 = arith.index_cast %parallel_loop3A_562 : i32 to index
      %parallel_loop3A_565 = arith.index_cast %parallel_loop3A_560 : i32 to index
      %parallel_loop3A_566 = tpu.vector_load %arg7[%parallel_loop3A_563, %parallel_loop3A_564, %parallel_loop3A_565] {strides = array<i32>} : memref<2x16x1024xf32, #tpu.memory_space<vmem>>, vector<16xf32>,
      tpu.vector_store %arg7[%parallel_loop3A_563, %parallel_loop3A_564, %parallel_loop3A_565], %parallel_loop3A_466 {strides = array<i32>} : memref<2x16x1024xf32, #tpu.memory_space<vmem>>, vector<16xf32>,
      %parallel_loop3A_567 = arith.constant 16 : i32
      %parallel_loop3A_568 = arith.muli %parallel_loop3A_424, %parallel_loop3A_567 : i32
      %parallel_loop3A_569 = arith.constant 1 : i32
      %parallel_loop3A_570 = arith.constant 9 : i32
      %parallel_loop3A_571 = arith.index_cast %parallel_loop3A_569 : i32 to index
      %parallel_loop3A_572 = arith.index_cast %parallel_loop3A_570 : i32 to index
      %parallel_loop3A_573 = arith.index_cast %parallel_loop3A_568 : i32 to index
      %parallel_loop3A_574 = tpu.vector_load %arg7[%parallel_loop3A_571, %parallel_loop3A_572, %parallel_loop3A_573] {strides = array<i32>} : memref<2x16x1024xf32, #tpu.memory_space<vmem>>, vector<16xf32>,
      tpu.vector_store %arg7[%parallel_loop3A_571, %parallel_loop3A_572, %parallel_loop3A_573], %parallel_loop3A_470 {strides = array<i32>} : memref<2x16x1024xf32, #tpu.memory_space<vmem>>, vector<16xf32>,
      %parallel_loop3A_575 = arith.constant 16 : i32
      %parallel_loop3A_576 = arith.muli %parallel_loop3A_424, %parallel_loop3A_575 : i32
      %parallel_loop3A_577 = arith.constant 1 : i32
      %parallel_loop3A_578 = arith.constant 10 : i32
      %parallel_loop3A_579 = arith.index_cast %parallel_loop3A_577 : i32 to index
      %parallel_loop3A_580 = arith.index_cast %parallel_loop3A_578 : i32 to index
      %parallel_loop3A_581 = arith.index_cast %parallel_loop3A_576 : i32 to index
      %parallel_loop3A_582 = tpu.vector_load %arg7[%parallel_loop3A_579, %parallel_loop3A_580, %parallel_loop3A_581] {strides = array<i32>} : memref<2x16x1024xf32, #tpu.memory_space<vmem>>, vector<16xf32>,
      tpu.vector_store %arg7[%parallel_loop3A_579, %parallel_loop3A_580, %parallel_loop3A_581], %parallel_loop3A_474 {strides = array<i32>} : memref<2x16x1024xf32, #tpu.memory_space<vmem>>, vector<16xf32>,
      %parallel_loop3A_583 = arith.constant 16 : i32
      %parallel_loop3A_584 = arith.muli %parallel_loop3A_424, %parallel_loop3A_583 : i32
      %parallel_loop3A_585 = arith.constant 1 : i32
      %parallel_loop3A_586 = arith.constant 11 : i32
      %parallel_loop3A_587 = arith.index_cast %parallel_loop3A_585 : i32 to index
      %parallel_loop3A_588 = arith.index_cast %parallel_loop3A_586 : i32 to index
      %parallel_loop3A_589 = arith.index_cast %parallel_loop3A_584 : i32 to index
      %parallel_loop3A_590 = tpu.vector_load %arg7[%parallel_loop3A_587, %parallel_loop3A_588, %parallel_loop3A_589] {strides = array<i32>} : memref<2x16x1024xf32, #tpu.memory_space<vmem>>, vector<16xf32>,
      tpu.vector_store %arg7[%parallel_loop3A_587, %parallel_loop3A_588, %parallel_loop3A_589], %parallel_loop3A_478 {strides = array<i32>} : memref<2x16x1024xf32, #tpu.memory_space<vmem>>, vector<16xf32>,
      %parallel_loop3A_591 = arith.constant 16 : i32
      %parallel_loop3A_592 = arith.muli %parallel_loop3A_424, %parallel_loop3A_591 : i32
      %parallel_loop3A_593 = arith.constant 1 : i32
      %parallel_loop3A_594 = arith.constant 12 : i32
      %parallel_loop3A_595 = arith.index_cast %parallel_loop3A_593 : i32 to index
      %parallel_loop3A_596 = arith.index_cast %parallel_loop3A_594 : i32 to index
      %parallel_loop3A_597 = arith.index_cast %parallel_loop3A_592 : i32 to index
      %parallel_loop3A_598 = tpu.vector_load %arg7[%parallel_loop3A_595, %parallel_loop3A_596, %parallel_loop3A_597] {strides = array<i32>} : memref<2x16x1024xf32, #tpu.memory_space<vmem>>, vector<16xf32>,
      tpu.vector_store %arg7[%parallel_loop3A_595, %parallel_loop3A_596, %parallel_loop3A_597], %parallel_loop3A_482 {strides = array<i32>} : memref<2x16x1024xf32, #tpu.memory_space<vmem>>, vector<16xf32>,
      %parallel_loop3A_599 = arith.constant 16 : i32
      %parallel_loop3A_600 = arith.muli %parallel_loop3A_424, %parallel_loop3A_599 : i32
      %parallel_loop3A_601 = arith.constant 1 : i32
      %parallel_loop3A_602 = arith.constant 13 : i32
      %parallel_loop3A_603 = arith.index_cast %parallel_loop3A_601 : i32 to index
      %parallel_loop3A_604 = arith.index_cast %parallel_loop3A_602 : i32 to index
      %parallel_loop3A_605 = arith.index_cast %parallel_loop3A_600 : i32 to index
      %parallel_loop3A_606 = tpu.vector_load %arg7[%parallel_loop3A_603, %parallel_loop3A_604, %parallel_loop3A_605] {strides = array<i32>} : memref<2x16x1024xf32, #tpu.memory_space<vmem>>, vector<16xf32>,
      tpu.vector_store %arg7[%parallel_loop3A_603, %parallel_loop3A_604, %parallel_loop3A_605], %parallel_loop3A_486 {strides = array<i32>} : memref<2x16x1024xf32, #tpu.memory_space<vmem>>, vector<16xf32>,
      %parallel_loop3A_607 = arith.constant 16 : i32
      %parallel_loop3A_608 = arith.muli %parallel_loop3A_424, %parallel_loop3A_607 : i32
      %parallel_loop3A_609 = arith.constant 1 : i32
      %parallel_loop3A_610 = arith.constant 14 : i32
      %parallel_loop3A_611 = arith.index_cast %parallel_loop3A_609 : i32 to index
      %parallel_loop3A_612 = arith.index_cast %parallel_loop3A_610 : i32 to index
      %parallel_loop3A_613 = arith.index_cast %parallel_loop3A_608 : i32 to index
      %parallel_loop3A_614 = tpu.vector_load %arg7[%parallel_loop3A_611, %parallel_loop3A_612, %parallel_loop3A_613] {strides = array<i32>} : memref<2x16x1024xf32, #tpu.memory_space<vmem>>, vector<16xf32>,
      tpu.vector_store %arg7[%parallel_loop3A_611, %parallel_loop3A_612, %parallel_loop3A_613], %parallel_loop3A_490 {strides = array<i32>} : memref<2x16x1024xf32, #tpu.memory_space<vmem>>, vector<16xf32>,
      %parallel_loop3A_615 = arith.constant 16 : i32
      %parallel_loop3A_616 = arith.muli %parallel_loop3A_424, %parallel_loop3A_615 : i32
      %parallel_loop3A_617 = arith.constant 1 : i32
      %parallel_loop3A_618 = arith.constant 15 : i32
      %parallel_loop3A_619 = arith.index_cast %parallel_loop3A_617 : i32 to index
      %parallel_loop3A_620 = arith.index_cast %parallel_loop3A_618 : i32 to index
      %parallel_loop3A_621 = arith.index_cast %parallel_loop3A_616 : i32 to index
      %parallel_loop3A_622 = tpu.vector_load %arg7[%parallel_loop3A_619, %parallel_loop3A_620, %parallel_loop3A_621] {strides = array<i32>} : memref<2x16x1024xf32, #tpu.memory_space<vmem>>, vector<16xf32>,
      tpu.vector_store %arg7[%parallel_loop3A_619, %parallel_loop3A_620, %parallel_loop3A_621], %parallel_loop3A_494 {strides = array<i32>} : memref<2x16x1024xf32, #tpu.memory_space<vmem>>, vector<16xf32>,
    } {sc.loop_unroll_factor = 2 : i64, sc.parallel_access}
    %mul3A_173 = arith.constant 8 : i32
    %mul3A_174 = arith.muli %select_n3A_9, %mul3A_173 : i32
    %add3A_175 = arith.constant 3 : i32
    %add3A_176 = arith.addi %mul3A_174, %add3A_175 : i32
    %mul3A_177 = arith.constant 16 : i32
    %mul3A_178 = arith.muli %select_n3A_30, %mul3A_177 : i32
    %dma_start3A_179 = arith.constant 1 : i32
    %dma_start3A_180 = arith.constant 0 : i32
    %dma_start3A_181 = arith.constant 0 : i32
    %dma_start3A_182 = tpu.memref_slice %arg7[%dma_start3A_179, %dma_start3A_180, %dma_start3A_181] : memref<2x16x1024xf32, #tpu.memory_space<vmem>> -> memref<1x16x1024xf32, #tpu.memory_space<vmem>>
    %dma_start3A_183 = tpu.memref_squeeze %dma_start3A_182 : memref<1x16x1024xf32, #tpu.memory_space<vmem>> -> memref<16x1024xf32, #tpu.memory_space<vmem>>
    %dma_start3A_184 = arith.constant 0 : i32
    %dma_start3A_185 = tpu.memref_slice %arg4[%add3A_176, %mul3A_178, %dma_start3A_184] : memref<64x64x1024xf32, #tpu.memory_space<hbm>> -> memref<1x16x1024xf32, #tpu.memory_space<hbm>>
    %dma_start3A_186 = tpu.memref_squeeze %dma_start3A_185 : memref<1x16x1024xf32, #tpu.memory_space<hbm>> -> memref<16x1024xf32, #tpu.memory_space<hbm>>
    %dma_start3A_187 = arith.constant 0 : i32
    %dma_start3A_188 = tpu.memref_slice %arg4[%add3A_176, %mul3A_178, %dma_start3A_187] : memref<64x64x1024xf32, #tpu.memory_space<hbm>> -> memref<1x16x1024xf32, #tpu.memory_space<hbm>>
    %dma_start3A_189 = tpu.memref_squeeze %dma_start3A_188 : memref<1x16x1024xf32, #tpu.memory_space<hbm>> -> memref<16x1024xf32, #tpu.memory_space<hbm>>
    %dma_start3A_190 = arith.constant 0 : i32
    %dma_start3A_191 = arith.constant 0 : i32
    %dma_start3A_192 = tpu.memref_slice %arg7[%dma_start3A_179, %dma_start3A_190, %dma_start3A_191] : memref<2x16x1024xf32, #tpu.memory_space<vmem>> -> memref<1x16x1024xf32, #tpu.memory_space<vmem>>
    %dma_start3A_193 = tpu.memref_squeeze %dma_start3A_192 : memref<1x16x1024xf32, #tpu.memory_space<vmem>> -> memref<16x1024xf32, #tpu.memory_space<vmem>>
    tpu.enqueue_dma source(%dma_start3A_193 : memref<16x1024xf32, #tpu.memory_space<vmem>>) target(%dma_start3A_189 : memref<16x1024xf32, #tpu.memory_space<hbm>>) target_semaphore(%arg8 : memref<!tpu.dma_semaphore, #tpu.memory_space<semaphore_mem>>)
    %mul3A_194 = arith.constant 8 : i32
    %mul3A_195 = arith.muli %select_n3A_9, %mul3A_194 : i32
    %add3A_196 = arith.constant 4 : i32
    %add3A_197 = arith.addi %mul3A_195, %add3A_196 : i32
    %sub3A_198 = arith.constant 2 : i32
    %sub3A_199 = arith.subi %add3A_197, %sub3A_198 : i32
    %mul3A_200 = arith.constant 16 : i32
    %mul3A_201 = arith.muli %select_n3A_30, %mul3A_200 : i32
    %dma_wait3A_202 = arith.constant 0 : i32
    %dma_wait3A_203 = arith.constant 0 : i32
    %dma_wait3A_204 = arith.constant 0 : i32
    %dma_wait3A_205 = tpu.memref_slice %arg7[%dma_wait3A_202, %dma_wait3A_203, %dma_wait3A_204] : memref<2x16x1024xf32, #tpu.memory_space<vmem>> -> memref<1x16x1024xf32, #tpu.memory_space<vmem>>
    %dma_wait3A_206 = tpu.memref_squeeze %dma_wait3A_205 : memref<1x16x1024xf32, #tpu.memory_space<vmem>> -> memref<16x1024xf32, #tpu.memory_space<vmem>>
    %dma_wait3A_207 = arith.constant 0 : i32
    %dma_wait3A_208 = tpu.memref_slice %arg4[%sub3A_199, %mul3A_201, %dma_wait3A_207] : memref<64x64x1024xf32, #tpu.memory_space<hbm>> -> memref<1x16x1024xf32, #tpu.memory_space<hbm>>
    %dma_wait3A_209 = tpu.memref_squeeze %dma_wait3A_208 : memref<1x16x1024xf32, #tpu.memory_space<hbm>> -> memref<16x1024xf32, #tpu.memory_space<hbm>>
    %dma_wait3A_210 = arith.constant 0 : i32
    %dma_wait3A_211 = tpu.memref_slice %arg4[%sub3A_199, %mul3A_201, %dma_wait3A_210] : memref<64x64x1024xf32, #tpu.memory_space<hbm>> -> memref<1x16x1024xf32, #tpu.memory_space<hbm>>
    %dma_wait3A_212 = tpu.memref_squeeze %dma_wait3A_211 : memref<1x16x1024xf32, #tpu.memory_space<hbm>> -> memref<16x1024xf32, #tpu.memory_space<hbm>>
    %dma_wait3A_213 = arith.constant 0 : i32
    %dma_wait3A_214 = arith.constant 0 : i32
    %dma_wait3A_215 = tpu.memref_slice %arg7[%dma_wait3A_202, %dma_wait3A_213, %dma_wait3A_214] : memref<2x16x1024xf32, #tpu.memory_space<vmem>> -> memref<1x16x1024xf32, #tpu.memory_space<vmem>>
    %dma_wait3A_216 = tpu.memref_squeeze %dma_wait3A_215 : memref<1x16x1024xf32, #tpu.memory_space<vmem>> -> memref<16x1024xf32, #tpu.memory_space<vmem>>
    tpu.wait_dma2 semaphore(%arg8 : memref<!tpu.dma_semaphore, #tpu.memory_space<semaphore_mem>>) src(%dma_wait3A_216 : memref<16x1024xf32, #tpu.memory_space<vmem>>) dst(%dma_wait3A_212 : memref<16x1024xf32, #tpu.memory_space<hbm>>)
    %parallel_loop3A_217 = arith.constant 0 : i32
    %parallel_loop3A_218 = arith.constant 64 : i32
    %parallel_loop3A_219 = arith.constant 1 : i32
    scf.for %parallel_loop3A_424 = %parallel_loop3A_217 to %parallel_loop3A_218 step %parallel_loop3A_219  : i32 {
      %parallel_loop3A_425 = arith.constant 16 : i32
      %parallel_loop3A_426 = arith.muli %parallel_loop3A_424, %parallel_loop3A_425 : i32
      %parallel_loop3A_427 = arith.constant 4096 : i32
      %parallel_loop3A_428 = arith.addi %parallel_loop3A_427, %parallel_loop3A_426 : i32
      %parallel_loop3A_429 = arith.index_cast %parallel_loop3A_428 : i32 to index
      %parallel_loop3A_430 = tpu.vector_load %arg5[%parallel_loop3A_429] {strides = array<i32>} : memref<8192xi32, #tpu.memory_space<vmem>>, vector<16xi32>,
      %parallel_loop3A_431 = arith.constant 0 : i32
      %parallel_loop3A_432 = vector.broadcast %parallel_loop3A_431 : i32 to vector<16xi32>
      %parallel_loop3A_433 = arith.addi %parallel_loop3A_430, %parallel_loop3A_432 : vector<16xi32>
      %parallel_loop3A_434 = tpu.vector_load_idx %arg6[%parallel_loop3A_433] : memref<16384xf32, #tpu.memory_space<vmem>>[vector<16xi32>], vector<16xf32>,
      %parallel_loop3A_435 = arith.constant 1024 : i32
      %parallel_loop3A_436 = vector.broadcast %parallel_loop3A_435 : i32 to vector<16xi32>
      %parallel_loop3A_437 = arith.addi %parallel_loop3A_430, %parallel_loop3A_436 : vector<16xi32>
      %parallel_loop3A_438 = tpu.vector_load_idx %arg6[%parallel_loop3A_437] : memref<16384xf32, #tpu.memory_space<vmem>>[vector<16xi32>], vector<16xf32>,
      %parallel_loop3A_439 = arith.constant 2048 : i32
      %parallel_loop3A_440 = vector.broadcast %parallel_loop3A_439 : i32 to vector<16xi32>
      %parallel_loop3A_441 = arith.addi %parallel_loop3A_430, %parallel_loop3A_440 : vector<16xi32>
      %parallel_loop3A_442 = tpu.vector_load_idx %arg6[%parallel_loop3A_441] : memref<16384xf32, #tpu.memory_space<vmem>>[vector<16xi32>], vector<16xf32>,
      %parallel_loop3A_443 = arith.constant 3072 : i32
      %parallel_loop3A_444 = vector.broadcast %parallel_loop3A_443 : i32 to vector<16xi32>
      %parallel_loop3A_445 = arith.addi %parallel_loop3A_430, %parallel_loop3A_444 : vector<16xi32>
      %parallel_loop3A_446 = tpu.vector_load_idx %arg6[%parallel_loop3A_445] : memref<16384xf32, #tpu.memory_space<vmem>>[vector<16xi32>], vector<16xf32>,
      %parallel_loop3A_447 = arith.constant 4096 : i32
      %parallel_loop3A_448 = vector.broadcast %parallel_loop3A_447 : i32 to vector<16xi32>
      %parallel_loop3A_449 = arith.addi %parallel_loop3A_430, %parallel_loop3A_448 : vector<16xi32>
      %parallel_loop3A_450 = tpu.vector_load_idx %arg6[%parallel_loop3A_449] : memref<16384xf32, #tpu.memory_space<vmem>>[vector<16xi32>], vector<16xf32>,
      %parallel_loop3A_451 = arith.constant 5120 : i32
      %parallel_loop3A_452 = vector.broadcast %parallel_loop3A_451 : i32 to vector<16xi32>
      %parallel_loop3A_453 = arith.addi %parallel_loop3A_430, %parallel_loop3A_452 : vector<16xi32>
      %parallel_loop3A_454 = tpu.vector_load_idx %arg6[%parallel_loop3A_453] : memref<16384xf32, #tpu.memory_space<vmem>>[vector<16xi32>], vector<16xf32>,
      %parallel_loop3A_455 = arith.constant 6144 : i32
      %parallel_loop3A_456 = vector.broadcast %parallel_loop3A_455 : i32 to vector<16xi32>
      %parallel_loop3A_457 = arith.addi %parallel_loop3A_430, %parallel_loop3A_456 : vector<16xi32>
      %parallel_loop3A_458 = tpu.vector_load_idx %arg6[%parallel_loop3A_457] : memref<16384xf32, #tpu.memory_space<vmem>>[vector<16xi32>], vector<16xf32>,
      %parallel_loop3A_459 = arith.constant 7168 : i32
      %parallel_loop3A_460 = vector.broadcast %parallel_loop3A_459 : i32 to vector<16xi32>
      %parallel_loop3A_461 = arith.addi %parallel_loop3A_430, %parallel_loop3A_460 : vector<16xi32>
      %parallel_loop3A_462 = tpu.vector_load_idx %arg6[%parallel_loop3A_461] : memref<16384xf32, #tpu.memory_space<vmem>>[vector<16xi32>], vector<16xf32>,
      %parallel_loop3A_463 = arith.constant 8192 : i32
      %parallel_loop3A_464 = vector.broadcast %parallel_loop3A_463 : i32 to vector<16xi32>
      %parallel_loop3A_465 = arith.addi %parallel_loop3A_430, %parallel_loop3A_464 : vector<16xi32>
      %parallel_loop3A_466 = tpu.vector_load_idx %arg6[%parallel_loop3A_465] : memref<16384xf32, #tpu.memory_space<vmem>>[vector<16xi32>], vector<16xf32>,
      %parallel_loop3A_467 = arith.constant 9216 : i32
      %parallel_loop3A_468 = vector.broadcast %parallel_loop3A_467 : i32 to vector<16xi32>
      %parallel_loop3A_469 = arith.addi %parallel_loop3A_430, %parallel_loop3A_468 : vector<16xi32>
      %parallel_loop3A_470 = tpu.vector_load_idx %arg6[%parallel_loop3A_469] : memref<16384xf32, #tpu.memory_space<vmem>>[vector<16xi32>], vector<16xf32>,
      %parallel_loop3A_471 = arith.constant 10240 : i32
      %parallel_loop3A_472 = vector.broadcast %parallel_loop3A_471 : i32 to vector<16xi32>
      %parallel_loop3A_473 = arith.addi %parallel_loop3A_430, %parallel_loop3A_472 : vector<16xi32>
      %parallel_loop3A_474 = tpu.vector_load_idx %arg6[%parallel_loop3A_473] : memref<16384xf32, #tpu.memory_space<vmem>>[vector<16xi32>], vector<16xf32>,
      %parallel_loop3A_475 = arith.constant 11264 : i32
      %parallel_loop3A_476 = vector.broadcast %parallel_loop3A_475 : i32 to vector<16xi32>
      %parallel_loop3A_477 = arith.addi %parallel_loop3A_430, %parallel_loop3A_476 : vector<16xi32>
      %parallel_loop3A_478 = tpu.vector_load_idx %arg6[%parallel_loop3A_477] : memref<16384xf32, #tpu.memory_space<vmem>>[vector<16xi32>], vector<16xf32>,
      %parallel_loop3A_479 = arith.constant 12288 : i32
      %parallel_loop3A_480 = vector.broadcast %parallel_loop3A_479 : i32 to vector<16xi32>
      %parallel_loop3A_481 = arith.addi %parallel_loop3A_430, %parallel_loop3A_480 : vector<16xi32>
      %parallel_loop3A_482 = tpu.vector_load_idx %arg6[%parallel_loop3A_481] : memref<16384xf32, #tpu.memory_space<vmem>>[vector<16xi32>], vector<16xf32>,
      %parallel_loop3A_483 = arith.constant 13312 : i32
      %parallel_loop3A_484 = vector.broadcast %parallel_loop3A_483 : i32 to vector<16xi32>
      %parallel_loop3A_485 = arith.addi %parallel_loop3A_430, %parallel_loop3A_484 : vector<16xi32>
      %parallel_loop3A_486 = tpu.vector_load_idx %arg6[%parallel_loop3A_485] : memref<16384xf32, #tpu.memory_space<vmem>>[vector<16xi32>], vector<16xf32>,
      %parallel_loop3A_487 = arith.constant 14336 : i32
      %parallel_loop3A_488 = vector.broadcast %parallel_loop3A_487 : i32 to vector<16xi32>
      %parallel_loop3A_489 = arith.addi %parallel_loop3A_430, %parallel_loop3A_488 : vector<16xi32>
      %parallel_loop3A_490 = tpu.vector_load_idx %arg6[%parallel_loop3A_489] : memref<16384xf32, #tpu.memory_space<vmem>>[vector<16xi32>], vector<16xf32>,
      %parallel_loop3A_491 = arith.constant 15360 : i32
      %parallel_loop3A_492 = vector.broadcast %parallel_loop3A_491 : i32 to vector<16xi32>
      %parallel_loop3A_493 = arith.addi %parallel_loop3A_430, %parallel_loop3A_492 : vector<16xi32>
      %parallel_loop3A_494 = tpu.vector_load_idx %arg6[%parallel_loop3A_493] : memref<16384xf32, #tpu.memory_space<vmem>>[vector<16xi32>], vector<16xf32>,
      %parallel_loop3A_495 = arith.constant 16 : i32
      %parallel_loop3A_496 = arith.muli %parallel_loop3A_424, %parallel_loop3A_495 : i32
      %parallel_loop3A_497 = arith.constant 0 : i32
      %parallel_loop3A_498 = arith.constant 0 : i32
      %parallel_loop3A_499 = arith.index_cast %parallel_loop3A_497 : i32 to index
      %parallel_loop3A_500 = arith.index_cast %parallel_loop3A_498 : i32 to index
      %parallel_loop3A_501 = arith.index_cast %parallel_loop3A_496 : i32 to index
      %parallel_loop3A_502 = tpu.vector_load %arg7[%parallel_loop3A_499, %parallel_loop3A_500, %parallel_loop3A_501] {strides = array<i32>} : memref<2x16x1024xf32, #tpu.memory_space<vmem>>, vector<16xf32>,
      tpu.vector_store %arg7[%parallel_loop3A_499, %parallel_loop3A_500, %parallel_loop3A_501], %parallel_loop3A_434 {strides = array<i32>} : memref<2x16x1024xf32, #tpu.memory_space<vmem>>, vector<16xf32>,
      %parallel_loop3A_503 = arith.constant 16 : i32
      %parallel_loop3A_504 = arith.muli %parallel_loop3A_424, %parallel_loop3A_503 : i32
      %parallel_loop3A_505 = arith.constant 0 : i32
      %parallel_loop3A_506 = arith.constant 1 : i32
      %parallel_loop3A_507 = arith.index_cast %parallel_loop3A_505 : i32 to index
      %parallel_loop3A_508 = arith.index_cast %parallel_loop3A_506 : i32 to index
      %parallel_loop3A_509 = arith.index_cast %parallel_loop3A_504 : i32 to index
      %parallel_loop3A_510 = tpu.vector_load %arg7[%parallel_loop3A_507, %parallel_loop3A_508, %parallel_loop3A_509] {strides = array<i32>} : memref<2x16x1024xf32, #tpu.memory_space<vmem>>, vector<16xf32>,
      tpu.vector_store %arg7[%parallel_loop3A_507, %parallel_loop3A_508, %parallel_loop3A_509], %parallel_loop3A_438 {strides = array<i32>} : memref<2x16x1024xf32, #tpu.memory_space<vmem>>, vector<16xf32>,
      %parallel_loop3A_511 = arith.constant 16 : i32
      %parallel_loop3A_512 = arith.muli %parallel_loop3A_424, %parallel_loop3A_511 : i32
      %parallel_loop3A_513 = arith.constant 0 : i32
      %parallel_loop3A_514 = arith.constant 2 : i32
      %parallel_loop3A_515 = arith.index_cast %parallel_loop3A_513 : i32 to index
      %parallel_loop3A_516 = arith.index_cast %parallel_loop3A_514 : i32 to index
      %parallel_loop3A_517 = arith.index_cast %parallel_loop3A_512 : i32 to index
      %parallel_loop3A_518 = tpu.vector_load %arg7[%parallel_loop3A_515, %parallel_loop3A_516, %parallel_loop3A_517] {strides = array<i32>} : memref<2x16x1024xf32, #tpu.memory_space<vmem>>, vector<16xf32>,
      tpu.vector_store %arg7[%parallel_loop3A_515, %parallel_loop3A_516, %parallel_loop3A_517], %parallel_loop3A_442 {strides = array<i32>} : memref<2x16x1024xf32, #tpu.memory_space<vmem>>, vector<16xf32>,
      %parallel_loop3A_519 = arith.constant 16 : i32
      %parallel_loop3A_520 = arith.muli %parallel_loop3A_424, %parallel_loop3A_519 : i32
      %parallel_loop3A_521 = arith.constant 0 : i32
      %parallel_loop3A_522 = arith.constant 3 : i32
      %parallel_loop3A_523 = arith.index_cast %parallel_loop3A_521 : i32 to index
      %parallel_loop3A_524 = arith.index_cast %parallel_loop3A_522 : i32 to index
      %parallel_loop3A_525 = arith.index_cast %parallel_loop3A_520 : i32 to index
      %parallel_loop3A_526 = tpu.vector_load %arg7[%parallel_loop3A_523, %parallel_loop3A_524, %parallel_loop3A_525] {strides = array<i32>} : memref<2x16x1024xf32, #tpu.memory_space<vmem>>, vector<16xf32>,
      tpu.vector_store %arg7[%parallel_loop3A_523, %parallel_loop3A_524, %parallel_loop3A_525], %parallel_loop3A_446 {strides = array<i32>} : memref<2x16x1024xf32, #tpu.memory_space<vmem>>, vector<16xf32>,
      %parallel_loop3A_527 = arith.constant 16 : i32
      %parallel_loop3A_528 = arith.muli %parallel_loop3A_424, %parallel_loop3A_527 : i32
      %parallel_loop3A_529 = arith.constant 0 : i32
      %parallel_loop3A_530 = arith.constant 4 : i32
      %parallel_loop3A_531 = arith.index_cast %parallel_loop3A_529 : i32 to index
      %parallel_loop3A_532 = arith.index_cast %parallel_loop3A_530 : i32 to index
      %parallel_loop3A_533 = arith.index_cast %parallel_loop3A_528 : i32 to index
      %parallel_loop3A_534 = tpu.vector_load %arg7[%parallel_loop3A_531, %parallel_loop3A_532, %parallel_loop3A_533] {strides = array<i32>} : memref<2x16x1024xf32, #tpu.memory_space<vmem>>, vector<16xf32>,
      tpu.vector_store %arg7[%parallel_loop3A_531, %parallel_loop3A_532, %parallel_loop3A_533], %parallel_loop3A_450 {strides = array<i32>} : memref<2x16x1024xf32, #tpu.memory_space<vmem>>, vector<16xf32>,
      %parallel_loop3A_535 = arith.constant 16 : i32
      %parallel_loop3A_536 = arith.muli %parallel_loop3A_424, %parallel_loop3A_535 : i32
      %parallel_loop3A_537 = arith.constant 0 : i32
      %parallel_loop3A_538 = arith.constant 5 : i32
      %parallel_loop3A_539 = arith.index_cast %parallel_loop3A_537 : i32 to index
      %parallel_loop3A_540 = arith.index_cast %parallel_loop3A_538 : i32 to index
      %parallel_loop3A_541 = arith.index_cast %parallel_loop3A_536 : i32 to index
      %parallel_loop3A_542 = tpu.vector_load %arg7[%parallel_loop3A_539, %parallel_loop3A_540, %parallel_loop3A_541] {strides = array<i32>} : memref<2x16x1024xf32, #tpu.memory_space<vmem>>, vector<16xf32>,
      tpu.vector_store %arg7[%parallel_loop3A_539, %parallel_loop3A_540, %parallel_loop3A_541], %parallel_loop3A_454 {strides = array<i32>} : memref<2x16x1024xf32, #tpu.memory_space<vmem>>, vector<16xf32>,
      %parallel_loop3A_543 = arith.constant 16 : i32
      %parallel_loop3A_544 = arith.muli %parallel_loop3A_424, %parallel_loop3A_543 : i32
      %parallel_loop3A_545 = arith.constant 0 : i32
      %parallel_loop3A_546 = arith.constant 6 : i32
      %parallel_loop3A_547 = arith.index_cast %parallel_loop3A_545 : i32 to index
      %parallel_loop3A_548 = arith.index_cast %parallel_loop3A_546 : i32 to index
      %parallel_loop3A_549 = arith.index_cast %parallel_loop3A_544 : i32 to index
      %parallel_loop3A_550 = tpu.vector_load %arg7[%parallel_loop3A_547, %parallel_loop3A_548, %parallel_loop3A_549] {strides = array<i32>} : memref<2x16x1024xf32, #tpu.memory_space<vmem>>, vector<16xf32>,
      tpu.vector_store %arg7[%parallel_loop3A_547, %parallel_loop3A_548, %parallel_loop3A_549], %parallel_loop3A_458 {strides = array<i32>} : memref<2x16x1024xf32, #tpu.memory_space<vmem>>, vector<16xf32>,
      %parallel_loop3A_551 = arith.constant 16 : i32
      %parallel_loop3A_552 = arith.muli %parallel_loop3A_424, %parallel_loop3A_551 : i32
      %parallel_loop3A_553 = arith.constant 0 : i32
      %parallel_loop3A_554 = arith.constant 7 : i32
      %parallel_loop3A_555 = arith.index_cast %parallel_loop3A_553 : i32 to index
      %parallel_loop3A_556 = arith.index_cast %parallel_loop3A_554 : i32 to index
      %parallel_loop3A_557 = arith.index_cast %parallel_loop3A_552 : i32 to index
      %parallel_loop3A_558 = tpu.vector_load %arg7[%parallel_loop3A_555, %parallel_loop3A_556, %parallel_loop3A_557] {strides = array<i32>} : memref<2x16x1024xf32, #tpu.memory_space<vmem>>, vector<16xf32>,
      tpu.vector_store %arg7[%parallel_loop3A_555, %parallel_loop3A_556, %parallel_loop3A_557], %parallel_loop3A_462 {strides = array<i32>} : memref<2x16x1024xf32, #tpu.memory_space<vmem>>, vector<16xf32>,
      %parallel_loop3A_559 = arith.constant 16 : i32
      %parallel_loop3A_560 = arith.muli %parallel_loop3A_424, %parallel_loop3A_559 : i32
      %parallel_loop3A_561 = arith.constant 0 : i32
      %parallel_loop3A_562 = arith.constant 8 : i32
      %parallel_loop3A_563 = arith.index_cast %parallel_loop3A_561 : i32 to index
      %parallel_loop3A_564 = arith.index_cast %parallel_loop3A_562 : i32 to index
      %parallel_loop3A_565 = arith.index_cast %parallel_loop3A_560 : i32 to index
      %parallel_loop3A_566 = tpu.vector_load %arg7[%parallel_loop3A_563, %parallel_loop3A_564, %parallel_loop3A_565] {strides = array<i32>} : memref<2x16x1024xf32, #tpu.memory_space<vmem>>, vector<16xf32>,
      tpu.vector_store %arg7[%parallel_loop3A_563, %parallel_loop3A_564, %parallel_loop3A_565], %parallel_loop3A_466 {strides = array<i32>} : memref<2x16x1024xf32, #tpu.memory_space<vmem>>, vector<16xf32>,
      %parallel_loop3A_567 = arith.constant 16 : i32
      %parallel_loop3A_568 = arith.muli %parallel_loop3A_424, %parallel_loop3A_567 : i32
      %parallel_loop3A_569 = arith.constant 0 : i32
      %parallel_loop3A_570 = arith.constant 9 : i32
      %parallel_loop3A_571 = arith.index_cast %parallel_loop3A_569 : i32 to index
      %parallel_loop3A_572 = arith.index_cast %parallel_loop3A_570 : i32 to index
      %parallel_loop3A_573 = arith.index_cast %parallel_loop3A_568 : i32 to index
      %parallel_loop3A_574 = tpu.vector_load %arg7[%parallel_loop3A_571, %parallel_loop3A_572, %parallel_loop3A_573] {strides = array<i32>} : memref<2x16x1024xf32, #tpu.memory_space<vmem>>, vector<16xf32>,
      tpu.vector_store %arg7[%parallel_loop3A_571, %parallel_loop3A_572, %parallel_loop3A_573], %parallel_loop3A_470 {strides = array<i32>} : memref<2x16x1024xf32, #tpu.memory_space<vmem>>, vector<16xf32>,
      %parallel_loop3A_575 = arith.constant 16 : i32
      %parallel_loop3A_576 = arith.muli %parallel_loop3A_424, %parallel_loop3A_575 : i32
      %parallel_loop3A_577 = arith.constant 0 : i32
      %parallel_loop3A_578 = arith.constant 10 : i32
      %parallel_loop3A_579 = arith.index_cast %parallel_loop3A_577 : i32 to index
      %parallel_loop3A_580 = arith.index_cast %parallel_loop3A_578 : i32 to index
      %parallel_loop3A_581 = arith.index_cast %parallel_loop3A_576 : i32 to index
      %parallel_loop3A_582 = tpu.vector_load %arg7[%parallel_loop3A_579, %parallel_loop3A_580, %parallel_loop3A_581] {strides = array<i32>} : memref<2x16x1024xf32, #tpu.memory_space<vmem>>, vector<16xf32>,
      tpu.vector_store %arg7[%parallel_loop3A_579, %parallel_loop3A_580, %parallel_loop3A_581], %parallel_loop3A_474 {strides = array<i32>} : memref<2x16x1024xf32, #tpu.memory_space<vmem>>, vector<16xf32>,
      %parallel_loop3A_583 = arith.constant 16 : i32
      %parallel_loop3A_584 = arith.muli %parallel_loop3A_424, %parallel_loop3A_583 : i32
      %parallel_loop3A_585 = arith.constant 0 : i32
      %parallel_loop3A_586 = arith.constant 11 : i32
      %parallel_loop3A_587 = arith.index_cast %parallel_loop3A_585 : i32 to index
      %parallel_loop3A_588 = arith.index_cast %parallel_loop3A_586 : i32 to index
      %parallel_loop3A_589 = arith.index_cast %parallel_loop3A_584 : i32 to index
      %parallel_loop3A_590 = tpu.vector_load %arg7[%parallel_loop3A_587, %parallel_loop3A_588, %parallel_loop3A_589] {strides = array<i32>} : memref<2x16x1024xf32, #tpu.memory_space<vmem>>, vector<16xf32>,
      tpu.vector_store %arg7[%parallel_loop3A_587, %parallel_loop3A_588, %parallel_loop3A_589], %parallel_loop3A_478 {strides = array<i32>} : memref<2x16x1024xf32, #tpu.memory_space<vmem>>, vector<16xf32>,
      %parallel_loop3A_591 = arith.constant 16 : i32
      %parallel_loop3A_592 = arith.muli %parallel_loop3A_424, %parallel_loop3A_591 : i32
      %parallel_loop3A_593 = arith.constant 0 : i32
      %parallel_loop3A_594 = arith.constant 12 : i32
      %parallel_loop3A_595 = arith.index_cast %parallel_loop3A_593 : i32 to index
      %parallel_loop3A_596 = arith.index_cast %parallel_loop3A_594 : i32 to index
      %parallel_loop3A_597 = arith.index_cast %parallel_loop3A_592 : i32 to index
      %parallel_loop3A_598 = tpu.vector_load %arg7[%parallel_loop3A_595, %parallel_loop3A_596, %parallel_loop3A_597] {strides = array<i32>} : memref<2x16x1024xf32, #tpu.memory_space<vmem>>, vector<16xf32>,
      tpu.vector_store %arg7[%parallel_loop3A_595, %parallel_loop3A_596, %parallel_loop3A_597], %parallel_loop3A_482 {strides = array<i32>} : memref<2x16x1024xf32, #tpu.memory_space<vmem>>, vector<16xf32>,
      %parallel_loop3A_599 = arith.constant 16 : i32
      %parallel_loop3A_600 = arith.muli %parallel_loop3A_424, %parallel_loop3A_599 : i32
      %parallel_loop3A_601 = arith.constant 0 : i32
      %parallel_loop3A_602 = arith.constant 13 : i32
      %parallel_loop3A_603 = arith.index_cast %parallel_loop3A_601 : i32 to index
      %parallel_loop3A_604 = arith.index_cast %parallel_loop3A_602 : i32 to index
      %parallel_loop3A_605 = arith.index_cast %parallel_loop3A_600 : i32 to index
      %parallel_loop3A_606 = tpu.vector_load %arg7[%parallel_loop3A_603, %parallel_loop3A_604, %parallel_loop3A_605] {strides = array<i32>} : memref<2x16x1024xf32, #tpu.memory_space<vmem>>, vector<16xf32>,
      tpu.vector_store %arg7[%parallel_loop3A_603, %parallel_loop3A_604, %parallel_loop3A_605], %parallel_loop3A_486 {strides = array<i32>} : memref<2x16x1024xf32, #tpu.memory_space<vmem>>, vector<16xf32>,
      %parallel_loop3A_607 = arith.constant 16 : i32
      %parallel_loop3A_608 = arith.muli %parallel_loop3A_424, %parallel_loop3A_607 : i32
      %parallel_loop3A_609 = arith.constant 0 : i32
      %parallel_loop3A_610 = arith.constant 14 : i32
      %parallel_loop3A_611 = arith.index_cast %parallel_loop3A_609 : i32 to index
      %parallel_loop3A_612 = arith.index_cast %parallel_loop3A_610 : i32 to index
      %parallel_loop3A_613 = arith.index_cast %parallel_loop3A_608 : i32 to index
      %parallel_loop3A_614 = tpu.vector_load %arg7[%parallel_loop3A_611, %parallel_loop3A_612, %parallel_loop3A_613] {strides = array<i32>} : memref<2x16x1024xf32, #tpu.memory_space<vmem>>, vector<16xf32>,
      tpu.vector_store %arg7[%parallel_loop3A_611, %parallel_loop3A_612, %parallel_loop3A_613], %parallel_loop3A_490 {strides = array<i32>} : memref<2x16x1024xf32, #tpu.memory_space<vmem>>, vector<16xf32>,
      %parallel_loop3A_615 = arith.constant 16 : i32
      %parallel_loop3A_616 = arith.muli %parallel_loop3A_424, %parallel_loop3A_615 : i32
      %parallel_loop3A_617 = arith.constant 0 : i32
      %parallel_loop3A_618 = arith.constant 15 : i32
      %parallel_loop3A_619 = arith.index_cast %parallel_loop3A_617 : i32 to index
      %parallel_loop3A_620 = arith.index_cast %parallel_loop3A_618 : i32 to index
      %parallel_loop3A_621 = arith.index_cast %parallel_loop3A_616 : i32 to index
      %parallel_loop3A_622 = tpu.vector_load %arg7[%parallel_loop3A_619, %parallel_loop3A_620, %parallel_loop3A_621] {strides = array<i32>} : memref<2x16x1024xf32, #tpu.memory_space<vmem>>, vector<16xf32>,
      tpu.vector_store %arg7[%parallel_loop3A_619, %parallel_loop3A_620, %parallel_loop3A_621], %parallel_loop3A_494 {strides = array<i32>} : memref<2x16x1024xf32, #tpu.memory_space<vmem>>, vector<16xf32>,
    } {sc.loop_unroll_factor = 2 : i64, sc.parallel_access}
    %mul3A_220 = arith.constant 8 : i32
    %mul3A_221 = arith.muli %select_n3A_9, %mul3A_220 : i32
    %add3A_222 = arith.constant 4 : i32
    %add3A_223 = arith.addi %mul3A_221, %add3A_222 : i32
    %mul3A_224 = arith.constant 16 : i32
    %mul3A_225 = arith.muli %select_n3A_30, %mul3A_224 : i32
    %dma_start3A_226 = arith.constant 0 : i32
    %dma_start3A_227 = arith.constant 0 : i32
    %dma_start3A_228 = arith.constant 0 : i32
    %dma_start3A_229 = tpu.memref_slice %arg7[%dma_start3A_226, %dma_start3A_227, %dma_start3A_228] : memref<2x16x1024xf32, #tpu.memory_space<vmem>> -> memref<1x16x1024xf32, #tpu.memory_space<vmem>>
    %dma_start3A_230 = tpu.memref_squeeze %dma_start3A_229 : memref<1x16x1024xf32, #tpu.memory_space<vmem>> -> memref<16x1024xf32, #tpu.memory_space<vmem>>
    %dma_start3A_231 = arith.constant 0 : i32
    %dma_start3A_232 = tpu.memref_slice %arg4[%add3A_223, %mul3A_225, %dma_start3A_231] : memref<64x64x1024xf32, #tpu.memory_space<hbm>> -> memref<1x16x1024xf32, #tpu.memory_space<hbm>>
    %dma_start3A_233 = tpu.memref_squeeze %dma_start3A_232 : memref<1x16x1024xf32, #tpu.memory_space<hbm>> -> memref<16x1024xf32, #tpu.memory_space<hbm>>
    %dma_start3A_234 = arith.constant 0 : i32
    %dma_start3A_235 = tpu.memref_slice %arg4[%add3A_223, %mul3A_225, %dma_start3A_234] : memref<64x64x1024xf32, #tpu.memory_space<hbm>> -> memref<1x16x1024xf32, #tpu.memory_space<hbm>>
    %dma_start3A_236 = tpu.memref_squeeze %dma_start3A_235 : memref<1x16x1024xf32, #tpu.memory_space<hbm>> -> memref<16x1024xf32, #tpu.memory_space<hbm>>
    %dma_start3A_237 = arith.constant 0 : i32
    %dma_start3A_238 = arith.constant 0 : i32
    %dma_start3A_239 = tpu.memref_slice %arg7[%dma_start3A_226, %dma_start3A_237, %dma_start3A_238] : memref<2x16x1024xf32, #tpu.memory_space<vmem>> -> memref<1x16x1024xf32, #tpu.memory_space<vmem>>
    %dma_start3A_240 = tpu.memref_squeeze %dma_start3A_239 : memref<1x16x1024xf32, #tpu.memory_space<vmem>> -> memref<16x1024xf32, #tpu.memory_space<vmem>>
    tpu.enqueue_dma source(%dma_start3A_240 : memref<16x1024xf32, #tpu.memory_space<vmem>>) target(%dma_start3A_236 : memref<16x1024xf32, #tpu.memory_space<hbm>>) target_semaphore(%arg8 : memref<!tpu.dma_semaphore, #tpu.memory_space<semaphore_mem>>)
    %mul3A_241 = arith.constant 8 : i32
    %mul3A_242 = arith.muli %select_n3A_9, %mul3A_241 : i32
    %add3A_243 = arith.constant 5 : i32
    %add3A_244 = arith.addi %mul3A_242, %add3A_243 : i32
    %sub3A_245 = arith.constant 2 : i32
    %sub3A_246 = arith.subi %add3A_244, %sub3A_245 : i32
    %mul3A_247 = arith.constant 16 : i32
    %mul3A_248 = arith.muli %select_n3A_30, %mul3A_247 : i32
    %dma_wait3A_249 = arith.constant 1 : i32
    %dma_wait3A_250 = arith.constant 0 : i32
    %dma_wait3A_251 = arith.constant 0 : i32
    %dma_wait3A_252 = tpu.memref_slice %arg7[%dma_wait3A_249, %dma_wait3A_250, %dma_wait3A_251] : memref<2x16x1024xf32, #tpu.memory_space<vmem>> -> memref<1x16x1024xf32, #tpu.memory_space<vmem>>
    %dma_wait3A_253 = tpu.memref_squeeze %dma_wait3A_252 : memref<1x16x1024xf32, #tpu.memory_space<vmem>> -> memref<16x1024xf32, #tpu.memory_space<vmem>>
    %dma_wait3A_254 = arith.constant 0 : i32
    %dma_wait3A_255 = tpu.memref_slice %arg4[%sub3A_246, %mul3A_248, %dma_wait3A_254] : memref<64x64x1024xf32, #tpu.memory_space<hbm>> -> memref<1x16x1024xf32, #tpu.memory_space<hbm>>
    %dma_wait3A_256 = tpu.memref_squeeze %dma_wait3A_255 : memref<1x16x1024xf32, #tpu.memory_space<hbm>> -> memref<16x1024xf32, #tpu.memory_space<hbm>>
    %dma_wait3A_257 = arith.constant 0 : i32
    %dma_wait3A_258 = tpu.memref_slice %arg4[%sub3A_246, %mul3A_248, %dma_wait3A_257] : memref<64x64x1024xf32, #tpu.memory_space<hbm>> -> memref<1x16x1024xf32, #tpu.memory_space<hbm>>
    %dma_wait3A_259 = tpu.memref_squeeze %dma_wait3A_258 : memref<1x16x1024xf32, #tpu.memory_space<hbm>> -> memref<16x1024xf32, #tpu.memory_space<hbm>>
    %dma_wait3A_260 = arith.constant 0 : i32
    %dma_wait3A_261 = arith.constant 0 : i32
    %dma_wait3A_262 = tpu.memref_slice %arg7[%dma_wait3A_249, %dma_wait3A_260, %dma_wait3A_261] : memref<2x16x1024xf32, #tpu.memory_space<vmem>> -> memref<1x16x1024xf32, #tpu.memory_space<vmem>>
    %dma_wait3A_263 = tpu.memref_squeeze %dma_wait3A_262 : memref<1x16x1024xf32, #tpu.memory_space<vmem>> -> memref<16x1024xf32, #tpu.memory_space<vmem>>
    tpu.wait_dma2 semaphore(%arg8 : memref<!tpu.dma_semaphore, #tpu.memory_space<semaphore_mem>>) src(%dma_wait3A_263 : memref<16x1024xf32, #tpu.memory_space<vmem>>) dst(%dma_wait3A_259 : memref<16x1024xf32, #tpu.memory_space<hbm>>)
    %parallel_loop3A_264 = arith.constant 0 : i32
    %parallel_loop3A_265 = arith.constant 64 : i32
    %parallel_loop3A_266 = arith.constant 1 : i32
    scf.for %parallel_loop3A_424 = %parallel_loop3A_264 to %parallel_loop3A_265 step %parallel_loop3A_266  : i32 {
      %parallel_loop3A_425 = arith.constant 16 : i32
      %parallel_loop3A_426 = arith.muli %parallel_loop3A_424, %parallel_loop3A_425 : i32
      %parallel_loop3A_427 = arith.constant 5120 : i32
      %parallel_loop3A_428 = arith.addi %parallel_loop3A_427, %parallel_loop3A_426 : i32
      %parallel_loop3A_429 = arith.index_cast %parallel_loop3A_428 : i32 to index
      %parallel_loop3A_430 = tpu.vector_load %arg5[%parallel_loop3A_429] {strides = array<i32>} : memref<8192xi32, #tpu.memory_space<vmem>>, vector<16xi32>,
      %parallel_loop3A_431 = arith.constant 0 : i32
      %parallel_loop3A_432 = vector.broadcast %parallel_loop3A_431 : i32 to vector<16xi32>
      %parallel_loop3A_433 = arith.addi %parallel_loop3A_430, %parallel_loop3A_432 : vector<16xi32>
      %parallel_loop3A_434 = tpu.vector_load_idx %arg6[%parallel_loop3A_433] : memref<16384xf32, #tpu.memory_space<vmem>>[vector<16xi32>], vector<16xf32>,
      %parallel_loop3A_435 = arith.constant 1024 : i32
      %parallel_loop3A_436 = vector.broadcast %parallel_loop3A_435 : i32 to vector<16xi32>
      %parallel_loop3A_437 = arith.addi %parallel_loop3A_430, %parallel_loop3A_436 : vector<16xi32>
      %parallel_loop3A_438 = tpu.vector_load_idx %arg6[%parallel_loop3A_437] : memref<16384xf32, #tpu.memory_space<vmem>>[vector<16xi32>], vector<16xf32>,
      %parallel_loop3A_439 = arith.constant 2048 : i32
      %parallel_loop3A_440 = vector.broadcast %parallel_loop3A_439 : i32 to vector<16xi32>
      %parallel_loop3A_441 = arith.addi %parallel_loop3A_430, %parallel_loop3A_440 : vector<16xi32>
      %parallel_loop3A_442 = tpu.vector_load_idx %arg6[%parallel_loop3A_441] : memref<16384xf32, #tpu.memory_space<vmem>>[vector<16xi32>], vector<16xf32>,
      %parallel_loop3A_443 = arith.constant 3072 : i32
      %parallel_loop3A_444 = vector.broadcast %parallel_loop3A_443 : i32 to vector<16xi32>
      %parallel_loop3A_445 = arith.addi %parallel_loop3A_430, %parallel_loop3A_444 : vector<16xi32>
      %parallel_loop3A_446 = tpu.vector_load_idx %arg6[%parallel_loop3A_445] : memref<16384xf32, #tpu.memory_space<vmem>>[vector<16xi32>], vector<16xf32>,
      %parallel_loop3A_447 = arith.constant 4096 : i32
      %parallel_loop3A_448 = vector.broadcast %parallel_loop3A_447 : i32 to vector<16xi32>
      %parallel_loop3A_449 = arith.addi %parallel_loop3A_430, %parallel_loop3A_448 : vector<16xi32>
      %parallel_loop3A_450 = tpu.vector_load_idx %arg6[%parallel_loop3A_449] : memref<16384xf32, #tpu.memory_space<vmem>>[vector<16xi32>], vector<16xf32>,
      %parallel_loop3A_451 = arith.constant 5120 : i32
      %parallel_loop3A_452 = vector.broadcast %parallel_loop3A_451 : i32 to vector<16xi32>
      %parallel_loop3A_453 = arith.addi %parallel_loop3A_430, %parallel_loop3A_452 : vector<16xi32>
      %parallel_loop3A_454 = tpu.vector_load_idx %arg6[%parallel_loop3A_453] : memref<16384xf32, #tpu.memory_space<vmem>>[vector<16xi32>], vector<16xf32>,
      %parallel_loop3A_455 = arith.constant 6144 : i32
      %parallel_loop3A_456 = vector.broadcast %parallel_loop3A_455 : i32 to vector<16xi32>
      %parallel_loop3A_457 = arith.addi %parallel_loop3A_430, %parallel_loop3A_456 : vector<16xi32>
      %parallel_loop3A_458 = tpu.vector_load_idx %arg6[%parallel_loop3A_457] : memref<16384xf32, #tpu.memory_space<vmem>>[vector<16xi32>], vector<16xf32>,
      %parallel_loop3A_459 = arith.constant 7168 : i32
      %parallel_loop3A_460 = vector.broadcast %parallel_loop3A_459 : i32 to vector<16xi32>
      %parallel_loop3A_461 = arith.addi %parallel_loop3A_430, %parallel_loop3A_460 : vector<16xi32>
      %parallel_loop3A_462 = tpu.vector_load_idx %arg6[%parallel_loop3A_461] : memref<16384xf32, #tpu.memory_space<vmem>>[vector<16xi32>], vector<16xf32>,
      %parallel_loop3A_463 = arith.constant 8192 : i32
      %parallel_loop3A_464 = vector.broadcast %parallel_loop3A_463 : i32 to vector<16xi32>
      %parallel_loop3A_465 = arith.addi %parallel_loop3A_430, %parallel_loop3A_464 : vector<16xi32>
      %parallel_loop3A_466 = tpu.vector_load_idx %arg6[%parallel_loop3A_465] : memref<16384xf32, #tpu.memory_space<vmem>>[vector<16xi32>], vector<16xf32>,
      %parallel_loop3A_467 = arith.constant 9216 : i32
      %parallel_loop3A_468 = vector.broadcast %parallel_loop3A_467 : i32 to vector<16xi32>
      %parallel_loop3A_469 = arith.addi %parallel_loop3A_430, %parallel_loop3A_468 : vector<16xi32>
      %parallel_loop3A_470 = tpu.vector_load_idx %arg6[%parallel_loop3A_469] : memref<16384xf32, #tpu.memory_space<vmem>>[vector<16xi32>], vector<16xf32>,
      %parallel_loop3A_471 = arith.constant 10240 : i32
      %parallel_loop3A_472 = vector.broadcast %parallel_loop3A_471 : i32 to vector<16xi32>
      %parallel_loop3A_473 = arith.addi %parallel_loop3A_430, %parallel_loop3A_472 : vector<16xi32>
      %parallel_loop3A_474 = tpu.vector_load_idx %arg6[%parallel_loop3A_473] : memref<16384xf32, #tpu.memory_space<vmem>>[vector<16xi32>], vector<16xf32>,
      %parallel_loop3A_475 = arith.constant 11264 : i32
      %parallel_loop3A_476 = vector.broadcast %parallel_loop3A_475 : i32 to vector<16xi32>
      %parallel_loop3A_477 = arith.addi %parallel_loop3A_430, %parallel_loop3A_476 : vector<16xi32>
      %parallel_loop3A_478 = tpu.vector_load_idx %arg6[%parallel_loop3A_477] : memref<16384xf32, #tpu.memory_space<vmem>>[vector<16xi32>], vector<16xf32>,
      %parallel_loop3A_479 = arith.constant 12288 : i32
      %parallel_loop3A_480 = vector.broadcast %parallel_loop3A_479 : i32 to vector<16xi32>
      %parallel_loop3A_481 = arith.addi %parallel_loop3A_430, %parallel_loop3A_480 : vector<16xi32>
      %parallel_loop3A_482 = tpu.vector_load_idx %arg6[%parallel_loop3A_481] : memref<16384xf32, #tpu.memory_space<vmem>>[vector<16xi32>], vector<16xf32>,
      %parallel_loop3A_483 = arith.constant 13312 : i32
      %parallel_loop3A_484 = vector.broadcast %parallel_loop3A_483 : i32 to vector<16xi32>
      %parallel_loop3A_485 = arith.addi %parallel_loop3A_430, %parallel_loop3A_484 : vector<16xi32>
      %parallel_loop3A_486 = tpu.vector_load_idx %arg6[%parallel_loop3A_485] : memref<16384xf32, #tpu.memory_space<vmem>>[vector<16xi32>], vector<16xf32>,
      %parallel_loop3A_487 = arith.constant 14336 : i32
      %parallel_loop3A_488 = vector.broadcast %parallel_loop3A_487 : i32 to vector<16xi32>
      %parallel_loop3A_489 = arith.addi %parallel_loop3A_430, %parallel_loop3A_488 : vector<16xi32>
      %parallel_loop3A_490 = tpu.vector_load_idx %arg6[%parallel_loop3A_489] : memref<16384xf32, #tpu.memory_space<vmem>>[vector<16xi32>], vector<16xf32>,
      %parallel_loop3A_491 = arith.constant 15360 : i32
      %parallel_loop3A_492 = vector.broadcast %parallel_loop3A_491 : i32 to vector<16xi32>
      %parallel_loop3A_493 = arith.addi %parallel_loop3A_430, %parallel_loop3A_492 : vector<16xi32>
      %parallel_loop3A_494 = tpu.vector_load_idx %arg6[%parallel_loop3A_493] : memref<16384xf32, #tpu.memory_space<vmem>>[vector<16xi32>], vector<16xf32>,
      %parallel_loop3A_495 = arith.constant 16 : i32
      %parallel_loop3A_496 = arith.muli %parallel_loop3A_424, %parallel_loop3A_495 : i32
      %parallel_loop3A_497 = arith.constant 1 : i32
      %parallel_loop3A_498 = arith.constant 0 : i32
      %parallel_loop3A_499 = arith.index_cast %parallel_loop3A_497 : i32 to index
      %parallel_loop3A_500 = arith.index_cast %parallel_loop3A_498 : i32 to index
      %parallel_loop3A_501 = arith.index_cast %parallel_loop3A_496 : i32 to index
      %parallel_loop3A_502 = tpu.vector_load %arg7[%parallel_loop3A_499, %parallel_loop3A_500, %parallel_loop3A_501] {strides = array<i32>} : memref<2x16x1024xf32, #tpu.memory_space<vmem>>, vector<16xf32>,
      tpu.vector_store %arg7[%parallel_loop3A_499, %parallel_loop3A_500, %parallel_loop3A_501], %parallel_loop3A_434 {strides = array<i32>} : memref<2x16x1024xf32, #tpu.memory_space<vmem>>, vector<16xf32>,
      %parallel_loop3A_503 = arith.constant 16 : i32
      %parallel_loop3A_504 = arith.muli %parallel_loop3A_424, %parallel_loop3A_503 : i32
      %parallel_loop3A_505 = arith.constant 1 : i32
      %parallel_loop3A_506 = arith.constant 1 : i32
      %parallel_loop3A_507 = arith.index_cast %parallel_loop3A_505 : i32 to index
      %parallel_loop3A_508 = arith.index_cast %parallel_loop3A_506 : i32 to index
      %parallel_loop3A_509 = arith.index_cast %parallel_loop3A_504 : i32 to index
      %parallel_loop3A_510 = tpu.vector_load %arg7[%parallel_loop3A_507, %parallel_loop3A_508, %parallel_loop3A_509] {strides = array<i32>} : memref<2x16x1024xf32, #tpu.memory_space<vmem>>, vector<16xf32>,
      tpu.vector_store %arg7[%parallel_loop3A_507, %parallel_loop3A_508, %parallel_loop3A_509], %parallel_loop3A_438 {strides = array<i32>} : memref<2x16x1024xf32, #tpu.memory_space<vmem>>, vector<16xf32>,
      %parallel_loop3A_511 = arith.constant 16 : i32
      %parallel_loop3A_512 = arith.muli %parallel_loop3A_424, %parallel_loop3A_511 : i32
      %parallel_loop3A_513 = arith.constant 1 : i32
      %parallel_loop3A_514 = arith.constant 2 : i32
      %parallel_loop3A_515 = arith.index_cast %parallel_loop3A_513 : i32 to index
      %parallel_loop3A_516 = arith.index_cast %parallel_loop3A_514 : i32 to index
      %parallel_loop3A_517 = arith.index_cast %parallel_loop3A_512 : i32 to index
      %parallel_loop3A_518 = tpu.vector_load %arg7[%parallel_loop3A_515, %parallel_loop3A_516, %parallel_loop3A_517] {strides = array<i32>} : memref<2x16x1024xf32, #tpu.memory_space<vmem>>, vector<16xf32>,
      tpu.vector_store %arg7[%parallel_loop3A_515, %parallel_loop3A_516, %parallel_loop3A_517], %parallel_loop3A_442 {strides = array<i32>} : memref<2x16x1024xf32, #tpu.memory_space<vmem>>, vector<16xf32>,
      %parallel_loop3A_519 = arith.constant 16 : i32
      %parallel_loop3A_520 = arith.muli %parallel_loop3A_424, %parallel_loop3A_519 : i32
      %parallel_loop3A_521 = arith.constant 1 : i32
      %parallel_loop3A_522 = arith.constant 3 : i32
      %parallel_loop3A_523 = arith.index_cast %parallel_loop3A_521 : i32 to index
      %parallel_loop3A_524 = arith.index_cast %parallel_loop3A_522 : i32 to index
      %parallel_loop3A_525 = arith.index_cast %parallel_loop3A_520 : i32 to index
      %parallel_loop3A_526 = tpu.vector_load %arg7[%parallel_loop3A_523, %parallel_loop3A_524, %parallel_loop3A_525] {strides = array<i32>} : memref<2x16x1024xf32, #tpu.memory_space<vmem>>, vector<16xf32>,
      tpu.vector_store %arg7[%parallel_loop3A_523, %parallel_loop3A_524, %parallel_loop3A_525], %parallel_loop3A_446 {strides = array<i32>} : memref<2x16x1024xf32, #tpu.memory_space<vmem>>, vector<16xf32>,
      %parallel_loop3A_527 = arith.constant 16 : i32
      %parallel_loop3A_528 = arith.muli %parallel_loop3A_424, %parallel_loop3A_527 : i32
      %parallel_loop3A_529 = arith.constant 1 : i32
      %parallel_loop3A_530 = arith.constant 4 : i32
      %parallel_loop3A_531 = arith.index_cast %parallel_loop3A_529 : i32 to index
      %parallel_loop3A_532 = arith.index_cast %parallel_loop3A_530 : i32 to index
      %parallel_loop3A_533 = arith.index_cast %parallel_loop3A_528 : i32 to index
      %parallel_loop3A_534 = tpu.vector_load %arg7[%parallel_loop3A_531, %parallel_loop3A_532, %parallel_loop3A_533] {strides = array<i32>} : memref<2x16x1024xf32, #tpu.memory_space<vmem>>, vector<16xf32>,
      tpu.vector_store %arg7[%parallel_loop3A_531, %parallel_loop3A_532, %parallel_loop3A_533], %parallel_loop3A_450 {strides = array<i32>} : memref<2x16x1024xf32, #tpu.memory_space<vmem>>, vector<16xf32>,
      %parallel_loop3A_535 = arith.constant 16 : i32
      %parallel_loop3A_536 = arith.muli %parallel_loop3A_424, %parallel_loop3A_535 : i32
      %parallel_loop3A_537 = arith.constant 1 : i32
      %parallel_loop3A_538 = arith.constant 5 : i32
      %parallel_loop3A_539 = arith.index_cast %parallel_loop3A_537 : i32 to index
      %parallel_loop3A_540 = arith.index_cast %parallel_loop3A_538 : i32 to index
      %parallel_loop3A_541 = arith.index_cast %parallel_loop3A_536 : i32 to index
      %parallel_loop3A_542 = tpu.vector_load %arg7[%parallel_loop3A_539, %parallel_loop3A_540, %parallel_loop3A_541] {strides = array<i32>} : memref<2x16x1024xf32, #tpu.memory_space<vmem>>, vector<16xf32>,
      tpu.vector_store %arg7[%parallel_loop3A_539, %parallel_loop3A_540, %parallel_loop3A_541], %parallel_loop3A_454 {strides = array<i32>} : memref<2x16x1024xf32, #tpu.memory_space<vmem>>, vector<16xf32>,
      %parallel_loop3A_543 = arith.constant 16 : i32
      %parallel_loop3A_544 = arith.muli %parallel_loop3A_424, %parallel_loop3A_543 : i32
      %parallel_loop3A_545 = arith.constant 1 : i32
      %parallel_loop3A_546 = arith.constant 6 : i32
      %parallel_loop3A_547 = arith.index_cast %parallel_loop3A_545 : i32 to index
      %parallel_loop3A_548 = arith.index_cast %parallel_loop3A_546 : i32 to index
      %parallel_loop3A_549 = arith.index_cast %parallel_loop3A_544 : i32 to index
      %parallel_loop3A_550 = tpu.vector_load %arg7[%parallel_loop3A_547, %parallel_loop3A_548, %parallel_loop3A_549] {strides = array<i32>} : memref<2x16x1024xf32, #tpu.memory_space<vmem>>, vector<16xf32>,
      tpu.vector_store %arg7[%parallel_loop3A_547, %parallel_loop3A_548, %parallel_loop3A_549], %parallel_loop3A_458 {strides = array<i32>} : memref<2x16x1024xf32, #tpu.memory_space<vmem>>, vector<16xf32>,
      %parallel_loop3A_551 = arith.constant 16 : i32
      %parallel_loop3A_552 = arith.muli %parallel_loop3A_424, %parallel_loop3A_551 : i32
      %parallel_loop3A_553 = arith.constant 1 : i32
      %parallel_loop3A_554 = arith.constant 7 : i32
      %parallel_loop3A_555 = arith.index_cast %parallel_loop3A_553 : i32 to index
      %parallel_loop3A_556 = arith.index_cast %parallel_loop3A_554 : i32 to index
      %parallel_loop3A_557 = arith.index_cast %parallel_loop3A_552 : i32 to index
      %parallel_loop3A_558 = tpu.vector_load %arg7[%parallel_loop3A_555, %parallel_loop3A_556, %parallel_loop3A_557] {strides = array<i32>} : memref<2x16x1024xf32, #tpu.memory_space<vmem>>, vector<16xf32>,
      tpu.vector_store %arg7[%parallel_loop3A_555, %parallel_loop3A_556, %parallel_loop3A_557], %parallel_loop3A_462 {strides = array<i32>} : memref<2x16x1024xf32, #tpu.memory_space<vmem>>, vector<16xf32>,
      %parallel_loop3A_559 = arith.constant 16 : i32
      %parallel_loop3A_560 = arith.muli %parallel_loop3A_424, %parallel_loop3A_559 : i32
      %parallel_loop3A_561 = arith.constant 1 : i32
      %parallel_loop3A_562 = arith.constant 8 : i32
      %parallel_loop3A_563 = arith.index_cast %parallel_loop3A_561 : i32 to index
      %parallel_loop3A_564 = arith.index_cast %parallel_loop3A_562 : i32 to index
      %parallel_loop3A_565 = arith.index_cast %parallel_loop3A_560 : i32 to index
      %parallel_loop3A_566 = tpu.vector_load %arg7[%parallel_loop3A_563, %parallel_loop3A_564, %parallel_loop3A_565] {strides = array<i32>} : memref<2x16x1024xf32, #tpu.memory_space<vmem>>, vector<16xf32>,
      tpu.vector_store %arg7[%parallel_loop3A_563, %parallel_loop3A_564, %parallel_loop3A_565], %parallel_loop3A_466 {strides = array<i32>} : memref<2x16x1024xf32, #tpu.memory_space<vmem>>, vector<16xf32>,
      %parallel_loop3A_567 = arith.constant 16 : i32
      %parallel_loop3A_568 = arith.muli %parallel_loop3A_424, %parallel_loop3A_567 : i32
      %parallel_loop3A_569 = arith.constant 1 : i32
      %parallel_loop3A_570 = arith.constant 9 : i32
      %parallel_loop3A_571 = arith.index_cast %parallel_loop3A_569 : i32 to index
      %parallel_loop3A_572 = arith.index_cast %parallel_loop3A_570 : i32 to index
      %parallel_loop3A_573 = arith.index_cast %parallel_loop3A_568 : i32 to index
      %parallel_loop3A_574 = tpu.vector_load %arg7[%parallel_loop3A_571, %parallel_loop3A_572, %parallel_loop3A_573] {strides = array<i32>} : memref<2x16x1024xf32, #tpu.memory_space<vmem>>, vector<16xf32>,
      tpu.vector_store %arg7[%parallel_loop3A_571, %parallel_loop3A_572, %parallel_loop3A_573], %parallel_loop3A_470 {strides = array<i32>} : memref<2x16x1024xf32, #tpu.memory_space<vmem>>, vector<16xf32>,
      %parallel_loop3A_575 = arith.constant 16 : i32
      %parallel_loop3A_576 = arith.muli %parallel_loop3A_424, %parallel_loop3A_575 : i32
      %parallel_loop3A_577 = arith.constant 1 : i32
      %parallel_loop3A_578 = arith.constant 10 : i32
      %parallel_loop3A_579 = arith.index_cast %parallel_loop3A_577 : i32 to index
      %parallel_loop3A_580 = arith.index_cast %parallel_loop3A_578 : i32 to index
      %parallel_loop3A_581 = arith.index_cast %parallel_loop3A_576 : i32 to index
      %parallel_loop3A_582 = tpu.vector_load %arg7[%parallel_loop3A_579, %parallel_loop3A_580, %parallel_loop3A_581] {strides = array<i32>} : memref<2x16x1024xf32, #tpu.memory_space<vmem>>, vector<16xf32>,
      tpu.vector_store %arg7[%parallel_loop3A_579, %parallel_loop3A_580, %parallel_loop3A_581], %parallel_loop3A_474 {strides = array<i32>} : memref<2x16x1024xf32, #tpu.memory_space<vmem>>, vector<16xf32>,
      %parallel_loop3A_583 = arith.constant 16 : i32
      %parallel_loop3A_584 = arith.muli %parallel_loop3A_424, %parallel_loop3A_583 : i32
      %parallel_loop3A_585 = arith.constant 1 : i32
      %parallel_loop3A_586 = arith.constant 11 : i32
      %parallel_loop3A_587 = arith.index_cast %parallel_loop3A_585 : i32 to index
      %parallel_loop3A_588 = arith.index_cast %parallel_loop3A_586 : i32 to index
      %parallel_loop3A_589 = arith.index_cast %parallel_loop3A_584 : i32 to index
      %parallel_loop3A_590 = tpu.vector_load %arg7[%parallel_loop3A_587, %parallel_loop3A_588, %parallel_loop3A_589] {strides = array<i32>} : memref<2x16x1024xf32, #tpu.memory_space<vmem>>, vector<16xf32>,
      tpu.vector_store %arg7[%parallel_loop3A_587, %parallel_loop3A_588, %parallel_loop3A_589], %parallel_loop3A_478 {strides = array<i32>} : memref<2x16x1024xf32, #tpu.memory_space<vmem>>, vector<16xf32>,
      %parallel_loop3A_591 = arith.constant 16 : i32
      %parallel_loop3A_592 = arith.muli %parallel_loop3A_424, %parallel_loop3A_591 : i32
      %parallel_loop3A_593 = arith.constant 1 : i32
      %parallel_loop3A_594 = arith.constant 12 : i32
      %parallel_loop3A_595 = arith.index_cast %parallel_loop3A_593 : i32 to index
      %parallel_loop3A_596 = arith.index_cast %parallel_loop3A_594 : i32 to index
      %parallel_loop3A_597 = arith.index_cast %parallel_loop3A_592 : i32 to index
      %parallel_loop3A_598 = tpu.vector_load %arg7[%parallel_loop3A_595, %parallel_loop3A_596, %parallel_loop3A_597] {strides = array<i32>} : memref<2x16x1024xf32, #tpu.memory_space<vmem>>, vector<16xf32>,
      tpu.vector_store %arg7[%parallel_loop3A_595, %parallel_loop3A_596, %parallel_loop3A_597], %parallel_loop3A_482 {strides = array<i32>} : memref<2x16x1024xf32, #tpu.memory_space<vmem>>, vector<16xf32>,
      %parallel_loop3A_599 = arith.constant 16 : i32
      %parallel_loop3A_600 = arith.muli %parallel_loop3A_424, %parallel_loop3A_599 : i32
      %parallel_loop3A_601 = arith.constant 1 : i32
      %parallel_loop3A_602 = arith.constant 13 : i32
      %parallel_loop3A_603 = arith.index_cast %parallel_loop3A_601 : i32 to index
      %parallel_loop3A_604 = arith.index_cast %parallel_loop3A_602 : i32 to index
      %parallel_loop3A_605 = arith.index_cast %parallel_loop3A_600 : i32 to index
      %parallel_loop3A_606 = tpu.vector_load %arg7[%parallel_loop3A_603, %parallel_loop3A_604, %parallel_loop3A_605] {strides = array<i32>} : memref<2x16x1024xf32, #tpu.memory_space<vmem>>, vector<16xf32>,
      tpu.vector_store %arg7[%parallel_loop3A_603, %parallel_loop3A_604, %parallel_loop3A_605], %parallel_loop3A_486 {strides = array<i32>} : memref<2x16x1024xf32, #tpu.memory_space<vmem>>, vector<16xf32>,
      %parallel_loop3A_607 = arith.constant 16 : i32
      %parallel_loop3A_608 = arith.muli %parallel_loop3A_424, %parallel_loop3A_607 : i32
      %parallel_loop3A_609 = arith.constant 1 : i32
      %parallel_loop3A_610 = arith.constant 14 : i32
      %parallel_loop3A_611 = arith.index_cast %parallel_loop3A_609 : i32 to index
      %parallel_loop3A_612 = arith.index_cast %parallel_loop3A_610 : i32 to index
      %parallel_loop3A_613 = arith.index_cast %parallel_loop3A_608 : i32 to index
      %parallel_loop3A_614 = tpu.vector_load %arg7[%parallel_loop3A_611, %parallel_loop3A_612, %parallel_loop3A_613] {strides = array<i32>} : memref<2x16x1024xf32, #tpu.memory_space<vmem>>, vector<16xf32>,
      tpu.vector_store %arg7[%parallel_loop3A_611, %parallel_loop3A_612, %parallel_loop3A_613], %parallel_loop3A_490 {strides = array<i32>} : memref<2x16x1024xf32, #tpu.memory_space<vmem>>, vector<16xf32>,
      %parallel_loop3A_615 = arith.constant 16 : i32
      %parallel_loop3A_616 = arith.muli %parallel_loop3A_424, %parallel_loop3A_615 : i32
      %parallel_loop3A_617 = arith.constant 1 : i32
      %parallel_loop3A_618 = arith.constant 15 : i32
      %parallel_loop3A_619 = arith.index_cast %parallel_loop3A_617 : i32 to index
      %parallel_loop3A_620 = arith.index_cast %parallel_loop3A_618 : i32 to index
      %parallel_loop3A_621 = arith.index_cast %parallel_loop3A_616 : i32 to index
      %parallel_loop3A_622 = tpu.vector_load %arg7[%parallel_loop3A_619, %parallel_loop3A_620, %parallel_loop3A_621] {strides = array<i32>} : memref<2x16x1024xf32, #tpu.memory_space<vmem>>, vector<16xf32>,
      tpu.vector_store %arg7[%parallel_loop3A_619, %parallel_loop3A_620, %parallel_loop3A_621], %parallel_loop3A_494 {strides = array<i32>} : memref<2x16x1024xf32, #tpu.memory_space<vmem>>, vector<16xf32>,
    } {sc.loop_unroll_factor = 2 : i64, sc.parallel_access}
    %mul3A_267 = arith.constant 8 : i32
    %mul3A_268 = arith.muli %select_n3A_9, %mul3A_267 : i32
    %add3A_269 = arith.constant 5 : i32
    %add3A_270 = arith.addi %mul3A_268, %add3A_269 : i32
    %mul3A_271 = arith.constant 16 : i32
    %mul3A_272 = arith.muli %select_n3A_30, %mul3A_271 : i32
    %dma_start3A_273 = arith.constant 1 : i32
    %dma_start3A_274 = arith.constant 0 : i32
    %dma_start3A_275 = arith.constant 0 : i32
    %dma_start3A_276 = tpu.memref_slice %arg7[%dma_start3A_273, %dma_start3A_274, %dma_start3A_275] : memref<2x16x1024xf32, #tpu.memory_space<vmem>> -> memref<1x16x1024xf32, #tpu.memory_space<vmem>>
    %dma_start3A_277 = tpu.memref_squeeze %dma_start3A_276 : memref<1x16x1024xf32, #tpu.memory_space<vmem>> -> memref<16x1024xf32, #tpu.memory_space<vmem>>
    %dma_start3A_278 = arith.constant 0 : i32
    %dma_start3A_279 = tpu.memref_slice %arg4[%add3A_270, %mul3A_272, %dma_start3A_278] : memref<64x64x1024xf32, #tpu.memory_space<hbm>> -> memref<1x16x1024xf32, #tpu.memory_space<hbm>>
    %dma_start3A_280 = tpu.memref_squeeze %dma_start3A_279 : memref<1x16x1024xf32, #tpu.memory_space<hbm>> -> memref<16x1024xf32, #tpu.memory_space<hbm>>
    %dma_start3A_281 = arith.constant 0 : i32
    %dma_start3A_282 = tpu.memref_slice %arg4[%add3A_270, %mul3A_272, %dma_start3A_281] : memref<64x64x1024xf32, #tpu.memory_space<hbm>> -> memref<1x16x1024xf32, #tpu.memory_space<hbm>>
    %dma_start3A_283 = tpu.memref_squeeze %dma_start3A_282 : memref<1x16x1024xf32, #tpu.memory_space<hbm>> -> memref<16x1024xf32, #tpu.memory_space<hbm>>
    %dma_start3A_284 = arith.constant 0 : i32
    %dma_start3A_285 = arith.constant 0 : i32
    %dma_start3A_286 = tpu.memref_slice %arg7[%dma_start3A_273, %dma_start3A_284, %dma_start3A_285] : memref<2x16x1024xf32, #tpu.memory_space<vmem>> -> memref<1x16x1024xf32, #tpu.memory_space<vmem>>
    %dma_start3A_287 = tpu.memref_squeeze %dma_start3A_286 : memref<1x16x1024xf32, #tpu.memory_space<vmem>> -> memref<16x1024xf32, #tpu.memory_space<vmem>>
    tpu.enqueue_dma source(%dma_start3A_287 : memref<16x1024xf32, #tpu.memory_space<vmem>>) target(%dma_start3A_283 : memref<16x1024xf32, #tpu.memory_space<hbm>>) target_semaphore(%arg8 : memref<!tpu.dma_semaphore, #tpu.memory_space<semaphore_mem>>)
    %mul3A_288 = arith.constant 8 : i32
    %mul3A_289 = arith.muli %select_n3A_9, %mul3A_288 : i32
    %add3A_290 = arith.constant 6 : i32
    %add3A_291 = arith.addi %mul3A_289, %add3A_290 : i32
    %sub3A_292 = arith.constant 2 : i32
    %sub3A_293 = arith.subi %add3A_291, %sub3A_292 : i32
    %mul3A_294 = arith.constant 16 : i32
    %mul3A_295 = arith.muli %select_n3A_30, %mul3A_294 : i32
    %dma_wait3A_296 = arith.constant 0 : i32
    %dma_wait3A_297 = arith.constant 0 : i32
    %dma_wait3A_298 = arith.constant 0 : i32
    %dma_wait3A_299 = tpu.memref_slice %arg7[%dma_wait3A_296, %dma_wait3A_297, %dma_wait3A_298] : memref<2x16x1024xf32, #tpu.memory_space<vmem>> -> memref<1x16x1024xf32, #tpu.memory_space<vmem>>
    %dma_wait3A_300 = tpu.memref_squeeze %dma_wait3A_299 : memref<1x16x1024xf32, #tpu.memory_space<vmem>> -> memref<16x1024xf32, #tpu.memory_space<vmem>>
    %dma_wait3A_301 = arith.constant 0 : i32
    %dma_wait3A_302 = tpu.memref_slice %arg4[%sub3A_293, %mul3A_295, %dma_wait3A_301] : memref<64x64x1024xf32, #tpu.memory_space<hbm>> -> memref<1x16x1024xf32, #tpu.memory_space<hbm>>
    %dma_wait3A_303 = tpu.memref_squeeze %dma_wait3A_302 : memref<1x16x1024xf32, #tpu.memory_space<hbm>> -> memref<16x1024xf32, #tpu.memory_space<hbm>>
    %dma_wait3A_304 = arith.constant 0 : i32
    %dma_wait3A_305 = tpu.memref_slice %arg4[%sub3A_293, %mul3A_295, %dma_wait3A_304] : memref<64x64x1024xf32, #tpu.memory_space<hbm>> -> memref<1x16x1024xf32, #tpu.memory_space<hbm>>
    %dma_wait3A_306 = tpu.memref_squeeze %dma_wait3A_305 : memref<1x16x1024xf32, #tpu.memory_space<hbm>> -> memref<16x1024xf32, #tpu.memory_space<hbm>>
    %dma_wait3A_307 = arith.constant 0 : i32
    %dma_wait3A_308 = arith.constant 0 : i32
    %dma_wait3A_309 = tpu.memref_slice %arg7[%dma_wait3A_296, %dma_wait3A_307, %dma_wait3A_308] : memref<2x16x1024xf32, #tpu.memory_space<vmem>> -> memref<1x16x1024xf32, #tpu.memory_space<vmem>>
    %dma_wait3A_310 = tpu.memref_squeeze %dma_wait3A_309 : memref<1x16x1024xf32, #tpu.memory_space<vmem>> -> memref<16x1024xf32, #tpu.memory_space<vmem>>
    tpu.wait_dma2 semaphore(%arg8 : memref<!tpu.dma_semaphore, #tpu.memory_space<semaphore_mem>>) src(%dma_wait3A_310 : memref<16x1024xf32, #tpu.memory_space<vmem>>) dst(%dma_wait3A_306 : memref<16x1024xf32, #tpu.memory_space<hbm>>)
    %parallel_loop3A_311 = arith.constant 0 : i32
    %parallel_loop3A_312 = arith.constant 64 : i32
    %parallel_loop3A_313 = arith.constant 1 : i32
    scf.for %parallel_loop3A_424 = %parallel_loop3A_311 to %parallel_loop3A_312 step %parallel_loop3A_313  : i32 {
      %parallel_loop3A_425 = arith.constant 16 : i32
      %parallel_loop3A_426 = arith.muli %parallel_loop3A_424, %parallel_loop3A_425 : i32
      %parallel_loop3A_427 = arith.constant 6144 : i32
      %parallel_loop3A_428 = arith.addi %parallel_loop3A_427, %parallel_loop3A_426 : i32
      %parallel_loop3A_429 = arith.index_cast %parallel_loop3A_428 : i32 to index
      %parallel_loop3A_430 = tpu.vector_load %arg5[%parallel_loop3A_429] {strides = array<i32>} : memref<8192xi32, #tpu.memory_space<vmem>>, vector<16xi32>,
      %parallel_loop3A_431 = arith.constant 0 : i32
      %parallel_loop3A_432 = vector.broadcast %parallel_loop3A_431 : i32 to vector<16xi32>
      %parallel_loop3A_433 = arith.addi %parallel_loop3A_430, %parallel_loop3A_432 : vector<16xi32>
      %parallel_loop3A_434 = tpu.vector_load_idx %arg6[%parallel_loop3A_433] : memref<16384xf32, #tpu.memory_space<vmem>>[vector<16xi32>], vector<16xf32>,
      %parallel_loop3A_435 = arith.constant 1024 : i32
      %parallel_loop3A_436 = vector.broadcast %parallel_loop3A_435 : i32 to vector<16xi32>
      %parallel_loop3A_437 = arith.addi %parallel_loop3A_430, %parallel_loop3A_436 : vector<16xi32>
      %parallel_loop3A_438 = tpu.vector_load_idx %arg6[%parallel_loop3A_437] : memref<16384xf32, #tpu.memory_space<vmem>>[vector<16xi32>], vector<16xf32>,
      %parallel_loop3A_439 = arith.constant 2048 : i32
      %parallel_loop3A_440 = vector.broadcast %parallel_loop3A_439 : i32 to vector<16xi32>
      %parallel_loop3A_441 = arith.addi %parallel_loop3A_430, %parallel_loop3A_440 : vector<16xi32>
      %parallel_loop3A_442 = tpu.vector_load_idx %arg6[%parallel_loop3A_441] : memref<16384xf32, #tpu.memory_space<vmem>>[vector<16xi32>], vector<16xf32>,
      %parallel_loop3A_443 = arith.constant 3072 : i32
      %parallel_loop3A_444 = vector.broadcast %parallel_loop3A_443 : i32 to vector<16xi32>
      %parallel_loop3A_445 = arith.addi %parallel_loop3A_430, %parallel_loop3A_444 : vector<16xi32>
      %parallel_loop3A_446 = tpu.vector_load_idx %arg6[%parallel_loop3A_445] : memref<16384xf32, #tpu.memory_space<vmem>>[vector<16xi32>], vector<16xf32>,
      %parallel_loop3A_447 = arith.constant 4096 : i32
      %parallel_loop3A_448 = vector.broadcast %parallel_loop3A_447 : i32 to vector<16xi32>
      %parallel_loop3A_449 = arith.addi %parallel_loop3A_430, %parallel_loop3A_448 : vector<16xi32>
      %parallel_loop3A_450 = tpu.vector_load_idx %arg6[%parallel_loop3A_449] : memref<16384xf32, #tpu.memory_space<vmem>>[vector<16xi32>], vector<16xf32>,
      %parallel_loop3A_451 = arith.constant 5120 : i32
      %parallel_loop3A_452 = vector.broadcast %parallel_loop3A_451 : i32 to vector<16xi32>
      %parallel_loop3A_453 = arith.addi %parallel_loop3A_430, %parallel_loop3A_452 : vector<16xi32>
      %parallel_loop3A_454 = tpu.vector_load_idx %arg6[%parallel_loop3A_453] : memref<16384xf32, #tpu.memory_space<vmem>>[vector<16xi32>], vector<16xf32>,
      %parallel_loop3A_455 = arith.constant 6144 : i32
      %parallel_loop3A_456 = vector.broadcast %parallel_loop3A_455 : i32 to vector<16xi32>
      %parallel_loop3A_457 = arith.addi %parallel_loop3A_430, %parallel_loop3A_456 : vector<16xi32>
      %parallel_loop3A_458 = tpu.vector_load_idx %arg6[%parallel_loop3A_457] : memref<16384xf32, #tpu.memory_space<vmem>>[vector<16xi32>], vector<16xf32>,
      %parallel_loop3A_459 = arith.constant 7168 : i32
      %parallel_loop3A_460 = vector.broadcast %parallel_loop3A_459 : i32 to vector<16xi32>
      %parallel_loop3A_461 = arith.addi %parallel_loop3A_430, %parallel_loop3A_460 : vector<16xi32>
      %parallel_loop3A_462 = tpu.vector_load_idx %arg6[%parallel_loop3A_461] : memref<16384xf32, #tpu.memory_space<vmem>>[vector<16xi32>], vector<16xf32>,
      %parallel_loop3A_463 = arith.constant 8192 : i32
      %parallel_loop3A_464 = vector.broadcast %parallel_loop3A_463 : i32 to vector<16xi32>
      %parallel_loop3A_465 = arith.addi %parallel_loop3A_430, %parallel_loop3A_464 : vector<16xi32>
      %parallel_loop3A_466 = tpu.vector_load_idx %arg6[%parallel_loop3A_465] : memref<16384xf32, #tpu.memory_space<vmem>>[vector<16xi32>], vector<16xf32>,
      %parallel_loop3A_467 = arith.constant 9216 : i32
      %parallel_loop3A_468 = vector.broadcast %parallel_loop3A_467 : i32 to vector<16xi32>
      %parallel_loop3A_469 = arith.addi %parallel_loop3A_430, %parallel_loop3A_468 : vector<16xi32>
      %parallel_loop3A_470 = tpu.vector_load_idx %arg6[%parallel_loop3A_469] : memref<16384xf32, #tpu.memory_space<vmem>>[vector<16xi32>], vector<16xf32>,
      %parallel_loop3A_471 = arith.constant 10240 : i32
      %parallel_loop3A_472 = vector.broadcast %parallel_loop3A_471 : i32 to vector<16xi32>
      %parallel_loop3A_473 = arith.addi %parallel_loop3A_430, %parallel_loop3A_472 : vector<16xi32>
      %parallel_loop3A_474 = tpu.vector_load_idx %arg6[%parallel_loop3A_473] : memref<16384xf32, #tpu.memory_space<vmem>>[vector<16xi32>], vector<16xf32>,
      %parallel_loop3A_475 = arith.constant 11264 : i32
      %parallel_loop3A_476 = vector.broadcast %parallel_loop3A_475 : i32 to vector<16xi32>
      %parallel_loop3A_477 = arith.addi %parallel_loop3A_430, %parallel_loop3A_476 : vector<16xi32>
      %parallel_loop3A_478 = tpu.vector_load_idx %arg6[%parallel_loop3A_477] : memref<16384xf32, #tpu.memory_space<vmem>>[vector<16xi32>], vector<16xf32>,
      %parallel_loop3A_479 = arith.constant 12288 : i32
      %parallel_loop3A_480 = vector.broadcast %parallel_loop3A_479 : i32 to vector<16xi32>
      %parallel_loop3A_481 = arith.addi %parallel_loop3A_430, %parallel_loop3A_480 : vector<16xi32>
      %parallel_loop3A_482 = tpu.vector_load_idx %arg6[%parallel_loop3A_481] : memref<16384xf32, #tpu.memory_space<vmem>>[vector<16xi32>], vector<16xf32>,
      %parallel_loop3A_483 = arith.constant 13312 : i32
      %parallel_loop3A_484 = vector.broadcast %parallel_loop3A_483 : i32 to vector<16xi32>
      %parallel_loop3A_485 = arith.addi %parallel_loop3A_430, %parallel_loop3A_484 : vector<16xi32>
      %parallel_loop3A_486 = tpu.vector_load_idx %arg6[%parallel_loop3A_485] : memref<16384xf32, #tpu.memory_space<vmem>>[vector<16xi32>], vector<16xf32>,
      %parallel_loop3A_487 = arith.constant 14336 : i32
      %parallel_loop3A_488 = vector.broadcast %parallel_loop3A_487 : i32 to vector<16xi32>
      %parallel_loop3A_489 = arith.addi %parallel_loop3A_430, %parallel_loop3A_488 : vector<16xi32>
      %parallel_loop3A_490 = tpu.vector_load_idx %arg6[%parallel_loop3A_489] : memref<16384xf32, #tpu.memory_space<vmem>>[vector<16xi32>], vector<16xf32>,
      %parallel_loop3A_491 = arith.constant 15360 : i32
      %parallel_loop3A_492 = vector.broadcast %parallel_loop3A_491 : i32 to vector<16xi32>
      %parallel_loop3A_493 = arith.addi %parallel_loop3A_430, %parallel_loop3A_492 : vector<16xi32>
      %parallel_loop3A_494 = tpu.vector_load_idx %arg6[%parallel_loop3A_493] : memref<16384xf32, #tpu.memory_space<vmem>>[vector<16xi32>], vector<16xf32>,
      %parallel_loop3A_495 = arith.constant 16 : i32
      %parallel_loop3A_496 = arith.muli %parallel_loop3A_424, %parallel_loop3A_495 : i32
      %parallel_loop3A_497 = arith.constant 0 : i32
      %parallel_loop3A_498 = arith.constant 0 : i32
      %parallel_loop3A_499 = arith.index_cast %parallel_loop3A_497 : i32 to index
      %parallel_loop3A_500 = arith.index_cast %parallel_loop3A_498 : i32 to index
      %parallel_loop3A_501 = arith.index_cast %parallel_loop3A_496 : i32 to index
      %parallel_loop3A_502 = tpu.vector_load %arg7[%parallel_loop3A_499, %parallel_loop3A_500, %parallel_loop3A_501] {strides = array<i32>} : memref<2x16x1024xf32, #tpu.memory_space<vmem>>, vector<16xf32>,
      tpu.vector_store %arg7[%parallel_loop3A_499, %parallel_loop3A_500, %parallel_loop3A_501], %parallel_loop3A_434 {strides = array<i32>} : memref<2x16x1024xf32, #tpu.memory_space<vmem>>, vector<16xf32>,
      %parallel_loop3A_503 = arith.constant 16 : i32
      %parallel_loop3A_504 = arith.muli %parallel_loop3A_424, %parallel_loop3A_503 : i32
      %parallel_loop3A_505 = arith.constant 0 : i32
      %parallel_loop3A_506 = arith.constant 1 : i32
      %parallel_loop3A_507 = arith.index_cast %parallel_loop3A_505 : i32 to index
      %parallel_loop3A_508 = arith.index_cast %parallel_loop3A_506 : i32 to index
      %parallel_loop3A_509 = arith.index_cast %parallel_loop3A_504 : i32 to index
      %parallel_loop3A_510 = tpu.vector_load %arg7[%parallel_loop3A_507, %parallel_loop3A_508, %parallel_loop3A_509] {strides = array<i32>} : memref<2x16x1024xf32, #tpu.memory_space<vmem>>, vector<16xf32>,
      tpu.vector_store %arg7[%parallel_loop3A_507, %parallel_loop3A_508, %parallel_loop3A_509], %parallel_loop3A_438 {strides = array<i32>} : memref<2x16x1024xf32, #tpu.memory_space<vmem>>, vector<16xf32>,
      %parallel_loop3A_511 = arith.constant 16 : i32
      %parallel_loop3A_512 = arith.muli %parallel_loop3A_424, %parallel_loop3A_511 : i32
      %parallel_loop3A_513 = arith.constant 0 : i32
      %parallel_loop3A_514 = arith.constant 2 : i32
      %parallel_loop3A_515 = arith.index_cast %parallel_loop3A_513 : i32 to index
      %parallel_loop3A_516 = arith.index_cast %parallel_loop3A_514 : i32 to index
      %parallel_loop3A_517 = arith.index_cast %parallel_loop3A_512 : i32 to index
      %parallel_loop3A_518 = tpu.vector_load %arg7[%parallel_loop3A_515, %parallel_loop3A_516, %parallel_loop3A_517] {strides = array<i32>} : memref<2x16x1024xf32, #tpu.memory_space<vmem>>, vector<16xf32>,
      tpu.vector_store %arg7[%parallel_loop3A_515, %parallel_loop3A_516, %parallel_loop3A_517], %parallel_loop3A_442 {strides = array<i32>} : memref<2x16x1024xf32, #tpu.memory_space<vmem>>, vector<16xf32>,
      %parallel_loop3A_519 = arith.constant 16 : i32
      %parallel_loop3A_520 = arith.muli %parallel_loop3A_424, %parallel_loop3A_519 : i32
      %parallel_loop3A_521 = arith.constant 0 : i32
      %parallel_loop3A_522 = arith.constant 3 : i32
      %parallel_loop3A_523 = arith.index_cast %parallel_loop3A_521 : i32 to index
      %parallel_loop3A_524 = arith.index_cast %parallel_loop3A_522 : i32 to index
      %parallel_loop3A_525 = arith.index_cast %parallel_loop3A_520 : i32 to index
      %parallel_loop3A_526 = tpu.vector_load %arg7[%parallel_loop3A_523, %parallel_loop3A_524, %parallel_loop3A_525] {strides = array<i32>} : memref<2x16x1024xf32, #tpu.memory_space<vmem>>, vector<16xf32>,
      tpu.vector_store %arg7[%parallel_loop3A_523, %parallel_loop3A_524, %parallel_loop3A_525], %parallel_loop3A_446 {strides = array<i32>} : memref<2x16x1024xf32, #tpu.memory_space<vmem>>, vector<16xf32>,
      %parallel_loop3A_527 = arith.constant 16 : i32
      %parallel_loop3A_528 = arith.muli %parallel_loop3A_424, %parallel_loop3A_527 : i32
      %parallel_loop3A_529 = arith.constant 0 : i32
      %parallel_loop3A_530 = arith.constant 4 : i32
      %parallel_loop3A_531 = arith.index_cast %parallel_loop3A_529 : i32 to index
      %parallel_loop3A_532 = arith.index_cast %parallel_loop3A_530 : i32 to index
      %parallel_loop3A_533 = arith.index_cast %parallel_loop3A_528 : i32 to index
      %parallel_loop3A_534 = tpu.vector_load %arg7[%parallel_loop3A_531, %parallel_loop3A_532, %parallel_loop3A_533] {strides = array<i32>} : memref<2x16x1024xf32, #tpu.memory_space<vmem>>, vector<16xf32>,
      tpu.vector_store %arg7[%parallel_loop3A_531, %parallel_loop3A_532, %parallel_loop3A_533], %parallel_loop3A_450 {strides = array<i32>} : memref<2x16x1024xf32, #tpu.memory_space<vmem>>, vector<16xf32>,
      %parallel_loop3A_535 = arith.constant 16 : i32
      %parallel_loop3A_536 = arith.muli %parallel_loop3A_424, %parallel_loop3A_535 : i32
      %parallel_loop3A_537 = arith.constant 0 : i32
      %parallel_loop3A_538 = arith.constant 5 : i32
      %parallel_loop3A_539 = arith.index_cast %parallel_loop3A_537 : i32 to index
      %parallel_loop3A_540 = arith.index_cast %parallel_loop3A_538 : i32 to index
      %parallel_loop3A_541 = arith.index_cast %parallel_loop3A_536 : i32 to index
      %parallel_loop3A_542 = tpu.vector_load %arg7[%parallel_loop3A_539, %parallel_loop3A_540, %parallel_loop3A_541] {strides = array<i32>} : memref<2x16x1024xf32, #tpu.memory_space<vmem>>, vector<16xf32>,
      tpu.vector_store %arg7[%parallel_loop3A_539, %parallel_loop3A_540, %parallel_loop3A_541], %parallel_loop3A_454 {strides = array<i32>} : memref<2x16x1024xf32, #tpu.memory_space<vmem>>, vector<16xf32>,
      %parallel_loop3A_543 = arith.constant 16 : i32
      %parallel_loop3A_544 = arith.muli %parallel_loop3A_424, %parallel_loop3A_543 : i32
      %parallel_loop3A_545 = arith.constant 0 : i32
      %parallel_loop3A_546 = arith.constant 6 : i32
      %parallel_loop3A_547 = arith.index_cast %parallel_loop3A_545 : i32 to index
      %parallel_loop3A_548 = arith.index_cast %parallel_loop3A_546 : i32 to index
      %parallel_loop3A_549 = arith.index_cast %parallel_loop3A_544 : i32 to index
      %parallel_loop3A_550 = tpu.vector_load %arg7[%parallel_loop3A_547, %parallel_loop3A_548, %parallel_loop3A_549] {strides = array<i32>} : memref<2x16x1024xf32, #tpu.memory_space<vmem>>, vector<16xf32>,
      tpu.vector_store %arg7[%parallel_loop3A_547, %parallel_loop3A_548, %parallel_loop3A_549], %parallel_loop3A_458 {strides = array<i32>} : memref<2x16x1024xf32, #tpu.memory_space<vmem>>, vector<16xf32>,
      %parallel_loop3A_551 = arith.constant 16 : i32
      %parallel_loop3A_552 = arith.muli %parallel_loop3A_424, %parallel_loop3A_551 : i32
      %parallel_loop3A_553 = arith.constant 0 : i32
      %parallel_loop3A_554 = arith.constant 7 : i32
      %parallel_loop3A_555 = arith.index_cast %parallel_loop3A_553 : i32 to index
      %parallel_loop3A_556 = arith.index_cast %parallel_loop3A_554 : i32 to index
      %parallel_loop3A_557 = arith.index_cast %parallel_loop3A_552 : i32 to index
      %parallel_loop3A_558 = tpu.vector_load %arg7[%parallel_loop3A_555, %parallel_loop3A_556, %parallel_loop3A_557] {strides = array<i32>} : memref<2x16x1024xf32, #tpu.memory_space<vmem>>, vector<16xf32>,
      tpu.vector_store %arg7[%parallel_loop3A_555, %parallel_loop3A_556, %parallel_loop3A_557], %parallel_loop3A_462 {strides = array<i32>} : memref<2x16x1024xf32, #tpu.memory_space<vmem>>, vector<16xf32>,
      %parallel_loop3A_559 = arith.constant 16 : i32
      %parallel_loop3A_560 = arith.muli %parallel_loop3A_424, %parallel_loop3A_559 : i32
      %parallel_loop3A_561 = arith.constant 0 : i32
      %parallel_loop3A_562 = arith.constant 8 : i32
      %parallel_loop3A_563 = arith.index_cast %parallel_loop3A_561 : i32 to index
      %parallel_loop3A_564 = arith.index_cast %parallel_loop3A_562 : i32 to index
      %parallel_loop3A_565 = arith.index_cast %parallel_loop3A_560 : i32 to index
      %parallel_loop3A_566 = tpu.vector_load %arg7[%parallel_loop3A_563, %parallel_loop3A_564, %parallel_loop3A_565] {strides = array<i32>} : memref<2x16x1024xf32, #tpu.memory_space<vmem>>, vector<16xf32>,
      tpu.vector_store %arg7[%parallel_loop3A_563, %parallel_loop3A_564, %parallel_loop3A_565], %parallel_loop3A_466 {strides = array<i32>} : memref<2x16x1024xf32, #tpu.memory_space<vmem>>, vector<16xf32>,
      %parallel_loop3A_567 = arith.constant 16 : i32
      %parallel_loop3A_568 = arith.muli %parallel_loop3A_424, %parallel_loop3A_567 : i32
      %parallel_loop3A_569 = arith.constant 0 : i32
      %parallel_loop3A_570 = arith.constant 9 : i32
      %parallel_loop3A_571 = arith.index_cast %parallel_loop3A_569 : i32 to index
      %parallel_loop3A_572 = arith.index_cast %parallel_loop3A_570 : i32 to index
      %parallel_loop3A_573 = arith.index_cast %parallel_loop3A_568 : i32 to index
      %parallel_loop3A_574 = tpu.vector_load %arg7[%parallel_loop3A_571, %parallel_loop3A_572, %parallel_loop3A_573] {strides = array<i32>} : memref<2x16x1024xf32, #tpu.memory_space<vmem>>, vector<16xf32>,
      tpu.vector_store %arg7[%parallel_loop3A_571, %parallel_loop3A_572, %parallel_loop3A_573], %parallel_loop3A_470 {strides = array<i32>} : memref<2x16x1024xf32, #tpu.memory_space<vmem>>, vector<16xf32>,
      %parallel_loop3A_575 = arith.constant 16 : i32
      %parallel_loop3A_576 = arith.muli %parallel_loop3A_424, %parallel_loop3A_575 : i32
      %parallel_loop3A_577 = arith.constant 0 : i32
      %parallel_loop3A_578 = arith.constant 10 : i32
      %parallel_loop3A_579 = arith.index_cast %parallel_loop3A_577 : i32 to index
      %parallel_loop3A_580 = arith.index_cast %parallel_loop3A_578 : i32 to index
      %parallel_loop3A_581 = arith.index_cast %parallel_loop3A_576 : i32 to index
      %parallel_loop3A_582 = tpu.vector_load %arg7[%parallel_loop3A_579, %parallel_loop3A_580, %parallel_loop3A_581] {strides = array<i32>} : memref<2x16x1024xf32, #tpu.memory_space<vmem>>, vector<16xf32>,
      tpu.vector_store %arg7[%parallel_loop3A_579, %parallel_loop3A_580, %parallel_loop3A_581], %parallel_loop3A_474 {strides = array<i32>} : memref<2x16x1024xf32, #tpu.memory_space<vmem>>, vector<16xf32>,
      %parallel_loop3A_583 = arith.constant 16 : i32
      %parallel_loop3A_584 = arith.muli %parallel_loop3A_424, %parallel_loop3A_583 : i32
      %parallel_loop3A_585 = arith.constant 0 : i32
      %parallel_loop3A_586 = arith.constant 11 : i32
      %parallel_loop3A_587 = arith.index_cast %parallel_loop3A_585 : i32 to index
      %parallel_loop3A_588 = arith.index_cast %parallel_loop3A_586 : i32 to index
      %parallel_loop3A_589 = arith.index_cast %parallel_loop3A_584 : i32 to index
      %parallel_loop3A_590 = tpu.vector_load %arg7[%parallel_loop3A_587, %parallel_loop3A_588, %parallel_loop3A_589] {strides = array<i32>} : memref<2x16x1024xf32, #tpu.memory_space<vmem>>, vector<16xf32>,
      tpu.vector_store %arg7[%parallel_loop3A_587, %parallel_loop3A_588, %parallel_loop3A_589], %parallel_loop3A_478 {strides = array<i32>} : memref<2x16x1024xf32, #tpu.memory_space<vmem>>, vector<16xf32>,
      %parallel_loop3A_591 = arith.constant 16 : i32
      %parallel_loop3A_592 = arith.muli %parallel_loop3A_424, %parallel_loop3A_591 : i32
      %parallel_loop3A_593 = arith.constant 0 : i32
      %parallel_loop3A_594 = arith.constant 12 : i32
      %parallel_loop3A_595 = arith.index_cast %parallel_loop3A_593 : i32 to index
      %parallel_loop3A_596 = arith.index_cast %parallel_loop3A_594 : i32 to index
      %parallel_loop3A_597 = arith.index_cast %parallel_loop3A_592 : i32 to index
      %parallel_loop3A_598 = tpu.vector_load %arg7[%parallel_loop3A_595, %parallel_loop3A_596, %parallel_loop3A_597] {strides = array<i32>} : memref<2x16x1024xf32, #tpu.memory_space<vmem>>, vector<16xf32>,
      tpu.vector_store %arg7[%parallel_loop3A_595, %parallel_loop3A_596, %parallel_loop3A_597], %parallel_loop3A_482 {strides = array<i32>} : memref<2x16x1024xf32, #tpu.memory_space<vmem>>, vector<16xf32>,
      %parallel_loop3A_599 = arith.constant 16 : i32
      %parallel_loop3A_600 = arith.muli %parallel_loop3A_424, %parallel_loop3A_599 : i32
      %parallel_loop3A_601 = arith.constant 0 : i32
      %parallel_loop3A_602 = arith.constant 13 : i32
      %parallel_loop3A_603 = arith.index_cast %parallel_loop3A_601 : i32 to index
      %parallel_loop3A_604 = arith.index_cast %parallel_loop3A_602 : i32 to index
      %parallel_loop3A_605 = arith.index_cast %parallel_loop3A_600 : i32 to index
      %parallel_loop3A_606 = tpu.vector_load %arg7[%parallel_loop3A_603, %parallel_loop3A_604, %parallel_loop3A_605] {strides = array<i32>} : memref<2x16x1024xf32, #tpu.memory_space<vmem>>, vector<16xf32>,
      tpu.vector_store %arg7[%parallel_loop3A_603, %parallel_loop3A_604, %parallel_loop3A_605], %parallel_loop3A_486 {strides = array<i32>} : memref<2x16x1024xf32, #tpu.memory_space<vmem>>, vector<16xf32>,
      %parallel_loop3A_607 = arith.constant 16 : i32
      %parallel_loop3A_608 = arith.muli %parallel_loop3A_424, %parallel_loop3A_607 : i32
      %parallel_loop3A_609 = arith.constant 0 : i32
      %parallel_loop3A_610 = arith.constant 14 : i32
      %parallel_loop3A_611 = arith.index_cast %parallel_loop3A_609 : i32 to index
      %parallel_loop3A_612 = arith.index_cast %parallel_loop3A_610 : i32 to index
      %parallel_loop3A_613 = arith.index_cast %parallel_loop3A_608 : i32 to index
      %parallel_loop3A_614 = tpu.vector_load %arg7[%parallel_loop3A_611, %parallel_loop3A_612, %parallel_loop3A_613] {strides = array<i32>} : memref<2x16x1024xf32, #tpu.memory_space<vmem>>, vector<16xf32>,
      tpu.vector_store %arg7[%parallel_loop3A_611, %parallel_loop3A_612, %parallel_loop3A_613], %parallel_loop3A_490 {strides = array<i32>} : memref<2x16x1024xf32, #tpu.memory_space<vmem>>, vector<16xf32>,
      %parallel_loop3A_615 = arith.constant 16 : i32
      %parallel_loop3A_616 = arith.muli %parallel_loop3A_424, %parallel_loop3A_615 : i32
      %parallel_loop3A_617 = arith.constant 0 : i32
      %parallel_loop3A_618 = arith.constant 15 : i32
      %parallel_loop3A_619 = arith.index_cast %parallel_loop3A_617 : i32 to index
      %parallel_loop3A_620 = arith.index_cast %parallel_loop3A_618 : i32 to index
      %parallel_loop3A_621 = arith.index_cast %parallel_loop3A_616 : i32 to index
      %parallel_loop3A_622 = tpu.vector_load %arg7[%parallel_loop3A_619, %parallel_loop3A_620, %parallel_loop3A_621] {strides = array<i32>} : memref<2x16x1024xf32, #tpu.memory_space<vmem>>, vector<16xf32>,
      tpu.vector_store %arg7[%parallel_loop3A_619, %parallel_loop3A_620, %parallel_loop3A_621], %parallel_loop3A_494 {strides = array<i32>} : memref<2x16x1024xf32, #tpu.memory_space<vmem>>, vector<16xf32>,
    } {sc.loop_unroll_factor = 2 : i64, sc.parallel_access}
    %mul3A_314 = arith.constant 8 : i32
    %mul3A_315 = arith.muli %select_n3A_9, %mul3A_314 : i32
    %add3A_316 = arith.constant 6 : i32
    %add3A_317 = arith.addi %mul3A_315, %add3A_316 : i32
    %mul3A_318 = arith.constant 16 : i32
    %mul3A_319 = arith.muli %select_n3A_30, %mul3A_318 : i32
    %dma_start3A_320 = arith.constant 0 : i32
    %dma_start3A_321 = arith.constant 0 : i32
    %dma_start3A_322 = arith.constant 0 : i32
    %dma_start3A_323 = tpu.memref_slice %arg7[%dma_start3A_320, %dma_start3A_321, %dma_start3A_322] : memref<2x16x1024xf32, #tpu.memory_space<vmem>> -> memref<1x16x1024xf32, #tpu.memory_space<vmem>>
    %dma_start3A_324 = tpu.memref_squeeze %dma_start3A_323 : memref<1x16x1024xf32, #tpu.memory_space<vmem>> -> memref<16x1024xf32, #tpu.memory_space<vmem>>
    %dma_start3A_325 = arith.constant 0 : i32
    %dma_start3A_326 = tpu.memref_slice %arg4[%add3A_317, %mul3A_319, %dma_start3A_325] : memref<64x64x1024xf32, #tpu.memory_space<hbm>> -> memref<1x16x1024xf32, #tpu.memory_space<hbm>>
    %dma_start3A_327 = tpu.memref_squeeze %dma_start3A_326 : memref<1x16x1024xf32, #tpu.memory_space<hbm>> -> memref<16x1024xf32, #tpu.memory_space<hbm>>
    %dma_start3A_328 = arith.constant 0 : i32
    %dma_start3A_329 = tpu.memref_slice %arg4[%add3A_317, %mul3A_319, %dma_start3A_328] : memref<64x64x1024xf32, #tpu.memory_space<hbm>> -> memref<1x16x1024xf32, #tpu.memory_space<hbm>>
    %dma_start3A_330 = tpu.memref_squeeze %dma_start3A_329 : memref<1x16x1024xf32, #tpu.memory_space<hbm>> -> memref<16x1024xf32, #tpu.memory_space<hbm>>
    %dma_start3A_331 = arith.constant 0 : i32
    %dma_start3A_332 = arith.constant 0 : i32
    %dma_start3A_333 = tpu.memref_slice %arg7[%dma_start3A_320, %dma_start3A_331, %dma_start3A_332] : memref<2x16x1024xf32, #tpu.memory_space<vmem>> -> memref<1x16x1024xf32, #tpu.memory_space<vmem>>
    %dma_start3A_334 = tpu.memref_squeeze %dma_start3A_333 : memref<1x16x1024xf32, #tpu.memory_space<vmem>> -> memref<16x1024xf32, #tpu.memory_space<vmem>>
    tpu.enqueue_dma source(%dma_start3A_334 : memref<16x1024xf32, #tpu.memory_space<vmem>>) target(%dma_start3A_330 : memref<16x1024xf32, #tpu.memory_space<hbm>>) target_semaphore(%arg8 : memref<!tpu.dma_semaphore, #tpu.memory_space<semaphore_mem>>)
    %mul3A_335 = arith.constant 8 : i32
    %mul3A_336 = arith.muli %select_n3A_9, %mul3A_335 : i32
    %add3A_337 = arith.constant 7 : i32
    %add3A_338 = arith.addi %mul3A_336, %add3A_337 : i32
    %sub3A_339 = arith.constant 2 : i32
    %sub3A_340 = arith.subi %add3A_338, %sub3A_339 : i32
    %mul3A_341 = arith.constant 16 : i32
    %mul3A_342 = arith.muli %select_n3A_30, %mul3A_341 : i32
    %dma_wait3A_343 = arith.constant 1 : i32
    %dma_wait3A_344 = arith.constant 0 : i32
    %dma_wait3A_345 = arith.constant 0 : i32
    %dma_wait3A_346 = tpu.memref_slice %arg7[%dma_wait3A_343, %dma_wait3A_344, %dma_wait3A_345] : memref<2x16x1024xf32, #tpu.memory_space<vmem>> -> memref<1x16x1024xf32, #tpu.memory_space<vmem>>
    %dma_wait3A_347 = tpu.memref_squeeze %dma_wait3A_346 : memref<1x16x1024xf32, #tpu.memory_space<vmem>> -> memref<16x1024xf32, #tpu.memory_space<vmem>>
    %dma_wait3A_348 = arith.constant 0 : i32
    %dma_wait3A_349 = tpu.memref_slice %arg4[%sub3A_340, %mul3A_342, %dma_wait3A_348] : memref<64x64x1024xf32, #tpu.memory_space<hbm>> -> memref<1x16x1024xf32, #tpu.memory_space<hbm>>
    %dma_wait3A_350 = tpu.memref_squeeze %dma_wait3A_349 : memref<1x16x1024xf32, #tpu.memory_space<hbm>> -> memref<16x1024xf32, #tpu.memory_space<hbm>>
    %dma_wait3A_351 = arith.constant 0 : i32
    %dma_wait3A_352 = tpu.memref_slice %arg4[%sub3A_340, %mul3A_342, %dma_wait3A_351] : memref<64x64x1024xf32, #tpu.memory_space<hbm>> -> memref<1x16x1024xf32, #tpu.memory_space<hbm>>
    %dma_wait3A_353 = tpu.memref_squeeze %dma_wait3A_352 : memref<1x16x1024xf32, #tpu.memory_space<hbm>> -> memref<16x1024xf32, #tpu.memory_space<hbm>>
    %dma_wait3A_354 = arith.constant 0 : i32
    %dma_wait3A_355 = arith.constant 0 : i32
    %dma_wait3A_356 = tpu.memref_slice %arg7[%dma_wait3A_343, %dma_wait3A_354, %dma_wait3A_355] : memref<2x16x1024xf32, #tpu.memory_space<vmem>> -> memref<1x16x1024xf32, #tpu.memory_space<vmem>>
    %dma_wait3A_357 = tpu.memref_squeeze %dma_wait3A_356 : memref<1x16x1024xf32, #tpu.memory_space<vmem>> -> memref<16x1024xf32, #tpu.memory_space<vmem>>
    tpu.wait_dma2 semaphore(%arg8 : memref<!tpu.dma_semaphore, #tpu.memory_space<semaphore_mem>>) src(%dma_wait3A_357 : memref<16x1024xf32, #tpu.memory_space<vmem>>) dst(%dma_wait3A_353 : memref<16x1024xf32, #tpu.memory_space<hbm>>)
    %parallel_loop3A_358 = arith.constant 0 : i32
    %parallel_loop3A_359 = arith.constant 64 : i32
    %parallel_loop3A_360 = arith.constant 1 : i32
    scf.for %parallel_loop3A_424 = %parallel_loop3A_358 to %parallel_loop3A_359 step %parallel_loop3A_360  : i32 {
      %parallel_loop3A_425 = arith.constant 16 : i32
      %parallel_loop3A_426 = arith.muli %parallel_loop3A_424, %parallel_loop3A_425 : i32
      %parallel_loop3A_427 = arith.constant 7168 : i32
      %parallel_loop3A_428 = arith.addi %parallel_loop3A_427, %parallel_loop3A_426 : i32
      %parallel_loop3A_429 = arith.index_cast %parallel_loop3A_428 : i32 to index
      %parallel_loop3A_430 = tpu.vector_load %arg5[%parallel_loop3A_429] {strides = array<i32>} : memref<8192xi32, #tpu.memory_space<vmem>>, vector<16xi32>,
      %parallel_loop3A_431 = arith.constant 0 : i32
      %parallel_loop3A_432 = vector.broadcast %parallel_loop3A_431 : i32 to vector<16xi32>
      %parallel_loop3A_433 = arith.addi %parallel_loop3A_430, %parallel_loop3A_432 : vector<16xi32>
      %parallel_loop3A_434 = tpu.vector_load_idx %arg6[%parallel_loop3A_433] : memref<16384xf32, #tpu.memory_space<vmem>>[vector<16xi32>], vector<16xf32>,
      %parallel_loop3A_435 = arith.constant 1024 : i32
      %parallel_loop3A_436 = vector.broadcast %parallel_loop3A_435 : i32 to vector<16xi32>
      %parallel_loop3A_437 = arith.addi %parallel_loop3A_430, %parallel_loop3A_436 : vector<16xi32>
      %parallel_loop3A_438 = tpu.vector_load_idx %arg6[%parallel_loop3A_437] : memref<16384xf32, #tpu.memory_space<vmem>>[vector<16xi32>], vector<16xf32>,
      %parallel_loop3A_439 = arith.constant 2048 : i32
      %parallel_loop3A_440 = vector.broadcast %parallel_loop3A_439 : i32 to vector<16xi32>
      %parallel_loop3A_441 = arith.addi %parallel_loop3A_430, %parallel_loop3A_440 : vector<16xi32>
      %parallel_loop3A_442 = tpu.vector_load_idx %arg6[%parallel_loop3A_441] : memref<16384xf32, #tpu.memory_space<vmem>>[vector<16xi32>], vector<16xf32>,
      %parallel_loop3A_443 = arith.constant 3072 : i32
      %parallel_loop3A_444 = vector.broadcast %parallel_loop3A_443 : i32 to vector<16xi32>
      %parallel_loop3A_445 = arith.addi %parallel_loop3A_430, %parallel_loop3A_444 : vector<16xi32>
      %parallel_loop3A_446 = tpu.vector_load_idx %arg6[%parallel_loop3A_445] : memref<16384xf32, #tpu.memory_space<vmem>>[vector<16xi32>], vector<16xf32>,
      %parallel_loop3A_447 = arith.constant 4096 : i32
      %parallel_loop3A_448 = vector.broadcast %parallel_loop3A_447 : i32 to vector<16xi32>
      %parallel_loop3A_449 = arith.addi %parallel_loop3A_430, %parallel_loop3A_448 : vector<16xi32>
      %parallel_loop3A_450 = tpu.vector_load_idx %arg6[%parallel_loop3A_449] : memref<16384xf32, #tpu.memory_space<vmem>>[vector<16xi32>], vector<16xf32>,
      %parallel_loop3A_451 = arith.constant 5120 : i32
      %parallel_loop3A_452 = vector.broadcast %parallel_loop3A_451 : i32 to vector<16xi32>
      %parallel_loop3A_453 = arith.addi %parallel_loop3A_430, %parallel_loop3A_452 : vector<16xi32>
      %parallel_loop3A_454 = tpu.vector_load_idx %arg6[%parallel_loop3A_453] : memref<16384xf32, #tpu.memory_space<vmem>>[vector<16xi32>], vector<16xf32>,
      %parallel_loop3A_455 = arith.constant 6144 : i32
      %parallel_loop3A_456 = vector.broadcast %parallel_loop3A_455 : i32 to vector<16xi32>
      %parallel_loop3A_457 = arith.addi %parallel_loop3A_430, %parallel_loop3A_456 : vector<16xi32>
      %parallel_loop3A_458 = tpu.vector_load_idx %arg6[%parallel_loop3A_457] : memref<16384xf32, #tpu.memory_space<vmem>>[vector<16xi32>], vector<16xf32>,
      %parallel_loop3A_459 = arith.constant 7168 : i32
      %parallel_loop3A_460 = vector.broadcast %parallel_loop3A_459 : i32 to vector<16xi32>
      %parallel_loop3A_461 = arith.addi %parallel_loop3A_430, %parallel_loop3A_460 : vector<16xi32>
      %parallel_loop3A_462 = tpu.vector_load_idx %arg6[%parallel_loop3A_461] : memref<16384xf32, #tpu.memory_space<vmem>>[vector<16xi32>], vector<16xf32>,
      %parallel_loop3A_463 = arith.constant 8192 : i32
      %parallel_loop3A_464 = vector.broadcast %parallel_loop3A_463 : i32 to vector<16xi32>
      %parallel_loop3A_465 = arith.addi %parallel_loop3A_430, %parallel_loop3A_464 : vector<16xi32>
      %parallel_loop3A_466 = tpu.vector_load_idx %arg6[%parallel_loop3A_465] : memref<16384xf32, #tpu.memory_space<vmem>>[vector<16xi32>], vector<16xf32>,
      %parallel_loop3A_467 = arith.constant 9216 : i32
      %parallel_loop3A_468 = vector.broadcast %parallel_loop3A_467 : i32 to vector<16xi32>
      %parallel_loop3A_469 = arith.addi %parallel_loop3A_430, %parallel_loop3A_468 : vector<16xi32>
      %parallel_loop3A_470 = tpu.vector_load_idx %arg6[%parallel_loop3A_469] : memref<16384xf32, #tpu.memory_space<vmem>>[vector<16xi32>], vector<16xf32>,
      %parallel_loop3A_471 = arith.constant 10240 : i32
      %parallel_loop3A_472 = vector.broadcast %parallel_loop3A_471 : i32 to vector<16xi32>
      %parallel_loop3A_473 = arith.addi %parallel_loop3A_430, %parallel_loop3A_472 : vector<16xi32>
      %parallel_loop3A_474 = tpu.vector_load_idx %arg6[%parallel_loop3A_473] : memref<16384xf32, #tpu.memory_space<vmem>>[vector<16xi32>], vector<16xf32>,
      %parallel_loop3A_475 = arith.constant 11264 : i32
      %parallel_loop3A_476 = vector.broadcast %parallel_loop3A_475 : i32 to vector<16xi32>
      %parallel_loop3A_477 = arith.addi %parallel_loop3A_430, %parallel_loop3A_476 : vector<16xi32>
      %parallel_loop3A_478 = tpu.vector_load_idx %arg6[%parallel_loop3A_477] : memref<16384xf32, #tpu.memory_space<vmem>>[vector<16xi32>], vector<16xf32>,
      %parallel_loop3A_479 = arith.constant 12288 : i32
      %parallel_loop3A_480 = vector.broadcast %parallel_loop3A_479 : i32 to vector<16xi32>
      %parallel_loop3A_481 = arith.addi %parallel_loop3A_430, %parallel_loop3A_480 : vector<16xi32>
      %parallel_loop3A_482 = tpu.vector_load_idx %arg6[%parallel_loop3A_481] : memref<16384xf32, #tpu.memory_space<vmem>>[vector<16xi32>], vector<16xf32>,
      %parallel_loop3A_483 = arith.constant 13312 : i32
      %parallel_loop3A_484 = vector.broadcast %parallel_loop3A_483 : i32 to vector<16xi32>
      %parallel_loop3A_485 = arith.addi %parallel_loop3A_430, %parallel_loop3A_484 : vector<16xi32>
      %parallel_loop3A_486 = tpu.vector_load_idx %arg6[%parallel_loop3A_485] : memref<16384xf32, #tpu.memory_space<vmem>>[vector<16xi32>], vector<16xf32>,
      %parallel_loop3A_487 = arith.constant 14336 : i32
      %parallel_loop3A_488 = vector.broadcast %parallel_loop3A_487 : i32 to vector<16xi32>
      %parallel_loop3A_489 = arith.addi %parallel_loop3A_430, %parallel_loop3A_488 : vector<16xi32>
      %parallel_loop3A_490 = tpu.vector_load_idx %arg6[%parallel_loop3A_489] : memref<16384xf32, #tpu.memory_space<vmem>>[vector<16xi32>], vector<16xf32>,
      %parallel_loop3A_491 = arith.constant 15360 : i32
      %parallel_loop3A_492 = vector.broadcast %parallel_loop3A_491 : i32 to vector<16xi32>
      %parallel_loop3A_493 = arith.addi %parallel_loop3A_430, %parallel_loop3A_492 : vector<16xi32>
      %parallel_loop3A_494 = tpu.vector_load_idx %arg6[%parallel_loop3A_493] : memref<16384xf32, #tpu.memory_space<vmem>>[vector<16xi32>], vector<16xf32>,
      %parallel_loop3A_495 = arith.constant 16 : i32
      %parallel_loop3A_496 = arith.muli %parallel_loop3A_424, %parallel_loop3A_495 : i32
      %parallel_loop3A_497 = arith.constant 1 : i32
      %parallel_loop3A_498 = arith.constant 0 : i32
      %parallel_loop3A_499 = arith.index_cast %parallel_loop3A_497 : i32 to index
      %parallel_loop3A_500 = arith.index_cast %parallel_loop3A_498 : i32 to index
      %parallel_loop3A_501 = arith.index_cast %parallel_loop3A_496 : i32 to index
      %parallel_loop3A_502 = tpu.vector_load %arg7[%parallel_loop3A_499, %parallel_loop3A_500, %parallel_loop3A_501] {strides = array<i32>} : memref<2x16x1024xf32, #tpu.memory_space<vmem>>, vector<16xf32>,
      tpu.vector_store %arg7[%parallel_loop3A_499, %parallel_loop3A_500, %parallel_loop3A_501], %parallel_loop3A_434 {strides = array<i32>} : memref<2x16x1024xf32, #tpu.memory_space<vmem>>, vector<16xf32>,
      %parallel_loop3A_503 = arith.constant 16 : i32
      %parallel_loop3A_504 = arith.muli %parallel_loop3A_424, %parallel_loop3A_503 : i32
      %parallel_loop3A_505 = arith.constant 1 : i32
      %parallel_loop3A_506 = arith.constant 1 : i32
      %parallel_loop3A_507 = arith.index_cast %parallel_loop3A_505 : i32 to index
      %parallel_loop3A_508 = arith.index_cast %parallel_loop3A_506 : i32 to index
      %parallel_loop3A_509 = arith.index_cast %parallel_loop3A_504 : i32 to index
      %parallel_loop3A_510 = tpu.vector_load %arg7[%parallel_loop3A_507, %parallel_loop3A_508, %parallel_loop3A_509] {strides = array<i32>} : memref<2x16x1024xf32, #tpu.memory_space<vmem>>, vector<16xf32>,
      tpu.vector_store %arg7[%parallel_loop3A_507, %parallel_loop3A_508, %parallel_loop3A_509], %parallel_loop3A_438 {strides = array<i32>} : memref<2x16x1024xf32, #tpu.memory_space<vmem>>, vector<16xf32>,
      %parallel_loop3A_511 = arith.constant 16 : i32
      %parallel_loop3A_512 = arith.muli %parallel_loop3A_424, %parallel_loop3A_511 : i32
      %parallel_loop3A_513 = arith.constant 1 : i32
      %parallel_loop3A_514 = arith.constant 2 : i32
      %parallel_loop3A_515 = arith.index_cast %parallel_loop3A_513 : i32 to index
      %parallel_loop3A_516 = arith.index_cast %parallel_loop3A_514 : i32 to index
      %parallel_loop3A_517 = arith.index_cast %parallel_loop3A_512 : i32 to index
      %parallel_loop3A_518 = tpu.vector_load %arg7[%parallel_loop3A_515, %parallel_loop3A_516, %parallel_loop3A_517] {strides = array<i32>} : memref<2x16x1024xf32, #tpu.memory_space<vmem>>, vector<16xf32>,
      tpu.vector_store %arg7[%parallel_loop3A_515, %parallel_loop3A_516, %parallel_loop3A_517], %parallel_loop3A_442 {strides = array<i32>} : memref<2x16x1024xf32, #tpu.memory_space<vmem>>, vector<16xf32>,
      %parallel_loop3A_519 = arith.constant 16 : i32
      %parallel_loop3A_520 = arith.muli %parallel_loop3A_424, %parallel_loop3A_519 : i32
      %parallel_loop3A_521 = arith.constant 1 : i32
      %parallel_loop3A_522 = arith.constant 3 : i32
      %parallel_loop3A_523 = arith.index_cast %parallel_loop3A_521 : i32 to index
      %parallel_loop3A_524 = arith.index_cast %parallel_loop3A_522 : i32 to index
      %parallel_loop3A_525 = arith.index_cast %parallel_loop3A_520 : i32 to index
      %parallel_loop3A_526 = tpu.vector_load %arg7[%parallel_loop3A_523, %parallel_loop3A_524, %parallel_loop3A_525] {strides = array<i32>} : memref<2x16x1024xf32, #tpu.memory_space<vmem>>, vector<16xf32>,
      tpu.vector_store %arg7[%parallel_loop3A_523, %parallel_loop3A_524, %parallel_loop3A_525], %parallel_loop3A_446 {strides = array<i32>} : memref<2x16x1024xf32, #tpu.memory_space<vmem>>, vector<16xf32>,
      %parallel_loop3A_527 = arith.constant 16 : i32
      %parallel_loop3A_528 = arith.muli %parallel_loop3A_424, %parallel_loop3A_527 : i32
      %parallel_loop3A_529 = arith.constant 1 : i32
      %parallel_loop3A_530 = arith.constant 4 : i32
      %parallel_loop3A_531 = arith.index_cast %parallel_loop3A_529 : i32 to index
      %parallel_loop3A_532 = arith.index_cast %parallel_loop3A_530 : i32 to index
      %parallel_loop3A_533 = arith.index_cast %parallel_loop3A_528 : i32 to index
      %parallel_loop3A_534 = tpu.vector_load %arg7[%parallel_loop3A_531, %parallel_loop3A_532, %parallel_loop3A_533] {strides = array<i32>} : memref<2x16x1024xf32, #tpu.memory_space<vmem>>, vector<16xf32>,
      tpu.vector_store %arg7[%parallel_loop3A_531, %parallel_loop3A_532, %parallel_loop3A_533], %parallel_loop3A_450 {strides = array<i32>} : memref<2x16x1024xf32, #tpu.memory_space<vmem>>, vector<16xf32>,
      %parallel_loop3A_535 = arith.constant 16 : i32
      %parallel_loop3A_536 = arith.muli %parallel_loop3A_424, %parallel_loop3A_535 : i32
      %parallel_loop3A_537 = arith.constant 1 : i32
      %parallel_loop3A_538 = arith.constant 5 : i32
      %parallel_loop3A_539 = arith.index_cast %parallel_loop3A_537 : i32 to index
      %parallel_loop3A_540 = arith.index_cast %parallel_loop3A_538 : i32 to index
      %parallel_loop3A_541 = arith.index_cast %parallel_loop3A_536 : i32 to index
      %parallel_loop3A_542 = tpu.vector_load %arg7[%parallel_loop3A_539, %parallel_loop3A_540, %parallel_loop3A_541] {strides = array<i32>} : memref<2x16x1024xf32, #tpu.memory_space<vmem>>, vector<16xf32>,
      tpu.vector_store %arg7[%parallel_loop3A_539, %parallel_loop3A_540, %parallel_loop3A_541], %parallel_loop3A_454 {strides = array<i32>} : memref<2x16x1024xf32, #tpu.memory_space<vmem>>, vector<16xf32>,
      %parallel_loop3A_543 = arith.constant 16 : i32
      %parallel_loop3A_544 = arith.muli %parallel_loop3A_424, %parallel_loop3A_543 : i32
      %parallel_loop3A_545 = arith.constant 1 : i32
      %parallel_loop3A_546 = arith.constant 6 : i32
      %parallel_loop3A_547 = arith.index_cast %parallel_loop3A_545 : i32 to index
      %parallel_loop3A_548 = arith.index_cast %parallel_loop3A_546 : i32 to index
      %parallel_loop3A_549 = arith.index_cast %parallel_loop3A_544 : i32 to index
      %parallel_loop3A_550 = tpu.vector_load %arg7[%parallel_loop3A_547, %parallel_loop3A_548, %parallel_loop3A_549] {strides = array<i32>} : memref<2x16x1024xf32, #tpu.memory_space<vmem>>, vector<16xf32>,
      tpu.vector_store %arg7[%parallel_loop3A_547, %parallel_loop3A_548, %parallel_loop3A_549], %parallel_loop3A_458 {strides = array<i32>} : memref<2x16x1024xf32, #tpu.memory_space<vmem>>, vector<16xf32>,
      %parallel_loop3A_551 = arith.constant 16 : i32
      %parallel_loop3A_552 = arith.muli %parallel_loop3A_424, %parallel_loop3A_551 : i32
      %parallel_loop3A_553 = arith.constant 1 : i32
      %parallel_loop3A_554 = arith.constant 7 : i32
      %parallel_loop3A_555 = arith.index_cast %parallel_loop3A_553 : i32 to index
      %parallel_loop3A_556 = arith.index_cast %parallel_loop3A_554 : i32 to index
      %parallel_loop3A_557 = arith.index_cast %parallel_loop3A_552 : i32 to index
      %parallel_loop3A_558 = tpu.vector_load %arg7[%parallel_loop3A_555, %parallel_loop3A_556, %parallel_loop3A_557] {strides = array<i32>} : memref<2x16x1024xf32, #tpu.memory_space<vmem>>, vector<16xf32>,
      tpu.vector_store %arg7[%parallel_loop3A_555, %parallel_loop3A_556, %parallel_loop3A_557], %parallel_loop3A_462 {strides = array<i32>} : memref<2x16x1024xf32, #tpu.memory_space<vmem>>, vector<16xf32>,
      %parallel_loop3A_559 = arith.constant 16 : i32
      %parallel_loop3A_560 = arith.muli %parallel_loop3A_424, %parallel_loop3A_559 : i32
      %parallel_loop3A_561 = arith.constant 1 : i32
      %parallel_loop3A_562 = arith.constant 8 : i32
      %parallel_loop3A_563 = arith.index_cast %parallel_loop3A_561 : i32 to index
      %parallel_loop3A_564 = arith.index_cast %parallel_loop3A_562 : i32 to index
      %parallel_loop3A_565 = arith.index_cast %parallel_loop3A_560 : i32 to index
      %parallel_loop3A_566 = tpu.vector_load %arg7[%parallel_loop3A_563, %parallel_loop3A_564, %parallel_loop3A_565] {strides = array<i32>} : memref<2x16x1024xf32, #tpu.memory_space<vmem>>, vector<16xf32>,
      tpu.vector_store %arg7[%parallel_loop3A_563, %parallel_loop3A_564, %parallel_loop3A_565], %parallel_loop3A_466 {strides = array<i32>} : memref<2x16x1024xf32, #tpu.memory_space<vmem>>, vector<16xf32>,
      %parallel_loop3A_567 = arith.constant 16 : i32
      %parallel_loop3A_568 = arith.muli %parallel_loop3A_424, %parallel_loop3A_567 : i32
      %parallel_loop3A_569 = arith.constant 1 : i32
      %parallel_loop3A_570 = arith.constant 9 : i32
      %parallel_loop3A_571 = arith.index_cast %parallel_loop3A_569 : i32 to index
      %parallel_loop3A_572 = arith.index_cast %parallel_loop3A_570 : i32 to index
      %parallel_loop3A_573 = arith.index_cast %parallel_loop3A_568 : i32 to index
      %parallel_loop3A_574 = tpu.vector_load %arg7[%parallel_loop3A_571, %parallel_loop3A_572, %parallel_loop3A_573] {strides = array<i32>} : memref<2x16x1024xf32, #tpu.memory_space<vmem>>, vector<16xf32>,
      tpu.vector_store %arg7[%parallel_loop3A_571, %parallel_loop3A_572, %parallel_loop3A_573], %parallel_loop3A_470 {strides = array<i32>} : memref<2x16x1024xf32, #tpu.memory_space<vmem>>, vector<16xf32>,
      %parallel_loop3A_575 = arith.constant 16 : i32
      %parallel_loop3A_576 = arith.muli %parallel_loop3A_424, %parallel_loop3A_575 : i32
      %parallel_loop3A_577 = arith.constant 1 : i32
      %parallel_loop3A_578 = arith.constant 10 : i32
      %parallel_loop3A_579 = arith.index_cast %parallel_loop3A_577 : i32 to index
      %parallel_loop3A_580 = arith.index_cast %parallel_loop3A_578 : i32 to index
      %parallel_loop3A_581 = arith.index_cast %parallel_loop3A_576 : i32 to index
      %parallel_loop3A_582 = tpu.vector_load %arg7[%parallel_loop3A_579, %parallel_loop3A_580, %parallel_loop3A_581] {strides = array<i32>} : memref<2x16x1024xf32, #tpu.memory_space<vmem>>, vector<16xf32>,
      tpu.vector_store %arg7[%parallel_loop3A_579, %parallel_loop3A_580, %parallel_loop3A_581], %parallel_loop3A_474 {strides = array<i32>} : memref<2x16x1024xf32, #tpu.memory_space<vmem>>, vector<16xf32>,
      %parallel_loop3A_583 = arith.constant 16 : i32
      %parallel_loop3A_584 = arith.muli %parallel_loop3A_424, %parallel_loop3A_583 : i32
      %parallel_loop3A_585 = arith.constant 1 : i32
      %parallel_loop3A_586 = arith.constant 11 : i32
      %parallel_loop3A_587 = arith.index_cast %parallel_loop3A_585 : i32 to index
      %parallel_loop3A_588 = arith.index_cast %parallel_loop3A_586 : i32 to index
      %parallel_loop3A_589 = arith.index_cast %parallel_loop3A_584 : i32 to index
      %parallel_loop3A_590 = tpu.vector_load %arg7[%parallel_loop3A_587, %parallel_loop3A_588, %parallel_loop3A_589] {strides = array<i32>} : memref<2x16x1024xf32, #tpu.memory_space<vmem>>, vector<16xf32>,
      tpu.vector_store %arg7[%parallel_loop3A_587, %parallel_loop3A_588, %parallel_loop3A_589], %parallel_loop3A_478 {strides = array<i32>} : memref<2x16x1024xf32, #tpu.memory_space<vmem>>, vector<16xf32>,
      %parallel_loop3A_591 = arith.constant 16 : i32
      %parallel_loop3A_592 = arith.muli %parallel_loop3A_424, %parallel_loop3A_591 : i32
      %parallel_loop3A_593 = arith.constant 1 : i32
      %parallel_loop3A_594 = arith.constant 12 : i32
      %parallel_loop3A_595 = arith.index_cast %parallel_loop3A_593 : i32 to index
      %parallel_loop3A_596 = arith.index_cast %parallel_loop3A_594 : i32 to index
      %parallel_loop3A_597 = arith.index_cast %parallel_loop3A_592 : i32 to index
      %parallel_loop3A_598 = tpu.vector_load %arg7[%parallel_loop3A_595, %parallel_loop3A_596, %parallel_loop3A_597] {strides = array<i32>} : memref<2x16x1024xf32, #tpu.memory_space<vmem>>, vector<16xf32>,
      tpu.vector_store %arg7[%parallel_loop3A_595, %parallel_loop3A_596, %parallel_loop3A_597], %parallel_loop3A_482 {strides = array<i32>} : memref<2x16x1024xf32, #tpu.memory_space<vmem>>, vector<16xf32>,
      %parallel_loop3A_599 = arith.constant 16 : i32
      %parallel_loop3A_600 = arith.muli %parallel_loop3A_424, %parallel_loop3A_599 : i32
      %parallel_loop3A_601 = arith.constant 1 : i32
      %parallel_loop3A_602 = arith.constant 13 : i32
      %parallel_loop3A_603 = arith.index_cast %parallel_loop3A_601 : i32 to index
      %parallel_loop3A_604 = arith.index_cast %parallel_loop3A_602 : i32 to index
      %parallel_loop3A_605 = arith.index_cast %parallel_loop3A_600 : i32 to index
      %parallel_loop3A_606 = tpu.vector_load %arg7[%parallel_loop3A_603, %parallel_loop3A_604, %parallel_loop3A_605] {strides = array<i32>} : memref<2x16x1024xf32, #tpu.memory_space<vmem>>, vector<16xf32>,
      tpu.vector_store %arg7[%parallel_loop3A_603, %parallel_loop3A_604, %parallel_loop3A_605], %parallel_loop3A_486 {strides = array<i32>} : memref<2x16x1024xf32, #tpu.memory_space<vmem>>, vector<16xf32>,
      %parallel_loop3A_607 = arith.constant 16 : i32
      %parallel_loop3A_608 = arith.muli %parallel_loop3A_424, %parallel_loop3A_607 : i32
      %parallel_loop3A_609 = arith.constant 1 : i32
      %parallel_loop3A_610 = arith.constant 14 : i32
      %parallel_loop3A_611 = arith.index_cast %parallel_loop3A_609 : i32 to index
      %parallel_loop3A_612 = arith.index_cast %parallel_loop3A_610 : i32 to index
      %parallel_loop3A_613 = arith.index_cast %parallel_loop3A_608 : i32 to index
      %parallel_loop3A_614 = tpu.vector_load %arg7[%parallel_loop3A_611, %parallel_loop3A_612, %parallel_loop3A_613] {strides = array<i32>} : memref<2x16x1024xf32, #tpu.memory_space<vmem>>, vector<16xf32>,
      tpu.vector_store %arg7[%parallel_loop3A_611, %parallel_loop3A_612, %parallel_loop3A_613], %parallel_loop3A_490 {strides = array<i32>} : memref<2x16x1024xf32, #tpu.memory_space<vmem>>, vector<16xf32>,
      %parallel_loop3A_615 = arith.constant 16 : i32
      %parallel_loop3A_616 = arith.muli %parallel_loop3A_424, %parallel_loop3A_615 : i32
      %parallel_loop3A_617 = arith.constant 1 : i32
      %parallel_loop3A_618 = arith.constant 15 : i32
      %parallel_loop3A_619 = arith.index_cast %parallel_loop3A_617 : i32 to index
      %parallel_loop3A_620 = arith.index_cast %parallel_loop3A_618 : i32 to index
      %parallel_loop3A_621 = arith.index_cast %parallel_loop3A_616 : i32 to index
      %parallel_loop3A_622 = tpu.vector_load %arg7[%parallel_loop3A_619, %parallel_loop3A_620, %parallel_loop3A_621] {strides = array<i32>} : memref<2x16x1024xf32, #tpu.memory_space<vmem>>, vector<16xf32>,
      tpu.vector_store %arg7[%parallel_loop3A_619, %parallel_loop3A_620, %parallel_loop3A_621], %parallel_loop3A_494 {strides = array<i32>} : memref<2x16x1024xf32, #tpu.memory_space<vmem>>, vector<16xf32>,
    } {sc.loop_unroll_factor = 2 : i64, sc.parallel_access}
    %mul3A_361 = arith.constant 8 : i32
    %mul3A_362 = arith.muli %select_n3A_9, %mul3A_361 : i32
    %add3A_363 = arith.constant 7 : i32
    %add3A_364 = arith.addi %mul3A_362, %add3A_363 : i32
    %mul3A_365 = arith.constant 16 : i32
    %mul3A_366 = arith.muli %select_n3A_30, %mul3A_365 : i32
    %dma_start3A_367 = arith.constant 1 : i32
    %dma_start3A_368 = arith.constant 0 : i32
    %dma_start3A_369 = arith.constant 0 : i32
    %dma_start3A_370 = tpu.memref_slice %arg7[%dma_start3A_367, %dma_start3A_368, %dma_start3A_369] : memref<2x16x1024xf32, #tpu.memory_space<vmem>> -> memref<1x16x1024xf32, #tpu.memory_space<vmem>>
    %dma_start3A_371 = tpu.memref_squeeze %dma_start3A_370 : memref<1x16x1024xf32, #tpu.memory_space<vmem>> -> memref<16x1024xf32, #tpu.memory_space<vmem>>
    %dma_start3A_372 = arith.constant 0 : i32
    %dma_start3A_373 = tpu.memref_slice %arg4[%add3A_364, %mul3A_366, %dma_start3A_372] : memref<64x64x1024xf32, #tpu.memory_space<hbm>> -> memref<1x16x1024xf32, #tpu.memory_space<hbm>>
    %dma_start3A_374 = tpu.memref_squeeze %dma_start3A_373 : memref<1x16x1024xf32, #tpu.memory_space<hbm>> -> memref<16x1024xf32, #tpu.memory_space<hbm>>
    %dma_start3A_375 = arith.constant 0 : i32
    %dma_start3A_376 = tpu.memref_slice %arg4[%add3A_364, %mul3A_366, %dma_start3A_375] : memref<64x64x1024xf32, #tpu.memory_space<hbm>> -> memref<1x16x1024xf32, #tpu.memory_space<hbm>>
    %dma_start3A_377 = tpu.memref_squeeze %dma_start3A_376 : memref<1x16x1024xf32, #tpu.memory_space<hbm>> -> memref<16x1024xf32, #tpu.memory_space<hbm>>
    %dma_start3A_378 = arith.constant 0 : i32
    %dma_start3A_379 = arith.constant 0 : i32
    %dma_start3A_380 = tpu.memref_slice %arg7[%dma_start3A_367, %dma_start3A_378, %dma_start3A_379] : memref<2x16x1024xf32, #tpu.memory_space<vmem>> -> memref<1x16x1024xf32, #tpu.memory_space<vmem>>
    %dma_start3A_381 = tpu.memref_squeeze %dma_start3A_380 : memref<1x16x1024xf32, #tpu.memory_space<vmem>> -> memref<16x1024xf32, #tpu.memory_space<vmem>>
    tpu.enqueue_dma source(%dma_start3A_381 : memref<16x1024xf32, #tpu.memory_space<vmem>>) target(%dma_start3A_377 : memref<16x1024xf32, #tpu.memory_space<hbm>>) target_semaphore(%arg8 : memref<!tpu.dma_semaphore, #tpu.memory_space<semaphore_mem>>)
    %mul3A_382 = arith.constant 8 : i32
    %mul3A_383 = arith.muli %select_n3A_9, %mul3A_382 : i32
    %add3A_384 = arith.constant 6 : i32
    %add3A_385 = arith.addi %mul3A_383, %add3A_384 : i32
    %mul3A_386 = arith.constant 16 : i32
    %mul3A_387 = arith.muli %select_n3A_30, %mul3A_386 : i32
    %dma_wait3A_388 = arith.constant 0 : i32
    %dma_wait3A_389 = arith.constant 0 : i32
    %dma_wait3A_390 = arith.constant 0 : i32
    %dma_wait3A_391 = tpu.memref_slice %arg7[%dma_wait3A_388, %dma_wait3A_389, %dma_wait3A_390] : memref<2x16x1024xf32, #tpu.memory_space<vmem>> -> memref<1x16x1024xf32, #tpu.memory_space<vmem>>
    %dma_wait3A_392 = tpu.memref_squeeze %dma_wait3A_391 : memref<1x16x1024xf32, #tpu.memory_space<vmem>> -> memref<16x1024xf32, #tpu.memory_space<vmem>>
    %dma_wait3A_393 = arith.constant 0 : i32
    %dma_wait3A_394 = tpu.memref_slice %arg4[%add3A_385, %mul3A_387, %dma_wait3A_393] : memref<64x64x1024xf32, #tpu.memory_space<hbm>> -> memref<1x16x1024xf32, #tpu.memory_space<hbm>>
    %dma_wait3A_395 = tpu.memref_squeeze %dma_wait3A_394 : memref<1x16x1024xf32, #tpu.memory_space<hbm>> -> memref<16x1024xf32, #tpu.memory_space<hbm>>
    %dma_wait3A_396 = arith.constant 0 : i32
    %dma_wait3A_397 = tpu.memref_slice %arg4[%add3A_385, %mul3A_387, %dma_wait3A_396] : memref<64x64x1024xf32, #tpu.memory_space<hbm>> -> memref<1x16x1024xf32, #tpu.memory_space<hbm>>
    %dma_wait3A_398 = tpu.memref_squeeze %dma_wait3A_397 : memref<1x16x1024xf32, #tpu.memory_space<hbm>> -> memref<16x1024xf32, #tpu.memory_space<hbm>>
    %dma_wait3A_399 = arith.constant 0 : i32
    %dma_wait3A_400 = arith.constant 0 : i32
    %dma_wait3A_401 = tpu.memref_slice %arg7[%dma_wait3A_388, %dma_wait3A_399, %dma_wait3A_400] : memref<2x16x1024xf32, #tpu.memory_space<vmem>> -> memref<1x16x1024xf32, #tpu.memory_space<vmem>>
    %dma_wait3A_402 = tpu.memref_squeeze %dma_wait3A_401 : memref<1x16x1024xf32, #tpu.memory_space<vmem>> -> memref<16x1024xf32, #tpu.memory_space<vmem>>
    tpu.wait_dma2 semaphore(%arg8 : memref<!tpu.dma_semaphore, #tpu.memory_space<semaphore_mem>>) src(%dma_wait3A_402 : memref<16x1024xf32, #tpu.memory_space<vmem>>) dst(%dma_wait3A_398 : memref<16x1024xf32, #tpu.memory_space<hbm>>)
    %mul3A_403 = arith.constant 8 : i32
    %mul3A_404 = arith.muli %select_n3A_9, %mul3A_403 : i32
    %add3A_405 = arith.constant 7 : i32
    %add3A_406 = arith.addi %mul3A_404, %add3A_405 : i32
    %mul3A_407 = arith.constant 16 : i32
    %mul3A_408 = arith.muli %select_n3A_30, %mul3A_407 : i32
    %dma_wait3A_409 = arith.constant 1 : i32
    %dma_wait3A_410 = arith.constant 0 : i32
    %dma_wait3A_411 = arith.constant 0 : i32
    %dma_wait3A_412 = tpu.memref_slice %arg7[%dma_wait3A_409, %dma_wait3A_410, %dma_wait3A_411] : memref<2x16x1024xf32, #tpu.memory_space<vmem>> -> memref<1x16x1024xf32, #tpu.memory_space<vmem>>
    %dma_wait3A_413 = tpu.memref_squeeze %dma_wait3A_412 : memref<1x16x1024xf32, #tpu.memory_space<vmem>> -> memref<16x1024xf32, #tpu.memory_space<vmem>>
    %dma_wait3A_414 = arith.constant 0 : i32
    %dma_wait3A_415 = tpu.memref_slice %arg4[%add3A_406, %mul3A_408, %dma_wait3A_414] : memref<64x64x1024xf32, #tpu.memory_space<hbm>> -> memref<1x16x1024xf32, #tpu.memory_space<hbm>>
    %dma_wait3A_416 = tpu.memref_squeeze %dma_wait3A_415 : memref<1x16x1024xf32, #tpu.memory_space<hbm>> -> memref<16x1024xf32, #tpu.memory_space<hbm>>
    %dma_wait3A_417 = arith.constant 0 : i32
    %dma_wait3A_418 = tpu.memref_slice %arg4[%add3A_406, %mul3A_408, %dma_wait3A_417] : memref<64x64x1024xf32, #tpu.memory_space<hbm>> -> memref<1x16x1024xf32, #tpu.memory_space<hbm>>
    %dma_wait3A_419 = tpu.memref_squeeze %dma_wait3A_418 : memref<1x16x1024xf32, #tpu.memory_space<hbm>> -> memref<16x1024xf32, #tpu.memory_space<hbm>>
    %dma_wait3A_420 = arith.constant 0 : i32
    %dma_wait3A_421 = arith.constant 0 : i32
    %dma_wait3A_422 = tpu.memref_slice %arg7[%dma_wait3A_409, %dma_wait3A_420, %dma_wait3A_421] : memref<2x16x1024xf32, #tpu.memory_space<vmem>> -> memref<1x16x1024xf32, #tpu.memory_space<vmem>>
    %dma_wait3A_423 = tpu.memref_squeeze %dma_wait3A_422 : memref<1x16x1024xf32, #tpu.memory_space<vmem>> -> memref<16x1024xf32, #tpu.memory_space<vmem>>
    tpu.wait_dma2 semaphore(%arg8 : memref<!tpu.dma_semaphore, #tpu.memory_space<semaphore_mem>>) src(%dma_wait3A_423 : memref<16x1024xf32, #tpu.memory_space<vmem>>) dst(%dma_wait3A_419 : memref<16x1024xf32, #tpu.memory_space<hbm>>)
    return
  }
}

</mosaic_0001>

<sc_bundles>
// kernel: kernel.3.cloned.1.call-start
scs
__scs_entry_jumppad:
0x0: {  	(pc) =	sbr.rel $0x88, $3  }
0x1: {  	(tag) =	ssettag $0x0;
	lr =	simm.s32 $0x1  }
0x2: {  	[smem:$0x3F9F] =	sst lr;
	_ =	strace $0xD0000000  }
0x3: {  	_ = 	snop  }
0x4: {  	_ = 	snop  }
0x5: {  	_ = 	snop  }
0x6: {  	_ = 	snop  }
0x7: {  	_ = 	snop  }
__scs_overlays_trampoline_lowered:
0x8: {  	[smem:$0x3FAE] =	sst s0  }
0x9: {  	[smem:$0x3FAF] =	sst s1  }
0xa: {  	[smem:$0x3FB0] =	sst s2  }
0xb: {  	[smem:$0x3FB1] =	sst s3  }
0xc: {  	[smem:$0x3FB2] =	sst s4  }
0xd: {  	[smem:$0x3FB3] =	sst s5  }
0xe: {  	[smem:$0x3FB4] =	sst s6  }
0xf: {  	[smem:$0x3FB5] =	sst s7  }
0x10: {  	[smem:$0x3FB6] =	sst s8  }
0x11: {  	[smem:$0x3FB7] =	sst s9;
	s0 =	simm.s32 @!p0 $0x0  }
0x12: {  	s1 =	sld [smem:$0x3F9D];
	s0 =	simm.s32 @p0 $0x1  }
0x13: {  	[smem:$0x3FB8] =	sst s0;
	s0 =	simm.s32 @!p1 $0x0  }
0x14: {  	s2 =	sld [smem:$0x3F9C];
	s0 =	simm.s32 @p1 $0x1  }
0x15: {  	[smem:$0x3FB9] =	sst s0;
	s0 =	simm.s32 @!p2 $0x0  }
0x16: {  	s3 =	sld [smem:$0x3FDB];
	s0 =	simm.s32 @p2 $0x1  }
0x17: {  	s4 =	simm.s32 $0x1BF5;
	[smem:$0x3FBB] =	sst s0  }
0x18: {  	s0 =	sld [smem:$0x3F9E];
	_ =	swait.ge [sflag:s4], $0x0  }
0x19: {  	s7 =	sld [smem:$0x3F9F]  }
0x1a: {  	s8 =	sadd.s32 $0xFFFFE003, lr  }
0x1b: {  	s9 =	sadd.s32 $0xFFFFFEF7, lr;
	s5 =	simm.s32 $0xFFFFFFFF;
	p2 =	slt.u32 s8, $0xFFFFF086  }
0x1c: {  	p1 =	slt.u32 s9, $0xF7A;
	s5 =	simm.s32 @!p2 $0x0  }
0x1d: {  	s5 =	simm.s32 @p1 $0x1;
	p0 =	seq.s32 s7, s2  }
0x1e: {  	s7 =	smul.u32 @!p0 $0xF7A, s2;
	p2 =	seq.s32 @!p0 s5, $0x0  }
0x1f: {  	s9 =	smul.u32 $0xF7A, s1;
	s8 =	simm.s32 @!p0 $0x1BF5;
	p2 =	por !p2, p0  }
0x20: {  	[sflag:s8] =	ssyncset.s32 @!p0 $0xFFFFF086;
	s6 =	sadd.s32 @!p0 s3, s7;
	s7 =	simm.s32 @!p0 $0x108  }
0x21: {  	s3 =	sadd.s32 s3, s9;
	s6 =	sadd.s32 @!p0 $0x88, s6;
	s7 =	simm.s32 @p2 $0x1082  }
0x22: {  	[simem:s7], [sflag:s8] =	dma.local @!p0 [hbm:s6], $0xF7A  }
0x23: {  	s9 =	sor.u32 $0xD0000000, s2;
	s6 =	simm.s32 $0x108;
	_ =	swait.ge @!p0 [sflag:s8], $0x0  }
0x24: {  	s3 =	sadd.s32 $0x88, s3;
	s6 =	simm.s32 @!p1 $0x1082;
	[sflag:s4] =	ssyncset.s32 $0xFFFFF086  }
0x25: {  	[simem:s6], [sflag:s4] =	dma.local [hbm:s3], $0xF7A  }
0x26: {  	[smem:$0x3F9F] =	sst s1;
	(tag) =	ssettag s2;
	_ =	strace s9  }
0x27: {  	s1 =	sld [smem:$0x3FAF]  }
0x28: {  	s2 =	sld [smem:$0x3FB0]  }
0x29: {  	s4 =	sld [smem:$0x3FB2]  }
0x2a: {  	p0 =	seq.s32 s5, $0x0;
	s5 =	sld [smem:$0x3FB3]  }
0x2b: {  	s6 =	sld [smem:$0x3FB4]  }
0x2c: {  	s7 =	sld [smem:$0x3FB5]  }
0x2d: {  	s3 =	simm.s32 $0x108;
	s8 =	sld [smem:$0x3FB6]  }
0x2e: {  	s3 =	simm.s32 @!p0 $0x1082;
	s9 =	sld [smem:$0x3FB7]  }
0x2f: {  	lr =	sadd.s32 s0, s3;
	s0 =	sld [smem:$0x3FAE]  }
0x30: {  	s3 =	sld [smem:$0x3FB1]  }
0x31: {  	[smem:$0x3FBA] =	sst s10  }
0x32: {  	s10 =	sld [smem:$0x3FB8];
	_ =	sdelay $0x3  }
0x33: {  	p0 =	seq.s32 s10, $0x1;
	s10 =	sld [smem:$0x3FBA];
	_ =	sdelay $0x3  }
0x34: {  	[smem:$0x3FBA] =	sst s10  }
0x35: {  	s10 =	sld [smem:$0x3FB9];
	_ =	sdelay $0x3  }
0x36: {  	p1 =	seq.s32 s10, $0x1;
	s10 =	sld [smem:$0x3FBA];
	_ =	sdelay $0x3  }
0x37: {  	[smem:$0x3FBA] =	sst s10  }
0x38: {  	s10 =	sld [smem:$0x3FBB]  }
0x39: {  	_ = 	snop;
	(pc) =	sbr.ind lr, $3  }
0x3a: {  	_ = 	snop  }
0x3b: {  	_ = 	snop  }
0x3c: {  	p2 =	seq.s32 s10, $0x1;
	s10 =	sld [smem:$0x3FBA]  }
0x3d: {  	_ =	shalt  }
0x3e: {  	_ =	shalt  }
0x3f: {  	_ =	shalt  }
0x40: {  	_ =	shalt  }
0x41: {  	_ =	shalt  }
0x42: {  	_ =	shalt  }
0x43: {  	_ =	shalt  }
0x44: {  	_ =	shalt  }
0x45: {  	_ =	shalt  }
0x46: {  	_ =	shalt  }
0x47: {  	_ =	shalt  }
0x48: {  	_ =	shalt  }
0x49: {  	_ =	shalt  }
0x4a: {  	_ =	shalt  }
0x4b: {  	_ =	shalt  }
0x4c: {  	_ =	shalt  }
0x4d: {  	_ =	shalt  }
0x4e: {  	_ =	shalt  }
0x4f: {  	_ =	shalt  }
0x50: {  	_ =	shalt  }
0x51: {  	_ =	shalt  }
0x52: {  	_ =	shalt  }
0x53: {  	_ =	shalt  }
0x54: {  	_ =	shalt  }
0x55: {  	_ =	shalt  }
0x56: {  	_ =	shalt  }
0x57: {  	_ =	shalt  }
0x58: {  	_ =	shalt  }
0x59: {  	_ =	shalt  }
0x5a: {  	_ =	shalt  }
0x5b: {  	_ =	shalt  }
0x5c: {  	_ =	shalt  }
0x5d: {  	_ =	shalt  }
0x5e: {  	_ =	shalt  }
0x5f: {  	_ =	shalt  }
0x60: {  	_ =	shalt  }
0x61: {  	_ =	shalt  }
0x62: {  	_ =	shalt  }
0x63: {  	_ =	shalt  }
0x64: {  	_ =	shalt  }
0x65: {  	_ =	shalt  }
0x66: {  	_ =	shalt  }
0x67: {  	_ =	shalt  }
0x68: {  	_ =	shalt  }
0x69: {  	_ =	shalt  }
0x6a: {  	_ =	shalt  }
0x6b: {  	_ =	shalt  }
0x6c: {  	_ =	shalt  }
0x6d: {  	_ =	shalt  }
0x6e: {  	_ =	shalt  }
0x6f: {  	_ =	shalt  }
0x70: {  	_ =	shalt  }
0x71: {  	_ =	shalt  }
0x72: {  	_ =	shalt  }
0x73: {  	_ =	shalt  }
0x74: {  	_ =	shalt  }
0x75: {  	_ =	shalt  }
0x76: {  	_ =	shalt  }
0x77: {  	_ =	shalt  }
0x78: {  	_ =	shalt  }
0x79: {  	_ =	shalt  }
0x7a: {  	_ =	shalt  }
0x7b: {  	_ =	shalt  }
0x7c: {  	_ =	shalt  }
0x7d: {  	_ =	shalt  }
0x7e: {  	_ =	shalt  }
0x7f: {  	_ =	shalt  }
0x80: {  	_ =	shalt  }
0x81: {  	_ =	shalt  }
0x82: {  	_ =	shalt  }
0x83: {  	_ =	shalt  }
0x84: {  	_ =	shalt  }
0x85: {  	_ =	shalt  }
0x86: {  	_ =	shalt  }
0x87: {  	_ =	shalt  }
.Lfunc_end0:
.L_simem_size_0:
called_computation_lowered:
.L_overlay_start_0:
0x88: {  	s2 =	sld [smem:$0x3FD9]  }
0x89: {  	s3 =	sld [smem:$0x3FFE];
	_ =	sdelay $0x1  }
0x8a: {  	s1 =	srdreg.scid  }
0x8b: {  	s0 =	sand.u32 $0x1, s1  }
0x8c: {  	s17 =	sshll.u32 s0, $0xA;
	s2 =	sadd.s32 s3, s2  }
0x8d: {  	s2 =	sadd.s32 s2, s17  }
0x8e: {  	[smem:$0x3FC6] =	sst s2  }
0x8f: {  	_ = 	snop  }
0x90: {  	s2 =	sld [smem:$0x3FD0];
	(tm) =	ssettm $0x1  }
0x91: {  	s18 =	sld [smem:$0x3FFB];
	_ =	sdelay $0x3  }
0x92: {  	_ =	strace s18  }
0x93: {  	s3 =	sld [smem:$0x3FFC];
	_ =	sdelay $0x3  }
0x94: {  	_ =	strace s3  }
0x95: {  	s3 =	sld [smem:$0x3FFD];
	_ =	sdelay $0x3  }
0x96: {  	_ =	strace s3  }
0x97: {  	_ =	strace $0x8FFFFFFF  }
0x98: {  	s19 =	sld [smem:$0x3FDB];
	_ =	sdelay $0x1  }
0x99: {  	s4 =	simm.s32 $_scs_section_size  }
0x9a: {  	s5 =	simm.s32 $_size__tile_overlayer_lowered;
	s6 =	simm.s32 $_tile_overlayer_lowered  }
0x9b: {  	s22 =	simm.s32 $0x1BFF;
	s21 =	sshll.u32 s6, $0x1;
	s3 =	sadd.s32 s4, s19  }
0x9c: {  	s7 =	simm.s32 $0x0;
	s20 =	sshll.u32 s5, $0x1;
	s5 =	sadd.s32 s21, s3  }
0x9d: {  	[timem:s7], [sflag:s22] =	dma.local [hbm:s5], s20  }
0x9e: {  	_ =	swait.ge [sflag:s22], s20  }
0x9f: {  	s4 =	ssub.s32 $0x0, s20;
	[sflag:s22] =	ssyncset.done $0x0  }
0xa0: {  	[sflag:s22] =	ssyncadd.s32 s4;
	_ =	sdelay $0x1  }
0xa1: {  	s23 =	simm.s32 $0x1B8B  }
0xa2: {  	_ =	swait.ge [sflag:s23], $0x1  }
0xa3: {  	[sflag:s23] =	ssyncset.done $0x0  }
0xa4: {  	s25 =	simm.s32 $0x1B8E;
	s24 =	sld [smem:$0x3FFE];
	[sflag:s23] =	ssyncadd.s32 $0xFFFFFFFF  }
0xa5: {  	s26 =	simm.s32 $execute0_lowered;
	[smem:$0x3FD2] =	sst s25  }
0xa6: {  	s5 =	sshll.u32 s26, $0x1;
	_ =	strace $0x80000046;
	[dreg:$0x1] =	wrdreg $0xFFFFFFFF  }
0xa7: {  	s28 =	simm.s32 $_size_execute0_lowered;
	s3 =	sadd.s32 s3, s5;
	[dreg:$0x0] =	wrdreg $0x0  }
0xa8: {  	s5 =	sshll.u32 s28, $0x1;
	[dreg:$0x2] =	wrdreg s3  }
0xa9: {  	[dreg:$0x3] =	wrdreg s5  }
0xaa: {  	[dreg:$0x4] =	wrdreg $0xC0  }
0xab: {  	_ =	task [dreg:s7], $0x5FFFF  }
0xac: {  	[dreg:$0x1] =	wrdreg $0xFFFFFFFF  }
0xad: {  	[dreg:$0x0] =	wrdreg $0x60  }
0xae: {  	[dreg:$0x2] =	wrdreg s24  }
0xaf: {  	[dreg:$0x3] =	wrdreg s2  }
0xb0: {  	[dreg:$0x4] =	wrdreg $0x9  }
0xb1: {  	_ =	task.clear_ibuf [dreg:s7], $0x5FFFF;
	_ =	strace $0x90000046  }
0xb2: {  	s29 =	simm.s32 $0x9;
	_ =	strace $0x80000048  }
0xb3: {  	_ =	swait.ge [sflag:s29], $0x1  }
0xb4: {  	[sflag:s29] =	ssyncadd.s32 $0xFFFFFFFF  }
0xb5: {  	_ =	strace $0x90000048  }
0xb6: {  	_ =	sfence  }
0xb7: {  	s30 =	sld [smem:$0x0];
	_ =	sdelay $0x2  }
0xb8: {  	s31 =	sshll.u32 s1, $0xD;
	s1 =	sshrl.u32 s1, $0x2  }
0xb9: {  	s3 =	sand.u32 $0x4000, s31;
	s1 =	sadd.s32 s1, s30  }
0xba: {  	s0 =	sor.u32 s3, s0;
	s1 =	sshll.u32 s1, $0x11  }
0xbb: {  	s0 =	sor.u32 s1, s0  }
0xbc: {  	s0 =	sadd.s32 $0x8F2B, s0  }
0xbd: {  	[sflag:s0] =	ssyncadd.remote.s32 $0x1  }
0xbe: {  	_ =	sfence.sel $0xFFFF  }
0xbf: {  	[dreg:$0x0] =	wrdreg $0xFFFFFFFF;
	(pc) =	sbr.abs _section_cstart, $3  }
0xc0: {  	[dreg:$0x1] =	wrdreg $0xFFFFFFFF  }
0xc1: {  	_ =	task.clear_ibuf [dreg:s7], $0x2FFFF;
	_ =	strace $0x9FFFFFFF  }
0xc2: {  	(tm) =	ssettm $0x7FFFFFFF  }
0xc3: {  	_ =	shalt  }
tec
execute0_lowered:
.L_overlay_start_1:
0x0: {  	(tag) =	ssettag $0x1  }
0x1: {  	s0 =	rddreg [dreg:$0x0];
	s5 =	stileid.u32  }
0x2: {  	s1 =	rddreg [dreg:$0x1];
	s2 =	srdreg.scid;
	s3 =	sshll.u32 s5, $0x1  }
0x3: {  	s8 =	simm.s32 $0x0;
	s2 =	sand.u32 $0x1, s2;
	s3 =	sand.u32 $0x6, s3  }
0x4: {  	[smem:$0x7FF] =	sst s8;
	s5 =	sshll.u32 s5, $0x9;
	s3 =	sor.u32 s2, s3  }
0x5: {  	_ =	strace $0x80000047;
	s2 =	ssub.s32 $0x2, s2;
	s4 =	sshll.u32 s3, $0xA  }
0x6: {  	s5 =	sand.u32 $0x1800, s5;
	s6 =	sshrl.u32 s2, $0x1;
	s4 =	sadd.s32 s4, s0  }
0x7: {  	s3 =	sshll.u32 s3, $0x10;
	s0 =	sadd.s32 s5, s0;
	s4 =	sadd.s32 $0x400, s4  }
0x8: {  	s3 =	sor.u32 s5, s3;
	s0 =	sadd.s32 $0x2400, s0;
	[dreg:$0x14] =	wrdreg s4  }
0x9: {  	s2 =	ssub.s32 s2, s6;
	s24 =	sadd.s32 s1, s3;
	[dreg:$0x15] =	wrdreg s0  }
0xa: {  	s31 =	smax.u32 s2, $0x1;
	[dreg:$0x16] =	wrdreg s24  }
0xb: {  	s1 =	sadd.s32 $0x2000, s24;
	[dreg:$0x1e] =	wrdreg s31  }
0xc: {  	s25 =	sadd.s32 $0x4000, s24;
	[dreg:$0x17] =	wrdreg s1  }
0xd: {  	s26 =	sadd.s32 $0x6000, s24;
	[dreg:$0x18] =	wrdreg s25  }
0xe: {  	s28 =	sadd.s32 $0x8000, s24;
	[dreg:$0x19] =	wrdreg s26  }
0xf: {  	s29 =	sadd.s32 $0xA000, s24;
	[dreg:$0x1a] =	wrdreg s28  }
0x10: {  	s30 =	sadd.s32 $0xC000, s24;
	[dreg:$0x1b] =	wrdreg s29  }
0x11: {  	s0 =	sadd.s32 $0xE000, s24;
	[dreg:$0x1c] =	wrdreg s30  }
0x12: {  	s14 =	simm.s32 $0x2000;
	s2 =	simm.s32 $0x0;
	[dreg:$0x1d] =	wrdreg s0  }
.LBB2_1:
0x13: {  	[dreg:$0x1f] =	wrdreg s2  }
0x14: {  	s0 =	rddreg [dreg:$0x14]  }
0x15: {  	[tilespmem:s8], [sflag:$0x2] =	stream.linear.gather [hbm4b:s0+s8], $0x2000, $0x38;
	[tilespmem:$0xE000] =	vst v63  }
0x16: {  	s15 =	rddreg [dreg:$0x15];
	s16 =	simm.s32 $0x2  }
0x17: {  	[tilespmem:s14], [sflag:$0x3] =	stream.linear.gather [hbm4b:s15+s8], $0x4000, $0x38;
	[tilespmem:$0xE000] =	vst v63  }
0x18: {  	_ =	swait.ge [sflag:s16], $0x2000  }
0x19: {  	[sflag:s16] =	ssyncset.done $0x0  }
0x1a: {  	s3 =	simm.s32 $0x3;
	[sflag:s16] =	ssyncadd.s32 $0xFFFFE000  }
0x1b: {  	s1 =	sand.u32 $0x60, s8;
	_ =	swait.ge [sflag:s3], $0x4000  }
0x1c: {  	s17 =	sand.u32 $0x380, s8;
	s23 =	sor.u32 $0x10, s1;
	[sflag:s3] =	ssyncset.done $0x0  }
0x1d: {  	s2 =	sor.u32 s23, s17;
	[sflag:s3] =	ssyncadd.s32 $0xFFFFC000  }
0x1e: {  	v6 =	vld [tilespmem:s2+$0x0]  }
0x1f: {  	v3 =	vld [tilespmem:s8+$0x0];
	_ =	sdelay $0x4  }
0x20: {  	v0 =	vadd.s32 $0x400, v6  }
0x21: {  	v1 =	vadd.s32 $0x800, v6  }
0x22: {  	v2 =	vadd.s32 $0xC00, v6  }
0x23: {  	v4 =	vadd.s32 $0x1000, v6;
	v7 =	vld.idx.msk [tilespmem:v3+s14+$0x0], $0xffff  }
0x24: {  	v12 =	vadd.s32 $0x1800, v3;
	v13 =	vld.idx.msk [tilespmem:v6+s14+$0x0], $0xffff  }
0x25: {  	v15 =	vadd.s32 $0x1400, v3;
	v8 =	vld.idx.msk [tilespmem:v0+s14+$0x0], $0xffff  }
0x26: {  	v17 =	vadd.s32 $0x400, v3;
	v9 =	vld.idx.msk [tilespmem:v1+s14+$0x0], $0xffff  }
0x27: {  	v21 =	vadd.s32 $0x800, v3;
	v11 =	vld.idx.msk [tilespmem:v2+s14+$0x0], $0xffff  }
0x28: {  	v0 =	vadd.s32 $0x3C00, v6;
	v10 =	vld.idx.msk [tilespmem:v4+s14+$0x0], $0xffff  }
0x29: {  	v5 =	vadd.s32 $0x3C00, v3;
	v12 =	vld.idx.msk [tilespmem:v12+s14+$0x0], $0xffff  }
0x2a: {  	v1 =	vadd.s32 $0x3800, v6;
	v15 =	vld.idx.msk [tilespmem:v15+s14+$0x0], $0xffff  }
0x2b: {  	v4 =	vadd.s32 $0x3400, v6;
	v17 =	vld.idx.msk [tilespmem:v17+s14+$0x0], $0xffff  }
0x2c: {  	v14 =	vadd.s32 $0x3800, v3;
	v21 =	vld.idx.msk [tilespmem:v21+s14+$0x0], $0xffff  }
0x2d: {  	v25 =	vadd.s32 $0x2000, v3;
	v18 =	vld.idx.msk [tilespmem:v0+s14+$0x0], $0xffff  }
0x2e: {  	v2 =	vadd.s32 $0x1C00, v3;
	v0 =	vld.idx.msk [tilespmem:v5+s14+$0x0], $0xffff  }
0x2f: {  	v5 =	vadd.s32 $0x3400, v3;
	v19 =	vld.idx.msk [tilespmem:v1+s14+$0x0], $0xffff  }
0x30: {  	v20 =	vld.idx.msk [tilespmem:v4+s14+$0x0], $0xffff;
	v4 =	vadd.s32 $0x3000, v3  }
0x31: {  	v1 =	vld.idx.msk [tilespmem:v14+s14+$0x0], $0xffff;
	v14 =	vadd.s32 $0xC00, v3  }
0x32: {  	v22 =	vadd.s32 $0x2C00, v3;
	v26 =	vld.idx.msk [tilespmem:v25+s14+$0x0], $0xffff  }
0x33: {  	v23 =	vadd.s32 $0x2800, v3;
	v16 =	vld.idx.msk [tilespmem:v2+s14+$0x0], $0xffff  }
0x34: {  	v24 =	vadd.s32 $0x2400, v3;
	v2 =	vld.idx.msk [tilespmem:v5+s14+$0x0], $0xffff  }
0x35: {  	v3 =	vadd.s32 $0x1000, v3;
	v5 =	vld.idx.msk [tilespmem:v4+s14+$0x0], $0xffff  }
0x36: {  	v14 =	vld.idx.msk [tilespmem:v14+s14+$0x0], $0xffff  }
0x37: {  	s18 =	sand.u32 $0x1C00, s8;
	v4 =	vld.idx.msk [tilespmem:v22+s14+$0x0], $0xffff  }
0x38: {  	s5 =	sor.u32 $0x6000, s18;
	s3 =	simm.s32 $0x20;
	v27 =	vadd.s32 $0x2C00, v6;
	v22 =	vld.idx.msk [tilespmem:v23+s14+$0x0], $0xffff  }
0x39: {  	s6 =	sor.u32 s1, s5;
	s24 =	sand.u32 $0x60, s3;
	v29 =	vadd.s32 $0x2800, v6;
	v23 =	vld.idx.msk [tilespmem:v24+s14+$0x0], $0xffff  }
0x3a: {  	s4 =	sand.u32 $0x380, s3;
	s0 =	sor.u32 $0x10, s24;
	v24 =	vadd.s32 $0x3000, v6;
	v28 =	vld.idx.msk [tilespmem:v3+s14+$0x0], $0xffff;
	[tilespmem:s6+$0x100] =	vst v21  }
0x3b: {  	s4 =	sor.u32 s0, s4;
	v25 =	vld [tilespmem:s3+$0x0];
	v21 =	vadd.s32 $0x2400, v6;
	[tilespmem:s6+$0x0] =	vst v7  }
0x3c: {  	s19 =	sand.u32 $0x3, s8;
	v3 =	vld [tilespmem:s4+$0x0];
	v7 =	vadd.s32 $0x1C00, v6;
	[tilespmem:s6+$0x280] =	vst v15  }
0x3d: {  	v27 =	vld.idx.msk [tilespmem:v27+s14+$0x0], $0xffff;
	s4 =	sshll.u32 s19, $0x5;
	v15 =	vadd.s32 $0x1800, v6;
	[tilespmem:s6+$0x80] =	vst v17  }
0x3e: {  	v17 =	vld.idx.msk [tilespmem:v29+s14+$0x0], $0xffff;
	s7 =	sadd.s32 $0x0, s4;
	[tilespmem:s6+$0x180] =	vst v14;
	v14 =	vadd.s32 $0x2000, v6  }
0x3f: {  	s20 =	sor.u32 s8, s8;
	s21 =	sor.u32 $0x300, s7;
	v24 =	vld.idx.msk [tilespmem:v24+s14+$0x0], $0xffff;
	v6 =	vadd.s32 $0x1400, v6;
	[tilespmem:s6+$0x200] =	vst v28  }
0x40: {  	s8 =	sor.u32 $0x8000, s18;
	s4 =	sor.u32 $0x380, s20;
	v21 =	vld.idx.msk [tilespmem:v21+s14+$0x0], $0xffff;
	[tilespmem:s21+$0x6000] =	vst v12  }
0x41: {  	s22 =	sor.u32 $0x8080, s18;
	s25 =	sor.u32 s1, s8;
	v28 =	vadd.s32 $0x400, v3;
	v30 =	vld.idx.msk [tilespmem:v7+s14+$0x0], $0xffff;
	[tilespmem:s4+$0x6000] =	vst v16  }
0x42: {  	s10 =	sor.u32 s1, s22;
	v7 =	vadd.s32 $0xC00, v3;
	v15 =	vld.idx.msk [tilespmem:v15+s14+$0x0], $0xffff;
	[tilespmem:s25+$0x0] =	vst v26  }
0x43: {  	s17 =	sor.u32 s23, s5;
	[tilespmem:s10+$0x0] =	vst v23;
	v29 =	vld.idx.msk [tilespmem:v14+s14+$0x0], $0xffff  }
0x44: {  	s9 =	sor.u32 $0x8100, s18;
	s26 =	sor.u32 $0x8180, s18;
	s15 =	sor.u32 $0x8200, s18;
	v12 =	vadd.s32 $0x800, v3;
	v23 =	vld.idx.msk [tilespmem:v6+s14+$0x0], $0xffff;
	[tilespmem:s17+$0x80] =	vst v8  }
0x45: {  	s28 =	sor.u32 $0x8300, s18;
	s13 =	sor.u32 s1, s26;
	s5 =	sor.u32 s23, s15;
	v16 =	vadd.s32 $0x1000, v3;
	v14 =	vld.idx.msk [tilespmem:v25+s14+$0x0], $0xffff;
	[tilespmem:s17+$0x200] =	vst v10  }
0x46: {  	s16 =	sor.u32 s23, s28;
	s2 =	sor.u32 $0x8380, s18;
	s19 =	sor.u32 $0x8280, s18;
	v26 =	vadd.s32 $0x3C00, v3;
	v6 =	vld.idx.msk [tilespmem:v28+s14+$0x0], $0xffff;
	[tilespmem:s17+$0x180] =	vst v11  }
0x47: {  	s8 =	sor.u32 s23, s8;
	s18 =	sor.u32 s1, s28;
	s11 =	sor.u32 s23, s19;
	v28 =	vadd.s32 $0x3C00, v25;
	v8 =	vld.idx.msk [tilespmem:v7+s14+$0x0], $0xffff;
	[tilespmem:s17+$0x100] =	vst v9  }
0x48: {  	s20 =	sor.u32 s1, s15;
	s7 =	sadd.s32 $0x10, s7;
	s10 =	simm.s32 $0x100;
	[tilespmem:s17+$0x0] =	vst v13;
	v9 =	vld.idx.msk [tilespmem:v3+s14+$0x0], $0xffff  }
0x49: {  	s6 =	sor.u32 s23, s22;
	s28 =	sand.u32 $0x1C00, s10;
	v10 =	vld.idx.msk [tilespmem:v12+s14+$0x0], $0xffff;
	[tilespmem:s17+$0x280] =	vst v23;
	s17 =	sor.u32 $0x300, s7  }
0x4a: {  	s22 =	sor.u32 s23, s26;
	s25 =	sor.u32 $0x380, s7;
	v11 =	vadd.s32 $0x3800, v3;
	s26 =	sor.u32 $0x8080, s28;
	v12 =	vld.idx.msk [tilespmem:v16+s14+$0x0], $0xffff;
	[tilespmem:s17+$0x6000] =	vst v15  }
0x4b: {  	v31 =	vadd.s32 $0x1C00, v25;
	s15 =	sor.u32 s23, s2;
	s4 =	sor.u32 s23, s9;
	s23 =	sor.u32 s24, s26;
	v7 =	vld.idx.msk [tilespmem:v26+s14+$0x0], $0xffff;
	[tilespmem:s25+$0x6000] =	vst v30  }
0x4c: {  	v13 =	vadd.s32 $0x3400, v3;
	v16 =	vld.idx.msk [tilespmem:v28+s14+$0x0], $0xffff;
	[dreg:$0x4] =	wrdreg s23  }
0x4d: {  	s12 =	sor.u32 s1, s9;
	v26 =	vadd.s32 $0x3800, v25;
	[tilespmem:s8+$0x0] =	vst v29  }
0x4e: {  	s2 =	sor.u32 s1, s2;
	s21 =	sor.u32 s1, s19;
	s9 =	sor.u32 s10, s3;
	v23 =	vadd.s32 $0x1800, v25;
	[tilespmem:s6+$0x0] =	vst v21  }
0x4f: {  	s3 =	sor.u32 $0x8200, s28;
	s19 =	sor.u32 $0x8300, s28;
	v28 =	vadd.s32 $0x3400, v25;
	s17 =	sor.u32 $0x8100, s28;
	v11 =	vld.idx.msk [tilespmem:v11+s14+$0x0], $0xffff;
	[tilespmem:s4+$0x0] =	vst v17  }
0x50: {  	s31 =	sor.u32 s0, s19;
	s25 =	sor.u32 $0x8180, s28;
	s7 =	sor.u32 s24, s17;
	v15 =	vld.idx.msk [tilespmem:v31+s14+$0x0], $0xffff;
	[tilespmem:s22+$0x0] =	vst v27  }
0x51: {  	s23 =	sor.u32 s0, s26;
	s26 =	sor.u32 s0, s17;
	s29 =	sor.u32 s0, s25;
	v13 =	vld.idx.msk [tilespmem:v13+s14+$0x0], $0xffff;
	[tilespmem:s5+$0x0] =	vst v24  }
0x52: {  	s17 =	sor.u32 s24, s3;
	v29 =	vadd.s32 $0x1400, v25;
	s8 =	sor.u32 s24, s25;
	s25 =	sor.u32 $0x8380, s28;
	v21 =	vld.idx.msk [tilespmem:v26+s14+$0x0], $0xffff;
	[tilespmem:s11+$0x0] =	vst v20  }
0x53: {  	s1 =	sor.u32 s24, s19;
	v30 =	vadd.s32 $0x400, v25;
	s19 =	sor.u32 s0, s25;
	v17 =	vld.idx.msk [tilespmem:v23+s14+$0x0], $0xffff;
	[dreg:$0x3] =	wrdreg s17  }
0x54: {  	v31 =	vadd.s32 $0x3000, v25;
	s6 =	sor.u32 $0x8280, s28;
	v26 =	vld.idx.msk [tilespmem:v28+s14+$0x0], $0xffff;
	[dreg:$0x5] =	wrdreg s19  }
0x55: {  	s4 =	sor.u32 s24, s25;
	s25 =	smov.u32 s24;
	s24 =	sor.u32 s24, s6;
	[tilespmem:s16+$0x0] =	vst v19  }
0x56: {  	s30 =	sor.u32 s0, s3;
	[dreg:$0x6] =	wrdreg s24  }
0x57: {  	s3 =	smov.u32 s28;
	v23 =	vadd.s32 $0x800, v25;
	s22 =	sor.u32 s0, s6;
	s5 =	simm.s32 $0x2;
	v27 =	vld.idx.msk [tilespmem:v29+s14+$0x0], $0xffff  }
0x58: {  	v24 =	vadd.s32 $0xC00, v25;
	v20 =	vadd.s32 $0x2400, v25;
	s11 =	sor.u32 $0x6000, s28;
	s17 =	simm.s32 $0x40;
	s19 =	simm.s32 $0x1;
	v19 =	vadd.s32 $0x1000, v25;
	[tilespmem:s15+$0x0] =	vst v18;
	v28 =	vld.idx.msk [tilespmem:v30+s14+$0x0], $0xffff  }
0x59: {  	s16 =	simm.s32 $0x40;
	s15 =	simm.s32 $0x2;
	[tilespmem:s12+$0x0] =	vst v22;
	v22 =	vadd.s32 $0x2800, v25;
	v29 =	vadd.s32 $0x2C00, v25;
	v25 =	vadd.s32 $0x2000, v25;
	v30 =	vld.idx.msk [tilespmem:v31+s14+$0x0], $0xffff;
	s12 =	simm.s32 $0x100  }
.LBB2_2:
0x5a: {  	[dreg:$0xe] =	wrdreg s31  }
0x5b: {  	[dreg:$0xc] =	wrdreg s30  }
0x5c: {  	[dreg:$0xa] =	wrdreg s23  }
0x5d: {  	[dreg:$0x9] =	wrdreg s22  }
0x5e: {  	[dreg:$0x7] =	wrdreg s26;
	s28 =	sand.u32 $0x60, s16;
	v23 =	vld.idx.msk [tilespmem:v23+s14+$0x0], $0xffff;
	s10 =	sadd.s32 $0x100, s10;
	[tilespmem:s13+$0x0] =	vst v4  }
0x5f: {  	s24 =	sand.u32 $0x380, s16;
	s26 =	sor.u32 $0x10, s28;
	v24 =	vld.idx.msk [tilespmem:v24+s14+$0x0], $0xffff;
	[tilespmem:s20+$0x0] =	vst v5;
	s23 =	sand.u32 $0x1C00, s10  }
0x60: {  	s19 =	sand.u32 $0x3, s19;
	s13 =	sor.u32 s26, s24;
	v4 =	vld.idx.msk [tilespmem:v29+s14+$0x0], $0xffff;
	[tilespmem:s21+$0x0] =	vst v2;
	s6 =	sor.u32 $0x8080, s23  }
0x61: {  	s22 =	sor.u32 $0x8100, s23;
	v18 =	vld.idx.msk [tilespmem:v22+s14+$0x0], $0xffff;
	[tilespmem:s18+$0x0] =	vst v1;
	s18 =	sor.u32 s28, s6;
	s6 =	sor.u32 s26, s6  }
0x62: {  	s30 =	sor.u32 $0x8280, s23;
	s21 =	sor.u32 s26, s22;
	[dreg:$0xd] =	wrdreg s6  }
0x63: {  	v1 =	vmov v21;
	[dreg:$0xb] =	wrdreg s21;
	v21 =	vld.idx.msk [tilespmem:v20+s14+$0x0], $0xffff;
	[tilespmem:s2+$0x0] =	vst v0;
	s2 =	sor.u32 $0x8180, s23;
	s21 =	sor.u32 $0x8200, s23  }
0x64: {  	v22 =	vadd.s32 $0x2C00, v3;
	v2 =	vmov v26;
	s6 =	smov.u32 s4;
	s4 =	smov.u32 s1;
	v26 =	vld [tilespmem:s13+$0x0];
	s13 =	sor.u32 s26, s30  }
0x65: {  	v20 =	vadd.s32 $0x3000, v3;
	s1 =	smov.u32 s25;
	s24 =	sor.u32 s26, s2;
	[dreg:$0x11] =	wrdreg s13  }
0x66: {  	v0 =	vmov v16;
	s25 =	sor.u32 s25, s11;
	v16 =	vld.idx.msk [tilespmem:v25+s14+$0x0], $0xffff;
	v25 =	vadd.s32 $0x2800, v3;
	[dreg:$0x10] =	wrdreg s24;
	s24 =	sor.u32 s26, s21  }
0x67: {  	s31 =	sor.u32 $0x8300, s23;
	v19 =	vld.idx.msk [tilespmem:v19+s14+$0x0], $0xffff;
	[tilespmem:s25+$0x100] =	vst v23;
	v23 =	vadd.s32 $0x2400, v3;
	s13 =	sor.u32 $0x8380, s23;
	[dreg:$0xf] =	wrdreg s24  }
0x68: {  	v5 =	vmov v30;
	v30 =	vld [tilespmem:s17+$0x0];
	[tilespmem:s25+$0x180] =	vst v24;
	v24 =	vadd.s32 $0x2000, v3;
	s24 =	sor.u32 s28, s2;
	s2 =	sor.u32 s28, s22;
	s22 =	sor.u32 s26, s31  }
0x69: {  	[tilespmem:s25+$0x0] =	vst v14;
	v14 =	vadd.s32 $0x1C00, v3;
	[dreg:$0x12] =	wrdreg s22;
	s22 =	sor.u32 s28, s21;
	s21 =	sor.u32 s26, s13;
	v32 =	vld.idx.msk [tilespmem:v22+s14+$0x0], $0xffff  }
0x6a: {  	[tilespmem:s25+$0x280] =	vst v27;
	v27 =	vadd.s32 $0x1800, v3;
	[dreg:$0x13] =	wrdreg s21;
	v31 =	vld.idx.msk [tilespmem:v20+s14+$0x0], $0xffff;
	s21 =	sor.u32 s28, s13;
	s13 =	sshll.u32 s19, $0x5  }
0x6b: {  	[tilespmem:s25+$0x80] =	vst v28;
	v28 =	vadd.s32 $0x1400, v3;
	s13 =	sadd.s32 s13, s12;
	v33 =	vld.idx.msk [tilespmem:v25+s14+$0x0], $0xffff  }
0x6c: {  	[dreg:$0x8] =	wrdreg s29;
	s9 =	sor.u32 $0x380, s9;
	v3 =	vmov v26;
	[tilespmem:s25+$0x200] =	vst v19;
	v36 =	vld.idx.msk [tilespmem:v23+s14+$0x0], $0xffff;
	s25 =	sor.u32 $0x300, s13  }
0x6d: {  	s20 =	sor.u32 $0x6000, s23;
	s31 =	sor.u32 s28, s31;
	v25 =	vadd.s32 $0x400, v3;
	[tilespmem:s25+$0x6000] =	vst v17;
	s25 =	sor.u32 $0x8000, s3;
	v17 =	vld.idx.msk [tilespmem:v24+s14+$0x0], $0xffff  }
0x6e: {  	s19 =	sor.u32 s28, s30;
	v34 =	vadd.s32 $0x800, v26;
	s30 =	sadd.s32 $0x10, s13;
	[tilespmem:s9+$0x6000] =	vst v15;
	s1 =	sor.u32 s1, s25;
	v15 =	vld.idx.msk [tilespmem:v14+s14+$0x0], $0xffff  }
0x6f: {  	v35 =	vadd.s32 $0xC00, v26;
	s13 =	smov.u32 s8;
	s8 =	smov.u32 s24;
	s24 =	rddreg [dreg:$0x4];
	[tilespmem:s1+$0x0] =	vst v16;
	v16 =	vld.idx.msk [tilespmem:v27+s14+$0x0], $0xffff  }
0x70: {  	v26 =	vadd.s32 $0x1000, v3;
	s3 =	smov.u32 s23;
	s23 =	sor.u32 s0, s25;
	[tilespmem:s24+$0x0] =	vst v21;
	v21 =	vld.idx.msk [tilespmem:v28+s14+$0x0], $0xffff;
	s24 =	sor.u32 s0, s11  }
0x71: {  	s25 =	smov.u32 s28;
	s28 =	smov.u32 s7;
	s7 =	smov.u32 s2;
	v14 =	vld.idx.msk [tilespmem:v30+s14+$0x0], $0xffff;
	[tilespmem:s24+$0x80] =	vst v6  }
0x72: {  	v41 =	vadd.s32 $0x3C00, v3;
	v62 =	vadd.s32 $0x3800, v3;
	v37 =	vadd.s32 $0x400, v30;
	s2 =	rddreg [dreg:$0x3];
	s0 =	smov.u32 s26;
	s26 =	smov.u32 s18;
	v6 =	vld.idx.msk [tilespmem:v25+s14+$0x0], $0xffff;
	[tilespmem:s24+$0x200] =	vst v12  }
0x73: {  	v23 =	vadd.s32 $0x800, v30;
	v19 =	vadd.s32 $0x1000, v30;
	v38 =	vadd.s32 $0x1C00, v30;
	s11 =	smov.u32 s20;
	s18 =	smov.u32 s22;
	[dreg:$0x4] =	wrdreg s26;
	v34 =	vld.idx.msk [tilespmem:v34+s14+$0x0], $0xffff;
	[tilespmem:s24+$0x180] =	vst v8  }
0x74: {  	v20 =	vadd.s32 $0x2400, v30;
	v22 =	vadd.s32 $0x2800, v30;
	v29 =	vadd.s32 $0x2C00, v30;
	s20 =	smov.u32 s2;
	s22 =	smov.u32 s19;
	[dreg:$0x3] =	wrdreg s18;
	v8 =	vld.idx.msk [tilespmem:v35+s14+$0x0], $0xffff;
	[tilespmem:s24+$0x100] =	vst v10  }
0x75: {  	v39 =	vadd.s32 $0x3000, v30;
	v40 =	vadd.s32 $0x3400, v30;
	v42 =	vadd.s32 $0x3C00, v30;
	s18 =	smov.u32 s4;
	s4 =	smov.u32 s21;
	s26 =	rddreg [dreg:$0x6];
	v12 =	vld.idx.msk [tilespmem:v26+s14+$0x0], $0xffff;
	[tilespmem:s24+$0x0] =	vst v9  }
0x76: {  	v24 =	vadd.s32 $0xC00, v30;
	v27 =	vadd.s32 $0x3800, v30;
	[dreg:$0x6] =	wrdreg s22;
	s21 =	smov.u32 s26;
	s26 =	sor.u32 $0x300, s30;
	v26 =	vadd.s32 $0x3400, v3;
	v9 =	vld.idx.msk [tilespmem:v3+s14+$0x0], $0xffff;
	[tilespmem:s24+$0x280] =	vst v21  }
0x77: {  	v28 =	vadd.s32 $0x1400, v30;
	s2 =	smov.u32 s6;
	s6 =	sor.u32 $0x380, s30;
	s22 =	rddreg [dreg:$0x7];
	v25 =	vadd.s32 $0x2000, v30;
	v21 =	vadd.s32 $0x1800, v30;
	v30 =	vld.idx.msk [tilespmem:v41+s14+$0x0], $0xffff;
	[tilespmem:s26+$0x6000] =	vst v16  }
0x78: {  	s24 =	rddreg [dreg:$0xa];
	[tilespmem:s6+$0x6000] =	vst v15  }
0x79: {  	s26 =	rddreg [dreg:$0xd];
	v35 =	vld.idx.msk [tilespmem:v62+s14+$0x0], $0xffff;
	[tilespmem:s23+$0x0] =	vst v17  }
0x7a: {  	[tilespmem:s24+$0x0] =	vst v36;
	s24 =	rddreg [dreg:$0xb]  }
0x7b: {  	v63 =	vld.idx.msk [tilespmem:v26+s14+$0x0], $0xffff;
	[tilespmem:s22+$0x0] =	vst v33;
	s22 =	rddreg [dreg:$0x8]  }
0x7c: {  	s23 =	smov.u32 s26;
	s26 =	smov.u32 s24;
	s24 =	rddreg [dreg:$0x10]  }
0x7d: {  	s29 =	sor.u32 s10, s16;
	[tilespmem:s22+$0x0] =	vst v32;
	s22 =	rddreg [dreg:$0xc]  }
0x7e: {  	s9 =	smov.u32 s29;
	s29 =	smov.u32 s24;
	s24 =	rddreg [dreg:$0xf]  }
0x7f: {  	v16 =	vld.idx.msk [tilespmem:v42+s14+$0x0], $0xffff;
	[tilespmem:s22+$0x0] =	vst v31;
	s22 =	rddreg [dreg:$0x9]  }
0x80: {  	s5 =	sadd.s32 $0x2, s5;
	v15 =	vld.idx.msk [tilespmem:v38+s14+$0x0], $0xffff;
	s30 =	smov.u32 s24;
	s24 =	rddreg [dreg:$0x11]  }
0x81: {  	p0 =	slt.u32 s5, $0x3E;
	v17 =	vld.idx.msk [tilespmem:v21+s14+$0x0], $0xffff;
	[tilespmem:s22+$0x0] =	vst v13;
	s22 =	smov.u32 s24;
	s24 =	rddreg [dreg:$0xe]  }
.Ltmp0:
0x82: {  	v21 =	vld.idx.msk [tilespmem:v27+s14+$0x0], $0xffff;
	[tilespmem:s24+$0x0] =	vst v11;
	s24 =	rddreg [dreg:$0x12];
	(pc) =	sbr.rel @p0 .LBB2_2-.Ltmp0, $4  }
0x83: {  	s1 =	smov.u32 s31;
	v26 =	vld.idx.msk [tilespmem:v40+s14+$0x0], $0xffff;
	s31 =	smov.u32 s24;
	s24 =	rddreg [dreg:$0x5]  }
0x84: {  	s16 =	sadd.s32 $0x20, s16;
	v27 =	vld.idx.msk [tilespmem:v28+s14+$0x0], $0xffff;
	[tilespmem:s24+$0x0] =	vst v7;
	s24 =	rddreg [dreg:$0x13]  }
0x85: {  	s17 =	sadd.s32 $0x20, s17;
	s12 =	smov.u32 s10;
	v28 =	vld.idx.msk [tilespmem:v37+s14+$0x0], $0xffff;
	s6 =	smov.u32 s24  }
0x86: {  	s19 =	smov.u32 s15;
	s15 =	sadd.s32 $0x1, s15;
	v10 =	vmovc v34;
	v11 =	vmov v35;
	v13 =	vmov v63;
	v7 =	vmov v30;
	v30 =	vld.idx.msk [tilespmem:v39+s14+$0x0], $0xffff;
	[tilespmem:s28+$0x0] =	vst v18;
	[dreg:$0x5] =	wrdreg s6  }
0x87: {  	_ =	sdelay $0x3  }
0x88: {  	v18 =	vld.idx.msk [tilespmem:v23+s14+$0x0], $0xffff  }
0x89: {  	v23 =	vld.idx.msk [tilespmem:v24+s14+$0x0], $0xffff;
	[tilespmem:s13+$0x0] =	vst v4  }
0x8a: {  	v4 =	vld.idx.msk [tilespmem:v29+s14+$0x0], $0xffff;
	[tilespmem:s20+$0x0] =	vst v5  }
0x8b: {  	v5 =	vld.idx.msk [tilespmem:v22+s14+$0x0], $0xffff;
	[tilespmem:s21+$0x0] =	vst v2  }
0x8c: {  	v2 =	vld.idx.msk [tilespmem:v20+s14+$0x0], $0xffff;
	[tilespmem:s18+$0x0] =	vst v1  }
0x8d: {  	s17 =	sor.u32 s25, s11;
	v22 =	vadd.s32 $0x2C00, v3;
	v1 =	vld.idx.msk [tilespmem:v25+s14+$0x0], $0xffff;
	[tilespmem:s2+$0x0] =	vst v0  }
0x8e: {  	v20 =	vadd.s32 $0x3000, v3;
	v0 =	vld.idx.msk [tilespmem:v19+s14+$0x0], $0xffff;
	[tilespmem:s17+$0x0] =	vst v14  }
0x8f: {  	v19 =	vadd.s32 $0x2800, v3;
	[tilespmem:s17+$0x280] =	vst v27  }
0x90: {  	s5 =	sand.u32 $0x3, s19;
	v14 =	vadd.s32 $0x1C00, v3;
	[tilespmem:s17+$0x80] =	vst v28  }
0x91: {  	s5 =	sshll.u32 s5, $0x5;
	[tilespmem:s17+$0x100] =	vst v18;
	v18 =	vadd.s32 $0x2400, v3  }
0x92: {  	s5 =	sadd.s32 s5, s12;
	[tilespmem:s17+$0x180] =	vst v23;
	v23 =	vadd.s32 $0x2000, v3;
	v22 =	vld.idx.msk [tilespmem:v22+s14+$0x0], $0xffff  }
0x93: {  	v24 =	vadd.s32 $0x1800, v3;
	s18 =	sor.u32 $0x300, s5;
	v20 =	vld.idx.msk [tilespmem:v20+s14+$0x0], $0xffff;
	[tilespmem:s17+$0x200] =	vst v0  }
0x94: {  	s19 =	sor.u32 $0x380, s9;
	s20 =	sor.u32 $0x8000, s3;
	v3 =	vadd.s32 $0x1400, v3;
	v19 =	vld.idx.msk [tilespmem:v19+s14+$0x0], $0xffff;
	[tilespmem:s18+$0x6000] =	vst v17  }
0x95: {  	s21 =	sor.u32 s25, s20;
	v14 =	vld.idx.msk [tilespmem:v14+s14+$0x0], $0xffff;
	[tilespmem:s19+$0x6000] =	vst v15  }
0x96: {  	v0 =	vld.idx.msk [tilespmem:v18+s14+$0x0], $0xffff;
	[tilespmem:s21+$0x0] =	vst v1  }
0x97: {  	v17 =	vld.idx.msk [tilespmem:v23+s14+$0x0], $0xffff;
	s2 =	rddreg [dreg:$0x4]  }
0x98: {  	s24 =	sor.u32 s0, s11;
	v1 =	vld.idx.msk [tilespmem:v24+s14+$0x0], $0xffff;
	[tilespmem:s2+$0x0] =	vst v2  }
0x99: {  	v2 =	vld.idx.msk [tilespmem:v3+s14+$0x0], $0xffff;
	[tilespmem:s24+$0x80] =	vst v6  }
0x9a: {  	[tilespmem:s24+$0x200] =	vst v12  }
0x9b: {  	[tilespmem:s24+$0x180] =	vst v8  }
0x9c: {  	[tilespmem:s24+$0x100] =	vst v10  }
0x9d: {  	s25 =	sadd.s32 $0x10, s5;
	[tilespmem:s24+$0x0] =	vst v9  }
0x9e: {  	s28 =	sor.u32 $0x300, s25;
	[tilespmem:s24+$0x280] =	vst v2  }
0x9f: {  	s3 =	sor.u32 $0x380, s25;
	[tilespmem:s28+$0x6000] =	vst v1  }
0xa0: {  	s5 =	sor.u32 s0, s20;
	[tilespmem:s3+$0x6000] =	vst v14  }
0xa1: {  	[tilespmem:s5+$0x0] =	vst v17  }
0xa2: {  	[tilespmem:s23+$0x0] =	vst v0  }
0xa3: {  	[tilespmem:s26+$0x0] =	vst v19  }
0xa4: {  	[tilespmem:s29+$0x0] =	vst v22  }
0xa5: {  	[tilespmem:s30+$0x0] =	vst v20  }
0xa6: {  	[tilespmem:s22+$0x0] =	vst v13  }
0xa7: {  	[tilespmem:s31+$0x0] =	vst v11  }
0xa8: {  	s6 =	rddreg [dreg:$0x5];
	[tilespmem:s7+$0x0] =	vst v5  }
0xa9: {  	[tilespmem:s6+$0x0] =	vst v7  }
0xaa: {  	[tilespmem:s8+$0x0] =	vst v4  }
0xab: {  	s0 =	rddreg [dreg:$0x3]  }
0xac: {  	[tilespmem:s0+$0x0] =	vst v30  }
0xad: {  	s0 =	rddreg [dreg:$0x6]  }
0xae: {  	[tilespmem:s0+$0x0] =	vst v26  }
0xaf: {  	[tilespmem:s1+$0x0] =	vst v21  }
0xb0: {  	s9 =	simm.s32 $0x0;
	[tilespmem:s4+$0x0] =	vst v16  }
0xb1: {  	s10 =	sand.u32 $0x3E0, s9;
	s31 =	simm.s32 $0x6000;
	s0 =	rddreg [dreg:$0x16]  }
0xb2: {  	[hbm4b:s0+s9] =	stream.linear.scatter [tilespmem:s31], [sflag:$0x1], $0x4000, $0x38;
	[tilespmem:$0xE000] =	vst v63  }
0xb3: {  	s11 =	simm.s32 $0x410;
	v0 =	vld [tilespmem:s10+$0x400]  }
0xb4: {  	v4 =	vld [tilespmem:s11+$0x0];
	_ =	sdelay $0x3  }
0xb5: {  	v1 =	vadd.s32 $0x400, v0  }
0xb6: {  	v2 =	vadd.s32 $0x800, v0  }
0xb7: {  	v3 =	vadd.s32 $0x2C00, v0  }
0xb8: {  	v5 =	vadd.s32 $0x1400, v0;
	v6 =	vld.idx.msk [tilespmem:v0+s14+$0x0], $0xffff  }
0xb9: {  	v7 =	vadd.s32 $0x2800, v0;
	v32 =	vld.idx.msk [tilespmem:v4+s14+$0x0], $0xffff  }
0xba: {  	v8 =	vadd.s32 $0x3000, v0;
	v9 =	vld.idx.msk [tilespmem:v1+s14+$0x0], $0xffff  }
0xbb: {  	v1 =	vadd.s32 $0x1C00, v0;
	v10 =	vld.idx.msk [tilespmem:v2+s14+$0x0], $0xffff  }
0xbc: {  	v2 =	vadd.s32 $0x3800, v0;
	v14 =	vld.idx.msk [tilespmem:v3+s14+$0x0], $0xffff  }
0xbd: {  	v11 =	vadd.s32 $0x400, v4;
	v5 =	vld.idx.msk [tilespmem:v5+s14+$0x0], $0xffff  }
0xbe: {  	v13 =	vadd.s32 $0xC00, v4;
	v7 =	vld.idx.msk [tilespmem:v7+s14+$0x0], $0xffff  }
0xbf: {  	v18 =	vadd.s32 $0x2000, v0;
	v21 =	vld.idx.msk [tilespmem:v8+s14+$0x0], $0xffff  }
0xc0: {  	v16 =	vld.idx.msk [tilespmem:v1+s14+$0x0], $0xffff;
	v1 =	vadd.s32 $0x1C00, v4  }
0xc1: {  	v20 =	vld.idx.msk [tilespmem:v2+s14+$0x0], $0xffff;
	v2 =	vadd.s32 $0x1800, v4  }
0xc2: {  	v22 =	vld.idx.msk [tilespmem:v11+s14+$0x0], $0xffff;
	v11 =	vadd.s32 $0x3C00, v4  }
0xc3: {  	v17 =	vadd.s32 $0x3800, v4;
	v23 =	vld.idx.msk [tilespmem:v13+s14+$0x0], $0xffff  }
0xc4: {  	v19 =	vadd.s32 $0xC00, v0;
	v18 =	vld.idx.msk [tilespmem:v18+s14+$0x0], $0xffff  }
0xc5: {  	v3 =	vadd.s32 $0x1000, v0;
	v12 =	vld.idx.msk [tilespmem:v1+s14+$0x0], $0xffff  }
0xc6: {  	v13 =	vadd.s32 $0x3C00, v0;
	v8 =	vld.idx.msk [tilespmem:v2+s14+$0x0], $0xffff  }
0xc7: {  	v1 =	vld.idx.msk [tilespmem:v11+s14+$0x0], $0xffff;
	v11 =	vadd.s32 $0x3400, v0  }
0xc8: {  	v2 =	vld.idx.msk [tilespmem:v17+s14+$0x0], $0xffff;
	v17 =	vadd.s32 $0x2400, v0  }
0xc9: {  	v19 =	vld.idx.msk [tilespmem:v19+s14+$0x0], $0xffff;
	v0 =	vadd.s32 $0x1800, v0  }
0xca: {  	v15 =	vld.idx.msk [tilespmem:v3+s14+$0x0], $0xffff;
	v3 =	vadd.s32 $0x800, v4  }
0xcb: {  	s6 =	sand.u32 $0x1C00, s9;
	v25 =	vld.idx.msk [tilespmem:v13+s14+$0x0], $0xffff  }
0xcc: {  	s4 =	sand.u32 $0x60, s9;
	s0 =	sor.u32 $0xA000, s6;
	v13 =	vadd.s32 $0x2000, v4;
	v26 =	vld.idx.msk [tilespmem:v11+s14+$0x0], $0xffff  }
0xcd: {  	s1 =	sor.u32 $0xA080, s6;
	s15 =	sor.u32 s4, s0;
	v27 =	vadd.s32 $0x3000, v4;
	v17 =	vld.idx.msk [tilespmem:v17+s14+$0x0], $0xffff  }
0xce: {  	s21 =	simm.s32 $0x20;
	s2 =	sor.u32 $0xA100, s6;
	s16 =	sor.u32 s4, s1;
	v28 =	vld.idx.msk [tilespmem:v0+s14+$0x0], $0xffff;
	[tilespmem:s15+$0x0] =	vst v6  }
0xcf: {  	s12 =	sand.u32 $0x3E0, s21;
	s3 =	sor.u32 $0xA180, s6;
	s17 =	sor.u32 s4, s2;
	v29 =	vadd.s32 $0x2C00, v4;
	v24 =	vld.idx.msk [tilespmem:v3+s14+$0x0], $0xffff;
	[tilespmem:s16+$0x0] =	vst v9  }
0xd0: {  	s5 =	sor.u32 $0xA200, s6;
	s18 =	sor.u32 s4, s3;
	v3 =	vld [tilespmem:s12+$0x400];
	v11 =	vadd.s32 $0x3400, v4;
	[tilespmem:s17+$0x0] =	vst v10  }
0xd1: {  	s7 =	sor.u32 $0xA280, s6;
	s19 =	sor.u32 s4, s5;
	v30 =	vld.idx.msk [tilespmem:v13+s14+$0x0], $0xffff;
	v6 =	vadd.s32 $0x2800, v4;
	[tilespmem:s18+$0x0] =	vst v19  }
0xd2: {  	s13 =	simm.s32 $0x430;
	s20 =	sor.u32 s4, s7;
	s9 =	sor.u32 $0xA300, s6;
	v13 =	vld.idx.msk [tilespmem:v27+s14+$0x0], $0xffff;
	v9 =	vadd.s32 $0x2400, v4;
	[tilespmem:s19+$0x0] =	vst v15  }
0xd3: {  	s22 =	sor.u32 s4, s9;
	v0 =	vld [tilespmem:s13+$0x0];
	s13 =	sor.u32 $0xA380, s6;
	v10 =	vadd.s32 $0x1400, v4;
	[tilespmem:s20+$0x0] =	vst v5  }
0xd4: {  	s15 =	sor.u32 $0xC000, s6;
	s23 =	sor.u32 s4, s13;
	v19 =	vadd.s32 $0x1000, v4;
	v15 =	vld.idx.msk [tilespmem:v29+s14+$0x0], $0xffff;
	[tilespmem:s22+$0x0] =	vst v28  }
0xd5: {  	s8 =	sor.u32 $0xC100, s6;
	s24 =	sor.u32 s4, s15;
	s16 =	sor.u32 $0xC080, s6;
	v11 =	vld.idx.msk [tilespmem:v11+s14+$0x0], $0xffff;
	[tilespmem:s23+$0x0] =	vst v16  }
0xd6: {  	s25 =	sor.u32 s4, s8;
	s12 =	sor.u32 $0xC180, s6;
	s10 =	sor.u32 s4, s16;
	v31 =	vld.idx.msk [tilespmem:v6+s14+$0x0], $0xffff;
	v5 =	vadd.s32 $0x400, v3;
	[tilespmem:s24+$0x0] =	vst v18  }
0xd7: {  	s11 =	sor.u32 $0xC300, s6;
	s26 =	sor.u32 s4, s12;
	s17 =	sor.u32 $0xC200, s6;
	v6 =	vadd.s32 $0x800, v3;
	v27 =	vld.idx.msk [tilespmem:v9+s14+$0x0], $0xffff;
	[tilespmem:s10+$0x0] =	vst v17  }
0xd8: {  	s18 =	sor.u32 $0xC280, s6;
	v9 =	vadd.s32 $0x2C00, v3;
	v28 =	vld.idx.msk [tilespmem:v10+s14+$0x0], $0xffff;
	s10 =	sor.u32 $0xC380, s6;
	s6 =	sor.u32 $0x10, s4;
	[tilespmem:s25+$0x0] =	vst v7  }
0xd9: {  	v33 =	vadd.s32 $0x2800, v3;
	v29 =	vld.idx.msk [tilespmem:v19+s14+$0x0], $0xffff;
	s0 =	sor.u32 s6, s0;
	[tilespmem:s26+$0x0] =	vst v14  }
0xda: {  	s28 =	sor.u32 s4, s17;
	v10 =	vadd.s32 $0x1400, v3;
	v17 =	vld.idx.msk [tilespmem:v3+s14+$0x0], $0xffff;
	[tilespmem:s0+$0x0] =	vst v32  }
0xdb: {  	v18 =	vld.idx.msk [tilespmem:v5+s14+$0x0], $0xffff;
	v5 =	vadd.s32 $0x1C00, v3;
	s19 =	sor.u32 s6, s1;
	[tilespmem:s28+$0x0] =	vst v21  }
0xdc: {  	s29 =	sor.u32 s4, s18;
	v19 =	vld.idx.msk [tilespmem:v6+s14+$0x0], $0xffff;
	v6 =	vadd.s32 $0x3800, v3;
	[tilespmem:s19+$0x0] =	vst v22  }
0xdd: {  	s30 =	sor.u32 s4, s11;
	v7 =	vadd.s32 $0x3000, v3;
	v4 =	vld.idx.msk [tilespmem:v9+s14+$0x0], $0xffff;
	[tilespmem:s29+$0x0] =	vst v26  }
0xde: {  	s4 =	sor.u32 s4, s10;
	v9 =	vld.idx.msk [tilespmem:v33+s14+$0x0], $0xffff;
	[tilespmem:s30+$0x0] =	vst v20;
	v20 =	vadd.s32 $0x1000, v3  }
0xdf: {  	s20 =	sor.u32 s6, s2;
	v16 =	vld.idx.msk [tilespmem:v10+s14+$0x0], $0xffff;
	[tilespmem:s4+$0x0] =	vst v25;
	v25 =	vadd.s32 $0x400, v0  }
0xe0: {  	[tilespmem:s20+$0x0] =	vst v24;
	v24 =	vadd.s32 $0xC00, v0;
	v14 =	vld.idx.msk [tilespmem:v5+s14+$0x0], $0xffff  }
0xe1: {  	s22 =	sor.u32 s6, s3;
	v5 =	vadd.s32 $0x1C00, v0;
	v6 =	vld.idx.msk [tilespmem:v6+s14+$0x0], $0xffff  }
0xe2: {  	s23 =	sor.u32 s6, s5;
	v22 =	vadd.s32 $0x1800, v0;
	[tilespmem:s22+$0x0] =	vst v23;
	v10 =	vld.idx.msk [tilespmem:v7+s14+$0x0], $0xffff  }
0xe3: {  	s24 =	sor.u32 s6, s7;
	[tilespmem:s23+$0x0] =	vst v29;
	v21 =	vld.idx.msk [tilespmem:v20+s14+$0x0], $0xffff;
	v20 =	vadd.s32 $0x800, v0  }
0xe4: {  	s25 =	sor.u32 s6, s9;
	[tilespmem:s24+$0x0] =	vst v28;
	v7 =	vld.idx.msk [tilespmem:v25+s14+$0x0], $0xffff;
	v25 =	vadd.s32 $0x3C00, v0  }
0xe5: {  	v63 =	vadd.s32 $0x3800, v0;
	[tilespmem:s25+$0x0] =	vst v8;
	v8 =	vld.idx.msk [tilespmem:v24+s14+$0x0], $0xffff  }
0xe6: {  	s7 =	simm.s32 $0x100;
	s5 =	simm.s32 $0x2;
	s26 =	sor.u32 s6, s13;
	v28 =	vadd.s32 $0x2000, v3;
	v23 =	vld.idx.msk [tilespmem:v5+s14+$0x0], $0xffff  }
0xe7: {  	s2 =	sor.u32 s6, s17;
	s9 =	simm.s32 $0x40;
	s28 =	sor.u32 s6, s15;
	v29 =	vadd.s32 $0xC00, v3;
	[tilespmem:s26+$0x0] =	vst v12;
	v5 =	vld.idx.msk [tilespmem:v22+s14+$0x0], $0xffff  }
0xe8: {  	s12 =	sor.u32 s6, s12;
	s0 =	sand.u32 $0x1C00, s7;
	s29 =	sor.u32 s6, s16;
	[tilespmem:s28+$0x0] =	vst v30;
	v12 =	vld.idx.msk [tilespmem:v20+s14+$0x0], $0xffff  }
0xe9: {  	s13 =	sor.u32 s6, s18;
	s1 =	sor.u32 $0xA000, s0;
	s30 =	sor.u32 s6, s8;
	[tilespmem:s29+$0x0] =	vst v27;
	v27 =	vadd.s32 $0x3C00, v3;
	v24 =	vld.idx.msk [tilespmem:v25+s14+$0x0], $0xffff  }
0xea: {  	s3 =	sor.u32 $0xA080, s0;
	v26 =	vadd.s32 $0x3400, v3;
	s8 =	simm.s32 $0x450;
	s4 =	sor.u32 $0xA100, s0;
	[tilespmem:s30+$0x0] =	vst v31;
	v20 =	vadd.s32 $0x2400, v3;
	v25 =	vld.idx.msk [tilespmem:v63+s14+$0x0], $0xffff  }
.LBB2_4:
0xeb: {  	s15 =	sand.u32 $0x3E0, s9;
	s5 =	sadd.s32 $0x2, s5;
	v28 =	vld.idx.msk [tilespmem:v28+s14+$0x0], $0xffff;
	s7 =	sadd.s32 $0x100, s7;
	[tilespmem:s12+$0x0] =	vst v15;
	v22 =	vmov v23  }
0xec: {  	v23 =	vadd.s32 $0x1800, v3;
	s12 =	sand.u32 $0x1C00, s7;
	p0 =	slt.u32 s5, $0x3E;
	v15 =	vld.idx.msk [tilespmem:v29+s14+$0x0], $0xffff;
	[tilespmem:s2+$0x0] =	vst v13;
	s2 =	sor.u32 s6, s11  }
0xed: {  	v3 =	vld [tilespmem:s15+$0x400];
	s11 =	sor.u32 $0xA000, s12;
	s20 =	sor.u32 $0xA080, s12;
	s22 =	sor.u32 $0xA100, s12;
	[tilespmem:s13+$0x0] =	vst v11  }
0xee: {  	v11 =	vadd.s32 $0x2000, v0;
	v27 =	vld.idx.msk [tilespmem:v27+s14+$0x0], $0xffff;
	[tilespmem:s2+$0x0] =	vst v2;
	s2 =	sor.u32 s6, s10  }
0xef: {  	v13 =	vadd.s32 $0x3400, v0;
	v26 =	vld.idx.msk [tilespmem:v26+s14+$0x0], $0xffff;
	[tilespmem:s2+$0x0] =	vst v1;
	v1 =	vmov v24  }
0xf0: {  	v29 =	vadd.s32 $0x3000, v0;
	s13 =	sand.u32 $0x60, s21;
	s21 =	smov.u32 s9;
	s10 =	sor.u32 $0xC200, s0;
	v2 =	vmov v25;
	v24 =	vld.idx.msk [tilespmem:v20+s14+$0x0], $0xffff  }
0xf1: {  	s17 =	sor.u32 s13, s4;
	s6 =	sor.u32 $0x10, s13;
	s2 =	sor.u32 s13, s1;
	v25 =	vadd.s32 $0x2C00, v0;
	v23 =	vld.idx.msk [tilespmem:v23+s14+$0x0], $0xffff  }
0xf2: {  	s19 =	sor.u32 s6, s1;
	s15 =	sor.u32 s6, s4;
	v20 =	vadd.s32 $0x2400, v3;
	v30 =	vld [tilespmem:s8+$0x0];
	[tilespmem:s2+$0x0] =	vst v17;
	s2 =	sor.u32 s13, s3;
	v17 =	vadd.s32 $0x2800, v0  }
0xf3: {  	s16 =	sor.u32 $0xA180, s0;
	s23 =	sor.u32 s6, s3;
	[tilespmem:s2+$0x0] =	vst v18;
	v31 =	vld.idx.msk [tilespmem:v11+s14+$0x0], $0xffff;
	v18 =	vadd.s32 $0x2400, v0;
	s2 =	sor.u32 s6, s10  }
0xf4: {  	s1 =	smov.u32 s11;
	s3 =	sor.u32 s13, s16;
	[tilespmem:s17+$0x0] =	vst v19;
	s17 =	sor.u32 $0xA200, s0;
	v19 =	vadd.s32 $0x1400, v0;
	v11 =	vld.idx.msk [tilespmem:v13+s14+$0x0], $0xffff  }
0xf5: {  	s18 =	sor.u32 $0xA280, s0;
	v32 =	vadd.s32 $0x1000, v0;
	[tilespmem:s3+$0x0] =	vst v15;
	s4 =	sor.u32 s13, s17;
	v13 =	vld.idx.msk [tilespmem:v29+s14+$0x0], $0xffff;
	s3 =	smov.u32 s20  }
0xf6: {  	s11 =	sor.u32 s13, s18;
	s20 =	sor.u32 $0xA300, s0;
	[tilespmem:s4+$0x0] =	vst v21;
	v15 =	vld.idx.msk [tilespmem:v25+s14+$0x0], $0xffff;
	s4 =	smov.u32 s22  }
0xf7: {  	s22 =	sor.u32 $0xA380, s0;
	[tilespmem:s11+$0x0] =	vst v16;
	s11 =	sor.u32 s13, s20;
	v33 =	vld.idx.msk [tilespmem:v17+s14+$0x0], $0xffff  }
0xf8: {  	s24 =	sor.u32 $0xC000, s0;
	v21 =	vadd.s32 $0x3000, v3;
	v16 =	vadd.s32 $0x400, v3;
	[tilespmem:s11+$0x0] =	vst v23;
	s11 =	sor.u32 s13, s22;
	v25 =	vld.idx.msk [tilespmem:v18+s14+$0x0], $0xffff  }
0xf9: {  	s26 =	sor.u32 $0xC080, s0;
	v23 =	vadd.s32 $0x800, v3;
	[tilespmem:s11+$0x0] =	vst v14;
	s11 =	sor.u32 s13, s24;
	v29 =	vld.idx.msk [tilespmem:v19+s14+$0x0], $0xffff  }
0xfa: {  	s28 =	sor.u32 $0xC100, s0;
	v14 =	vadd.s32 $0x2C00, v3;
	[tilespmem:s11+$0x0] =	vst v28;
	s11 =	sor.u32 s13, s26;
	v28 =	vld.idx.msk [tilespmem:v32+s14+$0x0], $0xffff  }
0xfb: {  	s25 =	sor.u32 $0xC180, s0;
	v32 =	vadd.s32 $0x1400, v3;
	[tilespmem:s11+$0x0] =	vst v24;
	s11 =	sor.u32 s13, s28;
	v24 =	vld.idx.msk [tilespmem:v0+s14+$0x0], $0xffff;
	v0 =	vmov v30  }
0xfc: {  	v30 =	vadd.s32 $0x2800, v3;
	v17 =	vld.idx.msk [tilespmem:v3+s14+$0x0], $0xffff;
	[tilespmem:s11+$0x0] =	vst v9;
	s11 =	sor.u32 s13, s25  }
0xfd: {  	s29 =	sor.u32 $0xC280, s0;
	v34 =	vadd.s32 $0x1C00, v3;
	s10 =	sor.u32 s13, s10;
	v18 =	vld.idx.msk [tilespmem:v16+s14+$0x0], $0xffff;
	[tilespmem:s11+$0x0] =	vst v4  }
0xfe: {  	s11 =	sor.u32 $0xC300, s0;
	v19 =	vld.idx.msk [tilespmem:v23+s14+$0x0], $0xffff;
	v23 =	vadd.s32 $0x3800, v3;
	[tilespmem:s10+$0x0] =	vst v10;
	s10 =	sor.u32 s13, s29  }
0xff: {  	s30 =	sor.u32 s13, s11;
	v4 =	vld.idx.msk [tilespmem:v14+s14+$0x0], $0xffff;
	[tilespmem:s10+$0x0] =	vst v26;
	s10 =	sor.u32 $0xC380, s0;
	s0 =	smov.u32 s12  }
0x100: {  	v26 =	vadd.s32 $0x1000, v3;
	v16 =	vld.idx.msk [tilespmem:v32+s14+$0x0], $0xffff;
	[tilespmem:s30+$0x0] =	vst v6;
	s12 =	sor.u32 s13, s10  }
0x101: {  	v9 =	vld.idx.msk [tilespmem:v30+s14+$0x0], $0xffff;
	v30 =	vadd.s32 $0x400, v0;
	[tilespmem:s12+$0x0] =	vst v27  }
0x102: {  	v27 =	vadd.s32 $0x1C00, v0;
	v14 =	vld.idx.msk [tilespmem:v34+s14+$0x0], $0xffff;
	[tilespmem:s19+$0x0] =	vst v24  }
0x103: {  	v24 =	vadd.s32 $0x1800, v0;
	v6 =	vld.idx.msk [tilespmem:v23+s14+$0x0], $0xffff;
	[tilespmem:s23+$0x0] =	vst v7  }
0x104: {  	v32 =	vadd.s32 $0xC00, v0;
	s12 =	sor.u32 s6, s16;
	v10 =	vld.idx.msk [tilespmem:v21+s14+$0x0], $0xffff;
	[tilespmem:s15+$0x0] =	vst v12  }
0x105: {  	v12 =	vadd.s32 $0x800, v0;
	v21 =	vld.idx.msk [tilespmem:v26+s14+$0x0], $0xffff;
	[tilespmem:s12+$0x0] =	vst v8;
	s12 =	sor.u32 s6, s17  }
0x106: {  	v26 =	vadd.s32 $0x3C00, v0;
	v7 =	vld.idx.msk [tilespmem:v30+s14+$0x0], $0xffff;
	[tilespmem:s12+$0x0] =	vst v28;
	s12 =	sor.u32 s6, s18  }
0x107: {  	v30 =	vadd.s32 $0x3800, v0;
	v23 =	vld.idx.msk [tilespmem:v27+s14+$0x0], $0xffff;
	[tilespmem:s12+$0x0] =	vst v29;
	s12 =	sor.u32 s6, s20  }
.Ltmp1:
0x108: {  	v28 =	vadd.s32 $0x2000, v3;
	[tilespmem:s12+$0x0] =	vst v5;
	v5 =	vld.idx.msk [tilespmem:v24+s14+$0x0], $0xffff;
	s12 =	sor.u32 s6, s22;
	(pc) =	sbr.rel @p0 .LBB2_4-.Ltmp1, $4  }
0x109: {  	v29 =	vadd.s32 $0xC00, v3;
	v8 =	vld.idx.msk [tilespmem:v32+s14+$0x0], $0xffff;
	[tilespmem:s12+$0x0] =	vst v22;
	s12 =	sor.u32 s6, s24  }
0x10a: {  	v12 =	vld.idx.msk [tilespmem:v12+s14+$0x0], $0xffff;
	[tilespmem:s12+$0x0] =	vst v31;
	s12 =	sor.u32 s6, s26  }
0x10b: {  	s13 =	sor.u32 s6, s29;
	v27 =	vadd.s32 $0x3C00, v3;
	v24 =	vld.idx.msk [tilespmem:v26+s14+$0x0], $0xffff;
	[tilespmem:s12+$0x0] =	vst v25;
	s12 =	sor.u32 s6, s28  }
0x10c: {  	s9 =	sadd.s32 $0x20, s9;
	s8 =	sadd.s32 $0x20, s8;
	v26 =	vadd.s32 $0x3400, v3;
	v25 =	vld.idx.msk [tilespmem:v30+s14+$0x0], $0xffff;
	[tilespmem:s12+$0x0] =	vst v33;
	s12 =	sor.u32 s6, s25  }
0x10d: {  	_ =	sdelay $0x3  }
0x10e: {  	v22 =	vld.idx.msk [tilespmem:v28+s14+$0x0], $0xffff;
	v3 =	vadd.s32 $0x1800, v3;
	[tilespmem:s12+$0x0] =	vst v15  }
0x10f: {  	v15 =	vld.idx.msk [tilespmem:v29+s14+$0x0], $0xffff;
	[tilespmem:s2+$0x0] =	vst v13  }
0x110: {  	s23 =	sor.u32 s6, s11;
	v13 =	vld.idx.msk [tilespmem:v27+s14+$0x0], $0xffff;
	[tilespmem:s13+$0x0] =	vst v11  }
0x111: {  	s5 =	sor.u32 s6, s10;
	s2 =	sand.u32 $0x60, s21;
	v11 =	vld.idx.msk [tilespmem:v26+s14+$0x0], $0xffff;
	[tilespmem:s23+$0x0] =	vst v2  }
0x112: {  	s24 =	sor.u32 s2, s1;
	v2 =	vld.idx.msk [tilespmem:v20+s14+$0x0], $0xffff;
	[tilespmem:s5+$0x0] =	vst v1  }
0x113: {  	s25 =	sor.u32 s2, s3;
	v1 =	vld.idx.msk [tilespmem:v3+s14+$0x0], $0xffff;
	[tilespmem:s24+$0x0] =	vst v17  }
0x114: {  	s26 =	sor.u32 s2, s4;
	s5 =	sor.u32 $0xA180, s0;
	[tilespmem:s25+$0x0] =	vst v18  }
0x115: {  	s7 =	sor.u32 $0xA200, s0;
	s28 =	sor.u32 s2, s5;
	v17 =	vadd.s32 $0x3400, v0;
	[tilespmem:s26+$0x0] =	vst v19  }
0x116: {  	s8 =	sor.u32 $0xA280, s0;
	s29 =	sor.u32 s2, s7;
	v3 =	vadd.s32 $0x2000, v0;
	[tilespmem:s28+$0x0] =	vst v15  }
0x117: {  	s9 =	sor.u32 $0xA300, s0;
	s30 =	sor.u32 s2, s8;
	v18 =	vadd.s32 $0x2C00, v0;
	[tilespmem:s29+$0x0] =	vst v21  }
0x118: {  	s11 =	sor.u32 $0xA380, s0;
	s10 =	sor.u32 s2, s9;
	[tilespmem:s30+$0x0] =	vst v16  }
0x119: {  	s12 =	sor.u32 s2, s11;
	s13 =	sor.u32 $0xC000, s0;
	v15 =	vadd.s32 $0x3000, v0;
	[tilespmem:s10+$0x0] =	vst v1  }
0x11a: {  	s20 =	sor.u32 $0xC080, s0;
	s19 =	sor.u32 s2, s13;
	v16 =	vld.idx.msk [tilespmem:v17+s14+$0x0], $0xffff;
	v17 =	vadd.s32 $0x1400, v0;
	[tilespmem:s12+$0x0] =	vst v14  }
0x11b: {  	s22 =	sor.u32 $0xC100, s0;
	s21 =	sor.u32 s2, s20;
	v3 =	vld.idx.msk [tilespmem:v3+s14+$0x0], $0xffff;
	v1 =	vadd.s32 $0x2800, v0;
	[tilespmem:s19+$0x0] =	vst v22  }
0x11c: {  	s15 =	sor.u32 $0xC180, s0;
	s23 =	sor.u32 s2, s22;
	v18 =	vld.idx.msk [tilespmem:v18+s14+$0x0], $0xffff;
	v14 =	vadd.s32 $0x2400, v0;
	[tilespmem:s21+$0x0] =	vst v2  }
0x11d: {  	s16 =	sor.u32 $0xC200, s0;
	s24 =	sor.u32 s2, s15;
	v2 =	vadd.s32 $0x1000, v0;
	v0 =	vld.idx.msk [tilespmem:v0+s14+$0x0], $0xffff;
	[tilespmem:s23+$0x0] =	vst v9  }
0x11e: {  	s17 =	sor.u32 $0xC280, s0;
	s25 =	sor.u32 s2, s16;
	v15 =	vld.idx.msk [tilespmem:v15+s14+$0x0], $0xffff;
	[tilespmem:s24+$0x0] =	vst v4  }
0x11f: {  	s18 =	sor.u32 $0xC300, s0;
	s26 =	sor.u32 s2, s17;
	v9 =	vld.idx.msk [tilespmem:v17+s14+$0x0], $0xffff;
	[tilespmem:s25+$0x0] =	vst v10  }
0x120: {  	s28 =	sor.u32 s2, s18;
	s19 =	sor.u32 $0x10, s2;
	v1 =	vld.idx.msk [tilespmem:v1+s14+$0x0], $0xffff;
	[tilespmem:s26+$0x0] =	vst v11  }
0x121: {  	s29 =	sor.u32 $0xC380, s0;
	s30 =	sor.u32 s19, s1;
	v4 =	vld.idx.msk [tilespmem:v14+s14+$0x0], $0xffff;
	[tilespmem:s28+$0x0] =	vst v6  }
0x122: {  	s2 =	sor.u32 s2, s29;
	v2 =	vld.idx.msk [tilespmem:v2+s14+$0x0], $0xffff;
	[tilespmem:s30+$0x0] =	vst v0  }
0x123: {  	s3 =	sor.u32 s19, s3;
	[tilespmem:s2+$0x0] =	vst v13  }
0x124: {  	s4 =	sor.u32 s19, s4;
	[tilespmem:s3+$0x0] =	vst v7  }
0x125: {  	s6 =	sor.u32 s19, s5;
	[tilespmem:s4+$0x0] =	vst v12  }
0x126: {  	s7 =	sor.u32 s19, s7;
	[tilespmem:s6+$0x0] =	vst v8  }
0x127: {  	s8 =	sor.u32 s19, s8;
	[tilespmem:s7+$0x0] =	vst v2  }
0x128: {  	s9 =	sor.u32 s19, s9;
	[tilespmem:s8+$0x0] =	vst v9  }
0x129: {  	s10 =	sor.u32 s19, s11;
	[tilespmem:s9+$0x0] =	vst v5  }
0x12a: {  	s11 =	sor.u32 s19, s13;
	[tilespmem:s10+$0x0] =	vst v23  }
0x12b: {  	s12 =	sor.u32 s19, s20;
	[tilespmem:s11+$0x0] =	vst v3  }
0x12c: {  	s13 =	sor.u32 s19, s22;
	[tilespmem:s12+$0x0] =	vst v4  }
0x12d: {  	s15 =	sor.u32 s19, s15;
	[tilespmem:s13+$0x0] =	vst v1  }
0x12e: {  	s16 =	sor.u32 s19, s16;
	[tilespmem:s15+$0x0] =	vst v18  }
0x12f: {  	s17 =	sor.u32 s19, s17;
	[tilespmem:s16+$0x0] =	vst v15  }
0x130: {  	s18 =	sor.u32 s19, s18;
	[tilespmem:s17+$0x0] =	vst v16  }
0x131: {  	s0 =	sor.u32 s19, s29;
	[tilespmem:s18+$0x0] =	vst v25  }
0x132: {  	s19 =	simm.s32 $0x0;
	[tilespmem:s0+$0x0] =	vst v24  }
0x133: {  	s20 =	simm.s32 $0xA000;
	s21 =	simm.s32 $0x1;
	s1 =	rddreg [dreg:$0x17]  }
0x134: {  	[hbm4b:s1+s19] =	stream.linear.scatter [tilespmem:s20], [sflag:$0x1], $0x4000, $0x38;
	[tilespmem:$0xE000] =	vst v63  }
0x135: {  	_ =	swait.ge [sflag:s21], $0x4000  }
0x136: {  	[sflag:s21] =	ssyncset.done $0x0  }
0x137: {  	s22 =	sand.u32 $0x3E0, s19;
	[sflag:s21] =	ssyncadd.s32 $0xFFFFC000  }
0x138: {  	s23 =	simm.s32 $0x810;
	v2 =	vld [tilespmem:s22+$0x800]  }
0x139: {  	v5 =	vld [tilespmem:s23+$0x0];
	_ =	sdelay $0x3  }
0x13a: {  	v0 =	vadd.s32 $0x3C00, v2  }
0x13b: {  	s28 =	simm.s32 $0x830;
	v1 =	vadd.s32 $0x800, v2  }
0x13c: {  	v37 =	vld [tilespmem:s28+$0x0];
	v3 =	vadd.s32 $0xC00, v2  }
0x13d: {  	v4 =	vadd.s32 $0x1000, v2;
	v6 =	vld.idx.msk [tilespmem:v2+s14+$0x0], $0xffff  }
0x13e: {  	v7 =	vadd.s32 $0x1400, v2;
	v15 =	vld.idx.msk [tilespmem:v5+s14+$0x0], $0xffff  }
0x13f: {  	v8 =	vadd.s32 $0x1800, v2;
	v0 =	vld.idx.msk [tilespmem:v0+s14+$0x0], $0xffff  }
0x140: {  	v9 =	vadd.s32 $0x2000, v2;
	v10 =	vld.idx.msk [tilespmem:v1+s14+$0x0], $0xffff  }
0x141: {  	v11 =	vadd.s32 $0x2800, v2;
	v3 =	vld.idx.msk [tilespmem:v3+s14+$0x0], $0xffff  }
0x142: {  	v1 =	vadd.s32 $0x1C00, v2;
	v4 =	vld.idx.msk [tilespmem:v4+s14+$0x0], $0xffff  }
0x143: {  	v16 =	vadd.s32 $0x3400, v5;
	v12 =	vld.idx.msk [tilespmem:v7+s14+$0x0], $0xffff  }
0x144: {  	v13 =	vld.idx.msk [tilespmem:v8+s14+$0x0], $0xffff;
	v8 =	vadd.s32 $0x2C00, v2  }
0x145: {  	v19 =	vadd.s32 $0x2000, v5;
	v17 =	vld.idx.msk [tilespmem:v9+s14+$0x0], $0xffff  }
0x146: {  	v7 =	vadd.s32 $0x400, v2;
	v27 =	vld.idx.msk [tilespmem:v11+s14+$0x0], $0xffff  }
0x147: {  	v14 =	vld.idx.msk [tilespmem:v1+s14+$0x0], $0xffff;
	v1 =	vadd.s32 $0x3000, v2  }
0x148: {  	v9 =	vadd.s32 $0x3400, v2;
	v20 =	vld.idx.msk [tilespmem:v16+s14+$0x0], $0xffff  }
0x149: {  	v31 =	vld.idx.msk [tilespmem:v8+s14+$0x0], $0xffff;
	v8 =	vadd.s32 $0x2C00, v5  }
0x14a: {  	v11 =	vadd.s32 $0x2400, v2;
	v28 =	vld.idx.msk [tilespmem:v19+s14+$0x0], $0xffff  }
0x14b: {  	v18 =	vld.idx.msk [tilespmem:v7+s14+$0x0], $0xffff;
	v7 =	vadd.s32 $0x3000, v5  }
0x14c: {  	v16 =	vadd.s32 $0x2400, v5;
	v30 =	vld.idx.msk [tilespmem:v1+s14+$0x0], $0xffff  }
0x14d: {  	v1 =	vld.idx.msk [tilespmem:v9+s14+$0x0], $0xffff;
	v9 =	vadd.s32 $0x2800, v5  }
0x14e: {  	v25 =	vld.idx.msk [tilespmem:v8+s14+$0x0], $0xffff;
	v8 =	vadd.s32 $0x1000, v5  }
0x14f: {  	v21 =	vld.idx.msk [tilespmem:v11+s14+$0x0], $0xffff;
	v2 =	vadd.s32 $0x3800, v2  }
0x150: {  	v23 =	vld.idx.msk [tilespmem:v7+s14+$0x0], $0xffff;
	v7 =	vadd.s32 $0x1800, v5  }
0x151: {  	s4 =	sand.u32 $0x1C00, s19;
	v32 =	vld.idx.msk [tilespmem:v16+s14+$0x0], $0xffff  }
0x152: {  	s2 =	sand.u32 $0x60, s19;
	s25 =	sor.u32 $0x6000, s4;
	v11 =	vadd.s32 $0x1C00, v5;
	v29 =	vld.idx.msk [tilespmem:v9+s14+$0x0], $0xffff  }
0x153: {  	s26 =	sor.u32 s2, s25;
	v24 =	vadd.s32 $0x3800, v5;
	v22 =	vld.idx.msk [tilespmem:v8+s14+$0x0], $0xffff  }
0x154: {  	s21 =	simm.s32 $0x20;
	v19 =	vadd.s32 $0x400, v5;
	v8 =	vld.idx.msk [tilespmem:v2+s14+$0x0], $0xffff;
	[tilespmem:s26+$0x280] =	vst v12  }
0x155: {  	s24 =	sand.u32 $0x3E0, s21;
	v16 =	vadd.s32 $0x3C00, v5;
	v33 =	vld.idx.msk [tilespmem:v7+s14+$0x0], $0xffff;
	[tilespmem:s26+$0x200] =	vst v4  }
0x156: {  	s29 =	sand.u32 $0x3, s19;
	v9 =	vadd.s32 $0x1400, v5;
	v7 =	vld [tilespmem:s24+$0x800];
	[tilespmem:s26+$0x180] =	vst v3  }
0x157: {  	s6 =	sshll.u32 s29, $0x5;
	v26 =	vld.idx.msk [tilespmem:v11+s14+$0x0], $0xffff;
	v11 =	vadd.s32 $0xC00, v5;
	[tilespmem:s26+$0x100] =	vst v10  }
0x158: {  	s6 =	sadd.s32 $0x0, s6;
	v36 =	vld.idx.msk [tilespmem:v24+s14+$0x0], $0xffff;
	v5 =	vadd.s32 $0x800, v5;
	[tilespmem:s26+$0x80] =	vst v18  }
0x159: {  	s30 =	sor.u32 $0x300, s6;
	s0 =	sor.u32 s19, s19;
	v62 =	vadd.s32 $0x1800, v37;
	v19 =	vld.idx.msk [tilespmem:v19+s14+$0x0], $0xffff;
	[tilespmem:s26+$0x0] =	vst v6  }
0x15a: {  	s5 =	sor.u32 $0x8000, s4;
	s0 =	sor.u32 $0x380, s0;
	v35 =	vld.idx.msk [tilespmem:v16+s14+$0x0], $0xffff;
	[tilespmem:s30+$0x6000] =	vst v13  }
0x15b: {  	s7 =	sor.u32 s2, s5;
	s8 =	sor.u32 $0x8080, s4;
	[tilespmem:s0+$0x6000] =	vst v14;
	v34 =	vld.idx.msk [tilespmem:v9+s14+$0x0], $0xffff;
	v2 =	vadd.s32 $0x3C00, v7  }
0x15c: {  	s9 =	sor.u32 s2, s8;
	s13 =	sor.u32 $0x8100, s4;
	[tilespmem:s7+$0x0] =	vst v17;
	v9 =	vld.idx.msk [tilespmem:v11+s14+$0x0], $0xffff;
	v11 =	vadd.s32 $0x800, v7  }
0x15d: {  	s29 =	sor.u32 s2, s13;
	[tilespmem:s9+$0x0] =	vst v21;
	v5 =	vld.idx.msk [tilespmem:v5+s14+$0x0], $0xffff;
	v12 =	vadd.s32 $0xC00, v7  }
0x15e: {  	v16 =	vadd.s32 $0x1000, v7;
	[tilespmem:s29+$0x0] =	vst v27;
	v27 =	vld.idx.msk [tilespmem:v62+s14+$0x0], $0xffff  }
0x15f: {  	s3 =	sor.u32 $0x10, s2;
	v3 =	vadd.s32 $0x1400, v7;
	v4 =	vld.idx.msk [tilespmem:v7+s14+$0x0], $0xffff  }
0x160: {  	s1 =	sor.u32 s3, s25;
	v24 =	vadd.s32 $0x1800, v7;
	v2 =	vld.idx.msk [tilespmem:v2+s14+$0x0], $0xffff  }
0x161: {  	[tilespmem:s1+$0x0] =	vst v15;
	v38 =	vadd.s32 $0x1C00, v7;
	v15 =	vld.idx.msk [tilespmem:v11+s14+$0x0], $0xffff  }
0x162: {  	v39 =	vadd.s32 $0x2800, v7;
	[tilespmem:s1+$0x180] =	vst v9;
	v9 =	vld.idx.msk [tilespmem:v12+s14+$0x0], $0xffff  }
0x163: {  	v16 =	vld.idx.msk [tilespmem:v16+s14+$0x0], $0xffff  }
0x164: {  	[tilespmem:s1+$0x80] =	vst v19;
	v18 =	vadd.s32 $0x400, v7;
	v19 =	vld.idx.msk [tilespmem:v3+s14+$0x0], $0xffff  }
0x165: {  	v6 =	vadd.s32 $0x3000, v7;
	v11 =	vld.idx.msk [tilespmem:v24+s14+$0x0], $0xffff  }
0x166: {  	v14 =	vadd.s32 $0x2400, v7;
	v10 =	vld.idx.msk [tilespmem:v38+s14+$0x0], $0xffff  }
0x167: {  	v59 =	vadd.s32 $0x2C00, v37;
	v3 =	vld.idx.msk [tilespmem:v39+s14+$0x0], $0xffff  }
0x168: {  	[tilespmem:s1+$0x200] =	vst v22;
	v13 =	vadd.s32 $0x3400, v7;
	v24 =	vld.idx.msk [tilespmem:v37+s14+$0x0], $0xffff  }
0x169: {  	s6 =	sadd.s32 $0x10, s6;
	v17 =	vadd.s32 $0x3400, v37;
	[tilespmem:s1+$0x100] =	vst v5;
	v22 =	vld.idx.msk [tilespmem:v18+s14+$0x0], $0xffff  }
0x16a: {  	s10 =	sor.u32 $0x300, s6;
	v21 =	vadd.s32 $0x3000, v37;
	[tilespmem:s1+$0x280] =	vst v34;
	v6 =	vld.idx.msk [tilespmem:v6+s14+$0x0], $0xffff  }
0x16b: {  	s11 =	sor.u32 $0x380, s6;
	v60 =	vadd.s32 $0x2000, v37;
	v18 =	vld.idx.msk [tilespmem:v14+s14+$0x0], $0xffff;
	[tilespmem:s10+$0x6000] =	vst v33  }
0x16c: {  	s12 =	sor.u32 s3, s5;
	v5 =	vadd.s32 $0x2000, v7;
	v14 =	vld.idx.msk [tilespmem:v59+s14+$0x0], $0xffff;
	[tilespmem:s11+$0x6000] =	vst v26  }
0x16d: {  	s15 =	sor.u32 s3, s8;
	v58 =	vadd.s32 $0x2C00, v7;
	v26 =	vld.idx.msk [tilespmem:v13+s14+$0x0], $0xffff;
	[tilespmem:s12+$0x0] =	vst v28  }
0x16e: {  	s16 =	sor.u32 $0x8180, s4;
	s17 =	sor.u32 s3, s13;
	v61 =	vadd.s32 $0x1C00, v37;
	v13 =	vld.idx.msk [tilespmem:v17+s14+$0x0], $0xffff;
	[tilespmem:s15+$0x0] =	vst v32  }
0x16f: {  	s6 =	simm.s32 $0x100;
	s18 =	sor.u32 $0x8200, s4;
	s19 =	sor.u32 s3, s16;
	v17 =	vld.idx.msk [tilespmem:v21+s14+$0x0], $0xffff;
	v28 =	vadd.s32 $0x2800, v37;
	[tilespmem:s17+$0x0] =	vst v29  }
0x170: {  	s5 =	sor.u32 s2, s16;
	s20 =	sor.u32 $0x8280, s4;
	s22 =	sor.u32 s3, s18;
	v21 =	vld.idx.msk [tilespmem:v60+s14+$0x0], $0xffff;
	v29 =	vadd.s32 $0x2400, v37;
	[tilespmem:s19+$0x0] =	vst v25  }
0x171: {  	s25 =	sor.u32 $0x8380, s4;
	s23 =	sor.u32 $0x8300, s4;
	v63 =	vadd.s32 $0x1000, v37;
	s24 =	sor.u32 s3, s20;
	v12 =	vld.idx.msk [tilespmem:v5+s14+$0x0], $0xffff;
	[tilespmem:s22+$0x0] =	vst v23  }
0x172: {  	s8 =	sor.u32 s2, s25;
	s28 =	sor.u32 s3, s25;
	s26 =	sor.u32 s3, s23;
	v33 =	vadd.s32 $0x400, v37;
	v5 =	vld.idx.msk [tilespmem:v58+s14+$0x0], $0xffff;
	[tilespmem:s24+$0x0] =	vst v20  }
0x173: {  	s3 =	sor.u32 s6, s21;
	s30 =	sor.u32 s2, s18;
	s0 =	sand.u32 $0x1C00, s6;
	v25 =	vld.idx.msk [tilespmem:v61+s14+$0x0], $0xffff;
	[tilespmem:s26+$0x0] =	vst v36;
	v36 =	vadd.s32 $0x1400, v37  }
0x174: {  	s7 =	simm.s32 $0x2;
	s4 =	sor.u32 $0x6000, s0;
	s9 =	simm.s32 $0x2;
	[tilespmem:s5+$0x0] =	vst v31;
	v20 =	vld.idx.msk [tilespmem:v28+s14+$0x0], $0xffff  }
0x175: {  	s5 =	simm.s32 $0x100;
	[tilespmem:s30+$0x0] =	vst v30;
	s1 =	simm.s32 $0x1;
	s10 =	simm.s32 $0x40;
	v32 =	vadd.s32 $0xC00, v37;
	v23 =	vld.idx.msk [tilespmem:v29+s14+$0x0], $0xffff  }
0x176: {  	v31 =	vadd.s32 $0x3800, v37;
	s11 =	simm.s32 $0x850;
	s12 =	sor.u32 s2, s20;
	s2 =	sor.u32 s2, s23;
	v28 =	vadd.s32 $0x800, v37;
	[tilespmem:s28+$0x0] =	vst v35;
	v29 =	vadd.s32 $0x3C00, v37;
	v35 =	vld.idx.msk [tilespmem:v63+s14+$0x0], $0xffff  }
.LBB2_6:
0x177: {  	s13 =	sand.u32 $0x3E0, s10;
	s7 =	sadd.s32 $0x2, s7;
	v33 =	vld.idx.msk [tilespmem:v33+s14+$0x0], $0xffff;
	s6 =	sadd.s32 $0x100, s6;
	[tilespmem:s12+$0x0] =	vst v1;
	v1 =	vmov v26  }
0x178: {  	v26 =	vadd.s32 $0x3800, v7;
	s12 =	sand.u32 $0x1C00, s6;
	s16 =	sor.u32 s6, s10;
	p0 =	slt.u32 s7, $0x3E;
	v36 =	vld.idx.msk [tilespmem:v36+s14+$0x0], $0xffff;
	[tilespmem:s2+$0x0] =	vst v8  }
0x179: {  	v7 =	vld [tilespmem:s13+$0x800];
	s18 =	sor.u32 $0x6000, s12;
	[tilespmem:s8+$0x0] =	vst v0;
	v0 =	vmov v2  }
0x17a: {  	v2 =	vld.idx.msk [tilespmem:v32+s14+$0x0], $0xffff  }
0x17b: {  	v30 =	vld.idx.msk [tilespmem:v29+s14+$0x0], $0xffff  }
0x17c: {  	s2 =	sand.u32 $0x60, s21;
	s21 =	smov.u32 s10;
	s13 =	sor.u32 $0x8380, s0;
	v34 =	vld.idx.msk [tilespmem:v31+s14+$0x0], $0xffff  }
0x17d: {  	s17 =	sor.u32 s2, s4;
	s15 =	sor.u32 $0x10, s2;
	s8 =	sor.u32 s2, s13;
	v8 =	vld.idx.msk [tilespmem:v26+s14+$0x0], $0xffff  }
0x17e: {  	v26 =	vadd.s32 $0x400, v7;
	v29 =	vadd.s32 $0x3C00, v7;
	[tilespmem:s17+$0x280] =	vst v19;
	v19 =	vld.idx.msk [tilespmem:v28+s14+$0x0], $0xffff  }
0x17f: {  	s19 =	sor.u32 s15, s4;
	s4 =	smov.u32 s18;
	v28 =	vadd.s32 $0x800, v7;
	[tilespmem:s17+$0x200] =	vst v16  }
0x180: {  	v16 =	vadd.s32 $0xC00, v7;
	[tilespmem:s19+$0x180] =	vst v2  }
0x181: {  	v31 =	vadd.s32 $0x1000, v7;
	v37 =	vld [tilespmem:s11+$0x0];
	[tilespmem:s17+$0x180] =	vst v9  }
0x182: {  	v32 =	vadd.s32 $0x1400, v7;
	v38 =	vld.idx.msk [tilespmem:v7+s14+$0x0], $0xffff;
	[tilespmem:s19+$0x0] =	vst v24  }
0x183: {  	v24 =	vadd.s32 $0x1800, v7;
	v2 =	vld.idx.msk [tilespmem:v29+s14+$0x0], $0xffff;
	[tilespmem:s19+$0x80] =	vst v33  }
0x184: {  	v40 =	vadd.s32 $0x1C00, v7;
	v41 =	vadd.s32 $0x2800, v7;
	v42 =	vadd.s32 $0x3000, v7;
	v39 =	vld.idx.msk [tilespmem:v28+s14+$0x0], $0xffff;
	[tilespmem:s19+$0x100] =	vst v19  }
0x185: {  	v43 =	vadd.s32 $0x2000, v7;
	v44 =	vadd.s32 $0x2400, v7;
	v45 =	vadd.s32 $0x2C00, v7;
	v9 =	vld.idx.msk [tilespmem:v16+s14+$0x0], $0xffff;
	[tilespmem:s17+$0x100] =	vst v15  }
0x186: {  	s18 =	sand.u32 $0x3, s1;
	s1 =	smov.u32 s9;
	v16 =	vld.idx.msk [tilespmem:v31+s14+$0x0], $0xffff;
	v33 =	vadd.s32 $0x400, v37;
	v28 =	vadd.s32 $0x800, v37;
	v29 =	vadd.s32 $0x3C00, v37;
	[tilespmem:s17+$0x80] =	vst v22  }
0x187: {  	s18 =	sshll.u32 s18, $0x5;
	v46 =	vadd.s32 $0x1000, v37;
	v31 =	vadd.s32 $0x3800, v37;
	v19 =	vld.idx.msk [tilespmem:v32+s14+$0x0], $0xffff;
	v32 =	vadd.s32 $0xC00, v37;
	[tilespmem:s19+$0x280] =	vst v36  }
0x188: {  	s18 =	sadd.s32 s18, s5;
	s5 =	smov.u32 s6;
	v48 =	vadd.s32 $0x1800, v37;
	v49 =	vadd.s32 $0x3400, v37;
	v36 =	vadd.s32 $0x1400, v37;
	v47 =	vld.idx.msk [tilespmem:v24+s14+$0x0], $0xffff;
	[tilespmem:s19+$0x200] =	vst v35  }
0x189: {  	v50 =	vadd.s32 $0x2400, v37;
	v51 =	vadd.s32 $0x3000, v37;
	v35 =	vld.idx.msk [tilespmem:v40+s14+$0x0], $0xffff;
	v40 =	vadd.s32 $0x1C00, v37;
	[tilespmem:s17+$0x0] =	vst v4;
	s17 =	sor.u32 $0x300, s18;
	s18 =	sadd.s32 $0x10, s18;
	v4 =	vmovc v38  }
0x18a: {  	v52 =	vadd.s32 $0x2800, v37;
	v53 =	vadd.s32 $0x2C00, v37;
	s19 =	sor.u32 $0x8000, s0;
	v15 =	vmovc v39;
	v38 =	vld.idx.msk [tilespmem:v43+s14+$0x0], $0xffff;
	v43 =	vadd.s32 $0x2000, v37;
	[tilespmem:s17+$0x6000] =	vst v11;
	s17 =	sor.u32 $0x380, s3;
	s3 =	smov.u32 s16  }
0x18b: {  	s16 =	sor.u32 s2, s19;
	v39 =	vld.idx.msk [tilespmem:v41+s14+$0x0], $0xffff;
	v41 =	vadd.s32 $0x3400, v7;
	[tilespmem:s17+$0x6000] =	vst v10;
	s17 =	sor.u32 $0x8080, s0  }
0x18c: {  	v24 =	vld.idx.msk [tilespmem:v37+s14+$0x0], $0xffff;
	[tilespmem:s16+$0x0] =	vst v12;
	s16 =	sor.u32 s2, s17  }
0x18d: {  	v22 =	vld.idx.msk [tilespmem:v26+s14+$0x0], $0xffff;
	[tilespmem:s16+$0x0] =	vst v18;
	s16 =	sor.u32 $0x300, s18  }
0x18e: {  	v11 =	vmov v47;
	v37 =	vld.idx.msk [tilespmem:v45+s14+$0x0], $0xffff;
	[tilespmem:s16+$0x6000] =	vst v27;
	s16 =	sor.u32 $0x380, s18  }
0x18f: {  	v10 =	vmov v35;
	v42 =	vld.idx.msk [tilespmem:v42+s14+$0x0], $0xffff;
	[tilespmem:s16+$0x6000] =	vst v25;
	s16 =	sor.u32 s15, s19  }
0x190: {  	s18 =	sor.u32 $0x8100, s0;
	v12 =	vmov v38;
	v26 =	vld.idx.msk [tilespmem:v41+s14+$0x0], $0xffff;
	[tilespmem:s16+$0x0] =	vst v21;
	s16 =	sor.u32 s15, s17  }
0x191: {  	s17 =	sor.u32 $0x8180, s0;
	v18 =	vld.idx.msk [tilespmem:v44+s14+$0x0], $0xffff;
	[tilespmem:s16+$0x0] =	vst v23;
	s16 =	sor.u32 s15, s18  }
0x192: {  	s19 =	sor.u32 $0x8200, s0;
	v27 =	vld.idx.msk [tilespmem:v49+s14+$0x0], $0xffff;
	[tilespmem:s16+$0x0] =	vst v20;
	s16 =	sor.u32 s15, s17  }
0x193: {  	s20 =	sor.u32 $0x8280, s0;
	v35 =	vld.idx.msk [tilespmem:v51+s14+$0x0], $0xffff;
	[tilespmem:s16+$0x0] =	vst v14;
	s16 =	sor.u32 s15, s19  }
0x194: {  	s22 =	sor.u32 $0x8300, s0;
	s0 =	smov.u32 s12;
	v14 =	vld.idx.msk [tilespmem:v53+s14+$0x0], $0xffff;
	[tilespmem:s16+$0x0] =	vst v17;
	s16 =	sor.u32 s15, s20  }
0x195: {  	s12 =	sor.u32 s15, s22;
	v21 =	vld.idx.msk [tilespmem:v43+s14+$0x0], $0xffff;
	[tilespmem:s16+$0x0] =	vst v13  }
.Ltmp2:
0x196: {  	s16 =	sor.u32 s2, s18;
	v20 =	vld.idx.msk [tilespmem:v52+s14+$0x0], $0xffff;
	[tilespmem:s12+$0x0] =	vst v34;
	s12 =	sor.u32 s15, s13;
	(pc) =	sbr.rel @p0 .LBB2_6-.Ltmp2, $4  }
0x197: {  	s13 =	sor.u32 s2, s17;
	v25 =	vld.idx.msk [tilespmem:v40+s14+$0x0], $0xffff;
	[tilespmem:s12+$0x0] =	vst v30  }
0x198: {  	s15 =	sor.u32 s2, s19;
	v13 =	vmov v27;
	v23 =	vld.idx.msk [tilespmem:v50+s14+$0x0], $0xffff;
	[tilespmem:s16+$0x0] =	vst v3;
	v3 =	vmov v39  }
0x199: {  	s12 =	sor.u32 s2, s20;
	s2 =	sor.u32 s2, s22;
	v17 =	vmov v35;
	v27 =	vld.idx.msk [tilespmem:v48+s14+$0x0], $0xffff;
	[tilespmem:s13+$0x0] =	vst v5;
	v5 =	vmov v37  }
0x19a: {  	s10 =	sadd.s32 $0x20, s10;
	s9 =	sadd.s32 $0x1, s9;
	s11 =	sadd.s32 $0x20, s11;
	v35 =	vld.idx.msk [tilespmem:v46+s14+$0x0], $0xffff;
	[tilespmem:s15+$0x0] =	vst v6;
	v6 =	vmov v42  }
0x19b: {  	_ =	sdelay $0x2  }
0x19c: {  	v7 =	vadd.s32 $0x3800, v7  }
0x19d: {  	v30 =	vld.idx.msk [tilespmem:v33+s14+$0x0], $0xffff  }
0x19e: {  	[tilespmem:s12+$0x0] =	vst v1;
	v1 =	vld.idx.msk [tilespmem:v32+s14+$0x0], $0xffff  }
0x19f: {  	v60 =	vld.idx.msk [tilespmem:v36+s14+$0x0], $0xffff;
	[tilespmem:s2+$0x0] =	vst v8;
	s2 =	sand.u32 $0x60, s21  }
0x1a0: {  	v8 =	vld.idx.msk [tilespmem:v29+s14+$0x0], $0xffff;
	[tilespmem:s8+$0x0] =	vst v0;
	s6 =	sor.u32 s2, s4  }
0x1a1: {  	s7 =	sor.u32 $0x10, s2;
	v0 =	vld.idx.msk [tilespmem:v7+s14+$0x0], $0xffff;
	[tilespmem:s6+$0x280] =	vst v19  }
0x1a2: {  	s8 =	sor.u32 s7, s4;
	v7 =	vld.idx.msk [tilespmem:v31+s14+$0x0], $0xffff;
	[tilespmem:s6+$0x200] =	vst v16  }
0x1a3: {  	v19 =	vld.idx.msk [tilespmem:v28+s14+$0x0], $0xffff;
	[tilespmem:s8+$0x180] =	vst v1  }
0x1a4: {  	[tilespmem:s6+$0x180] =	vst v9  }
0x1a5: {  	[tilespmem:s8+$0x0] =	vst v24  }
0x1a6: {  	[tilespmem:s8+$0x80] =	vst v30  }
0x1a7: {  	[tilespmem:s6+$0x100] =	vst v15  }
0x1a8: {  	s1 =	sand.u32 $0x3, s1;
	[tilespmem:s6+$0x80] =	vst v22  }
0x1a9: {  	s1 =	sshll.u32 s1, $0x5;
	[tilespmem:s8+$0x280] =	vst v60  }
0x1aa: {  	s1 =	sadd.s32 s1, s5;
	[tilespmem:s8+$0x200] =	vst v35  }
0x1ab: {  	s9 =	sor.u32 $0x300, s1;
	[tilespmem:s6+$0x0] =	vst v4  }
0x1ac: {  	s3 =	sor.u32 $0x380, s3;
	s10 =	sor.u32 $0x8000, s0;
	[tilespmem:s9+$0x6000] =	vst v11  }
0x1ad: {  	s12 =	sor.u32 $0x8080, s0;
	s11 =	sor.u32 s2, s10;
	[tilespmem:s3+$0x6000] =	vst v10  }
0x1ae: {  	s13 =	sor.u32 s2, s12;
	[tilespmem:s11+$0x0] =	vst v12  }
0x1af: {  	s17 =	sor.u32 $0x8100, s0;
	[tilespmem:s13+$0x0] =	vst v18  }
0x1b0: {  	s1 =	sadd.s32 $0x10, s1;
	s3 =	sor.u32 s2, s17;
	[tilespmem:s8+$0x100] =	vst v19  }
0x1b1: {  	s19 =	sor.u32 $0x8180, s0;
	s23 =	sor.u32 $0x8280, s0;
	s15 =	sor.u32 $0x300, s1;
	[tilespmem:s3+$0x0] =	vst v3  }
0x1b2: {  	s25 =	sor.u32 $0x8300, s0;
	s21 =	sor.u32 $0x8200, s0;
	s4 =	sor.u32 s2, s19;
	[tilespmem:s15+$0x6000] =	vst v27  }
0x1b3: {  	s28 =	sor.u32 $0x8380, s0;
	s5 =	sor.u32 s2, s21;
	s1 =	sor.u32 $0x380, s1;
	[tilespmem:s4+$0x0] =	vst v5  }
0x1b4: {  	s16 =	sor.u32 s7, s10;
	s18 =	sor.u32 s7, s12;
	s20 =	sor.u32 s7, s17;
	[tilespmem:s1+$0x6000] =	vst v25  }
0x1b5: {  	s22 =	sor.u32 s7, s19;
	s24 =	sor.u32 s7, s21;
	s26 =	sor.u32 s7, s23;
	[tilespmem:s5+$0x0] =	vst v6  }
0x1b6: {  	s29 =	sor.u32 s7, s25;
	s30 =	sor.u32 s7, s28;
	s7 =	sor.u32 s2, s23;
	[tilespmem:s16+$0x0] =	vst v21  }
0x1b7: {  	[tilespmem:s7+$0x0] =	vst v26  }
0x1b8: {  	s8 =	sor.u32 s2, s25;
	[tilespmem:s18+$0x0] =	vst v23  }
0x1b9: {  	[tilespmem:s8+$0x0] =	vst v0  }
0x1ba: {  	s0 =	sor.u32 s2, s28;
	[tilespmem:s20+$0x0] =	vst v20  }
0x1bb: {  	[tilespmem:s0+$0x0] =	vst v2  }
0x1bc: {  	[tilespmem:s22+$0x0] =	vst v14  }
0x1bd: {  	[tilespmem:s24+$0x0] =	vst v17  }
0x1be: {  	[tilespmem:s26+$0x0] =	vst v13  }
0x1bf: {  	[tilespmem:s29+$0x0] =	vst v7  }
0x1c0: {  	[tilespmem:s30+$0x0] =	vst v8  }
0x1c1: {  	s10 =	simm.s32 $0x1;
	s9 =	simm.s32 $0x0;
	s0 =	rddreg [dreg:$0x18]  }
0x1c2: {  	[hbm4b:s0+s9] =	stream.linear.scatter [tilespmem:s31], [sflag:$0x1], $0x4000, $0x38;
	[tilespmem:$0xE000] =	vst v63  }
0x1c3: {  	_ =	swait.ge [sflag:s10], $0x4000  }
0x1c4: {  	[sflag:s10] =	ssyncset.done $0x0  }
0x1c5: {  	s11 =	sand.u32 $0x3E0, s9;
	[sflag:s10] =	ssyncadd.s32 $0xFFFFC000  }
0x1c6: {  	s12 =	simm.s32 $0xC10;
	v0 =	vld [tilespmem:s11+$0xC00]  }
0x1c7: {  	v4 =	vld [tilespmem:s12+$0x0];
	_ =	sdelay $0x3  }
0x1c8: {  	v1 =	vadd.s32 $0x400, v0  }
0x1c9: {  	v2 =	vadd.s32 $0x800, v0  }
0x1ca: {  	v3 =	vadd.s32 $0x2C00, v0  }
0x1cb: {  	v5 =	vadd.s32 $0x1400, v0;
	v6 =	vld.idx.msk [tilespmem:v0+s14+$0x0], $0xffff  }
0x1cc: {  	v7 =	vadd.s32 $0x2800, v0;
	v61 =	vld.idx.msk [tilespmem:v4+s14+$0x0], $0xffff  }
0x1cd: {  	v8 =	vadd.s32 $0x3000, v0;
	v9 =	vld.idx.msk [tilespmem:v1+s14+$0x0], $0xffff  }
0x1ce: {  	v11 =	vadd.s32 $0x400, v4;
	v10 =	vld.idx.msk [tilespmem:v2+s14+$0x0], $0xffff  }
0x1cf: {  	v13 =	vadd.s32 $0xC00, v4;
	v14 =	vld.idx.msk [tilespmem:v3+s14+$0x0], $0xffff  }
0x1d0: {  	v1 =	vadd.s32 $0x1C00, v0;
	v5 =	vld.idx.msk [tilespmem:v5+s14+$0x0], $0xffff  }
0x1d1: {  	v2 =	vadd.s32 $0x3800, v0;
	v7 =	vld.idx.msk [tilespmem:v7+s14+$0x0], $0xffff  }
0x1d2: {  	v18 =	vadd.s32 $0x2000, v0;
	v21 =	vld.idx.msk [tilespmem:v8+s14+$0x0], $0xffff  }
0x1d3: {  	v19 =	vadd.s32 $0xC00, v0;
	v22 =	vld.idx.msk [tilespmem:v11+s14+$0x0], $0xffff  }
0x1d4: {  	v3 =	vadd.s32 $0x1000, v0;
	v23 =	vld.idx.msk [tilespmem:v13+s14+$0x0], $0xffff  }
0x1d5: {  	v16 =	vld.idx.msk [tilespmem:v1+s14+$0x0], $0xffff;
	v1 =	vadd.s32 $0x1C00, v4  }
0x1d6: {  	v20 =	vld.idx.msk [tilespmem:v2+s14+$0x0], $0xffff;
	v2 =	vadd.s32 $0x1800, v4  }
0x1d7: {  	v11 =	vadd.s32 $0x3C00, v4;
	v18 =	vld.idx.msk [tilespmem:v18+s14+$0x0], $0xffff  }
0x1d8: {  	v17 =	vadd.s32 $0x3800, v4;
	v19 =	vld.idx.msk [tilespmem:v19+s14+$0x0], $0xffff  }
0x1d9: {  	v13 =	vadd.s32 $0x3C00, v0;
	v15 =	vld.idx.msk [tilespmem:v3+s14+$0x0], $0xffff  }
0x1da: {  	v3 =	vadd.s32 $0x800, v4;
	v12 =	vld.idx.msk [tilespmem:v1+s14+$0x0], $0xffff  }
0x1db: {  	v8 =	vld.idx.msk [tilespmem:v2+s14+$0x0], $0xffff  }
0x1dc: {  	v1 =	vld.idx.msk [tilespmem:v11+s14+$0x0], $0xffff;
	v11 =	vadd.s32 $0x3400, v0  }
0x1dd: {  	v2 =	vld.idx.msk [tilespmem:v17+s14+$0x0], $0xffff;
	v17 =	vadd.s32 $0x2400, v0  }
0x1de: {  	s21 =	simm.s32 $0x20;
	v25 =	vld.idx.msk [tilespmem:v13+s14+$0x0], $0xffff;
	v0 =	vadd.s32 $0x1800, v0  }
0x1df: {  	s13 =	sand.u32 $0x3E0, s21;
	v13 =	vadd.s32 $0x2000, v4;
	v24 =	vld.idx.msk [tilespmem:v3+s14+$0x0], $0xffff  }
0x1e0: {  	s6 =	sand.u32 $0x1C00, s9;
	v27 =	vadd.s32 $0x3000, v4;
	v3 =	vld [tilespmem:s13+$0xC00]  }
0x1e1: {  	s4 =	sand.u32 $0x60, s9;
	s0 =	sor.u32 $0xA000, s6;
	v26 =	vld.idx.msk [tilespmem:v11+s14+$0x0], $0xffff  }
0x1e2: {  	s1 =	sor.u32 $0xA080, s6;
	s16 =	sor.u32 s4, s0;
	v29 =	vadd.s32 $0x2C00, v4;
	v17 =	vld.idx.msk [tilespmem:v17+s14+$0x0], $0xffff  }
0x1e3: {  	s2 =	sor.u32 $0xA100, s6;
	s17 =	sor.u32 s4, s1;
	v11 =	vadd.s32 $0x3400, v4;
	v28 =	vld.idx.msk [tilespmem:v0+s14+$0x0], $0xffff;
	[tilespmem:s16+$0x0] =	vst v6  }
0x1e4: {  	s3 =	sor.u32 $0xA180, s6;
	s18 =	sor.u32 s4, s2;
	v30 =	vld.idx.msk [tilespmem:v13+s14+$0x0], $0xffff;
	v6 =	vadd.s32 $0x2800, v4;
	[tilespmem:s17+$0x0] =	vst v9  }
0x1e5: {  	s15 =	simm.s32 $0xC30;
	s19 =	sor.u32 s4, s3;
	s5 =	sor.u32 $0xA200, s6;
	v13 =	vld.idx.msk [tilespmem:v27+s14+$0x0], $0xffff;
	v9 =	vadd.s32 $0x2400, v4;
	[tilespmem:s18+$0x0] =	vst v10  }
0x1e6: {  	s7 =	sor.u32 $0xA280, s6;
	s20 =	sor.u32 s4, s5;
	v0 =	vld [tilespmem:s15+$0x0];
	v10 =	vadd.s32 $0x1400, v4;
	[tilespmem:s19+$0x0] =	vst v19  }
0x1e7: {  	s22 =	sor.u32 s4, s7;
	s9 =	sor.u32 $0xA300, s6;
	v19 =	vadd.s32 $0x1000, v4;
	[tilespmem:s20+$0x0] =	vst v15;
	v15 =	vld.idx.msk [tilespmem:v29+s14+$0x0], $0xffff  }
0x1e8: {  	s23 =	sor.u32 s4, s9;
	s13 =	sor.u32 $0xA380, s6;
	v11 =	vld.idx.msk [tilespmem:v11+s14+$0x0], $0xffff;
	[tilespmem:s22+$0x0] =	vst v5  }
0x1e9: {  	s24 =	sor.u32 s4, s13;
	s15 =	sor.u32 $0xC000, s6;
	v31 =	vld.idx.msk [tilespmem:v6+s14+$0x0], $0xffff;
	v5 =	vadd.s32 $0x400, v3;
	[tilespmem:s23+$0x0] =	vst v28  }
0x1ea: {  	s16 =	sor.u32 $0xC080, s6;
	s25 =	sor.u32 s4, s15;
	v6 =	vadd.s32 $0x800, v3;
	v27 =	vld.idx.msk [tilespmem:v9+s14+$0x0], $0xffff;
	[tilespmem:s24+$0x0] =	vst v16  }
0x1eb: {  	s8 =	sor.u32 $0xC100, s6;
	s10 =	sor.u32 s4, s16;
	v9 =	vadd.s32 $0x2C00, v3;
	v28 =	vld.idx.msk [tilespmem:v10+s14+$0x0], $0xffff;
	[tilespmem:s25+$0x0] =	vst v18  }
0x1ec: {  	s26 =	sor.u32 s4, s8;
	s12 =	sor.u32 $0xC180, s6;
	v62 =	vadd.s32 $0x2800, v3;
	v29 =	vld.idx.msk [tilespmem:v19+s14+$0x0], $0xffff;
	[tilespmem:s10+$0x0] =	vst v17  }
0x1ed: {  	s28 =	sor.u32 s4, s12;
	s17 =	sor.u32 $0xC200, s6;
	v10 =	vadd.s32 $0x1400, v3;
	v17 =	vld.idx.msk [tilespmem:v3+s14+$0x0], $0xffff;
	[tilespmem:s26+$0x0] =	vst v7  }
0x1ee: {  	s29 =	sor.u32 s4, s17;
	s18 =	sor.u32 $0xC280, s6;
	v18 =	vld.idx.msk [tilespmem:v5+s14+$0x0], $0xffff;
	v5 =	vadd.s32 $0x1C00, v3;
	[tilespmem:s28+$0x0] =	vst v14  }
0x1ef: {  	s11 =	sor.u32 $0xC300, s6;
	s30 =	sor.u32 s4, s18;
	v19 =	vld.idx.msk [tilespmem:v6+s14+$0x0], $0xffff;
	v6 =	vadd.s32 $0x3800, v3;
	[tilespmem:s29+$0x0] =	vst v21  }
0x1f0: {  	s19 =	sor.u32 s4, s11;
	s10 =	sor.u32 $0xC380, s6;
	v7 =	vadd.s32 $0x3000, v3;
	v4 =	vld.idx.msk [tilespmem:v9+s14+$0x0], $0xffff;
	[tilespmem:s30+$0x0] =	vst v26  }
0x1f1: {  	s6 =	sor.u32 $0x10, s4;
	s4 =	sor.u32 s4, s10;
	v9 =	vld.idx.msk [tilespmem:v62+s14+$0x0], $0xffff;
	[tilespmem:s19+$0x0] =	vst v20;
	v20 =	vadd.s32 $0x1000, v3  }
0x1f2: {  	s0 =	sor.u32 s6, s0;
	v16 =	vld.idx.msk [tilespmem:v10+s14+$0x0], $0xffff;
	[tilespmem:s4+$0x0] =	vst v25;
	v25 =	vadd.s32 $0x400, v0  }
0x1f3: {  	[tilespmem:s0+$0x0] =	vst v61;
	s19 =	sor.u32 s6, s1;
	v14 =	vld.idx.msk [tilespmem:v5+s14+$0x0], $0xffff;
	v5 =	vadd.s32 $0x1C00, v0  }
0x1f4: {  	s20 =	sor.u32 s6, s2;
	[tilespmem:s19+$0x0] =	vst v22;
	v6 =	vld.idx.msk [tilespmem:v6+s14+$0x0], $0xffff;
	v22 =	vadd.s32 $0x1800, v0  }
0x1f5: {  	s22 =	sor.u32 s6, s3;
	v10 =	vld.idx.msk [tilespmem:v7+s14+$0x0], $0xffff;
	[tilespmem:s20+$0x0] =	vst v24;
	v24 =	vadd.s32 $0xC00, v0  }
0x1f6: {  	s23 =	sor.u32 s6, s5;
	[tilespmem:s22+$0x0] =	vst v23;
	v21 =	vld.idx.msk [tilespmem:v20+s14+$0x0], $0xffff;
	v20 =	vadd.s32 $0x800, v0  }
0x1f7: {  	s24 =	sor.u32 s6, s7;
	[tilespmem:s23+$0x0] =	vst v29;
	v7 =	vld.idx.msk [tilespmem:v25+s14+$0x0], $0xffff;
	v25 =	vadd.s32 $0x3C00, v0  }
0x1f8: {  	v63 =	vadd.s32 $0x3800, v0;
	s25 =	sor.u32 s6, s9;
	[tilespmem:s24+$0x0] =	vst v28;
	v23 =	vld.idx.msk [tilespmem:v5+s14+$0x0], $0xffff  }
0x1f9: {  	s7 =	simm.s32 $0x100;
	s26 =	sor.u32 s6, s13;
	s5 =	simm.s32 $0x2;
	v28 =	vadd.s32 $0x2000, v3;
	v5 =	vld.idx.msk [tilespmem:v22+s14+$0x0], $0xffff;
	[tilespmem:s25+$0x0] =	vst v8  }
0x1fa: {  	s2 =	sor.u32 s6, s17;
	s13 =	sor.u32 s6, s18;
	s28 =	sor.u32 s6, s15;
	v29 =	vadd.s32 $0xC00, v3;
	v8 =	vld.idx.msk [tilespmem:v24+s14+$0x0], $0xffff;
	[tilespmem:s26+$0x0] =	vst v12  }
0x1fb: {  	s9 =	simm.s32 $0x40;
	s0 =	sand.u32 $0x1C00, s7;
	s29 =	sor.u32 s6, s16;
	[tilespmem:s28+$0x0] =	vst v30;
	v12 =	vld.idx.msk [tilespmem:v20+s14+$0x0], $0xffff  }
0x1fc: {  	s12 =	sor.u32 s6, s12;
	s3 =	sor.u32 $0xA080, s0;
	s30 =	sor.u32 s6, s8;
	[tilespmem:s29+$0x0] =	vst v27;
	v27 =	vadd.s32 $0x3C00, v3;
	v24 =	vld.idx.msk [tilespmem:v25+s14+$0x0], $0xffff  }
0x1fd: {  	v26 =	vadd.s32 $0x3400, v3;
	s8 =	simm.s32 $0xC50;
	s1 =	sor.u32 $0xA000, s0;
	s4 =	sor.u32 $0xA100, s0;
	v20 =	vadd.s32 $0x2400, v3;
	[tilespmem:s30+$0x0] =	vst v31;
	v25 =	vld.idx.msk [tilespmem:v63+s14+$0x0], $0xffff  }
.LBB2_8:
0x1fe: {  	s15 =	sand.u32 $0x3E0, s9;
	s5 =	sadd.s32 $0x2, s5;
	v28 =	vld.idx.msk [tilespmem:v28+s14+$0x0], $0xffff;
	s7 =	sadd.s32 $0x100, s7;
	[tilespmem:s12+$0x0] =	vst v15;
	v22 =	vmov v23  }
0x1ff: {  	v23 =	vadd.s32 $0x1800, v3;
	s12 =	sand.u32 $0x1C00, s7;
	p0 =	slt.u32 s5, $0x3E;
	v15 =	vld.idx.msk [tilespmem:v29+s14+$0x0], $0xffff;
	[tilespmem:s2+$0x0] =	vst v13;
	s2 =	sor.u32 s6, s11  }
0x200: {  	v3 =	vld [tilespmem:s15+$0xC00];
	s11 =	sor.u32 $0xA000, s12;
	s20 =	sor.u32 $0xA080, s12;
	s22 =	sor.u32 $0xA100, s12;
	[tilespmem:s13+$0x0] =	vst v11  }
0x201: {  	v11 =	vadd.s32 $0x2000, v0;
	v27 =	vld.idx.msk [tilespmem:v27+s14+$0x0], $0xffff;
	[tilespmem:s2+$0x0] =	vst v2;
	s2 =	sor.u32 s6, s10  }
0x202: {  	v13 =	vadd.s32 $0x3400, v0;
	v26 =	vld.idx.msk [tilespmem:v26+s14+$0x0], $0xffff;
	[tilespmem:s2+$0x0] =	vst v1;
	v1 =	vmov v24  }
0x203: {  	v29 =	vadd.s32 $0x3000, v0;
	s13 =	sand.u32 $0x60, s21;
	s21 =	smov.u32 s9;
	s10 =	sor.u32 $0xC200, s0;
	v2 =	vmov v25;
	v24 =	vld.idx.msk [tilespmem:v20+s14+$0x0], $0xffff  }
0x204: {  	s17 =	sor.u32 s13, s4;
	s6 =	sor.u32 $0x10, s13;
	s2 =	sor.u32 s13, s1;
	v25 =	vadd.s32 $0x2C00, v0;
	v23 =	vld.idx.msk [tilespmem:v23+s14+$0x0], $0xffff  }
0x205: {  	s19 =	sor.u32 s6, s1;
	s15 =	sor.u32 s6, s4;
	v20 =	vadd.s32 $0x2400, v3;
	v30 =	vld [tilespmem:s8+$0x0];
	[tilespmem:s2+$0x0] =	vst v17;
	s2 =	sor.u32 s13, s3;
	v17 =	vadd.s32 $0x2800, v0  }
0x206: {  	s16 =	sor.u32 $0xA180, s0;
	s23 =	sor.u32 s6, s3;
	[tilespmem:s2+$0x0] =	vst v18;
	v31 =	vld.idx.msk [tilespmem:v11+s14+$0x0], $0xffff;
	v18 =	vadd.s32 $0x2400, v0;
	s2 =	sor.u32 s6, s10  }
0x207: {  	s1 =	smov.u32 s11;
	s3 =	sor.u32 s13, s16;
	[tilespmem:s17+$0x0] =	vst v19;
	s17 =	sor.u32 $0xA200, s0;
	v19 =	vadd.s32 $0x1400, v0;
	v11 =	vld.idx.msk [tilespmem:v13+s14+$0x0], $0xffff  }
0x208: {  	s18 =	sor.u32 $0xA280, s0;
	v32 =	vadd.s32 $0x1000, v0;
	[tilespmem:s3+$0x0] =	vst v15;
	s4 =	sor.u32 s13, s17;
	v13 =	vld.idx.msk [tilespmem:v29+s14+$0x0], $0xffff;
	s3 =	smov.u32 s20  }
0x209: {  	s11 =	sor.u32 s13, s18;
	s20 =	sor.u32 $0xA300, s0;
	[tilespmem:s4+$0x0] =	vst v21;
	v15 =	vld.idx.msk [tilespmem:v25+s14+$0x0], $0xffff;
	s4 =	smov.u32 s22  }
0x20a: {  	s22 =	sor.u32 $0xA380, s0;
	[tilespmem:s11+$0x0] =	vst v16;
	s11 =	sor.u32 s13, s20;
	v33 =	vld.idx.msk [tilespmem:v17+s14+$0x0], $0xffff  }
0x20b: {  	s24 =	sor.u32 $0xC000, s0;
	v21 =	vadd.s32 $0x3000, v3;
	v16 =	vadd.s32 $0x400, v3;
	[tilespmem:s11+$0x0] =	vst v23;
	s11 =	sor.u32 s13, s22;
	v25 =	vld.idx.msk [tilespmem:v18+s14+$0x0], $0xffff  }
0x20c: {  	s26 =	sor.u32 $0xC080, s0;
	v23 =	vadd.s32 $0x800, v3;
	[tilespmem:s11+$0x0] =	vst v14;
	s11 =	sor.u32 s13, s24;
	v29 =	vld.idx.msk [tilespmem:v19+s14+$0x0], $0xffff  }
0x20d: {  	s28 =	sor.u32 $0xC100, s0;
	v14 =	vadd.s32 $0x2C00, v3;
	[tilespmem:s11+$0x0] =	vst v28;
	s11 =	sor.u32 s13, s26;
	v28 =	vld.idx.msk [tilespmem:v32+s14+$0x0], $0xffff  }
0x20e: {  	s25 =	sor.u32 $0xC180, s0;
	v32 =	vadd.s32 $0x1400, v3;
	[tilespmem:s11+$0x0] =	vst v24;
	s11 =	sor.u32 s13, s28;
	v24 =	vld.idx.msk [tilespmem:v0+s14+$0x0], $0xffff;
	v0 =	vmov v30  }
0x20f: {  	v30 =	vadd.s32 $0x2800, v3;
	v17 =	vld.idx.msk [tilespmem:v3+s14+$0x0], $0xffff;
	[tilespmem:s11+$0x0] =	vst v9;
	s11 =	sor.u32 s13, s25  }
0x210: {  	s29 =	sor.u32 $0xC280, s0;
	v34 =	vadd.s32 $0x1C00, v3;
	s10 =	sor.u32 s13, s10;
	v18 =	vld.idx.msk [tilespmem:v16+s14+$0x0], $0xffff;
	[tilespmem:s11+$0x0] =	vst v4  }
0x211: {  	s11 =	sor.u32 $0xC300, s0;
	v19 =	vld.idx.msk [tilespmem:v23+s14+$0x0], $0xffff;
	v23 =	vadd.s32 $0x3800, v3;
	[tilespmem:s10+$0x0] =	vst v10;
	s10 =	sor.u32 s13, s29  }
0x212: {  	s30 =	sor.u32 s13, s11;
	v4 =	vld.idx.msk [tilespmem:v14+s14+$0x0], $0xffff;
	[tilespmem:s10+$0x0] =	vst v26;
	s10 =	sor.u32 $0xC380, s0;
	s0 =	smov.u32 s12  }
0x213: {  	v26 =	vadd.s32 $0x1000, v3;
	v16 =	vld.idx.msk [tilespmem:v32+s14+$0x0], $0xffff;
	[tilespmem:s30+$0x0] =	vst v6;
	s12 =	sor.u32 s13, s10  }
0x214: {  	v9 =	vld.idx.msk [tilespmem:v30+s14+$0x0], $0xffff;
	v30 =	vadd.s32 $0x400, v0;
	[tilespmem:s12+$0x0] =	vst v27  }
0x215: {  	v27 =	vadd.s32 $0x1C00, v0;
	v14 =	vld.idx.msk [tilespmem:v34+s14+$0x0], $0xffff;
	[tilespmem:s19+$0x0] =	vst v24  }
0x216: {  	v24 =	vadd.s32 $0x1800, v0;
	v6 =	vld.idx.msk [tilespmem:v23+s14+$0x0], $0xffff;
	[tilespmem:s23+$0x0] =	vst v7  }
0x217: {  	v32 =	vadd.s32 $0xC00, v0;
	s12 =	sor.u32 s6, s16;
	v10 =	vld.idx.msk [tilespmem:v21+s14+$0x0], $0xffff;
	[tilespmem:s15+$0x0] =	vst v12  }
0x218: {  	v12 =	vadd.s32 $0x800, v0;
	v21 =	vld.idx.msk [tilespmem:v26+s14+$0x0], $0xffff;
	[tilespmem:s12+$0x0] =	vst v8;
	s12 =	sor.u32 s6, s17  }
0x219: {  	v26 =	vadd.s32 $0x3C00, v0;
	v7 =	vld.idx.msk [tilespmem:v30+s14+$0x0], $0xffff;
	[tilespmem:s12+$0x0] =	vst v28;
	s12 =	sor.u32 s6, s18  }
0x21a: {  	v30 =	vadd.s32 $0x3800, v0;
	v23 =	vld.idx.msk [tilespmem:v27+s14+$0x0], $0xffff;
	[tilespmem:s12+$0x0] =	vst v29;
	s12 =	sor.u32 s6, s20  }
.Ltmp3:
0x21b: {  	v28 =	vadd.s32 $0x2000, v3;
	[tilespmem:s12+$0x0] =	vst v5;
	v5 =	vld.idx.msk [tilespmem:v24+s14+$0x0], $0xffff;
	s12 =	sor.u32 s6, s22;
	(pc) =	sbr.rel @p0 .LBB2_8-.Ltmp3, $4  }
0x21c: {  	v29 =	vadd.s32 $0xC00, v3;
	v8 =	vld.idx.msk [tilespmem:v32+s14+$0x0], $0xffff;
	[tilespmem:s12+$0x0] =	vst v22;
	s12 =	sor.u32 s6, s24  }
0x21d: {  	v12 =	vld.idx.msk [tilespmem:v12+s14+$0x0], $0xffff;
	[tilespmem:s12+$0x0] =	vst v31;
	s12 =	sor.u32 s6, s26  }
0x21e: {  	s13 =	sor.u32 s6, s29;
	v27 =	vadd.s32 $0x3C00, v3;
	v24 =	vld.idx.msk [tilespmem:v26+s14+$0x0], $0xffff;
	[tilespmem:s12+$0x0] =	vst v25;
	s12 =	sor.u32 s6, s28  }
0x21f: {  	s9 =	sadd.s32 $0x20, s9;
	s8 =	sadd.s32 $0x20, s8;
	v26 =	vadd.s32 $0x3400, v3;
	v25 =	vld.idx.msk [tilespmem:v30+s14+$0x0], $0xffff;
	[tilespmem:s12+$0x0] =	vst v33;
	s12 =	sor.u32 s6, s25  }
0x220: {  	_ =	sdelay $0x3  }
0x221: {  	v22 =	vld.idx.msk [tilespmem:v28+s14+$0x0], $0xffff;
	v3 =	vadd.s32 $0x1800, v3;
	[tilespmem:s12+$0x0] =	vst v15  }
0x222: {  	v15 =	vld.idx.msk [tilespmem:v29+s14+$0x0], $0xffff;
	[tilespmem:s2+$0x0] =	vst v13  }
0x223: {  	s23 =	sor.u32 s6, s11;
	v13 =	vld.idx.msk [tilespmem:v27+s14+$0x0], $0xffff;
	[tilespmem:s13+$0x0] =	vst v11  }
0x224: {  	s5 =	sor.u32 s6, s10;
	s2 =	sand.u32 $0x60, s21;
	v11 =	vld.idx.msk [tilespmem:v26+s14+$0x0], $0xffff;
	[tilespmem:s23+$0x0] =	vst v2  }
0x225: {  	s24 =	sor.u32 s2, s1;
	v2 =	vld.idx.msk [tilespmem:v20+s14+$0x0], $0xffff;
	[tilespmem:s5+$0x0] =	vst v1  }
0x226: {  	s25 =	sor.u32 s2, s3;
	v1 =	vld.idx.msk [tilespmem:v3+s14+$0x0], $0xffff;
	[tilespmem:s24+$0x0] =	vst v17  }
0x227: {  	s26 =	sor.u32 s2, s4;
	s5 =	sor.u32 $0xA180, s0;
	[tilespmem:s25+$0x0] =	vst v18  }
0x228: {  	s7 =	sor.u32 $0xA200, s0;
	s28 =	sor.u32 s2, s5;
	v17 =	vadd.s32 $0x3400, v0;
	[tilespmem:s26+$0x0] =	vst v19  }
0x229: {  	s8 =	sor.u32 $0xA280, s0;
	s29 =	sor.u32 s2, s7;
	v3 =	vadd.s32 $0x2000, v0;
	[tilespmem:s28+$0x0] =	vst v15  }
0x22a: {  	s9 =	sor.u32 $0xA300, s0;
	s30 =	sor.u32 s2, s8;
	v18 =	vadd.s32 $0x2C00, v0;
	[tilespmem:s29+$0x0] =	vst v21  }
0x22b: {  	s11 =	sor.u32 $0xA380, s0;
	s10 =	sor.u32 s2, s9;
	[tilespmem:s30+$0x0] =	vst v16  }
0x22c: {  	s12 =	sor.u32 s2, s11;
	s13 =	sor.u32 $0xC000, s0;
	v15 =	vadd.s32 $0x3000, v0;
	[tilespmem:s10+$0x0] =	vst v1  }
0x22d: {  	s20 =	sor.u32 $0xC080, s0;
	s19 =	sor.u32 s2, s13;
	v16 =	vld.idx.msk [tilespmem:v17+s14+$0x0], $0xffff;
	v17 =	vadd.s32 $0x1400, v0;
	[tilespmem:s12+$0x0] =	vst v14  }
0x22e: {  	s22 =	sor.u32 $0xC100, s0;
	s21 =	sor.u32 s2, s20;
	v3 =	vld.idx.msk [tilespmem:v3+s14+$0x0], $0xffff;
	v1 =	vadd.s32 $0x2800, v0;
	[tilespmem:s19+$0x0] =	vst v22  }
0x22f: {  	s15 =	sor.u32 $0xC180, s0;
	s23 =	sor.u32 s2, s22;
	v18 =	vld.idx.msk [tilespmem:v18+s14+$0x0], $0xffff;
	v14 =	vadd.s32 $0x2400, v0;
	[tilespmem:s21+$0x0] =	vst v2  }
0x230: {  	s16 =	sor.u32 $0xC200, s0;
	s24 =	sor.u32 s2, s15;
	v2 =	vadd.s32 $0x1000, v0;
	v0 =	vld.idx.msk [tilespmem:v0+s14+$0x0], $0xffff;
	[tilespmem:s23+$0x0] =	vst v9  }
0x231: {  	s17 =	sor.u32 $0xC280, s0;
	s25 =	sor.u32 s2, s16;
	v15 =	vld.idx.msk [tilespmem:v15+s14+$0x0], $0xffff;
	[tilespmem:s24+$0x0] =	vst v4  }
0x232: {  	s18 =	sor.u32 $0xC300, s0;
	s26 =	sor.u32 s2, s17;
	v9 =	vld.idx.msk [tilespmem:v17+s14+$0x0], $0xffff;
	[tilespmem:s25+$0x0] =	vst v10  }
0x233: {  	s28 =	sor.u32 s2, s18;
	s19 =	sor.u32 $0x10, s2;
	v1 =	vld.idx.msk [tilespmem:v1+s14+$0x0], $0xffff;
	[tilespmem:s26+$0x0] =	vst v11  }
0x234: {  	s29 =	sor.u32 $0xC380, s0;
	s30 =	sor.u32 s19, s1;
	v4 =	vld.idx.msk [tilespmem:v14+s14+$0x0], $0xffff;
	[tilespmem:s28+$0x0] =	vst v6  }
0x235: {  	s2 =	sor.u32 s2, s29;
	v2 =	vld.idx.msk [tilespmem:v2+s14+$0x0], $0xffff;
	[tilespmem:s30+$0x0] =	vst v0  }
0x236: {  	s3 =	sor.u32 s19, s3;
	[tilespmem:s2+$0x0] =	vst v13  }
0x237: {  	s4 =	sor.u32 s19, s4;
	[tilespmem:s3+$0x0] =	vst v7  }
0x238: {  	s6 =	sor.u32 s19, s5;
	[tilespmem:s4+$0x0] =	vst v12  }
0x239: {  	s7 =	sor.u32 s19, s7;
	[tilespmem:s6+$0x0] =	vst v8  }
0x23a: {  	s8 =	sor.u32 s19, s8;
	[tilespmem:s7+$0x0] =	vst v2  }
0x23b: {  	s9 =	sor.u32 s19, s9;
	[tilespmem:s8+$0x0] =	vst v9  }
0x23c: {  	s10 =	sor.u32 s19, s11;
	[tilespmem:s9+$0x0] =	vst v5  }
0x23d: {  	s11 =	sor.u32 s19, s13;
	[tilespmem:s10+$0x0] =	vst v23  }
0x23e: {  	s12 =	sor.u32 s19, s20;
	[tilespmem:s11+$0x0] =	vst v3  }
0x23f: {  	s13 =	sor.u32 s19, s22;
	[tilespmem:s12+$0x0] =	vst v4  }
0x240: {  	s15 =	sor.u32 s19, s15;
	[tilespmem:s13+$0x0] =	vst v1  }
0x241: {  	s16 =	sor.u32 s19, s16;
	[tilespmem:s15+$0x0] =	vst v18  }
0x242: {  	s17 =	sor.u32 s19, s17;
	[tilespmem:s16+$0x0] =	vst v15  }
0x243: {  	s18 =	sor.u32 s19, s18;
	[tilespmem:s17+$0x0] =	vst v16  }
0x244: {  	s0 =	sor.u32 s19, s29;
	[tilespmem:s18+$0x0] =	vst v25  }
0x245: {  	s19 =	simm.s32 $0x0;
	[tilespmem:s0+$0x0] =	vst v24  }
0x246: {  	s20 =	simm.s32 $0xA000;
	s21 =	simm.s32 $0x1;
	s1 =	rddreg [dreg:$0x19]  }
0x247: {  	[hbm4b:s1+s19] =	stream.linear.scatter [tilespmem:s20], [sflag:$0x1], $0x4000, $0x38;
	[tilespmem:$0xE000] =	vst v63  }
0x248: {  	_ =	swait.ge [sflag:s21], $0x4000  }
0x249: {  	[sflag:s21] =	ssyncset.done $0x0  }
0x24a: {  	s22 =	sand.u32 $0x3E0, s19;
	[sflag:s21] =	ssyncadd.s32 $0xFFFFC000  }
0x24b: {  	s23 =	simm.s32 $0x1010;
	v2 =	vld [tilespmem:s22+$0x1000]  }
0x24c: {  	v5 =	vld [tilespmem:s23+$0x0];
	_ =	sdelay $0x3  }
0x24d: {  	v0 =	vadd.s32 $0x3C00, v2  }
0x24e: {  	s28 =	simm.s32 $0x1030;
	v1 =	vadd.s32 $0x800, v2  }
0x24f: {  	v37 =	vld [tilespmem:s28+$0x0];
	v3 =	vadd.s32 $0xC00, v2  }
0x250: {  	v4 =	vadd.s32 $0x1000, v2;
	v6 =	vld.idx.msk [tilespmem:v2+s14+$0x0], $0xffff  }
0x251: {  	v7 =	vadd.s32 $0x1400, v2;
	v15 =	vld.idx.msk [tilespmem:v5+s14+$0x0], $0xffff  }
0x252: {  	v8 =	vadd.s32 $0x1800, v2;
	v0 =	vld.idx.msk [tilespmem:v0+s14+$0x0], $0xffff  }
0x253: {  	v9 =	vadd.s32 $0x2000, v2;
	v10 =	vld.idx.msk [tilespmem:v1+s14+$0x0], $0xffff  }
0x254: {  	v11 =	vadd.s32 $0x2800, v2;
	v3 =	vld.idx.msk [tilespmem:v3+s14+$0x0], $0xffff  }
0x255: {  	v1 =	vadd.s32 $0x1C00, v2;
	v4 =	vld.idx.msk [tilespmem:v4+s14+$0x0], $0xffff  }
0x256: {  	v16 =	vadd.s32 $0x3400, v5;
	v12 =	vld.idx.msk [tilespmem:v7+s14+$0x0], $0xffff  }
0x257: {  	v13 =	vld.idx.msk [tilespmem:v8+s14+$0x0], $0xffff;
	v8 =	vadd.s32 $0x2C00, v2  }
0x258: {  	v19 =	vadd.s32 $0x2000, v5;
	v17 =	vld.idx.msk [tilespmem:v9+s14+$0x0], $0xffff  }
0x259: {  	v7 =	vadd.s32 $0x400, v2;
	v27 =	vld.idx.msk [tilespmem:v11+s14+$0x0], $0xffff  }
0x25a: {  	v14 =	vld.idx.msk [tilespmem:v1+s14+$0x0], $0xffff;
	v1 =	vadd.s32 $0x3000, v2  }
0x25b: {  	v9 =	vadd.s32 $0x3400, v2;
	v20 =	vld.idx.msk [tilespmem:v16+s14+$0x0], $0xffff  }
0x25c: {  	v31 =	vld.idx.msk [tilespmem:v8+s14+$0x0], $0xffff;
	v8 =	vadd.s32 $0x2C00, v5  }
0x25d: {  	v11 =	vadd.s32 $0x2400, v2;
	v28 =	vld.idx.msk [tilespmem:v19+s14+$0x0], $0xffff  }
0x25e: {  	v18 =	vld.idx.msk [tilespmem:v7+s14+$0x0], $0xffff;
	v7 =	vadd.s32 $0x3000, v5  }
0x25f: {  	v16 =	vadd.s32 $0x2400, v5;
	v30 =	vld.idx.msk [tilespmem:v1+s14+$0x0], $0xffff  }
0x260: {  	v1 =	vld.idx.msk [tilespmem:v9+s14+$0x0], $0xffff;
	v9 =	vadd.s32 $0x2800, v5  }
0x261: {  	v25 =	vld.idx.msk [tilespmem:v8+s14+$0x0], $0xffff;
	v8 =	vadd.s32 $0x1000, v5  }
0x262: {  	v21 =	vld.idx.msk [tilespmem:v11+s14+$0x0], $0xffff;
	v2 =	vadd.s32 $0x3800, v2  }
0x263: {  	v23 =	vld.idx.msk [tilespmem:v7+s14+$0x0], $0xffff;
	v7 =	vadd.s32 $0x1800, v5  }
0x264: {  	s4 =	sand.u32 $0x1C00, s19;
	v32 =	vld.idx.msk [tilespmem:v16+s14+$0x0], $0xffff  }
0x265: {  	s2 =	sand.u32 $0x60, s19;
	s25 =	sor.u32 $0x6000, s4;
	v11 =	vadd.s32 $0x1C00, v5;
	v29 =	vld.idx.msk [tilespmem:v9+s14+$0x0], $0xffff  }
0x266: {  	s26 =	sor.u32 s2, s25;
	v24 =	vadd.s32 $0x3800, v5;
	v22 =	vld.idx.msk [tilespmem:v8+s14+$0x0], $0xffff  }
0x267: {  	s21 =	simm.s32 $0x20;
	v19 =	vadd.s32 $0x400, v5;
	v8 =	vld.idx.msk [tilespmem:v2+s14+$0x0], $0xffff;
	[tilespmem:s26+$0x280] =	vst v12  }
0x268: {  	s24 =	sand.u32 $0x3E0, s21;
	v16 =	vadd.s32 $0x3C00, v5;
	v33 =	vld.idx.msk [tilespmem:v7+s14+$0x0], $0xffff;
	[tilespmem:s26+$0x200] =	vst v4  }
0x269: {  	s29 =	sand.u32 $0x3, s19;
	v9 =	vadd.s32 $0x1400, v5;
	v7 =	vld [tilespmem:s24+$0x1000];
	[tilespmem:s26+$0x180] =	vst v3  }
0x26a: {  	s6 =	sshll.u32 s29, $0x5;
	v26 =	vld.idx.msk [tilespmem:v11+s14+$0x0], $0xffff;
	v11 =	vadd.s32 $0xC00, v5;
	[tilespmem:s26+$0x100] =	vst v10  }
0x26b: {  	s6 =	sadd.s32 $0x0, s6;
	v36 =	vld.idx.msk [tilespmem:v24+s14+$0x0], $0xffff;
	v5 =	vadd.s32 $0x800, v5;
	[tilespmem:s26+$0x80] =	vst v18  }
0x26c: {  	s30 =	sor.u32 $0x300, s6;
	s0 =	sor.u32 s19, s19;
	v62 =	vadd.s32 $0x1800, v37;
	v19 =	vld.idx.msk [tilespmem:v19+s14+$0x0], $0xffff;
	[tilespmem:s26+$0x0] =	vst v6  }
0x26d: {  	s5 =	sor.u32 $0x8000, s4;
	s0 =	sor.u32 $0x380, s0;
	v35 =	vld.idx.msk [tilespmem:v16+s14+$0x0], $0xffff;
	[tilespmem:s30+$0x6000] =	vst v13  }
0x26e: {  	s7 =	sor.u32 s2, s5;
	s8 =	sor.u32 $0x8080, s4;
	[tilespmem:s0+$0x6000] =	vst v14;
	v34 =	vld.idx.msk [tilespmem:v9+s14+$0x0], $0xffff;
	v2 =	vadd.s32 $0x3C00, v7  }
0x26f: {  	s9 =	sor.u32 s2, s8;
	s13 =	sor.u32 $0x8100, s4;
	[tilespmem:s7+$0x0] =	vst v17;
	v9 =	vld.idx.msk [tilespmem:v11+s14+$0x0], $0xffff;
	v11 =	vadd.s32 $0x800, v7  }
0x270: {  	s29 =	sor.u32 s2, s13;
	[tilespmem:s9+$0x0] =	vst v21;
	v5 =	vld.idx.msk [tilespmem:v5+s14+$0x0], $0xffff;
	v12 =	vadd.s32 $0xC00, v7  }
0x271: {  	v16 =	vadd.s32 $0x1000, v7;
	[tilespmem:s29+$0x0] =	vst v27;
	v27 =	vld.idx.msk [tilespmem:v62+s14+$0x0], $0xffff  }
0x272: {  	s3 =	sor.u32 $0x10, s2;
	v3 =	vadd.s32 $0x1400, v7;
	v4 =	vld.idx.msk [tilespmem:v7+s14+$0x0], $0xffff  }
0x273: {  	s1 =	sor.u32 s3, s25;
	v24 =	vadd.s32 $0x1800, v7;
	v2 =	vld.idx.msk [tilespmem:v2+s14+$0x0], $0xffff  }
0x274: {  	[tilespmem:s1+$0x0] =	vst v15;
	v38 =	vadd.s32 $0x1C00, v7;
	v15 =	vld.idx.msk [tilespmem:v11+s14+$0x0], $0xffff  }
0x275: {  	v39 =	vadd.s32 $0x2800, v7;
	[tilespmem:s1+$0x180] =	vst v9;
	v9 =	vld.idx.msk [tilespmem:v12+s14+$0x0], $0xffff  }
0x276: {  	v16 =	vld.idx.msk [tilespmem:v16+s14+$0x0], $0xffff  }
0x277: {  	[tilespmem:s1+$0x80] =	vst v19;
	v18 =	vadd.s32 $0x400, v7;
	v19 =	vld.idx.msk [tilespmem:v3+s14+$0x0], $0xffff  }
0x278: {  	v6 =	vadd.s32 $0x3000, v7;
	v11 =	vld.idx.msk [tilespmem:v24+s14+$0x0], $0xffff  }
0x279: {  	v14 =	vadd.s32 $0x2400, v7;
	v10 =	vld.idx.msk [tilespmem:v38+s14+$0x0], $0xffff  }
0x27a: {  	v59 =	vadd.s32 $0x2C00, v37;
	v3 =	vld.idx.msk [tilespmem:v39+s14+$0x0], $0xffff  }
0x27b: {  	[tilespmem:s1+$0x200] =	vst v22;
	v13 =	vadd.s32 $0x3400, v7;
	v24 =	vld.idx.msk [tilespmem:v37+s14+$0x0], $0xffff  }
0x27c: {  	s6 =	sadd.s32 $0x10, s6;
	v17 =	vadd.s32 $0x3400, v37;
	[tilespmem:s1+$0x100] =	vst v5;
	v22 =	vld.idx.msk [tilespmem:v18+s14+$0x0], $0xffff  }
0x27d: {  	s10 =	sor.u32 $0x300, s6;
	v21 =	vadd.s32 $0x3000, v37;
	[tilespmem:s1+$0x280] =	vst v34;
	v6 =	vld.idx.msk [tilespmem:v6+s14+$0x0], $0xffff  }
0x27e: {  	s11 =	sor.u32 $0x380, s6;
	v60 =	vadd.s32 $0x2000, v37;
	v18 =	vld.idx.msk [tilespmem:v14+s14+$0x0], $0xffff;
	[tilespmem:s10+$0x6000] =	vst v33  }
0x27f: {  	s12 =	sor.u32 s3, s5;
	v5 =	vadd.s32 $0x2000, v7;
	v14 =	vld.idx.msk [tilespmem:v59+s14+$0x0], $0xffff;
	[tilespmem:s11+$0x6000] =	vst v26  }
0x280: {  	s15 =	sor.u32 s3, s8;
	v58 =	vadd.s32 $0x2C00, v7;
	v26 =	vld.idx.msk [tilespmem:v13+s14+$0x0], $0xffff;
	[tilespmem:s12+$0x0] =	vst v28  }
0x281: {  	s16 =	sor.u32 $0x8180, s4;
	s17 =	sor.u32 s3, s13;
	v61 =	vadd.s32 $0x1C00, v37;
	v13 =	vld.idx.msk [tilespmem:v17+s14+$0x0], $0xffff;
	[tilespmem:s15+$0x0] =	vst v32  }
0x282: {  	s6 =	simm.s32 $0x100;
	s18 =	sor.u32 $0x8200, s4;
	s19 =	sor.u32 s3, s16;
	v17 =	vld.idx.msk [tilespmem:v21+s14+$0x0], $0xffff;
	v28 =	vadd.s32 $0x2800, v37;
	[tilespmem:s17+$0x0] =	vst v29  }
0x283: {  	s5 =	sor.u32 s2, s16;
	s20 =	sor.u32 $0x8280, s4;
	s22 =	sor.u32 s3, s18;
	v21 =	vld.idx.msk [tilespmem:v60+s14+$0x0], $0xffff;
	v29 =	vadd.s32 $0x2400, v37;
	[tilespmem:s19+$0x0] =	vst v25  }
0x284: {  	s25 =	sor.u32 $0x8380, s4;
	s23 =	sor.u32 $0x8300, s4;
	v63 =	vadd.s32 $0x1000, v37;
	s24 =	sor.u32 s3, s20;
	v12 =	vld.idx.msk [tilespmem:v5+s14+$0x0], $0xffff;
	[tilespmem:s22+$0x0] =	vst v23  }
0x285: {  	s8 =	sor.u32 s2, s25;
	s28 =	sor.u32 s3, s25;
	s26 =	sor.u32 s3, s23;
	v33 =	vadd.s32 $0x400, v37;
	v5 =	vld.idx.msk [tilespmem:v58+s14+$0x0], $0xffff;
	[tilespmem:s24+$0x0] =	vst v20  }
0x286: {  	s3 =	sor.u32 s6, s21;
	s30 =	sor.u32 s2, s18;
	s0 =	sand.u32 $0x1C00, s6;
	v25 =	vld.idx.msk [tilespmem:v61+s14+$0x0], $0xffff;
	[tilespmem:s26+$0x0] =	vst v36;
	v36 =	vadd.s32 $0x1400, v37  }
0x287: {  	s7 =	simm.s32 $0x2;
	s4 =	sor.u32 $0x6000, s0;
	s9 =	simm.s32 $0x2;
	[tilespmem:s5+$0x0] =	vst v31;
	v20 =	vld.idx.msk [tilespmem:v28+s14+$0x0], $0xffff  }
0x288: {  	s5 =	simm.s32 $0x100;
	[tilespmem:s30+$0x0] =	vst v30;
	s1 =	simm.s32 $0x1;
	s10 =	simm.s32 $0x40;
	v32 =	vadd.s32 $0xC00, v37;
	v23 =	vld.idx.msk [tilespmem:v29+s14+$0x0], $0xffff  }
0x289: {  	v31 =	vadd.s32 $0x3800, v37;
	s11 =	simm.s32 $0x1050;
	s12 =	sor.u32 s2, s20;
	s2 =	sor.u32 s2, s23;
	v28 =	vadd.s32 $0x800, v37;
	[tilespmem:s28+$0x0] =	vst v35;
	v29 =	vadd.s32 $0x3C00, v37;
	v35 =	vld.idx.msk [tilespmem:v63+s14+$0x0], $0xffff  }
.LBB2_10:
0x28a: {  	s13 =	sand.u32 $0x3E0, s10;
	s7 =	sadd.s32 $0x2, s7;
	v33 =	vld.idx.msk [tilespmem:v33+s14+$0x0], $0xffff;
	s6 =	sadd.s32 $0x100, s6;
	[tilespmem:s12+$0x0] =	vst v1;
	v1 =	vmov v26  }
0x28b: {  	v26 =	vadd.s32 $0x3800, v7;
	s12 =	sand.u32 $0x1C00, s6;
	s16 =	sor.u32 s6, s10;
	p0 =	slt.u32 s7, $0x3E;
	v36 =	vld.idx.msk [tilespmem:v36+s14+$0x0], $0xffff;
	[tilespmem:s2+$0x0] =	vst v8  }
0x28c: {  	v7 =	vld [tilespmem:s13+$0x1000];
	s18 =	sor.u32 $0x6000, s12;
	[tilespmem:s8+$0x0] =	vst v0;
	v0 =	vmov v2  }
0x28d: {  	v2 =	vld.idx.msk [tilespmem:v32+s14+$0x0], $0xffff  }
0x28e: {  	v30 =	vld.idx.msk [tilespmem:v29+s14+$0x0], $0xffff  }
0x28f: {  	s2 =	sand.u32 $0x60, s21;
	s21 =	smov.u32 s10;
	s13 =	sor.u32 $0x8380, s0;
	v34 =	vld.idx.msk [tilespmem:v31+s14+$0x0], $0xffff  }
0x290: {  	s17 =	sor.u32 s2, s4;
	s15 =	sor.u32 $0x10, s2;
	s8 =	sor.u32 s2, s13;
	v8 =	vld.idx.msk [tilespmem:v26+s14+$0x0], $0xffff  }
0x291: {  	v26 =	vadd.s32 $0x400, v7;
	v29 =	vadd.s32 $0x3C00, v7;
	[tilespmem:s17+$0x280] =	vst v19;
	v19 =	vld.idx.msk [tilespmem:v28+s14+$0x0], $0xffff  }
0x292: {  	s19 =	sor.u32 s15, s4;
	s4 =	smov.u32 s18;
	v28 =	vadd.s32 $0x800, v7;
	[tilespmem:s17+$0x200] =	vst v16  }
0x293: {  	v16 =	vadd.s32 $0xC00, v7;
	[tilespmem:s19+$0x180] =	vst v2  }
0x294: {  	v31 =	vadd.s32 $0x1000, v7;
	v37 =	vld [tilespmem:s11+$0x0];
	[tilespmem:s17+$0x180] =	vst v9  }
0x295: {  	v32 =	vadd.s32 $0x1400, v7;
	v38 =	vld.idx.msk [tilespmem:v7+s14+$0x0], $0xffff;
	[tilespmem:s19+$0x0] =	vst v24  }
0x296: {  	v24 =	vadd.s32 $0x1800, v7;
	v2 =	vld.idx.msk [tilespmem:v29+s14+$0x0], $0xffff;
	[tilespmem:s19+$0x80] =	vst v33  }
0x297: {  	v40 =	vadd.s32 $0x1C00, v7;
	v41 =	vadd.s32 $0x2800, v7;
	v42 =	vadd.s32 $0x3000, v7;
	v39 =	vld.idx.msk [tilespmem:v28+s14+$0x0], $0xffff;
	[tilespmem:s19+$0x100] =	vst v19  }
0x298: {  	v43 =	vadd.s32 $0x2000, v7;
	v44 =	vadd.s32 $0x2400, v7;
	v45 =	vadd.s32 $0x2C00, v7;
	v9 =	vld.idx.msk [tilespmem:v16+s14+$0x0], $0xffff;
	[tilespmem:s17+$0x100] =	vst v15  }
0x299: {  	s18 =	sand.u32 $0x3, s1;
	s1 =	smov.u32 s9;
	v16 =	vld.idx.msk [tilespmem:v31+s14+$0x0], $0xffff;
	v33 =	vadd.s32 $0x400, v37;
	v28 =	vadd.s32 $0x800, v37;
	v29 =	vadd.s32 $0x3C00, v37;
	[tilespmem:s17+$0x80] =	vst v22  }
0x29a: {  	s18 =	sshll.u32 s18, $0x5;
	v46 =	vadd.s32 $0x1000, v37;
	v31 =	vadd.s32 $0x3800, v37;
	v19 =	vld.idx.msk [tilespmem:v32+s14+$0x0], $0xffff;
	v32 =	vadd.s32 $0xC00, v37;
	[tilespmem:s19+$0x280] =	vst v36  }
0x29b: {  	s18 =	sadd.s32 s18, s5;
	s5 =	smov.u32 s6;
	v48 =	vadd.s32 $0x1800, v37;
	v49 =	vadd.s32 $0x3400, v37;
	v36 =	vadd.s32 $0x1400, v37;
	v47 =	vld.idx.msk [tilespmem:v24+s14+$0x0], $0xffff;
	[tilespmem:s19+$0x200] =	vst v35  }
0x29c: {  	v50 =	vadd.s32 $0x2400, v37;
	v51 =	vadd.s32 $0x3000, v37;
	v35 =	vld.idx.msk [tilespmem:v40+s14+$0x0], $0xffff;
	v40 =	vadd.s32 $0x1C00, v37;
	[tilespmem:s17+$0x0] =	vst v4;
	s17 =	sor.u32 $0x300, s18;
	s18 =	sadd.s32 $0x10, s18;
	v4 =	vmovc v38  }
0x29d: {  	v52 =	vadd.s32 $0x2800, v37;
	v53 =	vadd.s32 $0x2C00, v37;
	s19 =	sor.u32 $0x8000, s0;
	v15 =	vmovc v39;
	v38 =	vld.idx.msk [tilespmem:v43+s14+$0x0], $0xffff;
	v43 =	vadd.s32 $0x2000, v37;
	[tilespmem:s17+$0x6000] =	vst v11;
	s17 =	sor.u32 $0x380, s3;
	s3 =	smov.u32 s16  }
0x29e: {  	s16 =	sor.u32 s2, s19;
	v39 =	vld.idx.msk [tilespmem:v41+s14+$0x0], $0xffff;
	v41 =	vadd.s32 $0x3400, v7;
	[tilespmem:s17+$0x6000] =	vst v10;
	s17 =	sor.u32 $0x8080, s0  }
0x29f: {  	v24 =	vld.idx.msk [tilespmem:v37+s14+$0x0], $0xffff;
	[tilespmem:s16+$0x0] =	vst v12;
	s16 =	sor.u32 s2, s17  }
0x2a0: {  	v22 =	vld.idx.msk [tilespmem:v26+s14+$0x0], $0xffff;
	[tilespmem:s16+$0x0] =	vst v18;
	s16 =	sor.u32 $0x300, s18  }
0x2a1: {  	v11 =	vmov v47;
	v37 =	vld.idx.msk [tilespmem:v45+s14+$0x0], $0xffff;
	[tilespmem:s16+$0x6000] =	vst v27;
	s16 =	sor.u32 $0x380, s18  }
0x2a2: {  	v10 =	vmov v35;
	v42 =	vld.idx.msk [tilespmem:v42+s14+$0x0], $0xffff;
	[tilespmem:s16+$0x6000] =	vst v25;
	s16 =	sor.u32 s15, s19  }
0x2a3: {  	s18 =	sor.u32 $0x8100, s0;
	v12 =	vmov v38;
	v26 =	vld.idx.msk [tilespmem:v41+s14+$0x0], $0xffff;
	[tilespmem:s16+$0x0] =	vst v21;
	s16 =	sor.u32 s15, s17  }
0x2a4: {  	s17 =	sor.u32 $0x8180, s0;
	v18 =	vld.idx.msk [tilespmem:v44+s14+$0x0], $0xffff;
	[tilespmem:s16+$0x0] =	vst v23;
	s16 =	sor.u32 s15, s18  }
0x2a5: {  	s19 =	sor.u32 $0x8200, s0;
	v27 =	vld.idx.msk [tilespmem:v49+s14+$0x0], $0xffff;
	[tilespmem:s16+$0x0] =	vst v20;
	s16 =	sor.u32 s15, s17  }
0x2a6: {  	s20 =	sor.u32 $0x8280, s0;
	v35 =	vld.idx.msk [tilespmem:v51+s14+$0x0], $0xffff;
	[tilespmem:s16+$0x0] =	vst v14;
	s16 =	sor.u32 s15, s19  }
0x2a7: {  	s22 =	sor.u32 $0x8300, s0;
	s0 =	smov.u32 s12;
	v14 =	vld.idx.msk [tilespmem:v53+s14+$0x0], $0xffff;
	[tilespmem:s16+$0x0] =	vst v17;
	s16 =	sor.u32 s15, s20  }
0x2a8: {  	s12 =	sor.u32 s15, s22;
	v21 =	vld.idx.msk [tilespmem:v43+s14+$0x0], $0xffff;
	[tilespmem:s16+$0x0] =	vst v13  }
.Ltmp4:
0x2a9: {  	s16 =	sor.u32 s2, s18;
	v20 =	vld.idx.msk [tilespmem:v52+s14+$0x0], $0xffff;
	[tilespmem:s12+$0x0] =	vst v34;
	s12 =	sor.u32 s15, s13;
	(pc) =	sbr.rel @p0 .LBB2_10-.Ltmp4, $4  }
0x2aa: {  	s13 =	sor.u32 s2, s17;
	v25 =	vld.idx.msk [tilespmem:v40+s14+$0x0], $0xffff;
	[tilespmem:s12+$0x0] =	vst v30  }
0x2ab: {  	s15 =	sor.u32 s2, s19;
	v13 =	vmov v27;
	v23 =	vld.idx.msk [tilespmem:v50+s14+$0x0], $0xffff;
	[tilespmem:s16+$0x0] =	vst v3;
	v3 =	vmov v39  }
0x2ac: {  	s12 =	sor.u32 s2, s20;
	s2 =	sor.u32 s2, s22;
	v17 =	vmov v35;
	v27 =	vld.idx.msk [tilespmem:v48+s14+$0x0], $0xffff;
	[tilespmem:s13+$0x0] =	vst v5;
	v5 =	vmov v37  }
0x2ad: {  	s10 =	sadd.s32 $0x20, s10;
	s9 =	sadd.s32 $0x1, s9;
	s11 =	sadd.s32 $0x20, s11;
	v35 =	vld.idx.msk [tilespmem:v46+s14+$0x0], $0xffff;
	[tilespmem:s15+$0x0] =	vst v6;
	v6 =	vmov v42  }
0x2ae: {  	_ =	sdelay $0x2  }
0x2af: {  	v7 =	vadd.s32 $0x3800, v7  }
0x2b0: {  	v30 =	vld.idx.msk [tilespmem:v33+s14+$0x0], $0xffff  }
0x2b1: {  	[tilespmem:s12+$0x0] =	vst v1;
	v1 =	vld.idx.msk [tilespmem:v32+s14+$0x0], $0xffff  }
0x2b2: {  	v60 =	vld.idx.msk [tilespmem:v36+s14+$0x0], $0xffff;
	[tilespmem:s2+$0x0] =	vst v8;
	s2 =	sand.u32 $0x60, s21  }
0x2b3: {  	v8 =	vld.idx.msk [tilespmem:v29+s14+$0x0], $0xffff;
	[tilespmem:s8+$0x0] =	vst v0;
	s6 =	sor.u32 s2, s4  }
0x2b4: {  	s7 =	sor.u32 $0x10, s2;
	v0 =	vld.idx.msk [tilespmem:v7+s14+$0x0], $0xffff;
	[tilespmem:s6+$0x280] =	vst v19  }
0x2b5: {  	s8 =	sor.u32 s7, s4;
	v7 =	vld.idx.msk [tilespmem:v31+s14+$0x0], $0xffff;
	[tilespmem:s6+$0x200] =	vst v16  }
0x2b6: {  	v19 =	vld.idx.msk [tilespmem:v28+s14+$0x0], $0xffff;
	[tilespmem:s8+$0x180] =	vst v1  }
0x2b7: {  	[tilespmem:s6+$0x180] =	vst v9  }
0x2b8: {  	[tilespmem:s8+$0x0] =	vst v24  }
0x2b9: {  	[tilespmem:s8+$0x80] =	vst v30  }
0x2ba: {  	[tilespmem:s6+$0x100] =	vst v15  }
0x2bb: {  	s1 =	sand.u32 $0x3, s1;
	[tilespmem:s6+$0x80] =	vst v22  }
0x2bc: {  	s1 =	sshll.u32 s1, $0x5;
	[tilespmem:s8+$0x280] =	vst v60  }
0x2bd: {  	s1 =	sadd.s32 s1, s5;
	[tilespmem:s8+$0x200] =	vst v35  }
0x2be: {  	s9 =	sor.u32 $0x300, s1;
	[tilespmem:s6+$0x0] =	vst v4  }
0x2bf: {  	s3 =	sor.u32 $0x380, s3;
	s10 =	sor.u32 $0x8000, s0;
	[tilespmem:s9+$0x6000] =	vst v11  }
0x2c0: {  	s12 =	sor.u32 $0x8080, s0;
	s11 =	sor.u32 s2, s10;
	[tilespmem:s3+$0x6000] =	vst v10  }
0x2c1: {  	s13 =	sor.u32 s2, s12;
	[tilespmem:s11+$0x0] =	vst v12  }
0x2c2: {  	s17 =	sor.u32 $0x8100, s0;
	[tilespmem:s13+$0x0] =	vst v18  }
0x2c3: {  	s1 =	sadd.s32 $0x10, s1;
	s3 =	sor.u32 s2, s17;
	[tilespmem:s8+$0x100] =	vst v19  }
0x2c4: {  	s19 =	sor.u32 $0x8180, s0;
	s23 =	sor.u32 $0x8280, s0;
	s15 =	sor.u32 $0x300, s1;
	[tilespmem:s3+$0x0] =	vst v3  }
0x2c5: {  	s25 =	sor.u32 $0x8300, s0;
	s21 =	sor.u32 $0x8200, s0;
	s4 =	sor.u32 s2, s19;
	[tilespmem:s15+$0x6000] =	vst v27  }
0x2c6: {  	s28 =	sor.u32 $0x8380, s0;
	s5 =	sor.u32 s2, s21;
	s1 =	sor.u32 $0x380, s1;
	[tilespmem:s4+$0x0] =	vst v5  }
0x2c7: {  	s16 =	sor.u32 s7, s10;
	s18 =	sor.u32 s7, s12;
	s20 =	sor.u32 s7, s17;
	[tilespmem:s1+$0x6000] =	vst v25  }
0x2c8: {  	s22 =	sor.u32 s7, s19;
	s24 =	sor.u32 s7, s21;
	s26 =	sor.u32 s7, s23;
	[tilespmem:s5+$0x0] =	vst v6  }
0x2c9: {  	s29 =	sor.u32 s7, s25;
	s30 =	sor.u32 s7, s28;
	s7 =	sor.u32 s2, s23;
	[tilespmem:s16+$0x0] =	vst v21  }
0x2ca: {  	[tilespmem:s7+$0x0] =	vst v26  }
0x2cb: {  	s8 =	sor.u32 s2, s25;
	[tilespmem:s18+$0x0] =	vst v23  }
0x2cc: {  	[tilespmem:s8+$0x0] =	vst v0  }
0x2cd: {  	s0 =	sor.u32 s2, s28;
	[tilespmem:s20+$0x0] =	vst v20  }
0x2ce: {  	[tilespmem:s0+$0x0] =	vst v2  }
0x2cf: {  	[tilespmem:s22+$0x0] =	vst v14  }
0x2d0: {  	[tilespmem:s24+$0x0] =	vst v17  }
0x2d1: {  	[tilespmem:s26+$0x0] =	vst v13  }
0x2d2: {  	[tilespmem:s29+$0x0] =	vst v7  }
0x2d3: {  	[tilespmem:s30+$0x0] =	vst v8  }
0x2d4: {  	s10 =	simm.s32 $0x1;
	s9 =	simm.s32 $0x0;
	s0 =	rddreg [dreg:$0x1a]  }
0x2d5: {  	[hbm4b:s0+s9] =	stream.linear.scatter [tilespmem:s31], [sflag:$0x1], $0x4000, $0x38;
	[tilespmem:$0xE000] =	vst v63  }
0x2d6: {  	_ =	swait.ge [sflag:s10], $0x4000  }
0x2d7: {  	[sflag:s10] =	ssyncset.done $0x0  }
0x2d8: {  	s11 =	sand.u32 $0x3E0, s9;
	[sflag:s10] =	ssyncadd.s32 $0xFFFFC000  }
0x2d9: {  	s12 =	simm.s32 $0x1410;
	v0 =	vld [tilespmem:s11+$0x1400]  }
0x2da: {  	v4 =	vld [tilespmem:s12+$0x0];
	_ =	sdelay $0x3  }
0x2db: {  	v1 =	vadd.s32 $0x400, v0  }
0x2dc: {  	v2 =	vadd.s32 $0x800, v0  }
0x2dd: {  	v3 =	vadd.s32 $0x2C00, v0  }
0x2de: {  	v5 =	vadd.s32 $0x1400, v0;
	v6 =	vld.idx.msk [tilespmem:v0+s14+$0x0], $0xffff  }
0x2df: {  	v7 =	vadd.s32 $0x2800, v0;
	v61 =	vld.idx.msk [tilespmem:v4+s14+$0x0], $0xffff  }
0x2e0: {  	v8 =	vadd.s32 $0x3000, v0;
	v9 =	vld.idx.msk [tilespmem:v1+s14+$0x0], $0xffff  }
0x2e1: {  	v11 =	vadd.s32 $0x400, v4;
	v10 =	vld.idx.msk [tilespmem:v2+s14+$0x0], $0xffff  }
0x2e2: {  	v13 =	vadd.s32 $0xC00, v4;
	v14 =	vld.idx.msk [tilespmem:v3+s14+$0x0], $0xffff  }
0x2e3: {  	v1 =	vadd.s32 $0x1C00, v0;
	v5 =	vld.idx.msk [tilespmem:v5+s14+$0x0], $0xffff  }
0x2e4: {  	v2 =	vadd.s32 $0x3800, v0;
	v7 =	vld.idx.msk [tilespmem:v7+s14+$0x0], $0xffff  }
0x2e5: {  	v18 =	vadd.s32 $0x2000, v0;
	v21 =	vld.idx.msk [tilespmem:v8+s14+$0x0], $0xffff  }
0x2e6: {  	v19 =	vadd.s32 $0xC00, v0;
	v22 =	vld.idx.msk [tilespmem:v11+s14+$0x0], $0xffff  }
0x2e7: {  	v3 =	vadd.s32 $0x1000, v0;
	v23 =	vld.idx.msk [tilespmem:v13+s14+$0x0], $0xffff  }
0x2e8: {  	v16 =	vld.idx.msk [tilespmem:v1+s14+$0x0], $0xffff;
	v1 =	vadd.s32 $0x1C00, v4  }
0x2e9: {  	v20 =	vld.idx.msk [tilespmem:v2+s14+$0x0], $0xffff;
	v2 =	vadd.s32 $0x1800, v4  }
0x2ea: {  	v11 =	vadd.s32 $0x3C00, v4;
	v18 =	vld.idx.msk [tilespmem:v18+s14+$0x0], $0xffff  }
0x2eb: {  	v17 =	vadd.s32 $0x3800, v4;
	v19 =	vld.idx.msk [tilespmem:v19+s14+$0x0], $0xffff  }
0x2ec: {  	v13 =	vadd.s32 $0x3C00, v0;
	v15 =	vld.idx.msk [tilespmem:v3+s14+$0x0], $0xffff  }
0x2ed: {  	v3 =	vadd.s32 $0x800, v4;
	v12 =	vld.idx.msk [tilespmem:v1+s14+$0x0], $0xffff  }
0x2ee: {  	v8 =	vld.idx.msk [tilespmem:v2+s14+$0x0], $0xffff  }
0x2ef: {  	v1 =	vld.idx.msk [tilespmem:v11+s14+$0x0], $0xffff;
	v11 =	vadd.s32 $0x3400, v0  }
0x2f0: {  	v2 =	vld.idx.msk [tilespmem:v17+s14+$0x0], $0xffff;
	v17 =	vadd.s32 $0x2400, v0  }
0x2f1: {  	s21 =	simm.s32 $0x20;
	v25 =	vld.idx.msk [tilespmem:v13+s14+$0x0], $0xffff;
	v0 =	vadd.s32 $0x1800, v0  }
0x2f2: {  	s13 =	sand.u32 $0x3E0, s21;
	v13 =	vadd.s32 $0x2000, v4;
	v24 =	vld.idx.msk [tilespmem:v3+s14+$0x0], $0xffff  }
0x2f3: {  	s6 =	sand.u32 $0x1C00, s9;
	v27 =	vadd.s32 $0x3000, v4;
	v3 =	vld [tilespmem:s13+$0x1400]  }
0x2f4: {  	s4 =	sand.u32 $0x60, s9;
	s0 =	sor.u32 $0xA000, s6;
	v26 =	vld.idx.msk [tilespmem:v11+s14+$0x0], $0xffff  }
0x2f5: {  	s1 =	sor.u32 $0xA080, s6;
	s16 =	sor.u32 s4, s0;
	v29 =	vadd.s32 $0x2C00, v4;
	v17 =	vld.idx.msk [tilespmem:v17+s14+$0x0], $0xffff  }
0x2f6: {  	s2 =	sor.u32 $0xA100, s6;
	s17 =	sor.u32 s4, s1;
	v11 =	vadd.s32 $0x3400, v4;
	v28 =	vld.idx.msk [tilespmem:v0+s14+$0x0], $0xffff;
	[tilespmem:s16+$0x0] =	vst v6  }
0x2f7: {  	s3 =	sor.u32 $0xA180, s6;
	s18 =	sor.u32 s4, s2;
	v30 =	vld.idx.msk [tilespmem:v13+s14+$0x0], $0xffff;
	v6 =	vadd.s32 $0x2800, v4;
	[tilespmem:s17+$0x0] =	vst v9  }
0x2f8: {  	s15 =	simm.s32 $0x1430;
	s19 =	sor.u32 s4, s3;
	s5 =	sor.u32 $0xA200, s6;
	v13 =	vld.idx.msk [tilespmem:v27+s14+$0x0], $0xffff;
	v9 =	vadd.s32 $0x2400, v4;
	[tilespmem:s18+$0x0] =	vst v10  }
0x2f9: {  	s7 =	sor.u32 $0xA280, s6;
	s20 =	sor.u32 s4, s5;
	v0 =	vld [tilespmem:s15+$0x0];
	v10 =	vadd.s32 $0x1400, v4;
	[tilespmem:s19+$0x0] =	vst v19  }
0x2fa: {  	s22 =	sor.u32 s4, s7;
	s9 =	sor.u32 $0xA300, s6;
	v19 =	vadd.s32 $0x1000, v4;
	[tilespmem:s20+$0x0] =	vst v15;
	v15 =	vld.idx.msk [tilespmem:v29+s14+$0x0], $0xffff  }
0x2fb: {  	s23 =	sor.u32 s4, s9;
	s13 =	sor.u32 $0xA380, s6;
	v11 =	vld.idx.msk [tilespmem:v11+s14+$0x0], $0xffff;
	[tilespmem:s22+$0x0] =	vst v5  }
0x2fc: {  	s24 =	sor.u32 s4, s13;
	s15 =	sor.u32 $0xC000, s6;
	v31 =	vld.idx.msk [tilespmem:v6+s14+$0x0], $0xffff;
	v5 =	vadd.s32 $0x400, v3;
	[tilespmem:s23+$0x0] =	vst v28  }
0x2fd: {  	s16 =	sor.u32 $0xC080, s6;
	s25 =	sor.u32 s4, s15;
	v6 =	vadd.s32 $0x800, v3;
	v27 =	vld.idx.msk [tilespmem:v9+s14+$0x0], $0xffff;
	[tilespmem:s24+$0x0] =	vst v16  }
0x2fe: {  	s8 =	sor.u32 $0xC100, s6;
	s10 =	sor.u32 s4, s16;
	v9 =	vadd.s32 $0x2C00, v3;
	v28 =	vld.idx.msk [tilespmem:v10+s14+$0x0], $0xffff;
	[tilespmem:s25+$0x0] =	vst v18  }
0x2ff: {  	s26 =	sor.u32 s4, s8;
	s12 =	sor.u32 $0xC180, s6;
	v62 =	vadd.s32 $0x2800, v3;
	v29 =	vld.idx.msk [tilespmem:v19+s14+$0x0], $0xffff;
	[tilespmem:s10+$0x0] =	vst v17  }
0x300: {  	s28 =	sor.u32 s4, s12;
	s17 =	sor.u32 $0xC200, s6;
	v10 =	vadd.s32 $0x1400, v3;
	v17 =	vld.idx.msk [tilespmem:v3+s14+$0x0], $0xffff;
	[tilespmem:s26+$0x0] =	vst v7  }
0x301: {  	s29 =	sor.u32 s4, s17;
	s18 =	sor.u32 $0xC280, s6;
	v18 =	vld.idx.msk [tilespmem:v5+s14+$0x0], $0xffff;
	v5 =	vadd.s32 $0x1C00, v3;
	[tilespmem:s28+$0x0] =	vst v14  }
0x302: {  	s11 =	sor.u32 $0xC300, s6;
	s30 =	sor.u32 s4, s18;
	v19 =	vld.idx.msk [tilespmem:v6+s14+$0x0], $0xffff;
	v6 =	vadd.s32 $0x3800, v3;
	[tilespmem:s29+$0x0] =	vst v21  }
0x303: {  	s19 =	sor.u32 s4, s11;
	s10 =	sor.u32 $0xC380, s6;
	v7 =	vadd.s32 $0x3000, v3;
	v4 =	vld.idx.msk [tilespmem:v9+s14+$0x0], $0xffff;
	[tilespmem:s30+$0x0] =	vst v26  }
0x304: {  	s6 =	sor.u32 $0x10, s4;
	s4 =	sor.u32 s4, s10;
	v9 =	vld.idx.msk [tilespmem:v62+s14+$0x0], $0xffff;
	[tilespmem:s19+$0x0] =	vst v20;
	v20 =	vadd.s32 $0x1000, v3  }
0x305: {  	s0 =	sor.u32 s6, s0;
	v16 =	vld.idx.msk [tilespmem:v10+s14+$0x0], $0xffff;
	[tilespmem:s4+$0x0] =	vst v25;
	v25 =	vadd.s32 $0x400, v0  }
0x306: {  	[tilespmem:s0+$0x0] =	vst v61;
	s19 =	sor.u32 s6, s1;
	v14 =	vld.idx.msk [tilespmem:v5+s14+$0x0], $0xffff;
	v5 =	vadd.s32 $0x1C00, v0  }
0x307: {  	s20 =	sor.u32 s6, s2;
	[tilespmem:s19+$0x0] =	vst v22;
	v6 =	vld.idx.msk [tilespmem:v6+s14+$0x0], $0xffff;
	v22 =	vadd.s32 $0x1800, v0  }
0x308: {  	s22 =	sor.u32 s6, s3;
	v10 =	vld.idx.msk [tilespmem:v7+s14+$0x0], $0xffff;
	[tilespmem:s20+$0x0] =	vst v24;
	v24 =	vadd.s32 $0xC00, v0  }
0x309: {  	s23 =	sor.u32 s6, s5;
	[tilespmem:s22+$0x0] =	vst v23;
	v21 =	vld.idx.msk [tilespmem:v20+s14+$0x0], $0xffff;
	v20 =	vadd.s32 $0x800, v0  }
0x30a: {  	s24 =	sor.u32 s6, s7;
	[tilespmem:s23+$0x0] =	vst v29;
	v7 =	vld.idx.msk [tilespmem:v25+s14+$0x0], $0xffff;
	v25 =	vadd.s32 $0x3C00, v0  }
0x30b: {  	v63 =	vadd.s32 $0x3800, v0;
	s25 =	sor.u32 s6, s9;
	[tilespmem:s24+$0x0] =	vst v28;
	v23 =	vld.idx.msk [tilespmem:v5+s14+$0x0], $0xffff  }
0x30c: {  	s7 =	simm.s32 $0x100;
	s26 =	sor.u32 s6, s13;
	s5 =	simm.s32 $0x2;
	v28 =	vadd.s32 $0x2000, v3;
	v5 =	vld.idx.msk [tilespmem:v22+s14+$0x0], $0xffff;
	[tilespmem:s25+$0x0] =	vst v8  }
0x30d: {  	s2 =	sor.u32 s6, s17;
	s13 =	sor.u32 s6, s18;
	s28 =	sor.u32 s6, s15;
	v29 =	vadd.s32 $0xC00, v3;
	v8 =	vld.idx.msk [tilespmem:v24+s14+$0x0], $0xffff;
	[tilespmem:s26+$0x0] =	vst v12  }
0x30e: {  	s9 =	simm.s32 $0x40;
	s0 =	sand.u32 $0x1C00, s7;
	s29 =	sor.u32 s6, s16;
	[tilespmem:s28+$0x0] =	vst v30;
	v12 =	vld.idx.msk [tilespmem:v20+s14+$0x0], $0xffff  }
0x30f: {  	s12 =	sor.u32 s6, s12;
	s3 =	sor.u32 $0xA080, s0;
	s30 =	sor.u32 s6, s8;
	[tilespmem:s29+$0x0] =	vst v27;
	v27 =	vadd.s32 $0x3C00, v3;
	v24 =	vld.idx.msk [tilespmem:v25+s14+$0x0], $0xffff  }
0x310: {  	v26 =	vadd.s32 $0x3400, v3;
	s8 =	simm.s32 $0x1450;
	s1 =	sor.u32 $0xA000, s0;
	s4 =	sor.u32 $0xA100, s0;
	v20 =	vadd.s32 $0x2400, v3;
	[tilespmem:s30+$0x0] =	vst v31;
	v25 =	vld.idx.msk [tilespmem:v63+s14+$0x0], $0xffff  }
.LBB2_12:
0x311: {  	s15 =	sand.u32 $0x3E0, s9;
	s5 =	sadd.s32 $0x2, s5;
	v28 =	vld.idx.msk [tilespmem:v28+s14+$0x0], $0xffff;
	s7 =	sadd.s32 $0x100, s7;
	[tilespmem:s12+$0x0] =	vst v15;
	v22 =	vmov v23  }
0x312: {  	v23 =	vadd.s32 $0x1800, v3;
	s12 =	sand.u32 $0x1C00, s7;
	p0 =	slt.u32 s5, $0x3E;
	v15 =	vld.idx.msk [tilespmem:v29+s14+$0x0], $0xffff;
	[tilespmem:s2+$0x0] =	vst v13;
	s2 =	sor.u32 s6, s11  }
0x313: {  	v3 =	vld [tilespmem:s15+$0x1400];
	s11 =	sor.u32 $0xA000, s12;
	s20 =	sor.u32 $0xA080, s12;
	s22 =	sor.u32 $0xA100, s12;
	[tilespmem:s13+$0x0] =	vst v11  }
0x314: {  	v11 =	vadd.s32 $0x2000, v0;
	v27 =	vld.idx.msk [tilespmem:v27+s14+$0x0], $0xffff;
	[tilespmem:s2+$0x0] =	vst v2;
	s2 =	sor.u32 s6, s10  }
0x315: {  	v13 =	vadd.s32 $0x3400, v0;
	v26 =	vld.idx.msk [tilespmem:v26+s14+$0x0], $0xffff;
	[tilespmem:s2+$0x0] =	vst v1;
	v1 =	vmov v24  }
0x316: {  	v29 =	vadd.s32 $0x3000, v0;
	s13 =	sand.u32 $0x60, s21;
	s21 =	smov.u32 s9;
	s10 =	sor.u32 $0xC200, s0;
	v2 =	vmov v25;
	v24 =	vld.idx.msk [tilespmem:v20+s14+$0x0], $0xffff  }
0x317: {  	s17 =	sor.u32 s13, s4;
	s6 =	sor.u32 $0x10, s13;
	s2 =	sor.u32 s13, s1;
	v25 =	vadd.s32 $0x2C00, v0;
	v23 =	vld.idx.msk [tilespmem:v23+s14+$0x0], $0xffff  }
0x318: {  	s19 =	sor.u32 s6, s1;
	s15 =	sor.u32 s6, s4;
	v20 =	vadd.s32 $0x2400, v3;
	v30 =	vld [tilespmem:s8+$0x0];
	[tilespmem:s2+$0x0] =	vst v17;
	s2 =	sor.u32 s13, s3;
	v17 =	vadd.s32 $0x2800, v0  }
0x319: {  	s16 =	sor.u32 $0xA180, s0;
	s23 =	sor.u32 s6, s3;
	[tilespmem:s2+$0x0] =	vst v18;
	v31 =	vld.idx.msk [tilespmem:v11+s14+$0x0], $0xffff;
	v18 =	vadd.s32 $0x2400, v0;
	s2 =	sor.u32 s6, s10  }
0x31a: {  	s1 =	smov.u32 s11;
	s3 =	sor.u32 s13, s16;
	[tilespmem:s17+$0x0] =	vst v19;
	s17 =	sor.u32 $0xA200, s0;
	v19 =	vadd.s32 $0x1400, v0;
	v11 =	vld.idx.msk [tilespmem:v13+s14+$0x0], $0xffff  }
0x31b: {  	s18 =	sor.u32 $0xA280, s0;
	v32 =	vadd.s32 $0x1000, v0;
	[tilespmem:s3+$0x0] =	vst v15;
	s4 =	sor.u32 s13, s17;
	v13 =	vld.idx.msk [tilespmem:v29+s14+$0x0], $0xffff;
	s3 =	smov.u32 s20  }
0x31c: {  	s11 =	sor.u32 s13, s18;
	s20 =	sor.u32 $0xA300, s0;
	[tilespmem:s4+$0x0] =	vst v21;
	v15 =	vld.idx.msk [tilespmem:v25+s14+$0x0], $0xffff;
	s4 =	smov.u32 s22  }
0x31d: {  	s22 =	sor.u32 $0xA380, s0;
	[tilespmem:s11+$0x0] =	vst v16;
	s11 =	sor.u32 s13, s20;
	v33 =	vld.idx.msk [tilespmem:v17+s14+$0x0], $0xffff  }
0x31e: {  	s24 =	sor.u32 $0xC000, s0;
	v21 =	vadd.s32 $0x3000, v3;
	v16 =	vadd.s32 $0x400, v3;
	[tilespmem:s11+$0x0] =	vst v23;
	s11 =	sor.u32 s13, s22;
	v25 =	vld.idx.msk [tilespmem:v18+s14+$0x0], $0xffff  }
0x31f: {  	s26 =	sor.u32 $0xC080, s0;
	v23 =	vadd.s32 $0x800, v3;
	[tilespmem:s11+$0x0] =	vst v14;
	s11 =	sor.u32 s13, s24;
	v29 =	vld.idx.msk [tilespmem:v19+s14+$0x0], $0xffff  }
0x320: {  	s28 =	sor.u32 $0xC100, s0;
	v14 =	vadd.s32 $0x2C00, v3;
	[tilespmem:s11+$0x0] =	vst v28;
	s11 =	sor.u32 s13, s26;
	v28 =	vld.idx.msk [tilespmem:v32+s14+$0x0], $0xffff  }
0x321: {  	s25 =	sor.u32 $0xC180, s0;
	v32 =	vadd.s32 $0x1400, v3;
	[tilespmem:s11+$0x0] =	vst v24;
	s11 =	sor.u32 s13, s28;
	v24 =	vld.idx.msk [tilespmem:v0+s14+$0x0], $0xffff;
	v0 =	vmov v30  }
0x322: {  	v30 =	vadd.s32 $0x2800, v3;
	v17 =	vld.idx.msk [tilespmem:v3+s14+$0x0], $0xffff;
	[tilespmem:s11+$0x0] =	vst v9;
	s11 =	sor.u32 s13, s25  }
0x323: {  	s29 =	sor.u32 $0xC280, s0;
	v34 =	vadd.s32 $0x1C00, v3;
	s10 =	sor.u32 s13, s10;
	v18 =	vld.idx.msk [tilespmem:v16+s14+$0x0], $0xffff;
	[tilespmem:s11+$0x0] =	vst v4  }
0x324: {  	s11 =	sor.u32 $0xC300, s0;
	v19 =	vld.idx.msk [tilespmem:v23+s14+$0x0], $0xffff;
	v23 =	vadd.s32 $0x3800, v3;
	[tilespmem:s10+$0x0] =	vst v10;
	s10 =	sor.u32 s13, s29  }
0x325: {  	s30 =	sor.u32 s13, s11;
	v4 =	vld.idx.msk [tilespmem:v14+s14+$0x0], $0xffff;
	[tilespmem:s10+$0x0] =	vst v26;
	s10 =	sor.u32 $0xC380, s0;
	s0 =	smov.u32 s12  }
0x326: {  	v26 =	vadd.s32 $0x1000, v3;
	v16 =	vld.idx.msk [tilespmem:v32+s14+$0x0], $0xffff;
	[tilespmem:s30+$0x0] =	vst v6;
	s12 =	sor.u32 s13, s10  }
0x327: {  	v9 =	vld.idx.msk [tilespmem:v30+s14+$0x0], $0xffff;
	v30 =	vadd.s32 $0x400, v0;
	[tilespmem:s12+$0x0] =	vst v27  }
0x328: {  	v27 =	vadd.s32 $0x1C00, v0;
	v14 =	vld.idx.msk [tilespmem:v34+s14+$0x0], $0xffff;
	[tilespmem:s19+$0x0] =	vst v24  }
0x329: {  	v24 =	vadd.s32 $0x1800, v0;
	v6 =	vld.idx.msk [tilespmem:v23+s14+$0x0], $0xffff;
	[tilespmem:s23+$0x0] =	vst v7  }
0x32a: {  	v32 =	vadd.s32 $0xC00, v0;
	s12 =	sor.u32 s6, s16;
	v10 =	vld.idx.msk [tilespmem:v21+s14+$0x0], $0xffff;
	[tilespmem:s15+$0x0] =	vst v12  }
0x32b: {  	v12 =	vadd.s32 $0x800, v0;
	v21 =	vld.idx.msk [tilespmem:v26+s14+$0x0], $0xffff;
	[tilespmem:s12+$0x0] =	vst v8;
	s12 =	sor.u32 s6, s17  }
0x32c: {  	v26 =	vadd.s32 $0x3C00, v0;
	v7 =	vld.idx.msk [tilespmem:v30+s14+$0x0], $0xffff;
	[tilespmem:s12+$0x0] =	vst v28;
	s12 =	sor.u32 s6, s18  }
0x32d: {  	v30 =	vadd.s32 $0x3800, v0;
	v23 =	vld.idx.msk [tilespmem:v27+s14+$0x0], $0xffff;
	[tilespmem:s12+$0x0] =	vst v29;
	s12 =	sor.u32 s6, s20  }
.Ltmp5:
0x32e: {  	v28 =	vadd.s32 $0x2000, v3;
	[tilespmem:s12+$0x0] =	vst v5;
	v5 =	vld.idx.msk [tilespmem:v24+s14+$0x0], $0xffff;
	s12 =	sor.u32 s6, s22;
	(pc) =	sbr.rel @p0 .LBB2_12-.Ltmp5, $4  }
0x32f: {  	v29 =	vadd.s32 $0xC00, v3;
	v8 =	vld.idx.msk [tilespmem:v32+s14+$0x0], $0xffff;
	[tilespmem:s12+$0x0] =	vst v22;
	s12 =	sor.u32 s6, s24  }
0x330: {  	v12 =	vld.idx.msk [tilespmem:v12+s14+$0x0], $0xffff;
	[tilespmem:s12+$0x0] =	vst v31;
	s12 =	sor.u32 s6, s26  }
0x331: {  	s13 =	sor.u32 s6, s29;
	v27 =	vadd.s32 $0x3C00, v3;
	v24 =	vld.idx.msk [tilespmem:v26+s14+$0x0], $0xffff;
	[tilespmem:s12+$0x0] =	vst v25;
	s12 =	sor.u32 s6, s28  }
0x332: {  	s9 =	sadd.s32 $0x20, s9;
	s8 =	sadd.s32 $0x20, s8;
	v26 =	vadd.s32 $0x3400, v3;
	v25 =	vld.idx.msk [tilespmem:v30+s14+$0x0], $0xffff;
	[tilespmem:s12+$0x0] =	vst v33;
	s12 =	sor.u32 s6, s25  }
0x333: {  	_ =	sdelay $0x3  }
0x334: {  	v22 =	vld.idx.msk [tilespmem:v28+s14+$0x0], $0xffff;
	v3 =	vadd.s32 $0x1800, v3;
	[tilespmem:s12+$0x0] =	vst v15  }
0x335: {  	v15 =	vld.idx.msk [tilespmem:v29+s14+$0x0], $0xffff;
	[tilespmem:s2+$0x0] =	vst v13  }
0x336: {  	s23 =	sor.u32 s6, s11;
	v13 =	vld.idx.msk [tilespmem:v27+s14+$0x0], $0xffff;
	[tilespmem:s13+$0x0] =	vst v11  }
0x337: {  	s5 =	sor.u32 s6, s10;
	s2 =	sand.u32 $0x60, s21;
	v11 =	vld.idx.msk [tilespmem:v26+s14+$0x0], $0xffff;
	[tilespmem:s23+$0x0] =	vst v2  }
0x338: {  	s24 =	sor.u32 s2, s1;
	v2 =	vld.idx.msk [tilespmem:v20+s14+$0x0], $0xffff;
	[tilespmem:s5+$0x0] =	vst v1  }
0x339: {  	s25 =	sor.u32 s2, s3;
	v1 =	vld.idx.msk [tilespmem:v3+s14+$0x0], $0xffff;
	[tilespmem:s24+$0x0] =	vst v17  }
0x33a: {  	s26 =	sor.u32 s2, s4;
	s5 =	sor.u32 $0xA180, s0;
	[tilespmem:s25+$0x0] =	vst v18  }
0x33b: {  	s7 =	sor.u32 $0xA200, s0;
	s28 =	sor.u32 s2, s5;
	v17 =	vadd.s32 $0x3400, v0;
	[tilespmem:s26+$0x0] =	vst v19  }
0x33c: {  	s8 =	sor.u32 $0xA280, s0;
	s29 =	sor.u32 s2, s7;
	v3 =	vadd.s32 $0x2000, v0;
	[tilespmem:s28+$0x0] =	vst v15  }
0x33d: {  	s9 =	sor.u32 $0xA300, s0;
	s30 =	sor.u32 s2, s8;
	v18 =	vadd.s32 $0x2C00, v0;
	[tilespmem:s29+$0x0] =	vst v21  }
0x33e: {  	s11 =	sor.u32 $0xA380, s0;
	s10 =	sor.u32 s2, s9;
	[tilespmem:s30+$0x0] =	vst v16  }
0x33f: {  	s12 =	sor.u32 s2, s11;
	s13 =	sor.u32 $0xC000, s0;
	v15 =	vadd.s32 $0x3000, v0;
	[tilespmem:s10+$0x0] =	vst v1  }
0x340: {  	s20 =	sor.u32 $0xC080, s0;
	s19 =	sor.u32 s2, s13;
	v16 =	vld.idx.msk [tilespmem:v17+s14+$0x0], $0xffff;
	v17 =	vadd.s32 $0x1400, v0;
	[tilespmem:s12+$0x0] =	vst v14  }
0x341: {  	s22 =	sor.u32 $0xC100, s0;
	s21 =	sor.u32 s2, s20;
	v3 =	vld.idx.msk [tilespmem:v3+s14+$0x0], $0xffff;
	v1 =	vadd.s32 $0x2800, v0;
	[tilespmem:s19+$0x0] =	vst v22  }
0x342: {  	s15 =	sor.u32 $0xC180, s0;
	s23 =	sor.u32 s2, s22;
	v18 =	vld.idx.msk [tilespmem:v18+s14+$0x0], $0xffff;
	v14 =	vadd.s32 $0x2400, v0;
	[tilespmem:s21+$0x0] =	vst v2  }
0x343: {  	s16 =	sor.u32 $0xC200, s0;
	s24 =	sor.u32 s2, s15;
	v2 =	vadd.s32 $0x1000, v0;
	v0 =	vld.idx.msk [tilespmem:v0+s14+$0x0], $0xffff;
	[tilespmem:s23+$0x0] =	vst v9  }
0x344: {  	s17 =	sor.u32 $0xC280, s0;
	s25 =	sor.u32 s2, s16;
	v15 =	vld.idx.msk [tilespmem:v15+s14+$0x0], $0xffff;
	[tilespmem:s24+$0x0] =	vst v4  }
0x345: {  	s18 =	sor.u32 $0xC300, s0;
	s26 =	sor.u32 s2, s17;
	v9 =	vld.idx.msk [tilespmem:v17+s14+$0x0], $0xffff;
	[tilespmem:s25+$0x0] =	vst v10  }
0x346: {  	s28 =	sor.u32 s2, s18;
	s19 =	sor.u32 $0x10, s2;
	v1 =	vld.idx.msk [tilespmem:v1+s14+$0x0], $0xffff;
	[tilespmem:s26+$0x0] =	vst v11  }
0x347: {  	s29 =	sor.u32 $0xC380, s0;
	s30 =	sor.u32 s19, s1;
	v4 =	vld.idx.msk [tilespmem:v14+s14+$0x0], $0xffff;
	[tilespmem:s28+$0x0] =	vst v6  }
0x348: {  	s2 =	sor.u32 s2, s29;
	v2 =	vld.idx.msk [tilespmem:v2+s14+$0x0], $0xffff;
	[tilespmem:s30+$0x0] =	vst v0  }
0x349: {  	s3 =	sor.u32 s19, s3;
	[tilespmem:s2+$0x0] =	vst v13  }
0x34a: {  	s4 =	sor.u32 s19, s4;
	[tilespmem:s3+$0x0] =	vst v7  }
0x34b: {  	s6 =	sor.u32 s19, s5;
	[tilespmem:s4+$0x0] =	vst v12  }
0x34c: {  	s7 =	sor.u32 s19, s7;
	[tilespmem:s6+$0x0] =	vst v8  }
0x34d: {  	s8 =	sor.u32 s19, s8;
	[tilespmem:s7+$0x0] =	vst v2  }
0x34e: {  	s9 =	sor.u32 s19, s9;
	[tilespmem:s8+$0x0] =	vst v9  }
0x34f: {  	s10 =	sor.u32 s19, s11;
	[tilespmem:s9+$0x0] =	vst v5  }
0x350: {  	s11 =	sor.u32 s19, s13;
	[tilespmem:s10+$0x0] =	vst v23  }
0x351: {  	s12 =	sor.u32 s19, s20;
	[tilespmem:s11+$0x0] =	vst v3  }
0x352: {  	s13 =	sor.u32 s19, s22;
	[tilespmem:s12+$0x0] =	vst v4  }
0x353: {  	s15 =	sor.u32 s19, s15;
	[tilespmem:s13+$0x0] =	vst v1  }
0x354: {  	s16 =	sor.u32 s19, s16;
	[tilespmem:s15+$0x0] =	vst v18  }
0x355: {  	s17 =	sor.u32 s19, s17;
	[tilespmem:s16+$0x0] =	vst v15  }
0x356: {  	s18 =	sor.u32 s19, s18;
	[tilespmem:s17+$0x0] =	vst v16  }
0x357: {  	s0 =	sor.u32 s19, s29;
	[tilespmem:s18+$0x0] =	vst v25  }
0x358: {  	s19 =	simm.s32 $0x0;
	[tilespmem:s0+$0x0] =	vst v24  }
0x359: {  	s20 =	simm.s32 $0xA000;
	s21 =	simm.s32 $0x1;
	s1 =	rddreg [dreg:$0x1b]  }
0x35a: {  	[hbm4b:s1+s19] =	stream.linear.scatter [tilespmem:s20], [sflag:$0x1], $0x4000, $0x38;
	[tilespmem:$0xE000] =	vst v63  }
0x35b: {  	_ =	swait.ge [sflag:s21], $0x4000  }
0x35c: {  	[sflag:s21] =	ssyncset.done $0x0  }
0x35d: {  	s22 =	sand.u32 $0x3E0, s19;
	[sflag:s21] =	ssyncadd.s32 $0xFFFFC000  }
0x35e: {  	s23 =	simm.s32 $0x1810;
	v2 =	vld [tilespmem:s22+$0x1800]  }
0x35f: {  	v5 =	vld [tilespmem:s23+$0x0];
	_ =	sdelay $0x3  }
0x360: {  	v0 =	vadd.s32 $0x3C00, v2  }
0x361: {  	s28 =	simm.s32 $0x1830;
	v1 =	vadd.s32 $0x800, v2  }
0x362: {  	v37 =	vld [tilespmem:s28+$0x0];
	v3 =	vadd.s32 $0xC00, v2  }
0x363: {  	v4 =	vadd.s32 $0x1000, v2;
	v6 =	vld.idx.msk [tilespmem:v2+s14+$0x0], $0xffff  }
0x364: {  	v7 =	vadd.s32 $0x1400, v2;
	v15 =	vld.idx.msk [tilespmem:v5+s14+$0x0], $0xffff  }
0x365: {  	v8 =	vadd.s32 $0x1800, v2;
	v0 =	vld.idx.msk [tilespmem:v0+s14+$0x0], $0xffff  }
0x366: {  	v9 =	vadd.s32 $0x2000, v2;
	v10 =	vld.idx.msk [tilespmem:v1+s14+$0x0], $0xffff  }
0x367: {  	v11 =	vadd.s32 $0x2800, v2;
	v3 =	vld.idx.msk [tilespmem:v3+s14+$0x0], $0xffff  }
0x368: {  	v1 =	vadd.s32 $0x1C00, v2;
	v4 =	vld.idx.msk [tilespmem:v4+s14+$0x0], $0xffff  }
0x369: {  	v16 =	vadd.s32 $0x3400, v5;
	v12 =	vld.idx.msk [tilespmem:v7+s14+$0x0], $0xffff  }
0x36a: {  	v13 =	vld.idx.msk [tilespmem:v8+s14+$0x0], $0xffff;
	v8 =	vadd.s32 $0x2C00, v2  }
0x36b: {  	v19 =	vadd.s32 $0x2000, v5;
	v17 =	vld.idx.msk [tilespmem:v9+s14+$0x0], $0xffff  }
0x36c: {  	v7 =	vadd.s32 $0x400, v2;
	v27 =	vld.idx.msk [tilespmem:v11+s14+$0x0], $0xffff  }
0x36d: {  	v14 =	vld.idx.msk [tilespmem:v1+s14+$0x0], $0xffff;
	v1 =	vadd.s32 $0x3000, v2  }
0x36e: {  	v9 =	vadd.s32 $0x3400, v2;
	v20 =	vld.idx.msk [tilespmem:v16+s14+$0x0], $0xffff  }
0x36f: {  	v31 =	vld.idx.msk [tilespmem:v8+s14+$0x0], $0xffff;
	v8 =	vadd.s32 $0x2C00, v5  }
0x370: {  	v11 =	vadd.s32 $0x2400, v2;
	v28 =	vld.idx.msk [tilespmem:v19+s14+$0x0], $0xffff  }
0x371: {  	v18 =	vld.idx.msk [tilespmem:v7+s14+$0x0], $0xffff;
	v7 =	vadd.s32 $0x3000, v5  }
0x372: {  	v16 =	vadd.s32 $0x2400, v5;
	v30 =	vld.idx.msk [tilespmem:v1+s14+$0x0], $0xffff  }
0x373: {  	v1 =	vld.idx.msk [tilespmem:v9+s14+$0x0], $0xffff;
	v9 =	vadd.s32 $0x2800, v5  }
0x374: {  	v25 =	vld.idx.msk [tilespmem:v8+s14+$0x0], $0xffff;
	v8 =	vadd.s32 $0x1000, v5  }
0x375: {  	v21 =	vld.idx.msk [tilespmem:v11+s14+$0x0], $0xffff;
	v2 =	vadd.s32 $0x3800, v2  }
0x376: {  	v23 =	vld.idx.msk [tilespmem:v7+s14+$0x0], $0xffff;
	v7 =	vadd.s32 $0x1800, v5  }
0x377: {  	s4 =	sand.u32 $0x1C00, s19;
	v32 =	vld.idx.msk [tilespmem:v16+s14+$0x0], $0xffff  }
0x378: {  	s2 =	sand.u32 $0x60, s19;
	s25 =	sor.u32 $0x6000, s4;
	v11 =	vadd.s32 $0x1C00, v5;
	v29 =	vld.idx.msk [tilespmem:v9+s14+$0x0], $0xffff  }
0x379: {  	s26 =	sor.u32 s2, s25;
	v24 =	vadd.s32 $0x3800, v5;
	v22 =	vld.idx.msk [tilespmem:v8+s14+$0x0], $0xffff  }
0x37a: {  	s21 =	simm.s32 $0x20;
	v19 =	vadd.s32 $0x400, v5;
	v8 =	vld.idx.msk [tilespmem:v2+s14+$0x0], $0xffff;
	[tilespmem:s26+$0x280] =	vst v12  }
0x37b: {  	s24 =	sand.u32 $0x3E0, s21;
	v16 =	vadd.s32 $0x3C00, v5;
	v33 =	vld.idx.msk [tilespmem:v7+s14+$0x0], $0xffff;
	[tilespmem:s26+$0x200] =	vst v4  }
0x37c: {  	s29 =	sand.u32 $0x3, s19;
	v9 =	vadd.s32 $0x1400, v5;
	v7 =	vld [tilespmem:s24+$0x1800];
	[tilespmem:s26+$0x180] =	vst v3  }
0x37d: {  	s6 =	sshll.u32 s29, $0x5;
	v26 =	vld.idx.msk [tilespmem:v11+s14+$0x0], $0xffff;
	v11 =	vadd.s32 $0xC00, v5;
	[tilespmem:s26+$0x100] =	vst v10  }
0x37e: {  	s6 =	sadd.s32 $0x0, s6;
	v36 =	vld.idx.msk [tilespmem:v24+s14+$0x0], $0xffff;
	v5 =	vadd.s32 $0x800, v5;
	[tilespmem:s26+$0x80] =	vst v18  }
0x37f: {  	s30 =	sor.u32 $0x300, s6;
	s0 =	sor.u32 s19, s19;
	v62 =	vadd.s32 $0x1800, v37;
	v19 =	vld.idx.msk [tilespmem:v19+s14+$0x0], $0xffff;
	[tilespmem:s26+$0x0] =	vst v6  }
0x380: {  	s5 =	sor.u32 $0x8000, s4;
	s0 =	sor.u32 $0x380, s0;
	v35 =	vld.idx.msk [tilespmem:v16+s14+$0x0], $0xffff;
	[tilespmem:s30+$0x6000] =	vst v13  }
0x381: {  	s7 =	sor.u32 s2, s5;
	s8 =	sor.u32 $0x8080, s4;
	[tilespmem:s0+$0x6000] =	vst v14;
	v34 =	vld.idx.msk [tilespmem:v9+s14+$0x0], $0xffff;
	v2 =	vadd.s32 $0x3C00, v7  }
0x382: {  	s9 =	sor.u32 s2, s8;
	s13 =	sor.u32 $0x8100, s4;
	[tilespmem:s7+$0x0] =	vst v17;
	v9 =	vld.idx.msk [tilespmem:v11+s14+$0x0], $0xffff;
	v11 =	vadd.s32 $0x800, v7  }
0x383: {  	s29 =	sor.u32 s2, s13;
	[tilespmem:s9+$0x0] =	vst v21;
	v5 =	vld.idx.msk [tilespmem:v5+s14+$0x0], $0xffff;
	v12 =	vadd.s32 $0xC00, v7  }
0x384: {  	v16 =	vadd.s32 $0x1000, v7;
	[tilespmem:s29+$0x0] =	vst v27;
	v27 =	vld.idx.msk [tilespmem:v62+s14+$0x0], $0xffff  }
0x385: {  	s3 =	sor.u32 $0x10, s2;
	v3 =	vadd.s32 $0x1400, v7;
	v4 =	vld.idx.msk [tilespmem:v7+s14+$0x0], $0xffff  }
0x386: {  	s1 =	sor.u32 s3, s25;
	v24 =	vadd.s32 $0x1800, v7;
	v2 =	vld.idx.msk [tilespmem:v2+s14+$0x0], $0xffff  }
0x387: {  	[tilespmem:s1+$0x0] =	vst v15;
	v38 =	vadd.s32 $0x1C00, v7;
	v15 =	vld.idx.msk [tilespmem:v11+s14+$0x0], $0xffff  }
0x388: {  	v39 =	vadd.s32 $0x2800, v7;
	[tilespmem:s1+$0x180] =	vst v9;
	v9 =	vld.idx.msk [tilespmem:v12+s14+$0x0], $0xffff  }
0x389: {  	v16 =	vld.idx.msk [tilespmem:v16+s14+$0x0], $0xffff  }
0x38a: {  	[tilespmem:s1+$0x80] =	vst v19;
	v18 =	vadd.s32 $0x400, v7;
	v19 =	vld.idx.msk [tilespmem:v3+s14+$0x0], $0xffff  }
0x38b: {  	v6 =	vadd.s32 $0x3000, v7;
	v11 =	vld.idx.msk [tilespmem:v24+s14+$0x0], $0xffff  }
0x38c: {  	v14 =	vadd.s32 $0x2400, v7;
	v10 =	vld.idx.msk [tilespmem:v38+s14+$0x0], $0xffff  }
0x38d: {  	v59 =	vadd.s32 $0x2C00, v37;
	v3 =	vld.idx.msk [tilespmem:v39+s14+$0x0], $0xffff  }
0x38e: {  	[tilespmem:s1+$0x200] =	vst v22;
	v13 =	vadd.s32 $0x3400, v7;
	v24 =	vld.idx.msk [tilespmem:v37+s14+$0x0], $0xffff  }
0x38f: {  	s6 =	sadd.s32 $0x10, s6;
	v17 =	vadd.s32 $0x3400, v37;
	[tilespmem:s1+$0x100] =	vst v5;
	v22 =	vld.idx.msk [tilespmem:v18+s14+$0x0], $0xffff  }
0x390: {  	s10 =	sor.u32 $0x300, s6;
	v21 =	vadd.s32 $0x3000, v37;
	[tilespmem:s1+$0x280] =	vst v34;
	v6 =	vld.idx.msk [tilespmem:v6+s14+$0x0], $0xffff  }
0x391: {  	s11 =	sor.u32 $0x380, s6;
	v60 =	vadd.s32 $0x2000, v37;
	v18 =	vld.idx.msk [tilespmem:v14+s14+$0x0], $0xffff;
	[tilespmem:s10+$0x6000] =	vst v33  }
0x392: {  	s12 =	sor.u32 s3, s5;
	v5 =	vadd.s32 $0x2000, v7;
	v14 =	vld.idx.msk [tilespmem:v59+s14+$0x0], $0xffff;
	[tilespmem:s11+$0x6000] =	vst v26  }
0x393: {  	s15 =	sor.u32 s3, s8;
	v58 =	vadd.s32 $0x2C00, v7;
	v26 =	vld.idx.msk [tilespmem:v13+s14+$0x0], $0xffff;
	[tilespmem:s12+$0x0] =	vst v28  }
0x394: {  	s16 =	sor.u32 $0x8180, s4;
	s17 =	sor.u32 s3, s13;
	v61 =	vadd.s32 $0x1C00, v37;
	v13 =	vld.idx.msk [tilespmem:v17+s14+$0x0], $0xffff;
	[tilespmem:s15+$0x0] =	vst v32  }
0x395: {  	s6 =	simm.s32 $0x100;
	s18 =	sor.u32 $0x8200, s4;
	s19 =	sor.u32 s3, s16;
	v17 =	vld.idx.msk [tilespmem:v21+s14+$0x0], $0xffff;
	v28 =	vadd.s32 $0x2800, v37;
	[tilespmem:s17+$0x0] =	vst v29  }
0x396: {  	s5 =	sor.u32 s2, s16;
	s20 =	sor.u32 $0x8280, s4;
	s22 =	sor.u32 s3, s18;
	v21 =	vld.idx.msk [tilespmem:v60+s14+$0x0], $0xffff;
	v29 =	vadd.s32 $0x2400, v37;
	[tilespmem:s19+$0x0] =	vst v25  }
0x397: {  	s25 =	sor.u32 $0x8380, s4;
	s23 =	sor.u32 $0x8300, s4;
	v63 =	vadd.s32 $0x1000, v37;
	s24 =	sor.u32 s3, s20;
	v12 =	vld.idx.msk [tilespmem:v5+s14+$0x0], $0xffff;
	[tilespmem:s22+$0x0] =	vst v23  }
0x398: {  	s8 =	sor.u32 s2, s25;
	s28 =	sor.u32 s3, s25;
	s26 =	sor.u32 s3, s23;
	v33 =	vadd.s32 $0x400, v37;
	v5 =	vld.idx.msk [tilespmem:v58+s14+$0x0], $0xffff;
	[tilespmem:s24+$0x0] =	vst v20  }
0x399: {  	s3 =	sor.u32 s6, s21;
	s30 =	sor.u32 s2, s18;
	s0 =	sand.u32 $0x1C00, s6;
	v25 =	vld.idx.msk [tilespmem:v61+s14+$0x0], $0xffff;
	[tilespmem:s26+$0x0] =	vst v36;
	v36 =	vadd.s32 $0x1400, v37  }
0x39a: {  	s7 =	simm.s32 $0x2;
	s4 =	sor.u32 $0x6000, s0;
	s9 =	simm.s32 $0x2;
	[tilespmem:s5+$0x0] =	vst v31;
	v20 =	vld.idx.msk [tilespmem:v28+s14+$0x0], $0xffff  }
0x39b: {  	s5 =	simm.s32 $0x100;
	[tilespmem:s30+$0x0] =	vst v30;
	s1 =	simm.s32 $0x1;
	s10 =	simm.s32 $0x40;
	v32 =	vadd.s32 $0xC00, v37;
	v23 =	vld.idx.msk [tilespmem:v29+s14+$0x0], $0xffff  }
0x39c: {  	v31 =	vadd.s32 $0x3800, v37;
	s11 =	simm.s32 $0x1850;
	s12 =	sor.u32 s2, s20;
	s2 =	sor.u32 s2, s23;
	v28 =	vadd.s32 $0x800, v37;
	[tilespmem:s28+$0x0] =	vst v35;
	v29 =	vadd.s32 $0x3C00, v37;
	v35 =	vld.idx.msk [tilespmem:v63+s14+$0x0], $0xffff  }
.LBB2_14:
0x39d: {  	s13 =	sand.u32 $0x3E0, s10;
	s7 =	sadd.s32 $0x2, s7;
	v33 =	vld.idx.msk [tilespmem:v33+s14+$0x0], $0xffff;
	s6 =	sadd.s32 $0x100, s6;
	[tilespmem:s12+$0x0] =	vst v1;
	v1 =	vmov v26  }
0x39e: {  	v26 =	vadd.s32 $0x3800, v7;
	s12 =	sand.u32 $0x1C00, s6;
	s16 =	sor.u32 s6, s10;
	p0 =	slt.u32 s7, $0x3E;
	v36 =	vld.idx.msk [tilespmem:v36+s14+$0x0], $0xffff;
	[tilespmem:s2+$0x0] =	vst v8  }
0x39f: {  	v7 =	vld [tilespmem:s13+$0x1800];
	s18 =	sor.u32 $0x6000, s12;
	[tilespmem:s8+$0x0] =	vst v0;
	v0 =	vmov v2  }
0x3a0: {  	v2 =	vld.idx.msk [tilespmem:v32+s14+$0x0], $0xffff  }
0x3a1: {  	v30 =	vld.idx.msk [tilespmem:v29+s14+$0x0], $0xffff  }
0x3a2: {  	s2 =	sand.u32 $0x60, s21;
	s21 =	smov.u32 s10;
	s13 =	sor.u32 $0x8380, s0;
	v34 =	vld.idx.msk [tilespmem:v31+s14+$0x0], $0xffff  }
0x3a3: {  	s17 =	sor.u32 s2, s4;
	s15 =	sor.u32 $0x10, s2;
	s8 =	sor.u32 s2, s13;
	v8 =	vld.idx.msk [tilespmem:v26+s14+$0x0], $0xffff  }
0x3a4: {  	v26 =	vadd.s32 $0x400, v7;
	v29 =	vadd.s32 $0x3C00, v7;
	[tilespmem:s17+$0x280] =	vst v19;
	v19 =	vld.idx.msk [tilespmem:v28+s14+$0x0], $0xffff  }
0x3a5: {  	s19 =	sor.u32 s15, s4;
	s4 =	smov.u32 s18;
	v28 =	vadd.s32 $0x800, v7;
	[tilespmem:s17+$0x200] =	vst v16  }
0x3a6: {  	v16 =	vadd.s32 $0xC00, v7;
	[tilespmem:s19+$0x180] =	vst v2  }
0x3a7: {  	v31 =	vadd.s32 $0x1000, v7;
	v37 =	vld [tilespmem:s11+$0x0];
	[tilespmem:s17+$0x180] =	vst v9  }
0x3a8: {  	v32 =	vadd.s32 $0x1400, v7;
	v38 =	vld.idx.msk [tilespmem:v7+s14+$0x0], $0xffff;
	[tilespmem:s19+$0x0] =	vst v24  }
0x3a9: {  	v24 =	vadd.s32 $0x1800, v7;
	v2 =	vld.idx.msk [tilespmem:v29+s14+$0x0], $0xffff;
	[tilespmem:s19+$0x80] =	vst v33  }
0x3aa: {  	v40 =	vadd.s32 $0x1C00, v7;
	v41 =	vadd.s32 $0x2800, v7;
	v42 =	vadd.s32 $0x3000, v7;
	v39 =	vld.idx.msk [tilespmem:v28+s14+$0x0], $0xffff;
	[tilespmem:s19+$0x100] =	vst v19  }
0x3ab: {  	v43 =	vadd.s32 $0x2000, v7;
	v44 =	vadd.s32 $0x2400, v7;
	v45 =	vadd.s32 $0x2C00, v7;
	v9 =	vld.idx.msk [tilespmem:v16+s14+$0x0], $0xffff;
	[tilespmem:s17+$0x100] =	vst v15  }
0x3ac: {  	s18 =	sand.u32 $0x3, s1;
	s1 =	smov.u32 s9;
	v16 =	vld.idx.msk [tilespmem:v31+s14+$0x0], $0xffff;
	v33 =	vadd.s32 $0x400, v37;
	v28 =	vadd.s32 $0x800, v37;
	v29 =	vadd.s32 $0x3C00, v37;
	[tilespmem:s17+$0x80] =	vst v22  }
0x3ad: {  	s18 =	sshll.u32 s18, $0x5;
	v46 =	vadd.s32 $0x1000, v37;
	v31 =	vadd.s32 $0x3800, v37;
	v19 =	vld.idx.msk [tilespmem:v32+s14+$0x0], $0xffff;
	v32 =	vadd.s32 $0xC00, v37;
	[tilespmem:s19+$0x280] =	vst v36  }
0x3ae: {  	s18 =	sadd.s32 s18, s5;
	s5 =	smov.u32 s6;
	v48 =	vadd.s32 $0x1800, v37;
	v49 =	vadd.s32 $0x3400, v37;
	v36 =	vadd.s32 $0x1400, v37;
	v47 =	vld.idx.msk [tilespmem:v24+s14+$0x0], $0xffff;
	[tilespmem:s19+$0x200] =	vst v35  }
0x3af: {  	v50 =	vadd.s32 $0x2400, v37;
	v51 =	vadd.s32 $0x3000, v37;
	v35 =	vld.idx.msk [tilespmem:v40+s14+$0x0], $0xffff;
	v40 =	vadd.s32 $0x1C00, v37;
	[tilespmem:s17+$0x0] =	vst v4;
	s17 =	sor.u32 $0x300, s18;
	s18 =	sadd.s32 $0x10, s18;
	v4 =	vmovc v38  }
0x3b0: {  	v52 =	vadd.s32 $0x2800, v37;
	v53 =	vadd.s32 $0x2C00, v37;
	s19 =	sor.u32 $0x8000, s0;
	v15 =	vmovc v39;
	v38 =	vld.idx.msk [tilespmem:v43+s14+$0x0], $0xffff;
	v43 =	vadd.s32 $0x2000, v37;
	[tilespmem:s17+$0x6000] =	vst v11;
	s17 =	sor.u32 $0x380, s3;
	s3 =	smov.u32 s16  }
0x3b1: {  	s16 =	sor.u32 s2, s19;
	v39 =	vld.idx.msk [tilespmem:v41+s14+$0x0], $0xffff;
	v41 =	vadd.s32 $0x3400, v7;
	[tilespmem:s17+$0x6000] =	vst v10;
	s17 =	sor.u32 $0x8080, s0  }
0x3b2: {  	v24 =	vld.idx.msk [tilespmem:v37+s14+$0x0], $0xffff;
	[tilespmem:s16+$0x0] =	vst v12;
	s16 =	sor.u32 s2, s17  }
0x3b3: {  	v22 =	vld.idx.msk [tilespmem:v26+s14+$0x0], $0xffff;
	[tilespmem:s16+$0x0] =	vst v18;
	s16 =	sor.u32 $0x300, s18  }
0x3b4: {  	v11 =	vmov v47;
	v37 =	vld.idx.msk [tilespmem:v45+s14+$0x0], $0xffff;
	[tilespmem:s16+$0x6000] =	vst v27;
	s16 =	sor.u32 $0x380, s18  }
0x3b5: {  	v10 =	vmov v35;
	v42 =	vld.idx.msk [tilespmem:v42+s14+$0x0], $0xffff;
	[tilespmem:s16+$0x6000] =	vst v25;
	s16 =	sor.u32 s15, s19  }
0x3b6: {  	s18 =	sor.u32 $0x8100, s0;
	v12 =	vmov v38;
	v26 =	vld.idx.msk [tilespmem:v41+s14+$0x0], $0xffff;
	[tilespmem:s16+$0x0] =	vst v21;
	s16 =	sor.u32 s15, s17  }
0x3b7: {  	s17 =	sor.u32 $0x8180, s0;
	v18 =	vld.idx.msk [tilespmem:v44+s14+$0x0], $0xffff;
	[tilespmem:s16+$0x0] =	vst v23;
	s16 =	sor.u32 s15, s18  }
0x3b8: {  	s19 =	sor.u32 $0x8200, s0;
	v27 =	vld.idx.msk [tilespmem:v49+s14+$0x0], $0xffff;
	[tilespmem:s16+$0x0] =	vst v20;
	s16 =	sor.u32 s15, s17  }
0x3b9: {  	s20 =	sor.u32 $0x8280, s0;
	v35 =	vld.idx.msk [tilespmem:v51+s14+$0x0], $0xffff;
	[tilespmem:s16+$0x0] =	vst v14;
	s16 =	sor.u32 s15, s19  }
0x3ba: {  	s22 =	sor.u32 $0x8300, s0;
	s0 =	smov.u32 s12;
	v14 =	vld.idx.msk [tilespmem:v53+s14+$0x0], $0xffff;
	[tilespmem:s16+$0x0] =	vst v17;
	s16 =	sor.u32 s15, s20  }
0x3bb: {  	s12 =	sor.u32 s15, s22;
	v21 =	vld.idx.msk [tilespmem:v43+s14+$0x0], $0xffff;
	[tilespmem:s16+$0x0] =	vst v13  }
.Ltmp6:
0x3bc: {  	s16 =	sor.u32 s2, s18;
	v20 =	vld.idx.msk [tilespmem:v52+s14+$0x0], $0xffff;
	[tilespmem:s12+$0x0] =	vst v34;
	s12 =	sor.u32 s15, s13;
	(pc) =	sbr.rel @p0 .LBB2_14-.Ltmp6, $4  }
0x3bd: {  	s13 =	sor.u32 s2, s17;
	v25 =	vld.idx.msk [tilespmem:v40+s14+$0x0], $0xffff;
	[tilespmem:s12+$0x0] =	vst v30  }
0x3be: {  	s15 =	sor.u32 s2, s19;
	v13 =	vmov v27;
	v23 =	vld.idx.msk [tilespmem:v50+s14+$0x0], $0xffff;
	[tilespmem:s16+$0x0] =	vst v3;
	v3 =	vmov v39  }
0x3bf: {  	s12 =	sor.u32 s2, s20;
	s2 =	sor.u32 s2, s22;
	v17 =	vmov v35;
	v27 =	vld.idx.msk [tilespmem:v48+s14+$0x0], $0xffff;
	[tilespmem:s13+$0x0] =	vst v5;
	v5 =	vmov v37  }
0x3c0: {  	s10 =	sadd.s32 $0x20, s10;
	s9 =	sadd.s32 $0x1, s9;
	s11 =	sadd.s32 $0x20, s11;
	v35 =	vld.idx.msk [tilespmem:v46+s14+$0x0], $0xffff;
	[tilespmem:s15+$0x0] =	vst v6;
	v6 =	vmov v42  }
0x3c1: {  	_ =	sdelay $0x2  }
0x3c2: {  	v7 =	vadd.s32 $0x3800, v7  }
0x3c3: {  	v30 =	vld.idx.msk [tilespmem:v33+s14+$0x0], $0xffff  }
0x3c4: {  	[tilespmem:s12+$0x0] =	vst v1;
	v1 =	vld.idx.msk [tilespmem:v32+s14+$0x0], $0xffff  }
0x3c5: {  	v60 =	vld.idx.msk [tilespmem:v36+s14+$0x0], $0xffff;
	[tilespmem:s2+$0x0] =	vst v8;
	s2 =	sand.u32 $0x60, s21  }
0x3c6: {  	v8 =	vld.idx.msk [tilespmem:v29+s14+$0x0], $0xffff;
	[tilespmem:s8+$0x0] =	vst v0;
	s6 =	sor.u32 s2, s4  }
0x3c7: {  	s7 =	sor.u32 $0x10, s2;
	v0 =	vld.idx.msk [tilespmem:v7+s14+$0x0], $0xffff;
	[tilespmem:s6+$0x280] =	vst v19  }
0x3c8: {  	s8 =	sor.u32 s7, s4;
	v7 =	vld.idx.msk [tilespmem:v31+s14+$0x0], $0xffff;
	[tilespmem:s6+$0x200] =	vst v16  }
0x3c9: {  	v19 =	vld.idx.msk [tilespmem:v28+s14+$0x0], $0xffff;
	[tilespmem:s8+$0x180] =	vst v1  }
0x3ca: {  	[tilespmem:s6+$0x180] =	vst v9  }
0x3cb: {  	[tilespmem:s8+$0x0] =	vst v24  }
0x3cc: {  	[tilespmem:s8+$0x80] =	vst v30  }
0x3cd: {  	[tilespmem:s6+$0x100] =	vst v15  }
0x3ce: {  	s1 =	sand.u32 $0x3, s1;
	[tilespmem:s6+$0x80] =	vst v22  }
0x3cf: {  	s1 =	sshll.u32 s1, $0x5;
	[tilespmem:s8+$0x280] =	vst v60  }
0x3d0: {  	s1 =	sadd.s32 s1, s5;
	[tilespmem:s8+$0x200] =	vst v35  }
0x3d1: {  	s3 =	sor.u32 $0x380, s3;
	s10 =	sor.u32 $0x8000, s0;
	s9 =	sor.u32 $0x300, s1;
	[tilespmem:s6+$0x0] =	vst v4  }
0x3d2: {  	s12 =	sor.u32 $0x8080, s0;
	s17 =	sor.u32 $0x8100, s0;
	s19 =	sor.u32 $0x8180, s0;
	[tilespmem:s9+$0x6000] =	vst v11  }
0x3d3: {  	s23 =	sor.u32 $0x8280, s0;
	s25 =	sor.u32 $0x8300, s0;
	s11 =	sor.u32 s2, s10;
	[tilespmem:s3+$0x6000] =	vst v10  }
0x3d4: {  	s28 =	sor.u32 $0x8380, s0;
	s21 =	sor.u32 $0x8200, s0;
	s13 =	sor.u32 s2, s12;
	[tilespmem:s11+$0x0] =	vst v12  }
0x3d5: {  	s1 =	sadd.s32 $0x10, s1;
	s16 =	sor.u32 s7, s10;
	s18 =	sor.u32 s7, s12;
	[tilespmem:s13+$0x0] =	vst v18  }
0x3d6: {  	s20 =	sor.u32 s7, s17;
	s22 =	sor.u32 s7, s19;
	s3 =	sor.u32 s2, s17;
	[tilespmem:s8+$0x100] =	vst v19  }
0x3d7: {  	s24 =	sor.u32 s7, s21;
	s26 =	sor.u32 s7, s23;
	s15 =	sor.u32 $0x300, s1;
	[tilespmem:s3+$0x0] =	vst v3  }
0x3d8: {  	s29 =	sor.u32 s7, s25;
	s30 =	sor.u32 s7, s28;
	s7 =	sor.u32 s2, s19;
	[tilespmem:s15+$0x6000] =	vst v27  }
0x3d9: {  	s1 =	sor.u32 $0x380, s1;
	[tilespmem:s7+$0x0] =	vst v5  }
0x3da: {  	s9 =	sor.u32 s2, s21;
	[tilespmem:s1+$0x6000] =	vst v25  }
0x3db: {  	[tilespmem:s9+$0x0] =	vst v6  }
0x3dc: {  	s10 =	sor.u32 s2, s23;
	[tilespmem:s16+$0x0] =	vst v21  }
0x3dd: {  	[tilespmem:s10+$0x0] =	vst v26  }
0x3de: {  	s11 =	sor.u32 s2, s25;
	[tilespmem:s18+$0x0] =	vst v23  }
0x3df: {  	[tilespmem:s11+$0x0] =	vst v0  }
0x3e0: {  	s0 =	sor.u32 s2, s28;
	[tilespmem:s20+$0x0] =	vst v20  }
0x3e1: {  	[tilespmem:s0+$0x0] =	vst v2  }
0x3e2: {  	[tilespmem:s22+$0x0] =	vst v14  }
0x3e3: {  	[tilespmem:s24+$0x0] =	vst v17  }
0x3e4: {  	[tilespmem:s26+$0x0] =	vst v13  }
0x3e5: {  	[tilespmem:s29+$0x0] =	vst v7  }
0x3e6: {  	[tilespmem:s30+$0x0] =	vst v8  }
0x3e7: {  	s12 =	simm.s32 $0x0;
	s13 =	simm.s32 $0x1;
	s0 =	rddreg [dreg:$0x1c]  }
0x3e8: {  	[hbm4b:s0+s12] =	stream.linear.scatter [tilespmem:s31], [sflag:$0x1], $0x4000, $0x38;
	[tilespmem:$0xE000] =	vst v63  }
0x3e9: {  	_ =	swait.ge [sflag:s13], $0x4000  }
0x3ea: {  	[sflag:s13] =	ssyncset.done $0x0  }
0x3eb: {  	s15 =	sand.u32 $0x3E0, s12;
	[sflag:s13] =	ssyncadd.s32 $0xFFFFC000  }
0x3ec: {  	s16 =	simm.s32 $0x1C10;
	v0 =	vld [tilespmem:s15+$0x1C00]  }
0x3ed: {  	v4 =	vld [tilespmem:s16+$0x0];
	_ =	sdelay $0x3  }
0x3ee: {  	v1 =	vadd.s32 $0x400, v0  }
0x3ef: {  	v2 =	vadd.s32 $0x800, v0  }
0x3f0: {  	v3 =	vadd.s32 $0x2C00, v0  }
0x3f1: {  	v5 =	vadd.s32 $0x1400, v0;
	v6 =	vld.idx.msk [tilespmem:v0+s14+$0x0], $0xffff  }
0x3f2: {  	v7 =	vadd.s32 $0x2800, v0;
	v61 =	vld.idx.msk [tilespmem:v4+s14+$0x0], $0xffff  }
0x3f3: {  	v8 =	vadd.s32 $0x3000, v0;
	v9 =	vld.idx.msk [tilespmem:v1+s14+$0x0], $0xffff  }
0x3f4: {  	v11 =	vadd.s32 $0x400, v4;
	v10 =	vld.idx.msk [tilespmem:v2+s14+$0x0], $0xffff  }
0x3f5: {  	v13 =	vadd.s32 $0xC00, v4;
	v14 =	vld.idx.msk [tilespmem:v3+s14+$0x0], $0xffff  }
0x3f6: {  	v1 =	vadd.s32 $0x1C00, v0;
	v5 =	vld.idx.msk [tilespmem:v5+s14+$0x0], $0xffff  }
0x3f7: {  	v2 =	vadd.s32 $0x3800, v0;
	v7 =	vld.idx.msk [tilespmem:v7+s14+$0x0], $0xffff  }
0x3f8: {  	v18 =	vadd.s32 $0x2000, v0;
	v21 =	vld.idx.msk [tilespmem:v8+s14+$0x0], $0xffff  }
0x3f9: {  	v19 =	vadd.s32 $0xC00, v0;
	v22 =	vld.idx.msk [tilespmem:v11+s14+$0x0], $0xffff  }
0x3fa: {  	v3 =	vadd.s32 $0x1000, v0;
	v23 =	vld.idx.msk [tilespmem:v13+s14+$0x0], $0xffff  }
0x3fb: {  	v16 =	vld.idx.msk [tilespmem:v1+s14+$0x0], $0xffff;
	v1 =	vadd.s32 $0x1C00, v4  }
0x3fc: {  	v20 =	vld.idx.msk [tilespmem:v2+s14+$0x0], $0xffff;
	v2 =	vadd.s32 $0x1800, v4  }
0x3fd: {  	v11 =	vadd.s32 $0x3C00, v4;
	v18 =	vld.idx.msk [tilespmem:v18+s14+$0x0], $0xffff  }
0x3fe: {  	v17 =	vadd.s32 $0x3800, v4;
	v19 =	vld.idx.msk [tilespmem:v19+s14+$0x0], $0xffff  }
0x3ff: {  	v13 =	vadd.s32 $0x3C00, v0;
	v15 =	vld.idx.msk [tilespmem:v3+s14+$0x0], $0xffff  }
0x400: {  	v3 =	vadd.s32 $0x800, v4;
	v12 =	vld.idx.msk [tilespmem:v1+s14+$0x0], $0xffff  }
0x401: {  	v8 =	vld.idx.msk [tilespmem:v2+s14+$0x0], $0xffff  }
0x402: {  	v1 =	vld.idx.msk [tilespmem:v11+s14+$0x0], $0xffff;
	v11 =	vadd.s32 $0x3400, v0  }
0x403: {  	v2 =	vld.idx.msk [tilespmem:v17+s14+$0x0], $0xffff;
	v17 =	vadd.s32 $0x2400, v0  }
0x404: {  	s21 =	simm.s32 $0x20;
	v25 =	vld.idx.msk [tilespmem:v13+s14+$0x0], $0xffff;
	v0 =	vadd.s32 $0x1800, v0  }
0x405: {  	s17 =	sand.u32 $0x3E0, s21;
	v13 =	vadd.s32 $0x2000, v4;
	v24 =	vld.idx.msk [tilespmem:v3+s14+$0x0], $0xffff  }
0x406: {  	s6 =	sand.u32 $0x1C00, s12;
	v27 =	vadd.s32 $0x3000, v4;
	v3 =	vld [tilespmem:s17+$0x1C00]  }
0x407: {  	s4 =	sand.u32 $0x60, s12;
	s0 =	sor.u32 $0xA000, s6;
	v26 =	vld.idx.msk [tilespmem:v11+s14+$0x0], $0xffff  }
0x408: {  	s1 =	sor.u32 $0xA080, s6;
	s19 =	sor.u32 s4, s0;
	v29 =	vadd.s32 $0x2C00, v4;
	v17 =	vld.idx.msk [tilespmem:v17+s14+$0x0], $0xffff  }
0x409: {  	s2 =	sor.u32 $0xA100, s6;
	s20 =	sor.u32 s4, s1;
	v11 =	vadd.s32 $0x3400, v4;
	v28 =	vld.idx.msk [tilespmem:v0+s14+$0x0], $0xffff;
	[tilespmem:s19+$0x0] =	vst v6  }
0x40a: {  	s3 =	sor.u32 $0xA180, s6;
	s22 =	sor.u32 s4, s2;
	v30 =	vld.idx.msk [tilespmem:v13+s14+$0x0], $0xffff;
	v6 =	vadd.s32 $0x2800, v4;
	[tilespmem:s20+$0x0] =	vst v9  }
0x40b: {  	s5 =	sor.u32 $0xA200, s6;
	s23 =	sor.u32 s4, s3;
	s18 =	simm.s32 $0x1C30;
	v13 =	vld.idx.msk [tilespmem:v27+s14+$0x0], $0xffff;
	v9 =	vadd.s32 $0x2400, v4;
	[tilespmem:s22+$0x0] =	vst v10  }
0x40c: {  	s7 =	sor.u32 $0xA280, s6;
	s24 =	sor.u32 s4, s5;
	v0 =	vld [tilespmem:s18+$0x0];
	v10 =	vadd.s32 $0x1400, v4;
	[tilespmem:s23+$0x0] =	vst v19  }
0x40d: {  	s25 =	sor.u32 s4, s7;
	s9 =	sor.u32 $0xA300, s6;
	v19 =	vadd.s32 $0x1000, v4;
	[tilespmem:s24+$0x0] =	vst v15;
	v15 =	vld.idx.msk [tilespmem:v29+s14+$0x0], $0xffff  }
0x40e: {  	s26 =	sor.u32 s4, s9;
	s13 =	sor.u32 $0xA380, s6;
	v11 =	vld.idx.msk [tilespmem:v11+s14+$0x0], $0xffff;
	[tilespmem:s25+$0x0] =	vst v5  }
0x40f: {  	s28 =	sor.u32 s4, s13;
	s15 =	sor.u32 $0xC000, s6;
	v31 =	vld.idx.msk [tilespmem:v6+s14+$0x0], $0xffff;
	v5 =	vadd.s32 $0x400, v3;
	[tilespmem:s26+$0x0] =	vst v28  }
0x410: {  	s16 =	sor.u32 $0xC080, s6;
	s29 =	sor.u32 s4, s15;
	v6 =	vadd.s32 $0x800, v3;
	v27 =	vld.idx.msk [tilespmem:v9+s14+$0x0], $0xffff;
	[tilespmem:s28+$0x0] =	vst v16  }
0x411: {  	s8 =	sor.u32 $0xC100, s6;
	s10 =	sor.u32 s4, s16;
	v9 =	vadd.s32 $0x2C00, v3;
	v28 =	vld.idx.msk [tilespmem:v10+s14+$0x0], $0xffff;
	[tilespmem:s29+$0x0] =	vst v18  }
0x412: {  	s30 =	sor.u32 s4, s8;
	s12 =	sor.u32 $0xC180, s6;
	v62 =	vadd.s32 $0x2800, v3;
	v29 =	vld.idx.msk [tilespmem:v19+s14+$0x0], $0xffff;
	[tilespmem:s10+$0x0] =	vst v17  }
0x413: {  	s31 =	sor.u32 s4, s12;
	s17 =	sor.u32 $0xC200, s6;
	v10 =	vadd.s32 $0x1400, v3;
	v17 =	vld.idx.msk [tilespmem:v3+s14+$0x0], $0xffff;
	[tilespmem:s30+$0x0] =	vst v7  }
0x414: {  	s11 =	sor.u32 s4, s17;
	s18 =	sor.u32 $0xC280, s6;
	v18 =	vld.idx.msk [tilespmem:v5+s14+$0x0], $0xffff;
	v5 =	vadd.s32 $0x1C00, v3;
	[tilespmem:s31+$0x0] =	vst v14  }
0x415: {  	s19 =	sor.u32 s4, s18;
	v19 =	vld.idx.msk [tilespmem:v6+s14+$0x0], $0xffff;
	v6 =	vadd.s32 $0x3800, v3;
	[tilespmem:s11+$0x0] =	vst v21;
	s11 =	sor.u32 $0xC300, s6  }
0x416: {  	s10 =	sor.u32 $0xC380, s6;
	v7 =	vadd.s32 $0x3000, v3;
	v4 =	vld.idx.msk [tilespmem:v9+s14+$0x0], $0xffff;
	[tilespmem:s19+$0x0] =	vst v26;
	s19 =	sor.u32 s4, s11  }
0x417: {  	v9 =	vld.idx.msk [tilespmem:v62+s14+$0x0], $0xffff;
	s6 =	sor.u32 $0x10, s4;
	s4 =	sor.u32 s4, s10;
	[tilespmem:s19+$0x0] =	vst v20;
	v20 =	vadd.s32 $0x1000, v3  }
0x418: {  	v16 =	vld.idx.msk [tilespmem:v10+s14+$0x0], $0xffff;
	s0 =	sor.u32 s6, s0;
	[tilespmem:s4+$0x0] =	vst v25;
	v25 =	vadd.s32 $0x400, v0  }
0x419: {  	s20 =	sor.u32 s6, s1;
	[tilespmem:s0+$0x0] =	vst v61;
	v14 =	vld.idx.msk [tilespmem:v5+s14+$0x0], $0xffff;
	v5 =	vadd.s32 $0x1C00, v0  }
0x41a: {  	s22 =	sor.u32 s6, s2;
	[tilespmem:s20+$0x0] =	vst v22;
	v6 =	vld.idx.msk [tilespmem:v6+s14+$0x0], $0xffff;
	v22 =	vadd.s32 $0x1800, v0  }
0x41b: {  	s23 =	sor.u32 s6, s3;
	v10 =	vld.idx.msk [tilespmem:v7+s14+$0x0], $0xffff;
	[tilespmem:s22+$0x0] =	vst v24;
	v24 =	vadd.s32 $0xC00, v0  }
0x41c: {  	s24 =	sor.u32 s6, s5;
	[tilespmem:s23+$0x0] =	vst v23;
	v21 =	vld.idx.msk [tilespmem:v20+s14+$0x0], $0xffff;
	v20 =	vadd.s32 $0x800, v0  }
0x41d: {  	s25 =	sor.u32 s6, s7;
	[tilespmem:s24+$0x0] =	vst v29;
	v7 =	vld.idx.msk [tilespmem:v25+s14+$0x0], $0xffff;
	v25 =	vadd.s32 $0x3C00, v0  }
0x41e: {  	v63 =	vadd.s32 $0x3800, v0;
	s26 =	sor.u32 s6, s9;
	[tilespmem:s25+$0x0] =	vst v28;
	v23 =	vld.idx.msk [tilespmem:v5+s14+$0x0], $0xffff  }
0x41f: {  	s7 =	simm.s32 $0x100;
	s28 =	sor.u32 s6, s13;
	s5 =	simm.s32 $0x2;
	v28 =	vadd.s32 $0x2000, v3;
	v5 =	vld.idx.msk [tilespmem:v22+s14+$0x0], $0xffff;
	[tilespmem:s26+$0x0] =	vst v8  }
0x420: {  	s29 =	sor.u32 s6, s15;
	s30 =	sor.u32 s6, s16;
	s2 =	sor.u32 s6, s17;
	v29 =	vadd.s32 $0xC00, v3;
	v8 =	vld.idx.msk [tilespmem:v24+s14+$0x0], $0xffff;
	[tilespmem:s28+$0x0] =	vst v12  }
0x421: {  	s31 =	sor.u32 s6, s8;
	s13 =	sor.u32 s6, s18;
	s8 =	simm.s32 $0x1C50;
	[tilespmem:s29+$0x0] =	vst v30;
	v12 =	vld.idx.msk [tilespmem:v20+s14+$0x0], $0xffff  }
0x422: {  	s9 =	simm.s32 $0x40;
	s12 =	sor.u32 s6, s12;
	s0 =	sand.u32 $0x1C00, s7;
	[tilespmem:s30+$0x0] =	vst v27;
	v27 =	vadd.s32 $0x3C00, v3;
	v24 =	vld.idx.msk [tilespmem:v25+s14+$0x0], $0xffff  }
0x423: {  	v26 =	vadd.s32 $0x3400, v3;
	s1 =	sor.u32 $0xA000, s0;
	s3 =	sor.u32 $0xA080, s0;
	s4 =	sor.u32 $0xA100, s0;
	v20 =	vadd.s32 $0x2400, v3;
	[tilespmem:s31+$0x0] =	vst v31;
	v25 =	vld.idx.msk [tilespmem:v63+s14+$0x0], $0xffff  }
.LBB2_16:
0x424: {  	s15 =	sand.u32 $0x3E0, s9;
	s5 =	sadd.s32 $0x2, s5;
	v28 =	vld.idx.msk [tilespmem:v28+s14+$0x0], $0xffff;
	s7 =	sadd.s32 $0x100, s7;
	[tilespmem:s12+$0x0] =	vst v15;
	v22 =	vmov v23  }
0x425: {  	v23 =	vadd.s32 $0x1800, v3;
	s12 =	sand.u32 $0x1C00, s7;
	p0 =	slt.u32 s5, $0x3E;
	v15 =	vld.idx.msk [tilespmem:v29+s14+$0x0], $0xffff;
	[tilespmem:s2+$0x0] =	vst v13;
	s2 =	sor.u32 s6, s11  }
0x426: {  	v3 =	vld [tilespmem:s15+$0x1C00];
	s11 =	sor.u32 $0xA000, s12;
	s20 =	sor.u32 $0xA080, s12;
	s22 =	sor.u32 $0xA100, s12;
	[tilespmem:s13+$0x0] =	vst v11  }
0x427: {  	v11 =	vadd.s32 $0x2000, v0;
	v27 =	vld.idx.msk [tilespmem:v27+s14+$0x0], $0xffff;
	[tilespmem:s2+$0x0] =	vst v2;
	s2 =	sor.u32 s6, s10  }
0x428: {  	v13 =	vadd.s32 $0x3400, v0;
	v26 =	vld.idx.msk [tilespmem:v26+s14+$0x0], $0xffff;
	[tilespmem:s2+$0x0] =	vst v1;
	v1 =	vmov v24  }
0x429: {  	v29 =	vadd.s32 $0x3000, v0;
	s13 =	sand.u32 $0x60, s21;
	s21 =	smov.u32 s9;
	s10 =	sor.u32 $0xC200, s0;
	v2 =	vmov v25;
	v24 =	vld.idx.msk [tilespmem:v20+s14+$0x0], $0xffff  }
0x42a: {  	s17 =	sor.u32 s13, s4;
	s6 =	sor.u32 $0x10, s13;
	s2 =	sor.u32 s13, s1;
	v25 =	vadd.s32 $0x2C00, v0;
	v23 =	vld.idx.msk [tilespmem:v23+s14+$0x0], $0xffff  }
0x42b: {  	s19 =	sor.u32 s6, s1;
	s15 =	sor.u32 s6, s4;
	v20 =	vadd.s32 $0x2400, v3;
	v30 =	vld [tilespmem:s8+$0x0];
	[tilespmem:s2+$0x0] =	vst v17;
	s2 =	sor.u32 s13, s3;
	v17 =	vadd.s32 $0x2800, v0  }
0x42c: {  	s16 =	sor.u32 $0xA180, s0;
	s23 =	sor.u32 s6, s3;
	[tilespmem:s2+$0x0] =	vst v18;
	v31 =	vld.idx.msk [tilespmem:v11+s14+$0x0], $0xffff;
	v18 =	vadd.s32 $0x2400, v0;
	s2 =	sor.u32 s6, s10  }
0x42d: {  	s1 =	smov.u32 s11;
	s3 =	sor.u32 s13, s16;
	[tilespmem:s17+$0x0] =	vst v19;
	s17 =	sor.u32 $0xA200, s0;
	v19 =	vadd.s32 $0x1400, v0;
	v11 =	vld.idx.msk [tilespmem:v13+s14+$0x0], $0xffff  }
0x42e: {  	s18 =	sor.u32 $0xA280, s0;
	v32 =	vadd.s32 $0x1000, v0;
	[tilespmem:s3+$0x0] =	vst v15;
	s4 =	sor.u32 s13, s17;
	v13 =	vld.idx.msk [tilespmem:v29+s14+$0x0], $0xffff;
	s3 =	smov.u32 s20  }
0x42f: {  	s11 =	sor.u32 s13, s18;
	s20 =	sor.u32 $0xA300, s0;
	[tilespmem:s4+$0x0] =	vst v21;
	v15 =	vld.idx.msk [tilespmem:v25+s14+$0x0], $0xffff;
	s4 =	smov.u32 s22  }
0x430: {  	s22 =	sor.u32 $0xA380, s0;
	[tilespmem:s11+$0x0] =	vst v16;
	s11 =	sor.u32 s13, s20;
	v33 =	vld.idx.msk [tilespmem:v17+s14+$0x0], $0xffff  }
0x431: {  	s24 =	sor.u32 $0xC000, s0;
	v21 =	vadd.s32 $0x3000, v3;
	v16 =	vadd.s32 $0x400, v3;
	[tilespmem:s11+$0x0] =	vst v23;
	s11 =	sor.u32 s13, s22;
	v25 =	vld.idx.msk [tilespmem:v18+s14+$0x0], $0xffff  }
0x432: {  	s26 =	sor.u32 $0xC080, s0;
	v23 =	vadd.s32 $0x800, v3;
	[tilespmem:s11+$0x0] =	vst v14;
	s11 =	sor.u32 s13, s24;
	v29 =	vld.idx.msk [tilespmem:v19+s14+$0x0], $0xffff  }
0x433: {  	s28 =	sor.u32 $0xC100, s0;
	v14 =	vadd.s32 $0x2C00, v3;
	[tilespmem:s11+$0x0] =	vst v28;
	s11 =	sor.u32 s13, s26;
	v28 =	vld.idx.msk [tilespmem:v32+s14+$0x0], $0xffff  }
0x434: {  	s25 =	sor.u32 $0xC180, s0;
	v32 =	vadd.s32 $0x1400, v3;
	[tilespmem:s11+$0x0] =	vst v24;
	s11 =	sor.u32 s13, s28;
	v24 =	vld.idx.msk [tilespmem:v0+s14+$0x0], $0xffff;
	v0 =	vmov v30  }
0x435: {  	v30 =	vadd.s32 $0x2800, v3;
	v17 =	vld.idx.msk [tilespmem:v3+s14+$0x0], $0xffff;
	[tilespmem:s11+$0x0] =	vst v9;
	s11 =	sor.u32 s13, s25  }
0x436: {  	s29 =	sor.u32 $0xC280, s0;
	v34 =	vadd.s32 $0x1C00, v3;
	s10 =	sor.u32 s13, s10;
	v18 =	vld.idx.msk [tilespmem:v16+s14+$0x0], $0xffff;
	[tilespmem:s11+$0x0] =	vst v4  }
0x437: {  	s11 =	sor.u32 $0xC300, s0;
	v19 =	vld.idx.msk [tilespmem:v23+s14+$0x0], $0xffff;
	v23 =	vadd.s32 $0x3800, v3;
	[tilespmem:s10+$0x0] =	vst v10;
	s10 =	sor.u32 s13, s29  }
0x438: {  	s30 =	sor.u32 s13, s11;
	v4 =	vld.idx.msk [tilespmem:v14+s14+$0x0], $0xffff;
	[tilespmem:s10+$0x0] =	vst v26;
	s10 =	sor.u32 $0xC380, s0;
	s0 =	smov.u32 s12  }
0x439: {  	v26 =	vadd.s32 $0x1000, v3;
	v16 =	vld.idx.msk [tilespmem:v32+s14+$0x0], $0xffff;
	[tilespmem:s30+$0x0] =	vst v6;
	s12 =	sor.u32 s13, s10  }
0x43a: {  	v9 =	vld.idx.msk [tilespmem:v30+s14+$0x0], $0xffff;
	v30 =	vadd.s32 $0x400, v0;
	[tilespmem:s12+$0x0] =	vst v27  }
0x43b: {  	v27 =	vadd.s32 $0x1C00, v0;
	v14 =	vld.idx.msk [tilespmem:v34+s14+$0x0], $0xffff;
	[tilespmem:s19+$0x0] =	vst v24  }
0x43c: {  	v24 =	vadd.s32 $0x1800, v0;
	v6 =	vld.idx.msk [tilespmem:v23+s14+$0x0], $0xffff;
	[tilespmem:s23+$0x0] =	vst v7  }
0x43d: {  	v32 =	vadd.s32 $0xC00, v0;
	s12 =	sor.u32 s6, s16;
	v10 =	vld.idx.msk [tilespmem:v21+s14+$0x0], $0xffff;
	[tilespmem:s15+$0x0] =	vst v12  }
0x43e: {  	v12 =	vadd.s32 $0x800, v0;
	v21 =	vld.idx.msk [tilespmem:v26+s14+$0x0], $0xffff;
	[tilespmem:s12+$0x0] =	vst v8;
	s12 =	sor.u32 s6, s17  }
0x43f: {  	v26 =	vadd.s32 $0x3C00, v0;
	v7 =	vld.idx.msk [tilespmem:v30+s14+$0x0], $0xffff;
	[tilespmem:s12+$0x0] =	vst v28;
	s12 =	sor.u32 s6, s18  }
0x440: {  	v30 =	vadd.s32 $0x3800, v0;
	v23 =	vld.idx.msk [tilespmem:v27+s14+$0x0], $0xffff;
	[tilespmem:s12+$0x0] =	vst v29;
	s12 =	sor.u32 s6, s20  }
.Ltmp7:
0x441: {  	v28 =	vadd.s32 $0x2000, v3;
	[tilespmem:s12+$0x0] =	vst v5;
	v5 =	vld.idx.msk [tilespmem:v24+s14+$0x0], $0xffff;
	s12 =	sor.u32 s6, s22;
	(pc) =	sbr.rel @p0 .LBB2_16-.Ltmp7, $4  }
0x442: {  	v29 =	vadd.s32 $0xC00, v3;
	v8 =	vld.idx.msk [tilespmem:v32+s14+$0x0], $0xffff;
	[tilespmem:s12+$0x0] =	vst v22;
	s12 =	sor.u32 s6, s24  }
0x443: {  	v12 =	vld.idx.msk [tilespmem:v12+s14+$0x0], $0xffff;
	[tilespmem:s12+$0x0] =	vst v31;
	s12 =	sor.u32 s6, s26  }
0x444: {  	s13 =	sor.u32 s6, s29;
	v27 =	vadd.s32 $0x3C00, v3;
	v24 =	vld.idx.msk [tilespmem:v26+s14+$0x0], $0xffff;
	[tilespmem:s12+$0x0] =	vst v25;
	s12 =	sor.u32 s6, s28  }
0x445: {  	s9 =	sadd.s32 $0x20, s9;
	s8 =	sadd.s32 $0x20, s8;
	v26 =	vadd.s32 $0x3400, v3;
	v25 =	vld.idx.msk [tilespmem:v30+s14+$0x0], $0xffff;
	[tilespmem:s12+$0x0] =	vst v33;
	s12 =	sor.u32 s6, s25  }
0x446: {  	_ =	sdelay $0x3  }
0x447: {  	v22 =	vld.idx.msk [tilespmem:v28+s14+$0x0], $0xffff  }
0x448: {  	v3 =	vadd.s32 $0x1800, v3;
	v47 =	vld.idx.msk [tilespmem:v29+s14+$0x0], $0xffff  }
0x449: {  	[tilespmem:s12+$0x0] =	vst v15;
	v48 =	vld.idx.msk [tilespmem:v27+s14+$0x0], $0xffff;
	v52 =	vadd.s32 $0x2000, v0  }
0x44a: {  	v49 =	vld.idx.msk [tilespmem:v26+s14+$0x0], $0xffff;
	v53 =	vadd.s32 $0x3400, v0;
	[tilespmem:s2+$0x0] =	vst v13  }
0x44b: {  	s24 =	sor.u32 s6, s11;
	v50 =	vld.idx.msk [tilespmem:v20+s14+$0x0], $0xffff;
	v54 =	vadd.s32 $0x3000, v0;
	[tilespmem:s13+$0x0] =	vst v11  }
0x44c: {  	s5 =	sor.u32 s6, s10;
	v56 =	vadd.s32 $0x2800, v0;
	v61 =	vld.idx.msk [tilespmem:v0+s14+$0x0], $0xffff;
	s2 =	sand.u32 $0x60, s21;
	[tilespmem:s24+$0x0] =	vst v2  }
0x44d: {  	v57 =	vadd.s32 $0x2400, v0;
	s25 =	sor.u32 s2, s1;
	[tilespmem:s5+$0x0] =	vst v1;
	v51 =	vld.idx.msk [tilespmem:v3+s14+$0x0], $0xffff  }
0x44e: {  	v59 =	vadd.s32 $0x1400, v0;
	s26 =	sor.u32 s2, s3;
	[tilespmem:s25+$0x0] =	vst v17;
	v3 =	vld.idx.msk [tilespmem:v52+s14+$0x0], $0xffff  }
0x44f: {  	v60 =	vadd.s32 $0x1000, v0;
	s28 =	sor.u32 s2, s4;
	s5 =	sor.u32 $0xA180, s0;
	v58 =	vld.idx.msk [tilespmem:v53+s14+$0x0], $0xffff;
	[tilespmem:s26+$0x0] =	vst v18  }
0x450: {  	s7 =	sor.u32 $0xA200, s0;
	v55 =	vadd.s32 $0x2C00, v0;
	s29 =	sor.u32 s2, s5;
	v15 =	vld.idx.msk [tilespmem:v54+s14+$0x0], $0xffff;
	[tilespmem:s28+$0x0] =	vst v19  }
0x451: {  	s8 =	sor.u32 $0xA280, s0;
	s30 =	sor.u32 s2, s7;
	v1 =	vld.idx.msk [tilespmem:v56+s14+$0x0], $0xffff;
	[tilespmem:s29+$0x0] =	vst v47  }
0x452: {  	s9 =	sor.u32 $0xA300, s0;
	s31 =	sor.u32 s2, s8;
	v62 =	vld.idx.msk [tilespmem:v57+s14+$0x0], $0xffff;
	[tilespmem:s30+$0x0] =	vst v21  }
0x453: {  	s10 =	sor.u32 s2, s9;
	s19 =	sor.u32 $0x10, s2;
	v63 =	vld.idx.msk [tilespmem:v59+s14+$0x0], $0xffff;
	[tilespmem:s31+$0x0] =	vst v16  }
0x454: {  	s11 =	sor.u32 $0xA380, s0;
	v2 =	vld.idx.msk [tilespmem:v60+s14+$0x0], $0xffff;
	s31 =	sor.u32 s19, s1;
	[tilespmem:s10+$0x0] =	vst v51  }
0x455: {  	s12 =	sor.u32 s2, s11;
	v18 =	vld.idx.msk [tilespmem:v55+s14+$0x0], $0xffff;
	[tilespmem:s31+$0x0] =	vst v61  }
0x456: {  	s13 =	sor.u32 $0xC000, s0;
	s3 =	sor.u32 s19, s3;
	[tilespmem:s12+$0x0] =	vst v14  }
0x457: {  	s20 =	sor.u32 s2, s13;
	[tilespmem:s3+$0x0] =	vst v7  }
0x458: {  	s21 =	sor.u32 $0xC080, s0;
	s4 =	sor.u32 s19, s4;
	[tilespmem:s20+$0x0] =	vst v22  }
0x459: {  	s22 =	sor.u32 s2, s21;
	[tilespmem:s4+$0x0] =	vst v12  }
0x45a: {  	s23 =	sor.u32 $0xC100, s0;
	s6 =	sor.u32 s19, s5;
	[tilespmem:s22+$0x0] =	vst v50  }
0x45b: {  	s24 =	sor.u32 s2, s23;
	[tilespmem:s6+$0x0] =	vst v8  }
0x45c: {  	s15 =	sor.u32 $0xC180, s0;
	s7 =	sor.u32 s19, s7;
	[tilespmem:s24+$0x0] =	vst v9  }
0x45d: {  	s25 =	sor.u32 s2, s15;
	[tilespmem:s7+$0x0] =	vst v2  }
0x45e: {  	s16 =	sor.u32 $0xC200, s0;
	s8 =	sor.u32 s19, s8;
	[tilespmem:s25+$0x0] =	vst v4  }
0x45f: {  	s26 =	sor.u32 s2, s16;
	[tilespmem:s8+$0x0] =	vst v63  }
0x460: {  	s17 =	sor.u32 $0xC280, s0;
	s9 =	sor.u32 s19, s9;
	[tilespmem:s26+$0x0] =	vst v10  }
0x461: {  	s28 =	sor.u32 s2, s17;
	[tilespmem:s9+$0x0] =	vst v5  }
0x462: {  	s18 =	sor.u32 $0xC300, s0;
	s10 =	sor.u32 s19, s11;
	[tilespmem:s28+$0x0] =	vst v49  }
0x463: {  	s29 =	sor.u32 s2, s18;
	[tilespmem:s10+$0x0] =	vst v23  }
0x464: {  	s30 =	sor.u32 $0xC380, s0;
	s20 =	sor.u32 s19, s13;
	[tilespmem:s29+$0x0] =	vst v6  }
0x465: {  	s2 =	sor.u32 s2, s30;
	[tilespmem:s20+$0x0] =	vst v3  }
0x466: {  	s21 =	sor.u32 s19, s21;
	[tilespmem:s2+$0x0] =	vst v48  }
0x467: {  	s22 =	sor.u32 s19, s23;
	[tilespmem:s21+$0x0] =	vst v62  }
0x468: {  	s23 =	sor.u32 s19, s15;
	[tilespmem:s22+$0x0] =	vst v1  }
0x469: {  	s24 =	sor.u32 s19, s16;
	[tilespmem:s23+$0x0] =	vst v18  }
0x46a: {  	s25 =	sor.u32 s19, s17;
	[tilespmem:s24+$0x0] =	vst v15  }
0x46b: {  	s26 =	sor.u32 s19, s18;
	[tilespmem:s25+$0x0] =	vst v58  }
0x46c: {  	s0 =	sor.u32 s19, s30;
	[tilespmem:s26+$0x0] =	vst v25  }
0x46d: {  	s8 =	simm.s32 $0x0;
	[tilespmem:s0+$0x0] =	vst v24  }
0x46e: {  	s28 =	simm.s32 $0xA000;
	s29 =	simm.s32 $0x1;
	s0 =	rddreg [dreg:$0x1d]  }
0x46f: {  	[hbm4b:s0+s8] =	stream.linear.scatter [tilespmem:s28], [sflag:$0x1], $0x4000, $0x38;
	[tilespmem:$0xE000] =	vst v63  }
0x470: {  	_ =	swait.ge [sflag:s29], $0x4000  }
0x471: {  	[sflag:s29] =	ssyncset.done $0x0  }
0x472: {  	[sflag:s29] =	ssyncadd.s32 $0xFFFFC000  }
0x473: {  	_ =	swait.ge [sflag:s29], $0x4000  }
0x474: {  	s30 =	rddreg [dreg:$0x1f]  }
0x475: {  	s31 =	rddreg [dreg:$0x1e];
	s2 =	sadd.s32 $0x1, s30  }
0x476: {  	p0 =	sne.s32 s2, s31  }
.Ltmp8:
0x477: {  	_ = 	snop;
	(pc) =	sbr.rel @p0 .LBB2_1-.Ltmp8, $3  }
0x478: {  	_ =	sdelay $0x1  }
0x479: {  	[sflag:s29] =	ssyncset.done $0x0  }
0x47a: {  	[sflag:s29] =	ssyncadd.s32 $0xFFFFC000  }
0x47b: {  	_ =	sfence.sel $0x180000  }
0x47c: {  	[bflag:$0x0] =	sbarrier.arrive $0xFFFF  }
0x47d: {  	_ =	strace $0x90000047  }
0x47e: {  	s0 =	stileid.u32;
	[bflag:$0x2] =	sbarrier.arrive $0xFFFF  }
0x47f: {  	p0 =	sne.s32 s0, $0x0;
	s0 =	rddreg [dreg:$0x2]  }
0x480: {  	s0 =	sadd.s32 @!p0 $0x100000, s0  }
0x481: {  	[sflag:s0] =	ssyncadd.tile.s32 @!p0 $0x1;
	_ =	shalt  }
.Lfunc_end2:
_tile_overlayer_lowered:
.L_overlay_start_2:
0x482: {  	(tag) =	ssettag $0x2  }
0x483: {  	s0 =	rddreg [dreg:$0x0];
	s2 =	stileid.u32  }
0x484: {  	s1 =	rddreg [dreg:$0x1];
	p0 =	sne.s32 s2, $0x0  }
0x485: {  	s3 =	rddreg [dreg:$0x2];
	[bflag:$0x3] =	sbarrier.arrive $0xFFFF;
	s2 =	simm.s32 @!p0 $0x1C04  }
0x486: {  	[timem:s3], [sflag:s2] =	dma.local @!p0 [hbm:s0], s1  }
0x487: {  	s0 =	simm.s32 @!p0 $0x4  }
0x488: {  	_ =	swait.ge @!p0 [sflag:s0], s1  }
0x489: {  	s1 =	ssub.s32 @!p0 $0x0, s1;
	[sflag:s0] =	ssyncset.done @!p0 $0x0  }
0x48a: {  	[sflag:s0] =	ssyncadd.s32 @!p0 s1  }
0x48b: {  	[bflag:$0x3] =	sbarrier.arrive $0xFFFF  }
0x48c: {  	_ =	shalt  }

</sc_bundles>
